<compile_context>
chip_gen: v7x
topology: tpu7x:2x2x1
jax: 0.10.2.dev20260603
libtpu: 0.0.44.dev20260713+nightly
codegen_flags: <defaults>
</compile_context>

<pallas_src>
import functools

import jax
import jax.numpy as jnp
from jax import lax
from jax.experimental import pallas as pl
from jax.experimental.pallas import tpu as pltpu
from jax.experimental.pallas import tpu_sc as plsc

_DEPTH = 4
_K = 8192
_D = 256
_N = 32 * 576


_TM = 1024
_GA = _N // _TM

_BOUNDS_B = (0, 2048, 4096, 6144, 8192)
_BOUNDS_C = (0, 1368, 2736, 4104, 5472, 6840, 8192)


def _seg_parts(d, lo, hi):
    tm = d.shape[0]
    lo_a = -(-lo // 128) * 128
    hi_a = (hi // 128) * 128
    parts = []
    if lo_a > lo:
        b0 = lo_a - 128
        parts.append((d[:, b0:lo_a], b0, lo, min(hi, lo_a)))
    if hi_a > lo_a:
        parts.append((d[:, lo_a:hi_a], lo_a, None, None))
    if hi > hi_a:
        parts.append((d[:, hi_a:hi_a + 128], hi_a, max(lo, hi_a), hi))
    return parts


def _make_amin_body(bounds):
    def body(r_ref, rn_ref, cbt_ref, cn_ref, idx_ref):
        r16 = r_ref[...].astype(jnp.bfloat16)
        mm = lax.dot_general(r16, cbt_ref[...], (((1,), (0,)), ((), ())),
                             preferred_element_type=jnp.float32)
        d = (rn_ref[...] + cn_ref[...]) - 2.0 * mm
        inf = jnp.float32(jnp.inf)
        acc_q = acc_i = None
        for s in range(len(bounds) - 1):
            lo, hi = bounds[s], bounds[s + 1]
            parts = _seg_parts(d, lo, hi)
            masked = []
            for blk, off, cl, ch in parts:
                if cl is not None:
                    jb = lax.broadcasted_iota(jnp.int32, blk.shape, 1) + off
                    blk = jnp.where((jb >= cl) & (jb < ch), blk, inf)
                masked.append((blk, off))
            cm = None
            for blk, off in masked:
                pm = jnp.min(blk, axis=1)
                cm = pm if cm is None else jnp.minimum(cm, pm)
            ci = None
            cmk = cm[:, None]
            for blk, off in masked:
                jb = lax.broadcasted_iota(jnp.int32, blk.shape, 1) + off
                pi = jnp.min(jnp.where(blk == cmk, jb, _K), axis=1)
                ci = pi if ci is None else jnp.minimum(ci, pi)
            if acc_q is None:
                acc_q = cm.astype(jnp.bfloat16).astype(jnp.float32)
                acc_i = ci
            else:
                take = cm < acc_q
                acc_q = jnp.where(take, cm, acc_q).astype(
                    jnp.bfloat16).astype(jnp.float32)
                acc_i = jnp.where(take, ci, acc_i)
        idx_ref[...] = acc_i
    return body


_amin_bodies = {"B": _make_amin_body(_BOUNDS_B), "C": _make_amin_body(_BOUNDS_C)}


def _argmin_call(r, rn, cbt16, cn, variant):
    return pl.pallas_call(
        _amin_bodies[variant],
        grid=(_GA,),
        in_specs=[
            pl.BlockSpec((_TM, _D), lambda i: (i, 0)),
            pl.BlockSpec((_TM, 1), lambda i: (i, 0)),
            pl.BlockSpec((_D, _K), lambda i: (0, 0)),
            pl.BlockSpec((1, _K), lambda i: (0, 0)),
        ],
        out_specs=pl.BlockSpec((_TM,), lambda i: (i,)),
        out_shape=jax.ShapeDtypeStruct((_N,), jnp.int32),
    )(r, rn, cbt16, cn)



_TE = 1024
_GE = _N // _TE


def _resid_body(rp_ref, q_ref, r_ref, ss_ref):
    r = rp_ref[...] - q_ref[...]
    r_ref[...] = r
    ss_ref[...] = jnp.full((1, 1, 128), jnp.sum(r * r), jnp.float32)


def _resid_call(rp, q):
    return pl.pallas_call(
        _resid_body,
        grid=(_GE,),
        in_specs=[
            pl.BlockSpec((_TE, _D), lambda i: (i, 0)),
            pl.BlockSpec((_TE, _D), lambda i: (i, 0)),
        ],
        out_specs=[
            pl.BlockSpec((_TE, _D), lambda i: (i, 0)),
            pl.BlockSpec((1, 1, 128), lambda i: (i, 0, 0)),
        ],
        out_shape=[
            jax.ShapeDtypeStruct((_N, _D), jnp.float32),
            jax.ShapeDtypeStruct((_GE, 1, 128), jnp.float32),
        ],
    )(rp, q)


def _final_body(x_ref, rp_ref, q_ref, out_ref, ss_ref):
    r = rp_ref[...] - q_ref[...]
    out_ref[...] = x_ref[...] - r
    ss_ref[...] = jnp.full((1, 1, 128), jnp.sum(r * r), jnp.float32)


def _final_call(x, rp, q):
    return pl.pallas_call(
        _final_body,
        grid=(_GE,),
        in_specs=[
            pl.BlockSpec((_TE, _D), lambda i: (i, 0)),
            pl.BlockSpec((_TE, _D), lambda i: (i, 0)),
            pl.BlockSpec((_TE, _D), lambda i: (i, 0)),
        ],
        out_specs=[
            pl.BlockSpec((_TE, _D), lambda i: (i, 0)),
            pl.BlockSpec((1, 1, 128), lambda i: (i, 0, 0)),
        ],
        out_shape=[
            jax.ShapeDtypeStruct((_N, _D), jnp.float32),
            jax.ShapeDtypeStruct((_GE, 1, 128), jnp.float32),
        ],
    )(x, rp, q)



_NC, _NS = 2, 16
_NW = _NC * _NS
_BPW = _N // _NW
_CH = 96
_NCH = _BPW // _CH


def _make_gather():
    mesh = plsc.VectorSubcoreMesh(core_axis_name="c", subcore_axis_name="s")

    @functools.partial(
        pl.kernel,
        mesh=mesh,
        out_type=jax.ShapeDtypeStruct((_N, _D), jnp.float32),
        scratch_types=[
            pltpu.VMEM((_BPW,), jnp.int32),
            pltpu.VMEM((_CH, _D), jnp.float32),
            pltpu.VMEM((_CH, _D), jnp.float32),
            pltpu.SemaphoreType.DMA,
            pltpu.SemaphoreType.DMA,
        ],
    )
    def gather(cb_hbm, idx_hbm, out_hbm, idx_v, buf0, buf1, sem0, sem1):
        wid = lax.axis_index("s") * _NC + lax.axis_index("c")
        base = wid * _BPW
        pltpu.sync_copy(idx_hbm.at[pl.ds(base, _BPW)], idx_v)
        bufs = (buf0, buf1)
        sems = (sem0, sem1)
        cps = []
        for c in range(_NCH):
            cps.append(pltpu.async_copy(
                cb_hbm.at[idx_v.at[pl.ds(c * _CH, _CH)]],
                bufs[c % 2], sems[c % 2]))
            if c >= 1:
                cps[c - 1].wait()
                pltpu.sync_copy(bufs[(c - 1) % 2],
                                out_hbm.at[pl.ds(base + (c - 1) * _CH, _CH)])
        cps[-1].wait()
        pltpu.sync_copy(bufs[(_NCH - 1) % 2],
                        out_hbm.at[pl.ds(base + (_NCH - 1) * _CH, _CH)])

    return gather


_gather_rows = _make_gather()



def kernel(x, codebooks):
    b, t, d = x.shape
    xf = x.reshape(_N, _D)
    cbt16 = jnp.transpose(codebooks, (0, 2, 1)).astype(jnp.bfloat16)

    r = xf
    idx_list = []
    ss_list = []
    quants = None
    for i in range(_DEPTH):
        rn = jnp.sum(r ** 2.0, axis=1, keepdims=True)
        cn = jnp.sum(codebooks[i] ** 2.0, axis=1)[None, :]
        idx = _argmin_call(r, rn, cbt16[i], cn,
                           "C" if i == 3 else "B")
        q = _gather_rows(codebooks[i], idx)
        idx_list.append(idx)
        if i < _DEPTH - 1:
            r, ss = _resid_call(r, q)
        else:
            quants, ss = _final_call(xf, r, q)
        ss_list.append(ss)

    denom = jnp.float32(_N * _D)
    losses = [jnp.sum(s[:, 0, 0]) / denom for s in ss_list]
    commitment_loss = jnp.mean(jnp.stack(losses))
    codes = jnp.stack(idx_list, axis=-1).reshape(b, t, _DEPTH)
    quants = quants.reshape(b, t, d)
    return quants, commitment_loss, codes

# --- scband reference (transcript-rebuilt; emitter-appended) ---
"""Pipeline reference for scband-rqbottleneck-10299331576387 (READ-ONLY COPY).

The authoritative reference and input builder live on the scoring server;
editing this copy changes nothing except your own understanding.
"""

import jax, jax.numpy as jnp
import numpy as np

DEPTH = 4
K = 8192
D = 256
B = 32
T = 576


def setup_inputs(seed: int = 0) -> dict:
    key = jax.random.key(seed)
    k1, k2 = jax.random.split(key)
    x = jax.random.normal(k1, (B, T, D), dtype=jnp.float32)
    # one codebook per residual-quantization level (non-shared), padding row omitted
    codebooks = jax.random.normal(k2, (DEPTH, K, D), dtype=jnp.float32) * 0.02
    return {"x": x, "codebooks": codebooks}


def _quantize(x, codebooks):
    # residual quantization: codes selected on residuals, quants aggregated cumulatively
    residual = x
    aggregated = jnp.zeros_like(x)
    quant_list = []
    code_list = []
    for i in range(codebooks.shape[0]):
        cb = codebooks[i]  # [K, D]
        flat = residual.reshape(-1, cb.shape[-1])
        inputs_norm_sq = jnp.sum(flat ** 2.0, axis=1, keepdims=True)
        codebook_norm_sq = jnp.sum(cb ** 2.0, axis=1)[None, :]
        distances = inputs_norm_sq + codebook_norm_sq - 2.0 * (flat @ cb.T)
        idx = jnp.argmin(distances, axis=-1).reshape(residual.shape[:-1])
        quant = jnp.take(cb, idx, axis=0)
        residual = residual - quant
        aggregated = aggregated + quant
        quant_list.append(aggregated)
        code_list.append(idx[..., None])
    codes = jnp.concatenate(code_list, axis=-1)
    return quant_list, codes


def reference(x, codebooks):
    # quantize operates on detached features (no grad through codeword selection)
    quant_list, codes = _quantize(jax.lax.stop_gradient(x), jax.lax.stop_gradient(codebooks))
    # cumulative commitment loss
    loss_list = [jnp.mean((x - jax.lax.stop_gradient(q)) ** 2.0) for q in quant_list]
    commitment_loss = jnp.mean(jnp.stack(loss_list))
    quants_trunc = quant_list[-1]
    # straight-through estimator
    quants_trunc = x + jax.lax.stop_gradient(quants_trunc - x)
    return quants_trunc, commitment_loss, codes

if __name__ == "__main__":
    import jax
    _d = setup_inputs()
    print(jax.jit(kernel)(*tuple(_d.values())))

</pallas_src>

<mosaic_0001>
#map = affine_map<(d0, d1) -> (0, 0)>
#map1 = affine_map<(d0, d1) -> (0)>
module attributes {stable_mosaic.version = 14 : i64} {
  func.func @gather(%arg0: i32, %arg1: i32, %arg2: memref<8192x256xf32, #tpu.memory_space<hbm>>, %arg3: memref<18432xi32, #tpu.memory_space<hbm>>, %arg4: memref<18432x256xf32, #tpu.memory_space<hbm>>, %arg5: memref<576xi32, #tpu.memory_space<vmem>>, %arg6: memref<96x256xf32, #tpu.memory_space<vmem>>, %arg7: memref<96x256xf32, #tpu.memory_space<vmem>>, %arg8: memref<!tpu.dma_semaphore, #tpu.memory_space<semaphore_mem>>, %arg9: memref<!tpu.dma_semaphore, #tpu.memory_space<semaphore_mem>>) attributes {dimension_semantics = [#tpu.dimension_semantics<core_parallel>, #tpu.dimension_semantics<subcore_parallel>], iteration_bounds = array<i64: 2, 16>, scalar_prefetch = 0 : i64, scratch_operands = 5 : i64, tpu.core_type = #tpu.core_type<sc_vector_subcore>, window_params = [{transform_indices = #map}, {transform_indices = #map1}, {transform_indices = #map}]} {
    %mul3A = arith.constant 2 : i32
    %mul3A_0 = arith.muli %arg1, %mul3A : i32
    %add3A = arith.addi %mul3A_0, %arg0 : i32
    %mul3A_1 = arith.constant 576 : i32
    %mul3A_2 = arith.muli %add3A, %mul3A_1 : i32
    "tpu.region"() ({
      %run_scoped3A = tpu.sem_alloc : memref<!tpu.dma_semaphore, #tpu.memory_space<semaphore_mem>>
      %dma_start3A_73 = tpu.memref_slice %arg3[%mul3A_2] : memref<18432xi32, #tpu.memory_space<hbm>> -> memref<576xi32, #tpu.memory_space<hbm>>
      %dma_start3A_74 = tpu.memref_slice %arg3[%mul3A_2] : memref<18432xi32, #tpu.memory_space<hbm>> -> memref<576xi32, #tpu.memory_space<hbm>>
      tpu.enqueue_dma source(%dma_start3A_74 : memref<576xi32, #tpu.memory_space<hbm>>) target(%arg5 : memref<576xi32, #tpu.memory_space<vmem>>) target_semaphore(%run_scoped3A : memref<!tpu.dma_semaphore, #tpu.memory_space<semaphore_mem>>)
      %dma_wait3A_75 = tpu.memref_slice %arg3[%mul3A_2] : memref<18432xi32, #tpu.memory_space<hbm>> -> memref<576xi32, #tpu.memory_space<hbm>>
      %dma_wait3A_76 = tpu.memref_slice %arg3[%mul3A_2] : memref<18432xi32, #tpu.memory_space<hbm>> -> memref<576xi32, #tpu.memory_space<hbm>>
      tpu.wait_dma2 semaphore(%run_scoped3A : memref<!tpu.dma_semaphore, #tpu.memory_space<semaphore_mem>>) src(%dma_wait3A_76 : memref<576xi32, #tpu.memory_space<hbm>>) dst(%arg5 : memref<576xi32, #tpu.memory_space<vmem>>)
      tpu.yield
    }) : () -> ()
    %dma_start3A = arith.constant 0 : i32
    %dma_start3A_3 = tpu.memref_slice %arg5[%dma_start3A] : memref<576xi32, #tpu.memory_space<vmem>> -> memref<96xi32, #tpu.memory_space<vmem>>
    %dma_start3A_4 = arith.constant 0 : i32
    %dma_start3A_5 = arith.constant 0 : i32
    %dma_start3A_6 = tpu.memref_slice %arg2[%dma_start3A_4, %dma_start3A_5] : memref<8192x256xf32, #tpu.memory_space<hbm>> -> memref<8192x256xf32, #tpu.memory_space<hbm>>
    tpu.enqueue_indirect_dma source(%dma_start3A_6 : memref<8192x256xf32, #tpu.memory_space<hbm>>) target(%arg6 : memref<96x256xf32, #tpu.memory_space<vmem>>) offsets(%dma_start3A_3 : memref<96xi32, #tpu.memory_space<vmem>>) semaphore(%arg8 : memref<!tpu.dma_semaphore, #tpu.memory_space<semaphore_mem>>)
    %dma_start3A_7 = arith.constant 96 : i32
    %dma_start3A_8 = tpu.memref_slice %arg5[%dma_start3A_7] : memref<576xi32, #tpu.memory_space<vmem>> -> memref<96xi32, #tpu.memory_space<vmem>>
    %dma_start3A_9 = arith.constant 0 : i32
    %dma_start3A_10 = arith.constant 0 : i32
    %dma_start3A_11 = tpu.memref_slice %arg2[%dma_start3A_9, %dma_start3A_10] : memref<8192x256xf32, #tpu.memory_space<hbm>> -> memref<8192x256xf32, #tpu.memory_space<hbm>>
    tpu.enqueue_indirect_dma source(%dma_start3A_11 : memref<8192x256xf32, #tpu.memory_space<hbm>>) target(%arg7 : memref<96x256xf32, #tpu.memory_space<vmem>>) offsets(%dma_start3A_8 : memref<96xi32, #tpu.memory_space<vmem>>) semaphore(%arg9 : memref<!tpu.dma_semaphore, #tpu.memory_space<semaphore_mem>>)
    %dma_wait3A = arith.constant 0 : i32
    %dma_wait3A_12 = tpu.memref_slice %arg5[%dma_wait3A] : memref<576xi32, #tpu.memory_space<vmem>> -> memref<96xi32, #tpu.memory_space<vmem>>
    %dma_wait3A_13 = arith.constant 0 : i32
    %dma_wait3A_14 = arith.constant 0 : i32
    %dma_wait3A_15 = tpu.memref_slice %arg2[%dma_wait3A_13, %dma_wait3A_14] : memref<8192x256xf32, #tpu.memory_space<hbm>> -> memref<8192x256xf32, #tpu.memory_space<hbm>>
    tpu.wait_indirect_dma semaphore(%arg8 : memref<!tpu.dma_semaphore, #tpu.memory_space<semaphore_mem>>) src(%dma_wait3A_15 : memref<8192x256xf32, #tpu.memory_space<hbm>>) dst(%arg6 : memref<96x256xf32, #tpu.memory_space<vmem>>)
    %add3A_16 = arith.constant 0 : i32
    %add3A_17 = arith.addi %mul3A_2, %add3A_16 : i32
    "tpu.region"() ({
      %run_scoped3A = tpu.sem_alloc : memref<!tpu.dma_semaphore, #tpu.memory_space<semaphore_mem>>
      %dma_start3A_73 = arith.constant 0 : i32
      %dma_start3A_74 = tpu.memref_slice %arg4[%add3A_17, %dma_start3A_73] : memref<18432x256xf32, #tpu.memory_space<hbm>> -> memref<96x256xf32, #tpu.memory_space<hbm>>
      %dma_start3A_75 = arith.constant 0 : i32
      %dma_start3A_76 = tpu.memref_slice %arg4[%add3A_17, %dma_start3A_75] : memref<18432x256xf32, #tpu.memory_space<hbm>> -> memref<96x256xf32, #tpu.memory_space<hbm>>
      tpu.enqueue_dma source(%arg6 : memref<96x256xf32, #tpu.memory_space<vmem>>) target(%dma_start3A_76 : memref<96x256xf32, #tpu.memory_space<hbm>>) target_semaphore(%run_scoped3A : memref<!tpu.dma_semaphore, #tpu.memory_space<semaphore_mem>>)
      %dma_wait3A_77 = arith.constant 0 : i32
      %dma_wait3A_78 = tpu.memref_slice %arg4[%add3A_17, %dma_wait3A_77] : memref<18432x256xf32, #tpu.memory_space<hbm>> -> memref<96x256xf32, #tpu.memory_space<hbm>>
      %dma_wait3A_79 = arith.constant 0 : i32
      %dma_wait3A_80 = tpu.memref_slice %arg4[%add3A_17, %dma_wait3A_79] : memref<18432x256xf32, #tpu.memory_space<hbm>> -> memref<96x256xf32, #tpu.memory_space<hbm>>
      tpu.wait_dma2 semaphore(%run_scoped3A : memref<!tpu.dma_semaphore, #tpu.memory_space<semaphore_mem>>) src(%arg6 : memref<96x256xf32, #tpu.memory_space<vmem>>) dst(%dma_wait3A_80 : memref<96x256xf32, #tpu.memory_space<hbm>>)
      tpu.yield
    }) : () -> ()
    %dma_start3A_18 = arith.constant 192 : i32
    %dma_start3A_19 = tpu.memref_slice %arg5[%dma_start3A_18] : memref<576xi32, #tpu.memory_space<vmem>> -> memref<96xi32, #tpu.memory_space<vmem>>
    %dma_start3A_20 = arith.constant 0 : i32
    %dma_start3A_21 = arith.constant 0 : i32
    %dma_start3A_22 = tpu.memref_slice %arg2[%dma_start3A_20, %dma_start3A_21] : memref<8192x256xf32, #tpu.memory_space<hbm>> -> memref<8192x256xf32, #tpu.memory_space<hbm>>
    tpu.enqueue_indirect_dma source(%dma_start3A_22 : memref<8192x256xf32, #tpu.memory_space<hbm>>) target(%arg6 : memref<96x256xf32, #tpu.memory_space<vmem>>) offsets(%dma_start3A_19 : memref<96xi32, #tpu.memory_space<vmem>>) semaphore(%arg8 : memref<!tpu.dma_semaphore, #tpu.memory_space<semaphore_mem>>)
    %dma_wait3A_23 = arith.constant 96 : i32
    %dma_wait3A_24 = tpu.memref_slice %arg5[%dma_wait3A_23] : memref<576xi32, #tpu.memory_space<vmem>> -> memref<96xi32, #tpu.memory_space<vmem>>
    %dma_wait3A_25 = arith.constant 0 : i32
    %dma_wait3A_26 = arith.constant 0 : i32
    %dma_wait3A_27 = tpu.memref_slice %arg2[%dma_wait3A_25, %dma_wait3A_26] : memref<8192x256xf32, #tpu.memory_space<hbm>> -> memref<8192x256xf32, #tpu.memory_space<hbm>>
    tpu.wait_indirect_dma semaphore(%arg9 : memref<!tpu.dma_semaphore, #tpu.memory_space<semaphore_mem>>) src(%dma_wait3A_27 : memref<8192x256xf32, #tpu.memory_space<hbm>>) dst(%arg7 : memref<96x256xf32, #tpu.memory_space<vmem>>)
    %add3A_28 = arith.constant 96 : i32
    %add3A_29 = arith.addi %mul3A_2, %add3A_28 : i32
    "tpu.region"() ({
      %run_scoped3A = tpu.sem_alloc : memref<!tpu.dma_semaphore, #tpu.memory_space<semaphore_mem>>
      %dma_start3A_73 = arith.constant 0 : i32
      %dma_start3A_74 = tpu.memref_slice %arg4[%add3A_29, %dma_start3A_73] : memref<18432x256xf32, #tpu.memory_space<hbm>> -> memref<96x256xf32, #tpu.memory_space<hbm>>
      %dma_start3A_75 = arith.constant 0 : i32
      %dma_start3A_76 = tpu.memref_slice %arg4[%add3A_29, %dma_start3A_75] : memref<18432x256xf32, #tpu.memory_space<hbm>> -> memref<96x256xf32, #tpu.memory_space<hbm>>
      tpu.enqueue_dma source(%arg7 : memref<96x256xf32, #tpu.memory_space<vmem>>) target(%dma_start3A_76 : memref<96x256xf32, #tpu.memory_space<hbm>>) target_semaphore(%run_scoped3A : memref<!tpu.dma_semaphore, #tpu.memory_space<semaphore_mem>>)
      %dma_wait3A_77 = arith.constant 0 : i32
      %dma_wait3A_78 = tpu.memref_slice %arg4[%add3A_29, %dma_wait3A_77] : memref<18432x256xf32, #tpu.memory_space<hbm>> -> memref<96x256xf32, #tpu.memory_space<hbm>>
      %dma_wait3A_79 = arith.constant 0 : i32
      %dma_wait3A_80 = tpu.memref_slice %arg4[%add3A_29, %dma_wait3A_79] : memref<18432x256xf32, #tpu.memory_space<hbm>> -> memref<96x256xf32, #tpu.memory_space<hbm>>
      tpu.wait_dma2 semaphore(%run_scoped3A : memref<!tpu.dma_semaphore, #tpu.memory_space<semaphore_mem>>) src(%arg7 : memref<96x256xf32, #tpu.memory_space<vmem>>) dst(%dma_wait3A_80 : memref<96x256xf32, #tpu.memory_space<hbm>>)
      tpu.yield
    }) : () -> ()
    %dma_start3A_30 = arith.constant 288 : i32
    %dma_start3A_31 = tpu.memref_slice %arg5[%dma_start3A_30] : memref<576xi32, #tpu.memory_space<vmem>> -> memref<96xi32, #tpu.memory_space<vmem>>
    %dma_start3A_32 = arith.constant 0 : i32
    %dma_start3A_33 = arith.constant 0 : i32
    %dma_start3A_34 = tpu.memref_slice %arg2[%dma_start3A_32, %dma_start3A_33] : memref<8192x256xf32, #tpu.memory_space<hbm>> -> memref<8192x256xf32, #tpu.memory_space<hbm>>
    tpu.enqueue_indirect_dma source(%dma_start3A_34 : memref<8192x256xf32, #tpu.memory_space<hbm>>) target(%arg7 : memref<96x256xf32, #tpu.memory_space<vmem>>) offsets(%dma_start3A_31 : memref<96xi32, #tpu.memory_space<vmem>>) semaphore(%arg9 : memref<!tpu.dma_semaphore, #tpu.memory_space<semaphore_mem>>)
    %dma_wait3A_35 = arith.constant 192 : i32
    %dma_wait3A_36 = tpu.memref_slice %arg5[%dma_wait3A_35] : memref<576xi32, #tpu.memory_space<vmem>> -> memref<96xi32, #tpu.memory_space<vmem>>
    %dma_wait3A_37 = arith.constant 0 : i32
    %dma_wait3A_38 = arith.constant 0 : i32
    %dma_wait3A_39 = tpu.memref_slice %arg2[%dma_wait3A_37, %dma_wait3A_38] : memref<8192x256xf32, #tpu.memory_space<hbm>> -> memref<8192x256xf32, #tpu.memory_space<hbm>>
    tpu.wait_indirect_dma semaphore(%arg8 : memref<!tpu.dma_semaphore, #tpu.memory_space<semaphore_mem>>) src(%dma_wait3A_39 : memref<8192x256xf32, #tpu.memory_space<hbm>>) dst(%arg6 : memref<96x256xf32, #tpu.memory_space<vmem>>)
    %add3A_40 = arith.constant 192 : i32
    %add3A_41 = arith.addi %mul3A_2, %add3A_40 : i32
    "tpu.region"() ({
      %run_scoped3A = tpu.sem_alloc : memref<!tpu.dma_semaphore, #tpu.memory_space<semaphore_mem>>
      %dma_start3A_73 = arith.constant 0 : i32
      %dma_start3A_74 = tpu.memref_slice %arg4[%add3A_41, %dma_start3A_73] : memref<18432x256xf32, #tpu.memory_space<hbm>> -> memref<96x256xf32, #tpu.memory_space<hbm>>
      %dma_start3A_75 = arith.constant 0 : i32
      %dma_start3A_76 = tpu.memref_slice %arg4[%add3A_41, %dma_start3A_75] : memref<18432x256xf32, #tpu.memory_space<hbm>> -> memref<96x256xf32, #tpu.memory_space<hbm>>
      tpu.enqueue_dma source(%arg6 : memref<96x256xf32, #tpu.memory_space<vmem>>) target(%dma_start3A_76 : memref<96x256xf32, #tpu.memory_space<hbm>>) target_semaphore(%run_scoped3A : memref<!tpu.dma_semaphore, #tpu.memory_space<semaphore_mem>>)
      %dma_wait3A_77 = arith.constant 0 : i32
      %dma_wait3A_78 = tpu.memref_slice %arg4[%add3A_41, %dma_wait3A_77] : memref<18432x256xf32, #tpu.memory_space<hbm>> -> memref<96x256xf32, #tpu.memory_space<hbm>>
      %dma_wait3A_79 = arith.constant 0 : i32
      %dma_wait3A_80 = tpu.memref_slice %arg4[%add3A_41, %dma_wait3A_79] : memref<18432x256xf32, #tpu.memory_space<hbm>> -> memref<96x256xf32, #tpu.memory_space<hbm>>
      tpu.wait_dma2 semaphore(%run_scoped3A : memref<!tpu.dma_semaphore, #tpu.memory_space<semaphore_mem>>) src(%arg6 : memref<96x256xf32, #tpu.memory_space<vmem>>) dst(%dma_wait3A_80 : memref<96x256xf32, #tpu.memory_space<hbm>>)
      tpu.yield
    }) : () -> ()
    %dma_start3A_42 = arith.constant 384 : i32
    %dma_start3A_43 = tpu.memref_slice %arg5[%dma_start3A_42] : memref<576xi32, #tpu.memory_space<vmem>> -> memref<96xi32, #tpu.memory_space<vmem>>
    %dma_start3A_44 = arith.constant 0 : i32
    %dma_start3A_45 = arith.constant 0 : i32
    %dma_start3A_46 = tpu.memref_slice %arg2[%dma_start3A_44, %dma_start3A_45] : memref<8192x256xf32, #tpu.memory_space<hbm>> -> memref<8192x256xf32, #tpu.memory_space<hbm>>
    tpu.enqueue_indirect_dma source(%dma_start3A_46 : memref<8192x256xf32, #tpu.memory_space<hbm>>) target(%arg6 : memref<96x256xf32, #tpu.memory_space<vmem>>) offsets(%dma_start3A_43 : memref<96xi32, #tpu.memory_space<vmem>>) semaphore(%arg8 : memref<!tpu.dma_semaphore, #tpu.memory_space<semaphore_mem>>)
    %dma_wait3A_47 = arith.constant 288 : i32
    %dma_wait3A_48 = tpu.memref_slice %arg5[%dma_wait3A_47] : memref<576xi32, #tpu.memory_space<vmem>> -> memref<96xi32, #tpu.memory_space<vmem>>
    %dma_wait3A_49 = arith.constant 0 : i32
    %dma_wait3A_50 = arith.constant 0 : i32
    %dma_wait3A_51 = tpu.memref_slice %arg2[%dma_wait3A_49, %dma_wait3A_50] : memref<8192x256xf32, #tpu.memory_space<hbm>> -> memref<8192x256xf32, #tpu.memory_space<hbm>>
    tpu.wait_indirect_dma semaphore(%arg9 : memref<!tpu.dma_semaphore, #tpu.memory_space<semaphore_mem>>) src(%dma_wait3A_51 : memref<8192x256xf32, #tpu.memory_space<hbm>>) dst(%arg7 : memref<96x256xf32, #tpu.memory_space<vmem>>)
    %add3A_52 = arith.constant 288 : i32
    %add3A_53 = arith.addi %mul3A_2, %add3A_52 : i32
    "tpu.region"() ({
      %run_scoped3A = tpu.sem_alloc : memref<!tpu.dma_semaphore, #tpu.memory_space<semaphore_mem>>
      %dma_start3A_73 = arith.constant 0 : i32
      %dma_start3A_74 = tpu.memref_slice %arg4[%add3A_53, %dma_start3A_73] : memref<18432x256xf32, #tpu.memory_space<hbm>> -> memref<96x256xf32, #tpu.memory_space<hbm>>
      %dma_start3A_75 = arith.constant 0 : i32
      %dma_start3A_76 = tpu.memref_slice %arg4[%add3A_53, %dma_start3A_75] : memref<18432x256xf32, #tpu.memory_space<hbm>> -> memref<96x256xf32, #tpu.memory_space<hbm>>
      tpu.enqueue_dma source(%arg7 : memref<96x256xf32, #tpu.memory_space<vmem>>) target(%dma_start3A_76 : memref<96x256xf32, #tpu.memory_space<hbm>>) target_semaphore(%run_scoped3A : memref<!tpu.dma_semaphore, #tpu.memory_space<semaphore_mem>>)
      %dma_wait3A_77 = arith.constant 0 : i32
      %dma_wait3A_78 = tpu.memref_slice %arg4[%add3A_53, %dma_wait3A_77] : memref<18432x256xf32, #tpu.memory_space<hbm>> -> memref<96x256xf32, #tpu.memory_space<hbm>>
      %dma_wait3A_79 = arith.constant 0 : i32
      %dma_wait3A_80 = tpu.memref_slice %arg4[%add3A_53, %dma_wait3A_79] : memref<18432x256xf32, #tpu.memory_space<hbm>> -> memref<96x256xf32, #tpu.memory_space<hbm>>
      tpu.wait_dma2 semaphore(%run_scoped3A : memref<!tpu.dma_semaphore, #tpu.memory_space<semaphore_mem>>) src(%arg7 : memref<96x256xf32, #tpu.memory_space<vmem>>) dst(%dma_wait3A_80 : memref<96x256xf32, #tpu.memory_space<hbm>>)
      tpu.yield
    }) : () -> ()
    %dma_start3A_54 = arith.constant 480 : i32
    %dma_start3A_55 = tpu.memref_slice %arg5[%dma_start3A_54] : memref<576xi32, #tpu.memory_space<vmem>> -> memref<96xi32, #tpu.memory_space<vmem>>
    %dma_start3A_56 = arith.constant 0 : i32
    %dma_start3A_57 = arith.constant 0 : i32
    %dma_start3A_58 = tpu.memref_slice %arg2[%dma_start3A_56, %dma_start3A_57] : memref<8192x256xf32, #tpu.memory_space<hbm>> -> memref<8192x256xf32, #tpu.memory_space<hbm>>
    tpu.enqueue_indirect_dma source(%dma_start3A_58 : memref<8192x256xf32, #tpu.memory_space<hbm>>) target(%arg7 : memref<96x256xf32, #tpu.memory_space<vmem>>) offsets(%dma_start3A_55 : memref<96xi32, #tpu.memory_space<vmem>>) semaphore(%arg9 : memref<!tpu.dma_semaphore, #tpu.memory_space<semaphore_mem>>)
    %dma_wait3A_59 = arith.constant 384 : i32
    %dma_wait3A_60 = tpu.memref_slice %arg5[%dma_wait3A_59] : memref<576xi32, #tpu.memory_space<vmem>> -> memref<96xi32, #tpu.memory_space<vmem>>
    %dma_wait3A_61 = arith.constant 0 : i32
    %dma_wait3A_62 = arith.constant 0 : i32
    %dma_wait3A_63 = tpu.memref_slice %arg2[%dma_wait3A_61, %dma_wait3A_62] : memref<8192x256xf32, #tpu.memory_space<hbm>> -> memref<8192x256xf32, #tpu.memory_space<hbm>>
    tpu.wait_indirect_dma semaphore(%arg8 : memref<!tpu.dma_semaphore, #tpu.memory_space<semaphore_mem>>) src(%dma_wait3A_63 : memref<8192x256xf32, #tpu.memory_space<hbm>>) dst(%arg6 : memref<96x256xf32, #tpu.memory_space<vmem>>)
    %add3A_64 = arith.constant 384 : i32
    %add3A_65 = arith.addi %mul3A_2, %add3A_64 : i32
    "tpu.region"() ({
      %run_scoped3A = tpu.sem_alloc : memref<!tpu.dma_semaphore, #tpu.memory_space<semaphore_mem>>
      %dma_start3A_73 = arith.constant 0 : i32
      %dma_start3A_74 = tpu.memref_slice %arg4[%add3A_65, %dma_start3A_73] : memref<18432x256xf32, #tpu.memory_space<hbm>> -> memref<96x256xf32, #tpu.memory_space<hbm>>
      %dma_start3A_75 = arith.constant 0 : i32
      %dma_start3A_76 = tpu.memref_slice %arg4[%add3A_65, %dma_start3A_75] : memref<18432x256xf32, #tpu.memory_space<hbm>> -> memref<96x256xf32, #tpu.memory_space<hbm>>
      tpu.enqueue_dma source(%arg6 : memref<96x256xf32, #tpu.memory_space<vmem>>) target(%dma_start3A_76 : memref<96x256xf32, #tpu.memory_space<hbm>>) target_semaphore(%run_scoped3A : memref<!tpu.dma_semaphore, #tpu.memory_space<semaphore_mem>>)
      %dma_wait3A_77 = arith.constant 0 : i32
      %dma_wait3A_78 = tpu.memref_slice %arg4[%add3A_65, %dma_wait3A_77] : memref<18432x256xf32, #tpu.memory_space<hbm>> -> memref<96x256xf32, #tpu.memory_space<hbm>>
      %dma_wait3A_79 = arith.constant 0 : i32
      %dma_wait3A_80 = tpu.memref_slice %arg4[%add3A_65, %dma_wait3A_79] : memref<18432x256xf32, #tpu.memory_space<hbm>> -> memref<96x256xf32, #tpu.memory_space<hbm>>
      tpu.wait_dma2 semaphore(%run_scoped3A : memref<!tpu.dma_semaphore, #tpu.memory_space<semaphore_mem>>) src(%arg6 : memref<96x256xf32, #tpu.memory_space<vmem>>) dst(%dma_wait3A_80 : memref<96x256xf32, #tpu.memory_space<hbm>>)
      tpu.yield
    }) : () -> ()
    %dma_wait3A_66 = arith.constant 480 : i32
    %dma_wait3A_67 = tpu.memref_slice %arg5[%dma_wait3A_66] : memref<576xi32, #tpu.memory_space<vmem>> -> memref<96xi32, #tpu.memory_space<vmem>>
    %dma_wait3A_68 = arith.constant 0 : i32
    %dma_wait3A_69 = arith.constant 0 : i32
    %dma_wait3A_70 = tpu.memref_slice %arg2[%dma_wait3A_68, %dma_wait3A_69] : memref<8192x256xf32, #tpu.memory_space<hbm>> -> memref<8192x256xf32, #tpu.memory_space<hbm>>
    tpu.wait_indirect_dma semaphore(%arg9 : memref<!tpu.dma_semaphore, #tpu.memory_space<semaphore_mem>>) src(%dma_wait3A_70 : memref<8192x256xf32, #tpu.memory_space<hbm>>) dst(%arg7 : memref<96x256xf32, #tpu.memory_space<vmem>>)
    %add3A_71 = arith.constant 480 : i32
    %add3A_72 = arith.addi %mul3A_2, %add3A_71 : i32
    "tpu.region"() ({
      %run_scoped3A = tpu.sem_alloc : memref<!tpu.dma_semaphore, #tpu.memory_space<semaphore_mem>>
      %dma_start3A_73 = arith.constant 0 : i32
      %dma_start3A_74 = tpu.memref_slice %arg4[%add3A_72, %dma_start3A_73] : memref<18432x256xf32, #tpu.memory_space<hbm>> -> memref<96x256xf32, #tpu.memory_space<hbm>>
      %dma_start3A_75 = arith.constant 0 : i32
      %dma_start3A_76 = tpu.memref_slice %arg4[%add3A_72, %dma_start3A_75] : memref<18432x256xf32, #tpu.memory_space<hbm>> -> memref<96x256xf32, #tpu.memory_space<hbm>>
      tpu.enqueue_dma source(%arg7 : memref<96x256xf32, #tpu.memory_space<vmem>>) target(%dma_start3A_76 : memref<96x256xf32, #tpu.memory_space<hbm>>) target_semaphore(%run_scoped3A : memref<!tpu.dma_semaphore, #tpu.memory_space<semaphore_mem>>)
      %dma_wait3A_77 = arith.constant 0 : i32
      %dma_wait3A_78 = tpu.memref_slice %arg4[%add3A_72, %dma_wait3A_77] : memref<18432x256xf32, #tpu.memory_space<hbm>> -> memref<96x256xf32, #tpu.memory_space<hbm>>
      %dma_wait3A_79 = arith.constant 0 : i32
      %dma_wait3A_80 = tpu.memref_slice %arg4[%add3A_72, %dma_wait3A_79] : memref<18432x256xf32, #tpu.memory_space<hbm>> -> memref<96x256xf32, #tpu.memory_space<hbm>>
      tpu.wait_dma2 semaphore(%run_scoped3A : memref<!tpu.dma_semaphore, #tpu.memory_space<semaphore_mem>>) src(%arg7 : memref<96x256xf32, #tpu.memory_space<vmem>>) dst(%dma_wait3A_80 : memref<96x256xf32, #tpu.memory_space<hbm>>)
      tpu.yield
    }) : () -> ()
    return
  }
}

#map = affine_map<(d0, d1) -> (0, 0)>
#map1 = affine_map<(d0, d1) -> (0)>
module attributes {stable_mosaic.version = 14 : i64} {
  func.func @gather(%arg0: i32, %arg1: i32, %arg2: memref<8192x256xf32, #tpu.memory_space<hbm>>, %arg3: memref<18432xi32, #tpu.memory_space<hbm>>, %arg4: memref<18432x256xf32, #tpu.memory_space<hbm>>, %arg5: memref<576xi32, #tpu.memory_space<vmem>>, %arg6: memref<96x256xf32, #tpu.memory_space<vmem>>, %arg7: memref<96x256xf32, #tpu.memory_space<vmem>>, %arg8: memref<!tpu.dma_semaphore, #tpu.memory_space<semaphore_mem>>, %arg9: memref<!tpu.dma_semaphore, #tpu.memory_space<semaphore_mem>>) attributes {dimension_semantics = [#tpu.dimension_semantics<core_parallel>, #tpu.dimension_semantics<subcore_parallel>], iteration_bounds = array<i64: 2, 16>, scalar_prefetch = 0 : i64, scratch_operands = 5 : i64, tpu.core_type = #tpu.core_type<sc_vector_subcore>, window_params = [{transform_indices = #map}, {transform_indices = #map1}, {transform_indices = #map}]} {
    %mul3A = arith.constant 2 : i32
    %mul3A_0 = arith.muli %arg1, %mul3A : i32
    %add3A = arith.addi %mul3A_0, %arg0 : i32
    %mul3A_1 = arith.constant 576 : i32
    %mul3A_2 = arith.muli %add3A, %mul3A_1 : i32
    "tpu.region"() ({
      %run_scoped3A = tpu.sem_alloc : memref<!tpu.dma_semaphore, #tpu.memory_space<semaphore_mem>>
      %dma_start3A_73 = tpu.memref_slice %arg3[%mul3A_2] : memref<18432xi32, #tpu.memory_space<hbm>> -> memref<576xi32, #tpu.memory_space<hbm>>
      %dma_start3A_74 = tpu.memref_slice %arg3[%mul3A_2] : memref<18432xi32, #tpu.memory_space<hbm>> -> memref<576xi32, #tpu.memory_space<hbm>>
      tpu.enqueue_dma source(%dma_start3A_74 : memref<576xi32, #tpu.memory_space<hbm>>) target(%arg5 : memref<576xi32, #tpu.memory_space<vmem>>) target_semaphore(%run_scoped3A : memref<!tpu.dma_semaphore, #tpu.memory_space<semaphore_mem>>)
      %dma_wait3A_75 = tpu.memref_slice %arg3[%mul3A_2] : memref<18432xi32, #tpu.memory_space<hbm>> -> memref<576xi32, #tpu.memory_space<hbm>>
      %dma_wait3A_76 = tpu.memref_slice %arg3[%mul3A_2] : memref<18432xi32, #tpu.memory_space<hbm>> -> memref<576xi32, #tpu.memory_space<hbm>>
      tpu.wait_dma2 semaphore(%run_scoped3A : memref<!tpu.dma_semaphore, #tpu.memory_space<semaphore_mem>>) src(%dma_wait3A_76 : memref<576xi32, #tpu.memory_space<hbm>>) dst(%arg5 : memref<576xi32, #tpu.memory_space<vmem>>)
      tpu.yield
    }) : () -> ()
    %dma_start3A = arith.constant 0 : i32
    %dma_start3A_3 = tpu.memref_slice %arg5[%dma_start3A] : memref<576xi32, #tpu.memory_space<vmem>> -> memref<96xi32, #tpu.memory_space<vmem>>
    %dma_start3A_4 = arith.constant 0 : i32
    %dma_start3A_5 = arith.constant 0 : i32
    %dma_start3A_6 = tpu.memref_slice %arg2[%dma_start3A_4, %dma_start3A_5] : memref<8192x256xf32, #tpu.memory_space<hbm>> -> memref<8192x256xf32, #tpu.memory_space<hbm>>
    tpu.enqueue_indirect_dma source(%dma_start3A_6 : memref<8192x256xf32, #tpu.memory_space<hbm>>) target(%arg6 : memref<96x256xf32, #tpu.memory_space<vmem>>) offsets(%dma_start3A_3 : memref<96xi32, #tpu.memory_space<vmem>>) semaphore(%arg8 : memref<!tpu.dma_semaphore, #tpu.memory_space<semaphore_mem>>)
    %dma_start3A_7 = arith.constant 96 : i32
    %dma_start3A_8 = tpu.memref_slice %arg5[%dma_start3A_7] : memref<576xi32, #tpu.memory_space<vmem>> -> memref<96xi32, #tpu.memory_space<vmem>>
    %dma_start3A_9 = arith.constant 0 : i32
    %dma_start3A_10 = arith.constant 0 : i32
    %dma_start3A_11 = tpu.memref_slice %arg2[%dma_start3A_9, %dma_start3A_10] : memref<8192x256xf32, #tpu.memory_space<hbm>> -> memref<8192x256xf32, #tpu.memory_space<hbm>>
    tpu.enqueue_indirect_dma source(%dma_start3A_11 : memref<8192x256xf32, #tpu.memory_space<hbm>>) target(%arg7 : memref<96x256xf32, #tpu.memory_space<vmem>>) offsets(%dma_start3A_8 : memref<96xi32, #tpu.memory_space<vmem>>) semaphore(%arg9 : memref<!tpu.dma_semaphore, #tpu.memory_space<semaphore_mem>>)
    %dma_wait3A = arith.constant 0 : i32
    %dma_wait3A_12 = tpu.memref_slice %arg5[%dma_wait3A] : memref<576xi32, #tpu.memory_space<vmem>> -> memref<96xi32, #tpu.memory_space<vmem>>
    %dma_wait3A_13 = arith.constant 0 : i32
    %dma_wait3A_14 = arith.constant 0 : i32
    %dma_wait3A_15 = tpu.memref_slice %arg2[%dma_wait3A_13, %dma_wait3A_14] : memref<8192x256xf32, #tpu.memory_space<hbm>> -> memref<8192x256xf32, #tpu.memory_space<hbm>>
    tpu.wait_indirect_dma semaphore(%arg8 : memref<!tpu.dma_semaphore, #tpu.memory_space<semaphore_mem>>) src(%dma_wait3A_15 : memref<8192x256xf32, #tpu.memory_space<hbm>>) dst(%arg6 : memref<96x256xf32, #tpu.memory_space<vmem>>)
    %add3A_16 = arith.constant 0 : i32
    %add3A_17 = arith.addi %mul3A_2, %add3A_16 : i32
    "tpu.region"() ({
      %run_scoped3A = tpu.sem_alloc : memref<!tpu.dma_semaphore, #tpu.memory_space<semaphore_mem>>
      %dma_start3A_73 = arith.constant 0 : i32
      %dma_start3A_74 = tpu.memref_slice %arg4[%add3A_17, %dma_start3A_73] : memref<18432x256xf32, #tpu.memory_space<hbm>> -> memref<96x256xf32, #tpu.memory_space<hbm>>
      %dma_start3A_75 = arith.constant 0 : i32
      %dma_start3A_76 = tpu.memref_slice %arg4[%add3A_17, %dma_start3A_75] : memref<18432x256xf32, #tpu.memory_space<hbm>> -> memref<96x256xf32, #tpu.memory_space<hbm>>
      tpu.enqueue_dma source(%arg6 : memref<96x256xf32, #tpu.memory_space<vmem>>) target(%dma_start3A_76 : memref<96x256xf32, #tpu.memory_space<hbm>>) target_semaphore(%run_scoped3A : memref<!tpu.dma_semaphore, #tpu.memory_space<semaphore_mem>>)
      %dma_wait3A_77 = arith.constant 0 : i32
      %dma_wait3A_78 = tpu.memref_slice %arg4[%add3A_17, %dma_wait3A_77] : memref<18432x256xf32, #tpu.memory_space<hbm>> -> memref<96x256xf32, #tpu.memory_space<hbm>>
      %dma_wait3A_79 = arith.constant 0 : i32
      %dma_wait3A_80 = tpu.memref_slice %arg4[%add3A_17, %dma_wait3A_79] : memref<18432x256xf32, #tpu.memory_space<hbm>> -> memref<96x256xf32, #tpu.memory_space<hbm>>
      tpu.wait_dma2 semaphore(%run_scoped3A : memref<!tpu.dma_semaphore, #tpu.memory_space<semaphore_mem>>) src(%arg6 : memref<96x256xf32, #tpu.memory_space<vmem>>) dst(%dma_wait3A_80 : memref<96x256xf32, #tpu.memory_space<hbm>>)
      tpu.yield
    }) : () -> ()
    %dma_start3A_18 = arith.constant 192 : i32
    %dma_start3A_19 = tpu.memref_slice %arg5[%dma_start3A_18] : memref<576xi32, #tpu.memory_space<vmem>> -> memref<96xi32, #tpu.memory_space<vmem>>
    %dma_start3A_20 = arith.constant 0 : i32
    %dma_start3A_21 = arith.constant 0 : i32
    %dma_start3A_22 = tpu.memref_slice %arg2[%dma_start3A_20, %dma_start3A_21] : memref<8192x256xf32, #tpu.memory_space<hbm>> -> memref<8192x256xf32, #tpu.memory_space<hbm>>
    tpu.enqueue_indirect_dma source(%dma_start3A_22 : memref<8192x256xf32, #tpu.memory_space<hbm>>) target(%arg6 : memref<96x256xf32, #tpu.memory_space<vmem>>) offsets(%dma_start3A_19 : memref<96xi32, #tpu.memory_space<vmem>>) semaphore(%arg8 : memref<!tpu.dma_semaphore, #tpu.memory_space<semaphore_mem>>)
    %dma_wait3A_23 = arith.constant 96 : i32
    %dma_wait3A_24 = tpu.memref_slice %arg5[%dma_wait3A_23] : memref<576xi32, #tpu.memory_space<vmem>> -> memref<96xi32, #tpu.memory_space<vmem>>
    %dma_wait3A_25 = arith.constant 0 : i32
    %dma_wait3A_26 = arith.constant 0 : i32
    %dma_wait3A_27 = tpu.memref_slice %arg2[%dma_wait3A_25, %dma_wait3A_26] : memref<8192x256xf32, #tpu.memory_space<hbm>> -> memref<8192x256xf32, #tpu.memory_space<hbm>>
    tpu.wait_indirect_dma semaphore(%arg9 : memref<!tpu.dma_semaphore, #tpu.memory_space<semaphore_mem>>) src(%dma_wait3A_27 : memref<8192x256xf32, #tpu.memory_space<hbm>>) dst(%arg7 : memref<96x256xf32, #tpu.memory_space<vmem>>)
    %add3A_28 = arith.constant 96 : i32
    %add3A_29 = arith.addi %mul3A_2, %add3A_28 : i32
    "tpu.region"() ({
      %run_scoped3A = tpu.sem_alloc : memref<!tpu.dma_semaphore, #tpu.memory_space<semaphore_mem>>
      %dma_start3A_73 = arith.constant 0 : i32
      %dma_start3A_74 = tpu.memref_slice %arg4[%add3A_29, %dma_start3A_73] : memref<18432x256xf32, #tpu.memory_space<hbm>> -> memref<96x256xf32, #tpu.memory_space<hbm>>
      %dma_start3A_75 = arith.constant 0 : i32
      %dma_start3A_76 = tpu.memref_slice %arg4[%add3A_29, %dma_start3A_75] : memref<18432x256xf32, #tpu.memory_space<hbm>> -> memref<96x256xf32, #tpu.memory_space<hbm>>
      tpu.enqueue_dma source(%arg7 : memref<96x256xf32, #tpu.memory_space<vmem>>) target(%dma_start3A_76 : memref<96x256xf32, #tpu.memory_space<hbm>>) target_semaphore(%run_scoped3A : memref<!tpu.dma_semaphore, #tpu.memory_space<semaphore_mem>>)
      %dma_wait3A_77 = arith.constant 0 : i32
      %dma_wait3A_78 = tpu.memref_slice %arg4[%add3A_29, %dma_wait3A_77] : memref<18432x256xf32, #tpu.memory_space<hbm>> -> memref<96x256xf32, #tpu.memory_space<hbm>>
      %dma_wait3A_79 = arith.constant 0 : i32
      %dma_wait3A_80 = tpu.memref_slice %arg4[%add3A_29, %dma_wait3A_79] : memref<18432x256xf32, #tpu.memory_space<hbm>> -> memref<96x256xf32, #tpu.memory_space<hbm>>
      tpu.wait_dma2 semaphore(%run_scoped3A : memref<!tpu.dma_semaphore, #tpu.memory_space<semaphore_mem>>) src(%arg7 : memref<96x256xf32, #tpu.memory_space<vmem>>) dst(%dma_wait3A_80 : memref<96x256xf32, #tpu.memory_space<hbm>>)
      tpu.yield
    }) : () -> ()
    %dma_start3A_30 = arith.constant 288 : i32
    %dma_start3A_31 = tpu.memref_slice %arg5[%dma_start3A_30] : memref<576xi32, #tpu.memory_space<vmem>> -> memref<96xi32, #tpu.memory_space<vmem>>
    %dma_start3A_32 = arith.constant 0 : i32
    %dma_start3A_33 = arith.constant 0 : i32
    %dma_start3A_34 = tpu.memref_slice %arg2[%dma_start3A_32, %dma_start3A_33] : memref<8192x256xf32, #tpu.memory_space<hbm>> -> memref<8192x256xf32, #tpu.memory_space<hbm>>
    tpu.enqueue_indirect_dma source(%dma_start3A_34 : memref<8192x256xf32, #tpu.memory_space<hbm>>) target(%arg7 : memref<96x256xf32, #tpu.memory_space<vmem>>) offsets(%dma_start3A_31 : memref<96xi32, #tpu.memory_space<vmem>>) semaphore(%arg9 : memref<!tpu.dma_semaphore, #tpu.memory_space<semaphore_mem>>)
    %dma_wait3A_35 = arith.constant 192 : i32
    %dma_wait3A_36 = tpu.memref_slice %arg5[%dma_wait3A_35] : memref<576xi32, #tpu.memory_space<vmem>> -> memref<96xi32, #tpu.memory_space<vmem>>
    %dma_wait3A_37 = arith.constant 0 : i32
    %dma_wait3A_38 = arith.constant 0 : i32
    %dma_wait3A_39 = tpu.memref_slice %arg2[%dma_wait3A_37, %dma_wait3A_38] : memref<8192x256xf32, #tpu.memory_space<hbm>> -> memref<8192x256xf32, #tpu.memory_space<hbm>>
    tpu.wait_indirect_dma semaphore(%arg8 : memref<!tpu.dma_semaphore, #tpu.memory_space<semaphore_mem>>) src(%dma_wait3A_39 : memref<8192x256xf32, #tpu.memory_space<hbm>>) dst(%arg6 : memref<96x256xf32, #tpu.memory_space<vmem>>)
    %add3A_40 = arith.constant 192 : i32
    %add3A_41 = arith.addi %mul3A_2, %add3A_40 : i32
    "tpu.region"() ({
      %run_scoped3A = tpu.sem_alloc : memref<!tpu.dma_semaphore, #tpu.memory_space<semaphore_mem>>
      %dma_start3A_73 = arith.constant 0 : i32
      %dma_start3A_74 = tpu.memref_slice %arg4[%add3A_41, %dma_start3A_73] : memref<18432x256xf32, #tpu.memory_space<hbm>> -> memref<96x256xf32, #tpu.memory_space<hbm>>
      %dma_start3A_75 = arith.constant 0 : i32
      %dma_start3A_76 = tpu.memref_slice %arg4[%add3A_41, %dma_start3A_75] : memref<18432x256xf32, #tpu.memory_space<hbm>> -> memref<96x256xf32, #tpu.memory_space<hbm>>
      tpu.enqueue_dma source(%arg6 : memref<96x256xf32, #tpu.memory_space<vmem>>) target(%dma_start3A_76 : memref<96x256xf32, #tpu.memory_space<hbm>>) target_semaphore(%run_scoped3A : memref<!tpu.dma_semaphore, #tpu.memory_space<semaphore_mem>>)
      %dma_wait3A_77 = arith.constant 0 : i32
      %dma_wait3A_78 = tpu.memref_slice %arg4[%add3A_41, %dma_wait3A_77] : memref<18432x256xf32, #tpu.memory_space<hbm>> -> memref<96x256xf32, #tpu.memory_space<hbm>>
      %dma_wait3A_79 = arith.constant 0 : i32
      %dma_wait3A_80 = tpu.memref_slice %arg4[%add3A_41, %dma_wait3A_79] : memref<18432x256xf32, #tpu.memory_space<hbm>> -> memref<96x256xf32, #tpu.memory_space<hbm>>
      tpu.wait_dma2 semaphore(%run_scoped3A : memref<!tpu.dma_semaphore, #tpu.memory_space<semaphore_mem>>) src(%arg6 : memref<96x256xf32, #tpu.memory_space<vmem>>) dst(%dma_wait3A_80 : memref<96x256xf32, #tpu.memory_space<hbm>>)
      tpu.yield
    }) : () -> ()
    %dma_start3A_42 = arith.constant 384 : i32
    %dma_start3A_43 = tpu.memref_slice %arg5[%dma_start3A_42] : memref<576xi32, #tpu.memory_space<vmem>> -> memref<96xi32, #tpu.memory_space<vmem>>
    %dma_start3A_44 = arith.constant 0 : i32
    %dma_start3A_45 = arith.constant 0 : i32
    %dma_start3A_46 = tpu.memref_slice %arg2[%dma_start3A_44, %dma_start3A_45] : memref<8192x256xf32, #tpu.memory_space<hbm>> -> memref<8192x256xf32, #tpu.memory_space<hbm>>
    tpu.enqueue_indirect_dma source(%dma_start3A_46 : memref<8192x256xf32, #tpu.memory_space<hbm>>) target(%arg6 : memref<96x256xf32, #tpu.memory_space<vmem>>) offsets(%dma_start3A_43 : memref<96xi32, #tpu.memory_space<vmem>>) semaphore(%arg8 : memref<!tpu.dma_semaphore, #tpu.memory_space<semaphore_mem>>)
    %dma_wait3A_47 = arith.constant 288 : i32
    %dma_wait3A_48 = tpu.memref_slice %arg5[%dma_wait3A_47] : memref<576xi32, #tpu.memory_space<vmem>> -> memref<96xi32, #tpu.memory_space<vmem>>
    %dma_wait3A_49 = arith.constant 0 : i32
    %dma_wait3A_50 = arith.constant 0 : i32
    %dma_wait3A_51 = tpu.memref_slice %arg2[%dma_wait3A_49, %dma_wait3A_50] : memref<8192x256xf32, #tpu.memory_space<hbm>> -> memref<8192x256xf32, #tpu.memory_space<hbm>>
    tpu.wait_indirect_dma semaphore(%arg9 : memref<!tpu.dma_semaphore, #tpu.memory_space<semaphore_mem>>) src(%dma_wait3A_51 : memref<8192x256xf32, #tpu.memory_space<hbm>>) dst(%arg7 : memref<96x256xf32, #tpu.memory_space<vmem>>)
    %add3A_52 = arith.constant 288 : i32
    %add3A_53 = arith.addi %mul3A_2, %add3A_52 : i32
    "tpu.region"() ({
      %run_scoped3A = tpu.sem_alloc : memref<!tpu.dma_semaphore, #tpu.memory_space<semaphore_mem>>
      %dma_start3A_73 = arith.constant 0 : i32
      %dma_start3A_74 = tpu.memref_slice %arg4[%add3A_53, %dma_start3A_73] : memref<18432x256xf32, #tpu.memory_space<hbm>> -> memref<96x256xf32, #tpu.memory_space<hbm>>
      %dma_start3A_75 = arith.constant 0 : i32
      %dma_start3A_76 = tpu.memref_slice %arg4[%add3A_53, %dma_start3A_75] : memref<18432x256xf32, #tpu.memory_space<hbm>> -> memref<96x256xf32, #tpu.memory_space<hbm>>
      tpu.enqueue_dma source(%arg7 : memref<96x256xf32, #tpu.memory_space<vmem>>) target(%dma_start3A_76 : memref<96x256xf32, #tpu.memory_space<hbm>>) target_semaphore(%run_scoped3A : memref<!tpu.dma_semaphore, #tpu.memory_space<semaphore_mem>>)
      %dma_wait3A_77 = arith.constant 0 : i32
      %dma_wait3A_78 = tpu.memref_slice %arg4[%add3A_53, %dma_wait3A_77] : memref<18432x256xf32, #tpu.memory_space<hbm>> -> memref<96x256xf32, #tpu.memory_space<hbm>>
      %dma_wait3A_79 = arith.constant 0 : i32
      %dma_wait3A_80 = tpu.memref_slice %arg4[%add3A_53, %dma_wait3A_79] : memref<18432x256xf32, #tpu.memory_space<hbm>> -> memref<96x256xf32, #tpu.memory_space<hbm>>
      tpu.wait_dma2 semaphore(%run_scoped3A : memref<!tpu.dma_semaphore, #tpu.memory_space<semaphore_mem>>) src(%arg7 : memref<96x256xf32, #tpu.memory_space<vmem>>) dst(%dma_wait3A_80 : memref<96x256xf32, #tpu.memory_space<hbm>>)
      tpu.yield
    }) : () -> ()
    %dma_start3A_54 = arith.constant 480 : i32
    %dma_start3A_55 = tpu.memref_slice %arg5[%dma_start3A_54] : memref<576xi32, #tpu.memory_space<vmem>> -> memref<96xi32, #tpu.memory_space<vmem>>
    %dma_start3A_56 = arith.constant 0 : i32
    %dma_start3A_57 = arith.constant 0 : i32
    %dma_start3A_58 = tpu.memref_slice %arg2[%dma_start3A_56, %dma_start3A_57] : memref<8192x256xf32, #tpu.memory_space<hbm>> -> memref<8192x256xf32, #tpu.memory_space<hbm>>
    tpu.enqueue_indirect_dma source(%dma_start3A_58 : memref<8192x256xf32, #tpu.memory_space<hbm>>) target(%arg7 : memref<96x256xf32, #tpu.memory_space<vmem>>) offsets(%dma_start3A_55 : memref<96xi32, #tpu.memory_space<vmem>>) semaphore(%arg9 : memref<!tpu.dma_semaphore, #tpu.memory_space<semaphore_mem>>)
    %dma_wait3A_59 = arith.constant 384 : i32
    %dma_wait3A_60 = tpu.memref_slice %arg5[%dma_wait3A_59] : memref<576xi32, #tpu.memory_space<vmem>> -> memref<96xi32, #tpu.memory_space<vmem>>
    %dma_wait3A_61 = arith.constant 0 : i32
    %dma_wait3A_62 = arith.constant 0 : i32
    %dma_wait3A_63 = tpu.memref_slice %arg2[%dma_wait3A_61, %dma_wait3A_62] : memref<8192x256xf32, #tpu.memory_space<hbm>> -> memref<8192x256xf32, #tpu.memory_space<hbm>>
    tpu.wait_indirect_dma semaphore(%arg8 : memref<!tpu.dma_semaphore, #tpu.memory_space<semaphore_mem>>) src(%dma_wait3A_63 : memref<8192x256xf32, #tpu.memory_space<hbm>>) dst(%arg6 : memref<96x256xf32, #tpu.memory_space<vmem>>)
    %add3A_64 = arith.constant 384 : i32
    %add3A_65 = arith.addi %mul3A_2, %add3A_64 : i32
    "tpu.region"() ({
      %run_scoped3A = tpu.sem_alloc : memref<!tpu.dma_semaphore, #tpu.memory_space<semaphore_mem>>
      %dma_start3A_73 = arith.constant 0 : i32
      %dma_start3A_74 = tpu.memref_slice %arg4[%add3A_65, %dma_start3A_73] : memref<18432x256xf32, #tpu.memory_space<hbm>> -> memref<96x256xf32, #tpu.memory_space<hbm>>
      %dma_start3A_75 = arith.constant 0 : i32
      %dma_start3A_76 = tpu.memref_slice %arg4[%add3A_65, %dma_start3A_75] : memref<18432x256xf32, #tpu.memory_space<hbm>> -> memref<96x256xf32, #tpu.memory_space<hbm>>
      tpu.enqueue_dma source(%arg6 : memref<96x256xf32, #tpu.memory_space<vmem>>) target(%dma_start3A_76 : memref<96x256xf32, #tpu.memory_space<hbm>>) target_semaphore(%run_scoped3A : memref<!tpu.dma_semaphore, #tpu.memory_space<semaphore_mem>>)
      %dma_wait3A_77 = arith.constant 0 : i32
      %dma_wait3A_78 = tpu.memref_slice %arg4[%add3A_65, %dma_wait3A_77] : memref<18432x256xf32, #tpu.memory_space<hbm>> -> memref<96x256xf32, #tpu.memory_space<hbm>>
      %dma_wait3A_79 = arith.constant 0 : i32
      %dma_wait3A_80 = tpu.memref_slice %arg4[%add3A_65, %dma_wait3A_79] : memref<18432x256xf32, #tpu.memory_space<hbm>> -> memref<96x256xf32, #tpu.memory_space<hbm>>
      tpu.wait_dma2 semaphore(%run_scoped3A : memref<!tpu.dma_semaphore, #tpu.memory_space<semaphore_mem>>) src(%arg6 : memref<96x256xf32, #tpu.memory_space<vmem>>) dst(%dma_wait3A_80 : memref<96x256xf32, #tpu.memory_space<hbm>>)
      tpu.yield
    }) : () -> ()
    %dma_wait3A_66 = arith.constant 480 : i32
    %dma_wait3A_67 = tpu.memref_slice %arg5[%dma_wait3A_66] : memref<576xi32, #tpu.memory_space<vmem>> -> memref<96xi32, #tpu.memory_space<vmem>>
    %dma_wait3A_68 = arith.constant 0 : i32
    %dma_wait3A_69 = arith.constant 0 : i32
    %dma_wait3A_70 = tpu.memref_slice %arg2[%dma_wait3A_68, %dma_wait3A_69] : memref<8192x256xf32, #tpu.memory_space<hbm>> -> memref<8192x256xf32, #tpu.memory_space<hbm>>
    tpu.wait_indirect_dma semaphore(%arg9 : memref<!tpu.dma_semaphore, #tpu.memory_space<semaphore_mem>>) src(%dma_wait3A_70 : memref<8192x256xf32, #tpu.memory_space<hbm>>) dst(%arg7 : memref<96x256xf32, #tpu.memory_space<vmem>>)
    %add3A_71 = arith.constant 480 : i32
    %add3A_72 = arith.addi %mul3A_2, %add3A_71 : i32
    "tpu.region"() ({
      %run_scoped3A = tpu.sem_alloc : memref<!tpu.dma_semaphore, #tpu.memory_space<semaphore_mem>>
      %dma_start3A_73 = arith.constant 0 : i32
      %dma_start3A_74 = tpu.memref_slice %arg4[%add3A_72, %dma_start3A_73] : memref<18432x256xf32, #tpu.memory_space<hbm>> -> memref<96x256xf32, #tpu.memory_space<hbm>>
      %dma_start3A_75 = arith.constant 0 : i32
      %dma_start3A_76 = tpu.memref_slice %arg4[%add3A_72, %dma_start3A_75] : memref<18432x256xf32, #tpu.memory_space<hbm>> -> memref<96x256xf32, #tpu.memory_space<hbm>>
      tpu.enqueue_dma source(%arg7 : memref<96x256xf32, #tpu.memory_space<vmem>>) target(%dma_start3A_76 : memref<96x256xf32, #tpu.memory_space<hbm>>) target_semaphore(%run_scoped3A : memref<!tpu.dma_semaphore, #tpu.memory_space<semaphore_mem>>)
      %dma_wait3A_77 = arith.constant 0 : i32
      %dma_wait3A_78 = tpu.memref_slice %arg4[%add3A_72, %dma_wait3A_77] : memref<18432x256xf32, #tpu.memory_space<hbm>> -> memref<96x256xf32, #tpu.memory_space<hbm>>
      %dma_wait3A_79 = arith.constant 0 : i32
      %dma_wait3A_80 = tpu.memref_slice %arg4[%add3A_72, %dma_wait3A_79] : memref<18432x256xf32, #tpu.memory_space<hbm>> -> memref<96x256xf32, #tpu.memory_space<hbm>>
      tpu.wait_dma2 semaphore(%run_scoped3A : memref<!tpu.dma_semaphore, #tpu.memory_space<semaphore_mem>>) src(%arg7 : memref<96x256xf32, #tpu.memory_space<vmem>>) dst(%dma_wait3A_80 : memref<96x256xf32, #tpu.memory_space<hbm>>)
      tpu.yield
    }) : () -> ()
    return
  }
}

#map = affine_map<(d0, d1) -> (0, 0)>
#map1 = affine_map<(d0, d1) -> (0)>
module attributes {stable_mosaic.version = 14 : i64} {
  func.func @gather(%arg0: i32, %arg1: i32, %arg2: memref<8192x256xf32, #tpu.memory_space<hbm>>, %arg3: memref<18432xi32, #tpu.memory_space<hbm>>, %arg4: memref<18432x256xf32, #tpu.memory_space<hbm>>, %arg5: memref<576xi32, #tpu.memory_space<vmem>>, %arg6: memref<96x256xf32, #tpu.memory_space<vmem>>, %arg7: memref<96x256xf32, #tpu.memory_space<vmem>>, %arg8: memref<!tpu.dma_semaphore, #tpu.memory_space<semaphore_mem>>, %arg9: memref<!tpu.dma_semaphore, #tpu.memory_space<semaphore_mem>>) attributes {dimension_semantics = [#tpu.dimension_semantics<core_parallel>, #tpu.dimension_semantics<subcore_parallel>], iteration_bounds = array<i64: 2, 16>, scalar_prefetch = 0 : i64, scratch_operands = 5 : i64, tpu.core_type = #tpu.core_type<sc_vector_subcore>, window_params = [{transform_indices = #map}, {transform_indices = #map1}, {transform_indices = #map}]} {
    %mul3A = arith.constant 2 : i32
    %mul3A_0 = arith.muli %arg1, %mul3A : i32
    %add3A = arith.addi %mul3A_0, %arg0 : i32
    %mul3A_1 = arith.constant 576 : i32
    %mul3A_2 = arith.muli %add3A, %mul3A_1 : i32
    "tpu.region"() ({
      %run_scoped3A = tpu.sem_alloc : memref<!tpu.dma_semaphore, #tpu.memory_space<semaphore_mem>>
      %dma_start3A_73 = tpu.memref_slice %arg3[%mul3A_2] : memref<18432xi32, #tpu.memory_space<hbm>> -> memref<576xi32, #tpu.memory_space<hbm>>
      %dma_start3A_74 = tpu.memref_slice %arg3[%mul3A_2] : memref<18432xi32, #tpu.memory_space<hbm>> -> memref<576xi32, #tpu.memory_space<hbm>>
      tpu.enqueue_dma source(%dma_start3A_74 : memref<576xi32, #tpu.memory_space<hbm>>) target(%arg5 : memref<576xi32, #tpu.memory_space<vmem>>) target_semaphore(%run_scoped3A : memref<!tpu.dma_semaphore, #tpu.memory_space<semaphore_mem>>)
      %dma_wait3A_75 = tpu.memref_slice %arg3[%mul3A_2] : memref<18432xi32, #tpu.memory_space<hbm>> -> memref<576xi32, #tpu.memory_space<hbm>>
      %dma_wait3A_76 = tpu.memref_slice %arg3[%mul3A_2] : memref<18432xi32, #tpu.memory_space<hbm>> -> memref<576xi32, #tpu.memory_space<hbm>>
      tpu.wait_dma2 semaphore(%run_scoped3A : memref<!tpu.dma_semaphore, #tpu.memory_space<semaphore_mem>>) src(%dma_wait3A_76 : memref<576xi32, #tpu.memory_space<hbm>>) dst(%arg5 : memref<576xi32, #tpu.memory_space<vmem>>)
      tpu.yield
    }) : () -> ()
    %dma_start3A = arith.constant 0 : i32
    %dma_start3A_3 = tpu.memref_slice %arg5[%dma_start3A] : memref<576xi32, #tpu.memory_space<vmem>> -> memref<96xi32, #tpu.memory_space<vmem>>
    %dma_start3A_4 = arith.constant 0 : i32
    %dma_start3A_5 = arith.constant 0 : i32
    %dma_start3A_6 = tpu.memref_slice %arg2[%dma_start3A_4, %dma_start3A_5] : memref<8192x256xf32, #tpu.memory_space<hbm>> -> memref<8192x256xf32, #tpu.memory_space<hbm>>
    tpu.enqueue_indirect_dma source(%dma_start3A_6 : memref<8192x256xf32, #tpu.memory_space<hbm>>) target(%arg6 : memref<96x256xf32, #tpu.memory_space<vmem>>) offsets(%dma_start3A_3 : memref<96xi32, #tpu.memory_space<vmem>>) semaphore(%arg8 : memref<!tpu.dma_semaphore, #tpu.memory_space<semaphore_mem>>)
    %dma_start3A_7 = arith.constant 96 : i32
    %dma_start3A_8 = tpu.memref_slice %arg5[%dma_start3A_7] : memref<576xi32, #tpu.memory_space<vmem>> -> memref<96xi32, #tpu.memory_space<vmem>>
    %dma_start3A_9 = arith.constant 0 : i32
    %dma_start3A_10 = arith.constant 0 : i32
    %dma_start3A_11 = tpu.memref_slice %arg2[%dma_start3A_9, %dma_start3A_10] : memref<8192x256xf32, #tpu.memory_space<hbm>> -> memref<8192x256xf32, #tpu.memory_space<hbm>>
    tpu.enqueue_indirect_dma source(%dma_start3A_11 : memref<8192x256xf32, #tpu.memory_space<hbm>>) target(%arg7 : memref<96x256xf32, #tpu.memory_space<vmem>>) offsets(%dma_start3A_8 : memref<96xi32, #tpu.memory_space<vmem>>) semaphore(%arg9 : memref<!tpu.dma_semaphore, #tpu.memory_space<semaphore_mem>>)
    %dma_wait3A = arith.constant 0 : i32
    %dma_wait3A_12 = tpu.memref_slice %arg5[%dma_wait3A] : memref<576xi32, #tpu.memory_space<vmem>> -> memref<96xi32, #tpu.memory_space<vmem>>
    %dma_wait3A_13 = arith.constant 0 : i32
    %dma_wait3A_14 = arith.constant 0 : i32
    %dma_wait3A_15 = tpu.memref_slice %arg2[%dma_wait3A_13, %dma_wait3A_14] : memref<8192x256xf32, #tpu.memory_space<hbm>> -> memref<8192x256xf32, #tpu.memory_space<hbm>>
    tpu.wait_indirect_dma semaphore(%arg8 : memref<!tpu.dma_semaphore, #tpu.memory_space<semaphore_mem>>) src(%dma_wait3A_15 : memref<8192x256xf32, #tpu.memory_space<hbm>>) dst(%arg6 : memref<96x256xf32, #tpu.memory_space<vmem>>)
    %add3A_16 = arith.constant 0 : i32
    %add3A_17 = arith.addi %mul3A_2, %add3A_16 : i32
    "tpu.region"() ({
      %run_scoped3A = tpu.sem_alloc : memref<!tpu.dma_semaphore, #tpu.memory_space<semaphore_mem>>
      %dma_start3A_73 = arith.constant 0 : i32
      %dma_start3A_74 = tpu.memref_slice %arg4[%add3A_17, %dma_start3A_73] : memref<18432x256xf32, #tpu.memory_space<hbm>> -> memref<96x256xf32, #tpu.memory_space<hbm>>
      %dma_start3A_75 = arith.constant 0 : i32
      %dma_start3A_76 = tpu.memref_slice %arg4[%add3A_17, %dma_start3A_75] : memref<18432x256xf32, #tpu.memory_space<hbm>> -> memref<96x256xf32, #tpu.memory_space<hbm>>
      tpu.enqueue_dma source(%arg6 : memref<96x256xf32, #tpu.memory_space<vmem>>) target(%dma_start3A_76 : memref<96x256xf32, #tpu.memory_space<hbm>>) target_semaphore(%run_scoped3A : memref<!tpu.dma_semaphore, #tpu.memory_space<semaphore_mem>>)
      %dma_wait3A_77 = arith.constant 0 : i32
      %dma_wait3A_78 = tpu.memref_slice %arg4[%add3A_17, %dma_wait3A_77] : memref<18432x256xf32, #tpu.memory_space<hbm>> -> memref<96x256xf32, #tpu.memory_space<hbm>>
      %dma_wait3A_79 = arith.constant 0 : i32
      %dma_wait3A_80 = tpu.memref_slice %arg4[%add3A_17, %dma_wait3A_79] : memref<18432x256xf32, #tpu.memory_space<hbm>> -> memref<96x256xf32, #tpu.memory_space<hbm>>
      tpu.wait_dma2 semaphore(%run_scoped3A : memref<!tpu.dma_semaphore, #tpu.memory_space<semaphore_mem>>) src(%arg6 : memref<96x256xf32, #tpu.memory_space<vmem>>) dst(%dma_wait3A_80 : memref<96x256xf32, #tpu.memory_space<hbm>>)
      tpu.yield
    }) : () -> ()
    %dma_start3A_18 = arith.constant 192 : i32
    %dma_start3A_19 = tpu.memref_slice %arg5[%dma_start3A_18] : memref<576xi32, #tpu.memory_space<vmem>> -> memref<96xi32, #tpu.memory_space<vmem>>
    %dma_start3A_20 = arith.constant 0 : i32
    %dma_start3A_21 = arith.constant 0 : i32
    %dma_start3A_22 = tpu.memref_slice %arg2[%dma_start3A_20, %dma_start3A_21] : memref<8192x256xf32, #tpu.memory_space<hbm>> -> memref<8192x256xf32, #tpu.memory_space<hbm>>
    tpu.enqueue_indirect_dma source(%dma_start3A_22 : memref<8192x256xf32, #tpu.memory_space<hbm>>) target(%arg6 : memref<96x256xf32, #tpu.memory_space<vmem>>) offsets(%dma_start3A_19 : memref<96xi32, #tpu.memory_space<vmem>>) semaphore(%arg8 : memref<!tpu.dma_semaphore, #tpu.memory_space<semaphore_mem>>)
    %dma_wait3A_23 = arith.constant 96 : i32
    %dma_wait3A_24 = tpu.memref_slice %arg5[%dma_wait3A_23] : memref<576xi32, #tpu.memory_space<vmem>> -> memref<96xi32, #tpu.memory_space<vmem>>
    %dma_wait3A_25 = arith.constant 0 : i32
    %dma_wait3A_26 = arith.constant 0 : i32
    %dma_wait3A_27 = tpu.memref_slice %arg2[%dma_wait3A_25, %dma_wait3A_26] : memref<8192x256xf32, #tpu.memory_space<hbm>> -> memref<8192x256xf32, #tpu.memory_space<hbm>>
    tpu.wait_indirect_dma semaphore(%arg9 : memref<!tpu.dma_semaphore, #tpu.memory_space<semaphore_mem>>) src(%dma_wait3A_27 : memref<8192x256xf32, #tpu.memory_space<hbm>>) dst(%arg7 : memref<96x256xf32, #tpu.memory_space<vmem>>)
    %add3A_28 = arith.constant 96 : i32
    %add3A_29 = arith.addi %mul3A_2, %add3A_28 : i32
    "tpu.region"() ({
      %run_scoped3A = tpu.sem_alloc : memref<!tpu.dma_semaphore, #tpu.memory_space<semaphore_mem>>
      %dma_start3A_73 = arith.constant 0 : i32
      %dma_start3A_74 = tpu.memref_slice %arg4[%add3A_29, %dma_start3A_73] : memref<18432x256xf32, #tpu.memory_space<hbm>> -> memref<96x256xf32, #tpu.memory_space<hbm>>
      %dma_start3A_75 = arith.constant 0 : i32
      %dma_start3A_76 = tpu.memref_slice %arg4[%add3A_29, %dma_start3A_75] : memref<18432x256xf32, #tpu.memory_space<hbm>> -> memref<96x256xf32, #tpu.memory_space<hbm>>
      tpu.enqueue_dma source(%arg7 : memref<96x256xf32, #tpu.memory_space<vmem>>) target(%dma_start3A_76 : memref<96x256xf32, #tpu.memory_space<hbm>>) target_semaphore(%run_scoped3A : memref<!tpu.dma_semaphore, #tpu.memory_space<semaphore_mem>>)
      %dma_wait3A_77 = arith.constant 0 : i32
      %dma_wait3A_78 = tpu.memref_slice %arg4[%add3A_29, %dma_wait3A_77] : memref<18432x256xf32, #tpu.memory_space<hbm>> -> memref<96x256xf32, #tpu.memory_space<hbm>>
      %dma_wait3A_79 = arith.constant 0 : i32
      %dma_wait3A_80 = tpu.memref_slice %arg4[%add3A_29, %dma_wait3A_79] : memref<18432x256xf32, #tpu.memory_space<hbm>> -> memref<96x256xf32, #tpu.memory_space<hbm>>
      tpu.wait_dma2 semaphore(%run_scoped3A : memref<!tpu.dma_semaphore, #tpu.memory_space<semaphore_mem>>) src(%arg7 : memref<96x256xf32, #tpu.memory_space<vmem>>) dst(%dma_wait3A_80 : memref<96x256xf32, #tpu.memory_space<hbm>>)
      tpu.yield
    }) : () -> ()
    %dma_start3A_30 = arith.constant 288 : i32
    %dma_start3A_31 = tpu.memref_slice %arg5[%dma_start3A_30] : memref<576xi32, #tpu.memory_space<vmem>> -> memref<96xi32, #tpu.memory_space<vmem>>
    %dma_start3A_32 = arith.constant 0 : i32
    %dma_start3A_33 = arith.constant 0 : i32
    %dma_start3A_34 = tpu.memref_slice %arg2[%dma_start3A_32, %dma_start3A_33] : memref<8192x256xf32, #tpu.memory_space<hbm>> -> memref<8192x256xf32, #tpu.memory_space<hbm>>
    tpu.enqueue_indirect_dma source(%dma_start3A_34 : memref<8192x256xf32, #tpu.memory_space<hbm>>) target(%arg7 : memref<96x256xf32, #tpu.memory_space<vmem>>) offsets(%dma_start3A_31 : memref<96xi32, #tpu.memory_space<vmem>>) semaphore(%arg9 : memref<!tpu.dma_semaphore, #tpu.memory_space<semaphore_mem>>)
    %dma_wait3A_35 = arith.constant 192 : i32
    %dma_wait3A_36 = tpu.memref_slice %arg5[%dma_wait3A_35] : memref<576xi32, #tpu.memory_space<vmem>> -> memref<96xi32, #tpu.memory_space<vmem>>
    %dma_wait3A_37 = arith.constant 0 : i32
    %dma_wait3A_38 = arith.constant 0 : i32
    %dma_wait3A_39 = tpu.memref_slice %arg2[%dma_wait3A_37, %dma_wait3A_38] : memref<8192x256xf32, #tpu.memory_space<hbm>> -> memref<8192x256xf32, #tpu.memory_space<hbm>>
    tpu.wait_indirect_dma semaphore(%arg8 : memref<!tpu.dma_semaphore, #tpu.memory_space<semaphore_mem>>) src(%dma_wait3A_39 : memref<8192x256xf32, #tpu.memory_space<hbm>>) dst(%arg6 : memref<96x256xf32, #tpu.memory_space<vmem>>)
    %add3A_40 = arith.constant 192 : i32
    %add3A_41 = arith.addi %mul3A_2, %add3A_40 : i32
    "tpu.region"() ({
      %run_scoped3A = tpu.sem_alloc : memref<!tpu.dma_semaphore, #tpu.memory_space<semaphore_mem>>
      %dma_start3A_73 = arith.constant 0 : i32
      %dma_start3A_74 = tpu.memref_slice %arg4[%add3A_41, %dma_start3A_73] : memref<18432x256xf32, #tpu.memory_space<hbm>> -> memref<96x256xf32, #tpu.memory_space<hbm>>
      %dma_start3A_75 = arith.constant 0 : i32
      %dma_start3A_76 = tpu.memref_slice %arg4[%add3A_41, %dma_start3A_75] : memref<18432x256xf32, #tpu.memory_space<hbm>> -> memref<96x256xf32, #tpu.memory_space<hbm>>
      tpu.enqueue_dma source(%arg6 : memref<96x256xf32, #tpu.memory_space<vmem>>) target(%dma_start3A_76 : memref<96x256xf32, #tpu.memory_space<hbm>>) target_semaphore(%run_scoped3A : memref<!tpu.dma_semaphore, #tpu.memory_space<semaphore_mem>>)
      %dma_wait3A_77 = arith.constant 0 : i32
      %dma_wait3A_78 = tpu.memref_slice %arg4[%add3A_41, %dma_wait3A_77] : memref<18432x256xf32, #tpu.memory_space<hbm>> -> memref<96x256xf32, #tpu.memory_space<hbm>>
      %dma_wait3A_79 = arith.constant 0 : i32
      %dma_wait3A_80 = tpu.memref_slice %arg4[%add3A_41, %dma_wait3A_79] : memref<18432x256xf32, #tpu.memory_space<hbm>> -> memref<96x256xf32, #tpu.memory_space<hbm>>
      tpu.wait_dma2 semaphore(%run_scoped3A : memref<!tpu.dma_semaphore, #tpu.memory_space<semaphore_mem>>) src(%arg6 : memref<96x256xf32, #tpu.memory_space<vmem>>) dst(%dma_wait3A_80 : memref<96x256xf32, #tpu.memory_space<hbm>>)
      tpu.yield
    }) : () -> ()
    %dma_start3A_42 = arith.constant 384 : i32
    %dma_start3A_43 = tpu.memref_slice %arg5[%dma_start3A_42] : memref<576xi32, #tpu.memory_space<vmem>> -> memref<96xi32, #tpu.memory_space<vmem>>
    %dma_start3A_44 = arith.constant 0 : i32
    %dma_start3A_45 = arith.constant 0 : i32
    %dma_start3A_46 = tpu.memref_slice %arg2[%dma_start3A_44, %dma_start3A_45] : memref<8192x256xf32, #tpu.memory_space<hbm>> -> memref<8192x256xf32, #tpu.memory_space<hbm>>
    tpu.enqueue_indirect_dma source(%dma_start3A_46 : memref<8192x256xf32, #tpu.memory_space<hbm>>) target(%arg6 : memref<96x256xf32, #tpu.memory_space<vmem>>) offsets(%dma_start3A_43 : memref<96xi32, #tpu.memory_space<vmem>>) semaphore(%arg8 : memref<!tpu.dma_semaphore, #tpu.memory_space<semaphore_mem>>)
    %dma_wait3A_47 = arith.constant 288 : i32
    %dma_wait3A_48 = tpu.memref_slice %arg5[%dma_wait3A_47] : memref<576xi32, #tpu.memory_space<vmem>> -> memref<96xi32, #tpu.memory_space<vmem>>
    %dma_wait3A_49 = arith.constant 0 : i32
    %dma_wait3A_50 = arith.constant 0 : i32
    %dma_wait3A_51 = tpu.memref_slice %arg2[%dma_wait3A_49, %dma_wait3A_50] : memref<8192x256xf32, #tpu.memory_space<hbm>> -> memref<8192x256xf32, #tpu.memory_space<hbm>>
    tpu.wait_indirect_dma semaphore(%arg9 : memref<!tpu.dma_semaphore, #tpu.memory_space<semaphore_mem>>) src(%dma_wait3A_51 : memref<8192x256xf32, #tpu.memory_space<hbm>>) dst(%arg7 : memref<96x256xf32, #tpu.memory_space<vmem>>)
    %add3A_52 = arith.constant 288 : i32
    %add3A_53 = arith.addi %mul3A_2, %add3A_52 : i32
    "tpu.region"() ({
      %run_scoped3A = tpu.sem_alloc : memref<!tpu.dma_semaphore, #tpu.memory_space<semaphore_mem>>
      %dma_start3A_73 = arith.constant 0 : i32
      %dma_start3A_74 = tpu.memref_slice %arg4[%add3A_53, %dma_start3A_73] : memref<18432x256xf32, #tpu.memory_space<hbm>> -> memref<96x256xf32, #tpu.memory_space<hbm>>
      %dma_start3A_75 = arith.constant 0 : i32
      %dma_start3A_76 = tpu.memref_slice %arg4[%add3A_53, %dma_start3A_75] : memref<18432x256xf32, #tpu.memory_space<hbm>> -> memref<96x256xf32, #tpu.memory_space<hbm>>
      tpu.enqueue_dma source(%arg7 : memref<96x256xf32, #tpu.memory_space<vmem>>) target(%dma_start3A_76 : memref<96x256xf32, #tpu.memory_space<hbm>>) target_semaphore(%run_scoped3A : memref<!tpu.dma_semaphore, #tpu.memory_space<semaphore_mem>>)
      %dma_wait3A_77 = arith.constant 0 : i32
      %dma_wait3A_78 = tpu.memref_slice %arg4[%add3A_53, %dma_wait3A_77] : memref<18432x256xf32, #tpu.memory_space<hbm>> -> memref<96x256xf32, #tpu.memory_space<hbm>>
      %dma_wait3A_79 = arith.constant 0 : i32
      %dma_wait3A_80 = tpu.memref_slice %arg4[%add3A_53, %dma_wait3A_79] : memref<18432x256xf32, #tpu.memory_space<hbm>> -> memref<96x256xf32, #tpu.memory_space<hbm>>
      tpu.wait_dma2 semaphore(%run_scoped3A : memref<!tpu.dma_semaphore, #tpu.memory_space<semaphore_mem>>) src(%arg7 : memref<96x256xf32, #tpu.memory_space<vmem>>) dst(%dma_wait3A_80 : memref<96x256xf32, #tpu.memory_space<hbm>>)
      tpu.yield
    }) : () -> ()
    %dma_start3A_54 = arith.constant 480 : i32
    %dma_start3A_55 = tpu.memref_slice %arg5[%dma_start3A_54] : memref<576xi32, #tpu.memory_space<vmem>> -> memref<96xi32, #tpu.memory_space<vmem>>
    %dma_start3A_56 = arith.constant 0 : i32
    %dma_start3A_57 = arith.constant 0 : i32
    %dma_start3A_58 = tpu.memref_slice %arg2[%dma_start3A_56, %dma_start3A_57] : memref<8192x256xf32, #tpu.memory_space<hbm>> -> memref<8192x256xf32, #tpu.memory_space<hbm>>
    tpu.enqueue_indirect_dma source(%dma_start3A_58 : memref<8192x256xf32, #tpu.memory_space<hbm>>) target(%arg7 : memref<96x256xf32, #tpu.memory_space<vmem>>) offsets(%dma_start3A_55 : memref<96xi32, #tpu.memory_space<vmem>>) semaphore(%arg9 : memref<!tpu.dma_semaphore, #tpu.memory_space<semaphore_mem>>)
    %dma_wait3A_59 = arith.constant 384 : i32
    %dma_wait3A_60 = tpu.memref_slice %arg5[%dma_wait3A_59] : memref<576xi32, #tpu.memory_space<vmem>> -> memref<96xi32, #tpu.memory_space<vmem>>
    %dma_wait3A_61 = arith.constant 0 : i32
    %dma_wait3A_62 = arith.constant 0 : i32
    %dma_wait3A_63 = tpu.memref_slice %arg2[%dma_wait3A_61, %dma_wait3A_62] : memref<8192x256xf32, #tpu.memory_space<hbm>> -> memref<8192x256xf32, #tpu.memory_space<hbm>>
    tpu.wait_indirect_dma semaphore(%arg8 : memref<!tpu.dma_semaphore, #tpu.memory_space<semaphore_mem>>) src(%dma_wait3A_63 : memref<8192x256xf32, #tpu.memory_space<hbm>>) dst(%arg6 : memref<96x256xf32, #tpu.memory_space<vmem>>)
    %add3A_64 = arith.constant 384 : i32
    %add3A_65 = arith.addi %mul3A_2, %add3A_64 : i32
    "tpu.region"() ({
      %run_scoped3A = tpu.sem_alloc : memref<!tpu.dma_semaphore, #tpu.memory_space<semaphore_mem>>
      %dma_start3A_73 = arith.constant 0 : i32
      %dma_start3A_74 = tpu.memref_slice %arg4[%add3A_65, %dma_start3A_73] : memref<18432x256xf32, #tpu.memory_space<hbm>> -> memref<96x256xf32, #tpu.memory_space<hbm>>
      %dma_start3A_75 = arith.constant 0 : i32
      %dma_start3A_76 = tpu.memref_slice %arg4[%add3A_65, %dma_start3A_75] : memref<18432x256xf32, #tpu.memory_space<hbm>> -> memref<96x256xf32, #tpu.memory_space<hbm>>
      tpu.enqueue_dma source(%arg6 : memref<96x256xf32, #tpu.memory_space<vmem>>) target(%dma_start3A_76 : memref<96x256xf32, #tpu.memory_space<hbm>>) target_semaphore(%run_scoped3A : memref<!tpu.dma_semaphore, #tpu.memory_space<semaphore_mem>>)
      %dma_wait3A_77 = arith.constant 0 : i32
      %dma_wait3A_78 = tpu.memref_slice %arg4[%add3A_65, %dma_wait3A_77] : memref<18432x256xf32, #tpu.memory_space<hbm>> -> memref<96x256xf32, #tpu.memory_space<hbm>>
      %dma_wait3A_79 = arith.constant 0 : i32
      %dma_wait3A_80 = tpu.memref_slice %arg4[%add3A_65, %dma_wait3A_79] : memref<18432x256xf32, #tpu.memory_space<hbm>> -> memref<96x256xf32, #tpu.memory_space<hbm>>
      tpu.wait_dma2 semaphore(%run_scoped3A : memref<!tpu.dma_semaphore, #tpu.memory_space<semaphore_mem>>) src(%arg6 : memref<96x256xf32, #tpu.memory_space<vmem>>) dst(%dma_wait3A_80 : memref<96x256xf32, #tpu.memory_space<hbm>>)
      tpu.yield
    }) : () -> ()
    %dma_wait3A_66 = arith.constant 480 : i32
    %dma_wait3A_67 = tpu.memref_slice %arg5[%dma_wait3A_66] : memref<576xi32, #tpu.memory_space<vmem>> -> memref<96xi32, #tpu.memory_space<vmem>>
    %dma_wait3A_68 = arith.constant 0 : i32
    %dma_wait3A_69 = arith.constant 0 : i32
    %dma_wait3A_70 = tpu.memref_slice %arg2[%dma_wait3A_68, %dma_wait3A_69] : memref<8192x256xf32, #tpu.memory_space<hbm>> -> memref<8192x256xf32, #tpu.memory_space<hbm>>
    tpu.wait_indirect_dma semaphore(%arg9 : memref<!tpu.dma_semaphore, #tpu.memory_space<semaphore_mem>>) src(%dma_wait3A_70 : memref<8192x256xf32, #tpu.memory_space<hbm>>) dst(%arg7 : memref<96x256xf32, #tpu.memory_space<vmem>>)
    %add3A_71 = arith.constant 480 : i32
    %add3A_72 = arith.addi %mul3A_2, %add3A_71 : i32
    "tpu.region"() ({
      %run_scoped3A = tpu.sem_alloc : memref<!tpu.dma_semaphore, #tpu.memory_space<semaphore_mem>>
      %dma_start3A_73 = arith.constant 0 : i32
      %dma_start3A_74 = tpu.memref_slice %arg4[%add3A_72, %dma_start3A_73] : memref<18432x256xf32, #tpu.memory_space<hbm>> -> memref<96x256xf32, #tpu.memory_space<hbm>>
      %dma_start3A_75 = arith.constant 0 : i32
      %dma_start3A_76 = tpu.memref_slice %arg4[%add3A_72, %dma_start3A_75] : memref<18432x256xf32, #tpu.memory_space<hbm>> -> memref<96x256xf32, #tpu.memory_space<hbm>>
      tpu.enqueue_dma source(%arg7 : memref<96x256xf32, #tpu.memory_space<vmem>>) target(%dma_start3A_76 : memref<96x256xf32, #tpu.memory_space<hbm>>) target_semaphore(%run_scoped3A : memref<!tpu.dma_semaphore, #tpu.memory_space<semaphore_mem>>)
      %dma_wait3A_77 = arith.constant 0 : i32
      %dma_wait3A_78 = tpu.memref_slice %arg4[%add3A_72, %dma_wait3A_77] : memref<18432x256xf32, #tpu.memory_space<hbm>> -> memref<96x256xf32, #tpu.memory_space<hbm>>
      %dma_wait3A_79 = arith.constant 0 : i32
      %dma_wait3A_80 = tpu.memref_slice %arg4[%add3A_72, %dma_wait3A_79] : memref<18432x256xf32, #tpu.memory_space<hbm>> -> memref<96x256xf32, #tpu.memory_space<hbm>>
      tpu.wait_dma2 semaphore(%run_scoped3A : memref<!tpu.dma_semaphore, #tpu.memory_space<semaphore_mem>>) src(%arg7 : memref<96x256xf32, #tpu.memory_space<vmem>>) dst(%dma_wait3A_80 : memref<96x256xf32, #tpu.memory_space<hbm>>)
      tpu.yield
    }) : () -> ()
    return
  }
}

#map = affine_map<(d0, d1) -> (0, 0)>
#map1 = affine_map<(d0, d1) -> (0)>
module attributes {stable_mosaic.version = 14 : i64} {
  func.func @gather(%arg0: i32, %arg1: i32, %arg2: memref<8192x256xf32, #tpu.memory_space<hbm>>, %arg3: memref<18432xi32, #tpu.memory_space<hbm>>, %arg4: memref<18432x256xf32, #tpu.memory_space<hbm>>, %arg5: memref<576xi32, #tpu.memory_space<vmem>>, %arg6: memref<96x256xf32, #tpu.memory_space<vmem>>, %arg7: memref<96x256xf32, #tpu.memory_space<vmem>>, %arg8: memref<!tpu.dma_semaphore, #tpu.memory_space<semaphore_mem>>, %arg9: memref<!tpu.dma_semaphore, #tpu.memory_space<semaphore_mem>>) attributes {dimension_semantics = [#tpu.dimension_semantics<core_parallel>, #tpu.dimension_semantics<subcore_parallel>], iteration_bounds = array<i64: 2, 16>, scalar_prefetch = 0 : i64, scratch_operands = 5 : i64, tpu.core_type = #tpu.core_type<sc_vector_subcore>, window_params = [{transform_indices = #map}, {transform_indices = #map1}, {transform_indices = #map}]} {
    %mul3A = arith.constant 2 : i32
    %mul3A_0 = arith.muli %arg1, %mul3A : i32
    %add3A = arith.addi %mul3A_0, %arg0 : i32
    %mul3A_1 = arith.constant 576 : i32
    %mul3A_2 = arith.muli %add3A, %mul3A_1 : i32
    "tpu.region"() ({
      %run_scoped3A = tpu.sem_alloc : memref<!tpu.dma_semaphore, #tpu.memory_space<semaphore_mem>>
      %dma_start3A_73 = tpu.memref_slice %arg3[%mul3A_2] : memref<18432xi32, #tpu.memory_space<hbm>> -> memref<576xi32, #tpu.memory_space<hbm>>
      %dma_start3A_74 = tpu.memref_slice %arg3[%mul3A_2] : memref<18432xi32, #tpu.memory_space<hbm>> -> memref<576xi32, #tpu.memory_space<hbm>>
      tpu.enqueue_dma source(%dma_start3A_74 : memref<576xi32, #tpu.memory_space<hbm>>) target(%arg5 : memref<576xi32, #tpu.memory_space<vmem>>) target_semaphore(%run_scoped3A : memref<!tpu.dma_semaphore, #tpu.memory_space<semaphore_mem>>)
      %dma_wait3A_75 = tpu.memref_slice %arg3[%mul3A_2] : memref<18432xi32, #tpu.memory_space<hbm>> -> memref<576xi32, #tpu.memory_space<hbm>>
      %dma_wait3A_76 = tpu.memref_slice %arg3[%mul3A_2] : memref<18432xi32, #tpu.memory_space<hbm>> -> memref<576xi32, #tpu.memory_space<hbm>>
      tpu.wait_dma2 semaphore(%run_scoped3A : memref<!tpu.dma_semaphore, #tpu.memory_space<semaphore_mem>>) src(%dma_wait3A_76 : memref<576xi32, #tpu.memory_space<hbm>>) dst(%arg5 : memref<576xi32, #tpu.memory_space<vmem>>)
      tpu.yield
    }) : () -> ()
    %dma_start3A = arith.constant 0 : i32
    %dma_start3A_3 = tpu.memref_slice %arg5[%dma_start3A] : memref<576xi32, #tpu.memory_space<vmem>> -> memref<96xi32, #tpu.memory_space<vmem>>
    %dma_start3A_4 = arith.constant 0 : i32
    %dma_start3A_5 = arith.constant 0 : i32
    %dma_start3A_6 = tpu.memref_slice %arg2[%dma_start3A_4, %dma_start3A_5] : memref<8192x256xf32, #tpu.memory_space<hbm>> -> memref<8192x256xf32, #tpu.memory_space<hbm>>
    tpu.enqueue_indirect_dma source(%dma_start3A_6 : memref<8192x256xf32, #tpu.memory_space<hbm>>) target(%arg6 : memref<96x256xf32, #tpu.memory_space<vmem>>) offsets(%dma_start3A_3 : memref<96xi32, #tpu.memory_space<vmem>>) semaphore(%arg8 : memref<!tpu.dma_semaphore, #tpu.memory_space<semaphore_mem>>)
    %dma_start3A_7 = arith.constant 96 : i32
    %dma_start3A_8 = tpu.memref_slice %arg5[%dma_start3A_7] : memref<576xi32, #tpu.memory_space<vmem>> -> memref<96xi32, #tpu.memory_space<vmem>>
    %dma_start3A_9 = arith.constant 0 : i32
    %dma_start3A_10 = arith.constant 0 : i32
    %dma_start3A_11 = tpu.memref_slice %arg2[%dma_start3A_9, %dma_start3A_10] : memref<8192x256xf32, #tpu.memory_space<hbm>> -> memref<8192x256xf32, #tpu.memory_space<hbm>>
    tpu.enqueue_indirect_dma source(%dma_start3A_11 : memref<8192x256xf32, #tpu.memory_space<hbm>>) target(%arg7 : memref<96x256xf32, #tpu.memory_space<vmem>>) offsets(%dma_start3A_8 : memref<96xi32, #tpu.memory_space<vmem>>) semaphore(%arg9 : memref<!tpu.dma_semaphore, #tpu.memory_space<semaphore_mem>>)
    %dma_wait3A = arith.constant 0 : i32
    %dma_wait3A_12 = tpu.memref_slice %arg5[%dma_wait3A] : memref<576xi32, #tpu.memory_space<vmem>> -> memref<96xi32, #tpu.memory_space<vmem>>
    %dma_wait3A_13 = arith.constant 0 : i32
    %dma_wait3A_14 = arith.constant 0 : i32
    %dma_wait3A_15 = tpu.memref_slice %arg2[%dma_wait3A_13, %dma_wait3A_14] : memref<8192x256xf32, #tpu.memory_space<hbm>> -> memref<8192x256xf32, #tpu.memory_space<hbm>>
    tpu.wait_indirect_dma semaphore(%arg8 : memref<!tpu.dma_semaphore, #tpu.memory_space<semaphore_mem>>) src(%dma_wait3A_15 : memref<8192x256xf32, #tpu.memory_space<hbm>>) dst(%arg6 : memref<96x256xf32, #tpu.memory_space<vmem>>)
    %add3A_16 = arith.constant 0 : i32
    %add3A_17 = arith.addi %mul3A_2, %add3A_16 : i32
    "tpu.region"() ({
      %run_scoped3A = tpu.sem_alloc : memref<!tpu.dma_semaphore, #tpu.memory_space<semaphore_mem>>
      %dma_start3A_73 = arith.constant 0 : i32
      %dma_start3A_74 = tpu.memref_slice %arg4[%add3A_17, %dma_start3A_73] : memref<18432x256xf32, #tpu.memory_space<hbm>> -> memref<96x256xf32, #tpu.memory_space<hbm>>
      %dma_start3A_75 = arith.constant 0 : i32
      %dma_start3A_76 = tpu.memref_slice %arg4[%add3A_17, %dma_start3A_75] : memref<18432x256xf32, #tpu.memory_space<hbm>> -> memref<96x256xf32, #tpu.memory_space<hbm>>
      tpu.enqueue_dma source(%arg6 : memref<96x256xf32, #tpu.memory_space<vmem>>) target(%dma_start3A_76 : memref<96x256xf32, #tpu.memory_space<hbm>>) target_semaphore(%run_scoped3A : memref<!tpu.dma_semaphore, #tpu.memory_space<semaphore_mem>>)
      %dma_wait3A_77 = arith.constant 0 : i32
      %dma_wait3A_78 = tpu.memref_slice %arg4[%add3A_17, %dma_wait3A_77] : memref<18432x256xf32, #tpu.memory_space<hbm>> -> memref<96x256xf32, #tpu.memory_space<hbm>>
      %dma_wait3A_79 = arith.constant 0 : i32
      %dma_wait3A_80 = tpu.memref_slice %arg4[%add3A_17, %dma_wait3A_79] : memref<18432x256xf32, #tpu.memory_space<hbm>> -> memref<96x256xf32, #tpu.memory_space<hbm>>
      tpu.wait_dma2 semaphore(%run_scoped3A : memref<!tpu.dma_semaphore, #tpu.memory_space<semaphore_mem>>) src(%arg6 : memref<96x256xf32, #tpu.memory_space<vmem>>) dst(%dma_wait3A_80 : memref<96x256xf32, #tpu.memory_space<hbm>>)
      tpu.yield
    }) : () -> ()
    %dma_start3A_18 = arith.constant 192 : i32
    %dma_start3A_19 = tpu.memref_slice %arg5[%dma_start3A_18] : memref<576xi32, #tpu.memory_space<vmem>> -> memref<96xi32, #tpu.memory_space<vmem>>
    %dma_start3A_20 = arith.constant 0 : i32
    %dma_start3A_21 = arith.constant 0 : i32
    %dma_start3A_22 = tpu.memref_slice %arg2[%dma_start3A_20, %dma_start3A_21] : memref<8192x256xf32, #tpu.memory_space<hbm>> -> memref<8192x256xf32, #tpu.memory_space<hbm>>
    tpu.enqueue_indirect_dma source(%dma_start3A_22 : memref<8192x256xf32, #tpu.memory_space<hbm>>) target(%arg6 : memref<96x256xf32, #tpu.memory_space<vmem>>) offsets(%dma_start3A_19 : memref<96xi32, #tpu.memory_space<vmem>>) semaphore(%arg8 : memref<!tpu.dma_semaphore, #tpu.memory_space<semaphore_mem>>)
    %dma_wait3A_23 = arith.constant 96 : i32
    %dma_wait3A_24 = tpu.memref_slice %arg5[%dma_wait3A_23] : memref<576xi32, #tpu.memory_space<vmem>> -> memref<96xi32, #tpu.memory_space<vmem>>
    %dma_wait3A_25 = arith.constant 0 : i32
    %dma_wait3A_26 = arith.constant 0 : i32
    %dma_wait3A_27 = tpu.memref_slice %arg2[%dma_wait3A_25, %dma_wait3A_26] : memref<8192x256xf32, #tpu.memory_space<hbm>> -> memref<8192x256xf32, #tpu.memory_space<hbm>>
    tpu.wait_indirect_dma semaphore(%arg9 : memref<!tpu.dma_semaphore, #tpu.memory_space<semaphore_mem>>) src(%dma_wait3A_27 : memref<8192x256xf32, #tpu.memory_space<hbm>>) dst(%arg7 : memref<96x256xf32, #tpu.memory_space<vmem>>)
    %add3A_28 = arith.constant 96 : i32
    %add3A_29 = arith.addi %mul3A_2, %add3A_28 : i32
    "tpu.region"() ({
      %run_scoped3A = tpu.sem_alloc : memref<!tpu.dma_semaphore, #tpu.memory_space<semaphore_mem>>
      %dma_start3A_73 = arith.constant 0 : i32
      %dma_start3A_74 = tpu.memref_slice %arg4[%add3A_29, %dma_start3A_73] : memref<18432x256xf32, #tpu.memory_space<hbm>> -> memref<96x256xf32, #tpu.memory_space<hbm>>
      %dma_start3A_75 = arith.constant 0 : i32
      %dma_start3A_76 = tpu.memref_slice %arg4[%add3A_29, %dma_start3A_75] : memref<18432x256xf32, #tpu.memory_space<hbm>> -> memref<96x256xf32, #tpu.memory_space<hbm>>
      tpu.enqueue_dma source(%arg7 : memref<96x256xf32, #tpu.memory_space<vmem>>) target(%dma_start3A_76 : memref<96x256xf32, #tpu.memory_space<hbm>>) target_semaphore(%run_scoped3A : memref<!tpu.dma_semaphore, #tpu.memory_space<semaphore_mem>>)
      %dma_wait3A_77 = arith.constant 0 : i32
      %dma_wait3A_78 = tpu.memref_slice %arg4[%add3A_29, %dma_wait3A_77] : memref<18432x256xf32, #tpu.memory_space<hbm>> -> memref<96x256xf32, #tpu.memory_space<hbm>>
      %dma_wait3A_79 = arith.constant 0 : i32
      %dma_wait3A_80 = tpu.memref_slice %arg4[%add3A_29, %dma_wait3A_79] : memref<18432x256xf32, #tpu.memory_space<hbm>> -> memref<96x256xf32, #tpu.memory_space<hbm>>
      tpu.wait_dma2 semaphore(%run_scoped3A : memref<!tpu.dma_semaphore, #tpu.memory_space<semaphore_mem>>) src(%arg7 : memref<96x256xf32, #tpu.memory_space<vmem>>) dst(%dma_wait3A_80 : memref<96x256xf32, #tpu.memory_space<hbm>>)
      tpu.yield
    }) : () -> ()
    %dma_start3A_30 = arith.constant 288 : i32
    %dma_start3A_31 = tpu.memref_slice %arg5[%dma_start3A_30] : memref<576xi32, #tpu.memory_space<vmem>> -> memref<96xi32, #tpu.memory_space<vmem>>
    %dma_start3A_32 = arith.constant 0 : i32
    %dma_start3A_33 = arith.constant 0 : i32
    %dma_start3A_34 = tpu.memref_slice %arg2[%dma_start3A_32, %dma_start3A_33] : memref<8192x256xf32, #tpu.memory_space<hbm>> -> memref<8192x256xf32, #tpu.memory_space<hbm>>
    tpu.enqueue_indirect_dma source(%dma_start3A_34 : memref<8192x256xf32, #tpu.memory_space<hbm>>) target(%arg7 : memref<96x256xf32, #tpu.memory_space<vmem>>) offsets(%dma_start3A_31 : memref<96xi32, #tpu.memory_space<vmem>>) semaphore(%arg9 : memref<!tpu.dma_semaphore, #tpu.memory_space<semaphore_mem>>)
    %dma_wait3A_35 = arith.constant 192 : i32
    %dma_wait3A_36 = tpu.memref_slice %arg5[%dma_wait3A_35] : memref<576xi32, #tpu.memory_space<vmem>> -> memref<96xi32, #tpu.memory_space<vmem>>
    %dma_wait3A_37 = arith.constant 0 : i32
    %dma_wait3A_38 = arith.constant 0 : i32
    %dma_wait3A_39 = tpu.memref_slice %arg2[%dma_wait3A_37, %dma_wait3A_38] : memref<8192x256xf32, #tpu.memory_space<hbm>> -> memref<8192x256xf32, #tpu.memory_space<hbm>>
    tpu.wait_indirect_dma semaphore(%arg8 : memref<!tpu.dma_semaphore, #tpu.memory_space<semaphore_mem>>) src(%dma_wait3A_39 : memref<8192x256xf32, #tpu.memory_space<hbm>>) dst(%arg6 : memref<96x256xf32, #tpu.memory_space<vmem>>)
    %add3A_40 = arith.constant 192 : i32
    %add3A_41 = arith.addi %mul3A_2, %add3A_40 : i32
    "tpu.region"() ({
      %run_scoped3A = tpu.sem_alloc : memref<!tpu.dma_semaphore, #tpu.memory_space<semaphore_mem>>
      %dma_start3A_73 = arith.constant 0 : i32
      %dma_start3A_74 = tpu.memref_slice %arg4[%add3A_41, %dma_start3A_73] : memref<18432x256xf32, #tpu.memory_space<hbm>> -> memref<96x256xf32, #tpu.memory_space<hbm>>
      %dma_start3A_75 = arith.constant 0 : i32
      %dma_start3A_76 = tpu.memref_slice %arg4[%add3A_41, %dma_start3A_75] : memref<18432x256xf32, #tpu.memory_space<hbm>> -> memref<96x256xf32, #tpu.memory_space<hbm>>
      tpu.enqueue_dma source(%arg6 : memref<96x256xf32, #tpu.memory_space<vmem>>) target(%dma_start3A_76 : memref<96x256xf32, #tpu.memory_space<hbm>>) target_semaphore(%run_scoped3A : memref<!tpu.dma_semaphore, #tpu.memory_space<semaphore_mem>>)
      %dma_wait3A_77 = arith.constant 0 : i32
      %dma_wait3A_78 = tpu.memref_slice %arg4[%add3A_41, %dma_wait3A_77] : memref<18432x256xf32, #tpu.memory_space<hbm>> -> memref<96x256xf32, #tpu.memory_space<hbm>>
      %dma_wait3A_79 = arith.constant 0 : i32
      %dma_wait3A_80 = tpu.memref_slice %arg4[%add3A_41, %dma_wait3A_79] : memref<18432x256xf32, #tpu.memory_space<hbm>> -> memref<96x256xf32, #tpu.memory_space<hbm>>
      tpu.wait_dma2 semaphore(%run_scoped3A : memref<!tpu.dma_semaphore, #tpu.memory_space<semaphore_mem>>) src(%arg6 : memref<96x256xf32, #tpu.memory_space<vmem>>) dst(%dma_wait3A_80 : memref<96x256xf32, #tpu.memory_space<hbm>>)
      tpu.yield
    }) : () -> ()
    %dma_start3A_42 = arith.constant 384 : i32
    %dma_start3A_43 = tpu.memref_slice %arg5[%dma_start3A_42] : memref<576xi32, #tpu.memory_space<vmem>> -> memref<96xi32, #tpu.memory_space<vmem>>
    %dma_start3A_44 = arith.constant 0 : i32
    %dma_start3A_45 = arith.constant 0 : i32
    %dma_start3A_46 = tpu.memref_slice %arg2[%dma_start3A_44, %dma_start3A_45] : memref<8192x256xf32, #tpu.memory_space<hbm>> -> memref<8192x256xf32, #tpu.memory_space<hbm>>
    tpu.enqueue_indirect_dma source(%dma_start3A_46 : memref<8192x256xf32, #tpu.memory_space<hbm>>) target(%arg6 : memref<96x256xf32, #tpu.memory_space<vmem>>) offsets(%dma_start3A_43 : memref<96xi32, #tpu.memory_space<vmem>>) semaphore(%arg8 : memref<!tpu.dma_semaphore, #tpu.memory_space<semaphore_mem>>)
    %dma_wait3A_47 = arith.constant 288 : i32
    %dma_wait3A_48 = tpu.memref_slice %arg5[%dma_wait3A_47] : memref<576xi32, #tpu.memory_space<vmem>> -> memref<96xi32, #tpu.memory_space<vmem>>
    %dma_wait3A_49 = arith.constant 0 : i32
    %dma_wait3A_50 = arith.constant 0 : i32
    %dma_wait3A_51 = tpu.memref_slice %arg2[%dma_wait3A_49, %dma_wait3A_50] : memref<8192x256xf32, #tpu.memory_space<hbm>> -> memref<8192x256xf32, #tpu.memory_space<hbm>>
    tpu.wait_indirect_dma semaphore(%arg9 : memref<!tpu.dma_semaphore, #tpu.memory_space<semaphore_mem>>) src(%dma_wait3A_51 : memref<8192x256xf32, #tpu.memory_space<hbm>>) dst(%arg7 : memref<96x256xf32, #tpu.memory_space<vmem>>)
    %add3A_52 = arith.constant 288 : i32
    %add3A_53 = arith.addi %mul3A_2, %add3A_52 : i32
    "tpu.region"() ({
      %run_scoped3A = tpu.sem_alloc : memref<!tpu.dma_semaphore, #tpu.memory_space<semaphore_mem>>
      %dma_start3A_73 = arith.constant 0 : i32
      %dma_start3A_74 = tpu.memref_slice %arg4[%add3A_53, %dma_start3A_73] : memref<18432x256xf32, #tpu.memory_space<hbm>> -> memref<96x256xf32, #tpu.memory_space<hbm>>
      %dma_start3A_75 = arith.constant 0 : i32
      %dma_start3A_76 = tpu.memref_slice %arg4[%add3A_53, %dma_start3A_75] : memref<18432x256xf32, #tpu.memory_space<hbm>> -> memref<96x256xf32, #tpu.memory_space<hbm>>
      tpu.enqueue_dma source(%arg7 : memref<96x256xf32, #tpu.memory_space<vmem>>) target(%dma_start3A_76 : memref<96x256xf32, #tpu.memory_space<hbm>>) target_semaphore(%run_scoped3A : memref<!tpu.dma_semaphore, #tpu.memory_space<semaphore_mem>>)
      %dma_wait3A_77 = arith.constant 0 : i32
      %dma_wait3A_78 = tpu.memref_slice %arg4[%add3A_53, %dma_wait3A_77] : memref<18432x256xf32, #tpu.memory_space<hbm>> -> memref<96x256xf32, #tpu.memory_space<hbm>>
      %dma_wait3A_79 = arith.constant 0 : i32
      %dma_wait3A_80 = tpu.memref_slice %arg4[%add3A_53, %dma_wait3A_79] : memref<18432x256xf32, #tpu.memory_space<hbm>> -> memref<96x256xf32, #tpu.memory_space<hbm>>
      tpu.wait_dma2 semaphore(%run_scoped3A : memref<!tpu.dma_semaphore, #tpu.memory_space<semaphore_mem>>) src(%arg7 : memref<96x256xf32, #tpu.memory_space<vmem>>) dst(%dma_wait3A_80 : memref<96x256xf32, #tpu.memory_space<hbm>>)
      tpu.yield
    }) : () -> ()
    %dma_start3A_54 = arith.constant 480 : i32
    %dma_start3A_55 = tpu.memref_slice %arg5[%dma_start3A_54] : memref<576xi32, #tpu.memory_space<vmem>> -> memref<96xi32, #tpu.memory_space<vmem>>
    %dma_start3A_56 = arith.constant 0 : i32
    %dma_start3A_57 = arith.constant 0 : i32
    %dma_start3A_58 = tpu.memref_slice %arg2[%dma_start3A_56, %dma_start3A_57] : memref<8192x256xf32, #tpu.memory_space<hbm>> -> memref<8192x256xf32, #tpu.memory_space<hbm>>
    tpu.enqueue_indirect_dma source(%dma_start3A_58 : memref<8192x256xf32, #tpu.memory_space<hbm>>) target(%arg7 : memref<96x256xf32, #tpu.memory_space<vmem>>) offsets(%dma_start3A_55 : memref<96xi32, #tpu.memory_space<vmem>>) semaphore(%arg9 : memref<!tpu.dma_semaphore, #tpu.memory_space<semaphore_mem>>)
    %dma_wait3A_59 = arith.constant 384 : i32
    %dma_wait3A_60 = tpu.memref_slice %arg5[%dma_wait3A_59] : memref<576xi32, #tpu.memory_space<vmem>> -> memref<96xi32, #tpu.memory_space<vmem>>
    %dma_wait3A_61 = arith.constant 0 : i32
    %dma_wait3A_62 = arith.constant 0 : i32
    %dma_wait3A_63 = tpu.memref_slice %arg2[%dma_wait3A_61, %dma_wait3A_62] : memref<8192x256xf32, #tpu.memory_space<hbm>> -> memref<8192x256xf32, #tpu.memory_space<hbm>>
    tpu.wait_indirect_dma semaphore(%arg8 : memref<!tpu.dma_semaphore, #tpu.memory_space<semaphore_mem>>) src(%dma_wait3A_63 : memref<8192x256xf32, #tpu.memory_space<hbm>>) dst(%arg6 : memref<96x256xf32, #tpu.memory_space<vmem>>)
    %add3A_64 = arith.constant 384 : i32
    %add3A_65 = arith.addi %mul3A_2, %add3A_64 : i32
    "tpu.region"() ({
      %run_scoped3A = tpu.sem_alloc : memref<!tpu.dma_semaphore, #tpu.memory_space<semaphore_mem>>
      %dma_start3A_73 = arith.constant 0 : i32
      %dma_start3A_74 = tpu.memref_slice %arg4[%add3A_65, %dma_start3A_73] : memref<18432x256xf32, #tpu.memory_space<hbm>> -> memref<96x256xf32, #tpu.memory_space<hbm>>
      %dma_start3A_75 = arith.constant 0 : i32
      %dma_start3A_76 = tpu.memref_slice %arg4[%add3A_65, %dma_start3A_75] : memref<18432x256xf32, #tpu.memory_space<hbm>> -> memref<96x256xf32, #tpu.memory_space<hbm>>
      tpu.enqueue_dma source(%arg6 : memref<96x256xf32, #tpu.memory_space<vmem>>) target(%dma_start3A_76 : memref<96x256xf32, #tpu.memory_space<hbm>>) target_semaphore(%run_scoped3A : memref<!tpu.dma_semaphore, #tpu.memory_space<semaphore_mem>>)
      %dma_wait3A_77 = arith.constant 0 : i32
      %dma_wait3A_78 = tpu.memref_slice %arg4[%add3A_65, %dma_wait3A_77] : memref<18432x256xf32, #tpu.memory_space<hbm>> -> memref<96x256xf32, #tpu.memory_space<hbm>>
      %dma_wait3A_79 = arith.constant 0 : i32
      %dma_wait3A_80 = tpu.memref_slice %arg4[%add3A_65, %dma_wait3A_79] : memref<18432x256xf32, #tpu.memory_space<hbm>> -> memref<96x256xf32, #tpu.memory_space<hbm>>
      tpu.wait_dma2 semaphore(%run_scoped3A : memref<!tpu.dma_semaphore, #tpu.memory_space<semaphore_mem>>) src(%arg6 : memref<96x256xf32, #tpu.memory_space<vmem>>) dst(%dma_wait3A_80 : memref<96x256xf32, #tpu.memory_space<hbm>>)
      tpu.yield
    }) : () -> ()
    %dma_wait3A_66 = arith.constant 480 : i32
    %dma_wait3A_67 = tpu.memref_slice %arg5[%dma_wait3A_66] : memref<576xi32, #tpu.memory_space<vmem>> -> memref<96xi32, #tpu.memory_space<vmem>>
    %dma_wait3A_68 = arith.constant 0 : i32
    %dma_wait3A_69 = arith.constant 0 : i32
    %dma_wait3A_70 = tpu.memref_slice %arg2[%dma_wait3A_68, %dma_wait3A_69] : memref<8192x256xf32, #tpu.memory_space<hbm>> -> memref<8192x256xf32, #tpu.memory_space<hbm>>
    tpu.wait_indirect_dma semaphore(%arg9 : memref<!tpu.dma_semaphore, #tpu.memory_space<semaphore_mem>>) src(%dma_wait3A_70 : memref<8192x256xf32, #tpu.memory_space<hbm>>) dst(%arg7 : memref<96x256xf32, #tpu.memory_space<vmem>>)
    %add3A_71 = arith.constant 480 : i32
    %add3A_72 = arith.addi %mul3A_2, %add3A_71 : i32
    "tpu.region"() ({
      %run_scoped3A = tpu.sem_alloc : memref<!tpu.dma_semaphore, #tpu.memory_space<semaphore_mem>>
      %dma_start3A_73 = arith.constant 0 : i32
      %dma_start3A_74 = tpu.memref_slice %arg4[%add3A_72, %dma_start3A_73] : memref<18432x256xf32, #tpu.memory_space<hbm>> -> memref<96x256xf32, #tpu.memory_space<hbm>>
      %dma_start3A_75 = arith.constant 0 : i32
      %dma_start3A_76 = tpu.memref_slice %arg4[%add3A_72, %dma_start3A_75] : memref<18432x256xf32, #tpu.memory_space<hbm>> -> memref<96x256xf32, #tpu.memory_space<hbm>>
      tpu.enqueue_dma source(%arg7 : memref<96x256xf32, #tpu.memory_space<vmem>>) target(%dma_start3A_76 : memref<96x256xf32, #tpu.memory_space<hbm>>) target_semaphore(%run_scoped3A : memref<!tpu.dma_semaphore, #tpu.memory_space<semaphore_mem>>)
      %dma_wait3A_77 = arith.constant 0 : i32
      %dma_wait3A_78 = tpu.memref_slice %arg4[%add3A_72, %dma_wait3A_77] : memref<18432x256xf32, #tpu.memory_space<hbm>> -> memref<96x256xf32, #tpu.memory_space<hbm>>
      %dma_wait3A_79 = arith.constant 0 : i32
      %dma_wait3A_80 = tpu.memref_slice %arg4[%add3A_72, %dma_wait3A_79] : memref<18432x256xf32, #tpu.memory_space<hbm>> -> memref<96x256xf32, #tpu.memory_space<hbm>>
      tpu.wait_dma2 semaphore(%run_scoped3A : memref<!tpu.dma_semaphore, #tpu.memory_space<semaphore_mem>>) src(%arg7 : memref<96x256xf32, #tpu.memory_space<vmem>>) dst(%dma_wait3A_80 : memref<96x256xf32, #tpu.memory_space<hbm>>)
      tpu.yield
    }) : () -> ()
    return
  }
}

module attributes {stable_mosaic.version = 14 : i64} {
  func.func @body(%arg0: i32, %arg1: memref<1024x256xf32, #tpu.memory_space<vmem>>, %arg2: memref<1024x1xf32, #tpu.memory_space<vmem>>, %arg3: memref<256x8192xbf16, #tpu.memory_space<vmem>>, %arg4: memref<1x8192xf32, #tpu.memory_space<vmem>>, %arg5: memref<1024xi32, #tpu.memory_space<vmem>>) attributes {dimension_semantics = [#tpu.dimension_semantics<arbitrary>], iteration_bounds = array<i64: 18>, scalar_prefetch = 0 : i64, scratch_operands = 0 : i64, tpu.core_type = #tpu.core_type<tc>, window_params = [{transform_indices = @transform_0, window_bounds = array<i64: 1024, 256>}, {transform_indices = @transform_1, window_bounds = array<i64: 1024, 1>}, {pipeline_mode = #tpu.pipeline_mode<synchronous>, transform_indices = @transform_2, window_bounds = array<i64: 256, 8192>}, {pipeline_mode = #tpu.pipeline_mode<synchronous>, transform_indices = @transform_3, window_bounds = array<i64: 1, 8192>}, {transform_indices = @transform_4, window_bounds = array<i64: 1024>}]} {
    %get3A = arith.constant 0 : index
    %get3A_0 = arith.constant 0 : index
    %get3A_1 = vector.load %arg1[%get3A, %get3A_0] : memref<1024x256xf32, #tpu.memory_space<vmem>>, vector<1024x256xf32>
    %convert_element_type3A = arith.truncf %get3A_1 : vector<1024x256xf32> to vector<1024x256xbf16>
    %get3A_2 = arith.constant 0 : index
    %get3A_3 = arith.constant 0 : index
    %get3A_4 = vector.load %arg3[%get3A_2, %get3A_3] : memref<256x8192xbf16, #tpu.memory_space<vmem>>, vector<256x8192xbf16>
    %dot_general3A = arith.constant dense<0.000000e+00> : vector<1024x8192xf32>
    %dot_general3A_5 = tpu.matmul %convert_element_type3A, %get3A_4, %dot_general3A {dimension_numbers = #tpu.dot_dimension_numbers<[1], [0], [0], [1], [0, 0, 1, 1], [], []>, transpose_lhs_hint = false} : vector<1024x256xbf16>, vector<256x8192xbf16>, vector<1024x8192xf32> -> vector<1024x8192xf32>
    %get3A_6 = arith.constant 0 : index
    %get3A_7 = arith.constant 0 : index
    %get3A_8 = vector.load %arg2[%get3A_6, %get3A_7] : memref<1024x1xf32, #tpu.memory_space<vmem>>, vector<1024x1xf32>
    %get3A_9 = arith.constant 0 : index
    %get3A_10 = arith.constant 0 : index
    %get3A_11 = vector.load %arg4[%get3A_9, %get3A_10] : memref<1x8192xf32, #tpu.memory_space<vmem>>, vector<1x8192xf32>
    %add3A = vector.broadcast %get3A_8 : vector<1024x1xf32> to vector<1024x8192xf32>
    %add3A_12 = vector.broadcast %get3A_11 : vector<1x8192xf32> to vector<1024x8192xf32>
    %add3A_13 = arith.addf %add3A, %add3A_12 : vector<1024x8192xf32>
    %mul3A = arith.constant 2.000000e+00 : f32
    %mul3A_14 = vector.broadcast %mul3A : f32 to vector<1024x8192xf32>
    %mul3A_15 = arith.mulf %mul3A_14, %dot_general3A_5 : vector<1024x8192xf32>
    %sub3A = arith.subf %add3A_13, %mul3A_15 : vector<1024x8192xf32>
    %slice3A = vector.extract_strided_slice %sub3A {offsets = [0, 0], sizes = [1024, 2048], strides = [1, 1]} : vector<1024x8192xf32> to vector<1024x2048xf32>
    %reduce_min3A = arith.constant dense<0x7F800000> : vector<1024xf32>
    %reduce_min3A_16 = vector.multi_reduction <minimumf>, %slice3A, %reduce_min3A [1] : vector<1024x2048xf32> to vector<1024xf32>
    %broadcast_in_dim3A = vector.shape_cast %reduce_min3A_16 : vector<1024xf32> to vector<1024x1xf32>
    %iota3A = tpu.iota {dimensions = array<i32: 1>} : vector<1024x2048xi32>
    %add3A_17 = arith.constant 0 : i32
    %add3A_18 = vector.broadcast %add3A_17 : i32 to vector<1024x2048xi32>
    %add3A_19 = arith.addi %iota3A, %add3A_18 : vector<1024x2048xi32>
    %eq3A = vector.broadcast %broadcast_in_dim3A : vector<1024x1xf32> to vector<1024x2048xf32>
    %eq3A_20 = arith.cmpf oeq, %slice3A, %eq3A : vector<1024x2048xf32>
    %jit3A = arith.constant 8192 : i32
    %broadcast_in_dim3A_21 = vector.broadcast %jit3A : i32 to vector<1024x2048xi32>
    %select_n3A = arith.select %eq3A_20, %add3A_19, %broadcast_in_dim3A_21 : vector<1024x2048xi1>, vector<1024x2048xi32>
    %reduce_min3A_22 = arith.constant dense<2147483647> : vector<1024xi32>
    %reduce_min3A_23 = vector.multi_reduction <minsi>, %select_n3A, %reduce_min3A_22 [1] : vector<1024x2048xi32> to vector<1024xi32>
    %convert_element_type3A_24 = arith.truncf %reduce_min3A_16 : vector<1024xf32> to vector<1024xbf16>
    %convert_element_type3A_25 = arith.extf %convert_element_type3A_24 : vector<1024xbf16> to vector<1024xf32>
    %slice3A_26 = vector.extract_strided_slice %sub3A {offsets = [0, 2048], sizes = [1024, 2048], strides = [1, 1]} : vector<1024x8192xf32> to vector<1024x2048xf32>
    %reduce_min3A_27 = arith.constant dense<0x7F800000> : vector<1024xf32>
    %reduce_min3A_28 = vector.multi_reduction <minimumf>, %slice3A_26, %reduce_min3A_27 [1] : vector<1024x2048xf32> to vector<1024xf32>
    %broadcast_in_dim3A_29 = vector.shape_cast %reduce_min3A_28 : vector<1024xf32> to vector<1024x1xf32>
    %iota3A_30 = tpu.iota {dimensions = array<i32: 1>} : vector<1024x2048xi32>
    %add3A_31 = arith.constant 2048 : i32
    %add3A_32 = vector.broadcast %add3A_31 : i32 to vector<1024x2048xi32>
    %add3A_33 = arith.addi %iota3A_30, %add3A_32 : vector<1024x2048xi32>
    %eq3A_34 = vector.broadcast %broadcast_in_dim3A_29 : vector<1024x1xf32> to vector<1024x2048xf32>
    %eq3A_35 = arith.cmpf oeq, %slice3A_26, %eq3A_34 : vector<1024x2048xf32>
    %jit3A_36 = arith.constant 8192 : i32
    %broadcast_in_dim3A_37 = vector.broadcast %jit3A_36 : i32 to vector<1024x2048xi32>
    %select_n3A_38 = arith.select %eq3A_35, %add3A_33, %broadcast_in_dim3A_37 : vector<1024x2048xi1>, vector<1024x2048xi32>
    %reduce_min3A_39 = arith.constant dense<2147483647> : vector<1024xi32>
    %reduce_min3A_40 = vector.multi_reduction <minsi>, %select_n3A_38, %reduce_min3A_39 [1] : vector<1024x2048xi32> to vector<1024xi32>
    %lt3A = arith.cmpf olt, %reduce_min3A_28, %convert_element_type3A_25 : vector<1024xf32>
    %select_n3A_41 = arith.select %lt3A, %reduce_min3A_28, %convert_element_type3A_25 : vector<1024xi1>, vector<1024xf32>
    %convert_element_type3A_42 = arith.truncf %select_n3A_41 : vector<1024xf32> to vector<1024xbf16>
    %convert_element_type3A_43 = arith.extf %convert_element_type3A_42 : vector<1024xbf16> to vector<1024xf32>
    %select_n3A_44 = arith.select %lt3A, %reduce_min3A_40, %reduce_min3A_23 : vector<1024xi1>, vector<1024xi32>
    %slice3A_45 = vector.extract_strided_slice %sub3A {offsets = [0, 4096], sizes = [1024, 2048], strides = [1, 1]} : vector<1024x8192xf32> to vector<1024x2048xf32>
    %reduce_min3A_46 = arith.constant dense<0x7F800000> : vector<1024xf32>
    %reduce_min3A_47 = vector.multi_reduction <minimumf>, %slice3A_45, %reduce_min3A_46 [1] : vector<1024x2048xf32> to vector<1024xf32>
    %broadcast_in_dim3A_48 = vector.shape_cast %reduce_min3A_47 : vector<1024xf32> to vector<1024x1xf32>
    %iota3A_49 = tpu.iota {dimensions = array<i32: 1>} : vector<1024x2048xi32>
    %add3A_50 = arith.constant 4096 : i32
    %add3A_51 = vector.broadcast %add3A_50 : i32 to vector<1024x2048xi32>
    %add3A_52 = arith.addi %iota3A_49, %add3A_51 : vector<1024x2048xi32>
    %eq3A_53 = vector.broadcast %broadcast_in_dim3A_48 : vector<1024x1xf32> to vector<1024x2048xf32>
    %eq3A_54 = arith.cmpf oeq, %slice3A_45, %eq3A_53 : vector<1024x2048xf32>
    %jit3A_55 = arith.constant 8192 : i32
    %broadcast_in_dim3A_56 = vector.broadcast %jit3A_55 : i32 to vector<1024x2048xi32>
    %select_n3A_57 = arith.select %eq3A_54, %add3A_52, %broadcast_in_dim3A_56 : vector<1024x2048xi1>, vector<1024x2048xi32>
    %reduce_min3A_58 = arith.constant dense<2147483647> : vector<1024xi32>
    %reduce_min3A_59 = vector.multi_reduction <minsi>, %select_n3A_57, %reduce_min3A_58 [1] : vector<1024x2048xi32> to vector<1024xi32>
    %lt3A_60 = arith.cmpf olt, %reduce_min3A_47, %convert_element_type3A_43 : vector<1024xf32>
    %select_n3A_61 = arith.select %lt3A_60, %reduce_min3A_47, %convert_element_type3A_43 : vector<1024xi1>, vector<1024xf32>
    %convert_element_type3A_62 = arith.truncf %select_n3A_61 : vector<1024xf32> to vector<1024xbf16>
    %convert_element_type3A_63 = arith.extf %convert_element_type3A_62 : vector<1024xbf16> to vector<1024xf32>
    %select_n3A_64 = arith.select %lt3A_60, %reduce_min3A_59, %select_n3A_44 : vector<1024xi1>, vector<1024xi32>
    %slice3A_65 = vector.extract_strided_slice %sub3A {offsets = [0, 6144], sizes = [1024, 2048], strides = [1, 1]} : vector<1024x8192xf32> to vector<1024x2048xf32>
    %reduce_min3A_66 = arith.constant dense<0x7F800000> : vector<1024xf32>
    %reduce_min3A_67 = vector.multi_reduction <minimumf>, %slice3A_65, %reduce_min3A_66 [1] : vector<1024x2048xf32> to vector<1024xf32>
    %broadcast_in_dim3A_68 = vector.shape_cast %reduce_min3A_67 : vector<1024xf32> to vector<1024x1xf32>
    %iota3A_69 = tpu.iota {dimensions = array<i32: 1>} : vector<1024x2048xi32>
    %add3A_70 = arith.constant 6144 : i32
    %add3A_71 = vector.broadcast %add3A_70 : i32 to vector<1024x2048xi32>
    %add3A_72 = arith.addi %iota3A_69, %add3A_71 : vector<1024x2048xi32>
    %eq3A_73 = vector.broadcast %broadcast_in_dim3A_68 : vector<1024x1xf32> to vector<1024x2048xf32>
    %eq3A_74 = arith.cmpf oeq, %slice3A_65, %eq3A_73 : vector<1024x2048xf32>
    %jit3A_75 = arith.constant 8192 : i32
    %broadcast_in_dim3A_76 = vector.broadcast %jit3A_75 : i32 to vector<1024x2048xi32>
    %select_n3A_77 = arith.select %eq3A_74, %add3A_72, %broadcast_in_dim3A_76 : vector<1024x2048xi1>, vector<1024x2048xi32>
    %reduce_min3A_78 = arith.constant dense<2147483647> : vector<1024xi32>
    %reduce_min3A_79 = vector.multi_reduction <minsi>, %select_n3A_77, %reduce_min3A_78 [1] : vector<1024x2048xi32> to vector<1024xi32>
    %lt3A_80 = arith.cmpf olt, %reduce_min3A_67, %convert_element_type3A_63 : vector<1024xf32>
    %select_n3A_81 = arith.select %lt3A_80, %reduce_min3A_79, %select_n3A_64 : vector<1024xi1>, vector<1024xi32>
    %swap3A = arith.constant 0 : index
    %swap3A_82 = vector.load %arg5[%swap3A] : memref<1024xi32, #tpu.memory_space<vmem>>, vector<1024xi32>
    tpu.vector_store %arg5[%swap3A], %select_n3A_81 {strides = array<i32>} : memref<1024xi32, #tpu.memory_space<vmem>>, vector<1024xi32>,
    return
  }
  func.func @transform_0(%arg0: i32) -> (i32, i32) {
    %c0_i32 = arith.constant 0 : i32
    %c0_i32_0 = arith.constant 0 : i32
    return %arg0, %c0_i32 : i32, i32
  }
  func.func @transform_1(%arg0: i32) -> (i32, i32) {
    %c0_i32 = arith.constant 0 : i32
    %c0_i32_0 = arith.constant 0 : i32
    return %arg0, %c0_i32 : i32, i32
  }
  func.func @transform_2(%arg0: i32) -> (i32, i32) {
    %c0_i32 = arith.constant 0 : i32
    %c0_i32_0 = arith.constant 0 : i32
    %c0_i32_1 = arith.constant 0 : i32
    return %c0_i32, %c0_i32_0 : i32, i32
  }
  func.func @transform_3(%arg0: i32) -> (i32, i32) {
    %c0_i32 = arith.constant 0 : i32
    %c0_i32_0 = arith.constant 0 : i32
    %c0_i32_1 = arith.constant 0 : i32
    return %c0_i32, %c0_i32_0 : i32, i32
  }
  func.func @transform_4(%arg0: i32) -> i32 {
    %c0_i32 = arith.constant 0 : i32
    return %arg0 : i32
  }
}

module attributes {stable_mosaic.version = 14 : i64} {
  func.func @_resid_body(%arg0: i32, %arg1: memref<1024x256xf32, #tpu.memory_space<vmem>>, %arg2: memref<1024x256xf32, #tpu.memory_space<vmem>>, %arg3: memref<1024x256xf32, #tpu.memory_space<vmem>>, %arg4: memref<1x1x128xf32, #tpu.memory_space<vmem>>) attributes {dimension_semantics = [#tpu.dimension_semantics<arbitrary>], iteration_bounds = array<i64: 18>, scalar_prefetch = 0 : i64, scratch_operands = 0 : i64, tpu.core_type = #tpu.core_type<tc>, window_params = [{transform_indices = @transform_0, window_bounds = array<i64: 1024, 256>}, {transform_indices = @transform_1, window_bounds = array<i64: 1024, 256>}, {transform_indices = @transform_2, window_bounds = array<i64: 1024, 256>}, {transform_indices = @transform_3, window_bounds = array<i64: 1, 1, 128>}]} {
    %get3A = arith.constant 0 : index
    %get3A_0 = arith.constant 0 : index
    %get3A_1 = vector.load %arg1[%get3A, %get3A_0] : memref<1024x256xf32, #tpu.memory_space<vmem>>, vector<1024x256xf32>
    %get3A_2 = arith.constant 0 : index
    %get3A_3 = arith.constant 0 : index
    %get3A_4 = vector.load %arg2[%get3A_2, %get3A_3] : memref<1024x256xf32, #tpu.memory_space<vmem>>, vector<1024x256xf32>
    %sub3A = arith.subf %get3A_1, %get3A_4 : vector<1024x256xf32>
    %swap3A = arith.constant 0 : index
    %swap3A_5 = arith.constant 0 : index
    %swap3A_6 = vector.load %arg3[%swap3A, %swap3A_5] : memref<1024x256xf32, #tpu.memory_space<vmem>>, vector<1024x256xf32>
    tpu.vector_store %arg3[%swap3A, %swap3A_5], %sub3A {strides = array<i32>} : memref<1024x256xf32, #tpu.memory_space<vmem>>, vector<1024x256xf32>,
    %mul3A = arith.mulf %sub3A, %sub3A : vector<1024x256xf32>
    %reduce_sum3A = vector.shape_cast %mul3A : vector<1024x256xf32> to vector<1x1024x256xf32>
    %reduce_sum3A_7 = arith.constant dense<0.000000e+00> : vector<1xf32>
    %reduce_sum3A_8 = vector.multi_reduction <add>, %reduce_sum3A, %reduce_sum3A_7 [1, 2] : vector<1x1024x256xf32> to vector<1xf32>
    %reduce_sum3A_9 = vector.shape_cast %reduce_sum3A_8 : vector<1xf32> to vector<1x1x1xf32>
    %reduce_sum3A_10 = vector.extract %reduce_sum3A_9[0, 0, 0] : f32 from vector<1x1x1xf32>
    %broadcast_in_dim3A = vector.broadcast %reduce_sum3A_10 : f32 to vector<1x1x128xf32>
    %swap3A_11 = arith.constant 0 : index
    %swap3A_12 = arith.constant 0 : index
    %swap3A_13 = arith.constant 0 : index
    %swap3A_14 = vector.load %arg4[%swap3A_11, %swap3A_12, %swap3A_13] : memref<1x1x128xf32, #tpu.memory_space<vmem>>, vector<1x1x128xf32>
    tpu.vector_store %arg4[%swap3A_11, %swap3A_12, %swap3A_13], %broadcast_in_dim3A {strides = array<i32>} : memref<1x1x128xf32, #tpu.memory_space<vmem>>, vector<1x1x128xf32>,
    return
  }
  func.func @transform_0(%arg0: i32) -> (i32, i32) {
    %c0_i32 = arith.constant 0 : i32
    %c0_i32_0 = arith.constant 0 : i32
    return %arg0, %c0_i32 : i32, i32
  }
  func.func @transform_1(%arg0: i32) -> (i32, i32) {
    %c0_i32 = arith.constant 0 : i32
    %c0_i32_0 = arith.constant 0 : i32
    return %arg0, %c0_i32 : i32, i32
  }
  func.func @transform_2(%arg0: i32) -> (i32, i32) {
    %c0_i32 = arith.constant 0 : i32
    %c0_i32_0 = arith.constant 0 : i32
    return %arg0, %c0_i32 : i32, i32
  }
  func.func @transform_3(%arg0: i32) -> (i32, i32, i32) {
    %c0_i32 = arith.constant 0 : i32
    %c0_i32_0 = arith.constant 0 : i32
    %c0_i32_1 = arith.constant 0 : i32
    return %arg0, %c0_i32, %c0_i32_0 : i32, i32, i32
  }
}

module attributes {stable_mosaic.version = 14 : i64} {
  func.func @body(%arg0: i32, %arg1: memref<1024x256xf32, #tpu.memory_space<vmem>>, %arg2: memref<1024x1xf32, #tpu.memory_space<vmem>>, %arg3: memref<256x8192xbf16, #tpu.memory_space<vmem>>, %arg4: memref<1x8192xf32, #tpu.memory_space<vmem>>, %arg5: memref<1024xi32, #tpu.memory_space<vmem>>) attributes {dimension_semantics = [#tpu.dimension_semantics<arbitrary>], iteration_bounds = array<i64: 18>, scalar_prefetch = 0 : i64, scratch_operands = 0 : i64, tpu.core_type = #tpu.core_type<tc>, window_params = [{transform_indices = @transform_0, window_bounds = array<i64: 1024, 256>}, {transform_indices = @transform_1, window_bounds = array<i64: 1024, 1>}, {pipeline_mode = #tpu.pipeline_mode<synchronous>, transform_indices = @transform_2, window_bounds = array<i64: 256, 8192>}, {pipeline_mode = #tpu.pipeline_mode<synchronous>, transform_indices = @transform_3, window_bounds = array<i64: 1, 8192>}, {transform_indices = @transform_4, window_bounds = array<i64: 1024>}]} {
    %get3A = arith.constant 0 : index
    %get3A_0 = arith.constant 0 : index
    %get3A_1 = vector.load %arg1[%get3A, %get3A_0] : memref<1024x256xf32, #tpu.memory_space<vmem>>, vector<1024x256xf32>
    %convert_element_type3A = arith.truncf %get3A_1 : vector<1024x256xf32> to vector<1024x256xbf16>
    %get3A_2 = arith.constant 0 : index
    %get3A_3 = arith.constant 0 : index
    %get3A_4 = vector.load %arg3[%get3A_2, %get3A_3] : memref<256x8192xbf16, #tpu.memory_space<vmem>>, vector<256x8192xbf16>
    %dot_general3A = arith.constant dense<0.000000e+00> : vector<1024x8192xf32>
    %dot_general3A_5 = tpu.matmul %convert_element_type3A, %get3A_4, %dot_general3A {dimension_numbers = #tpu.dot_dimension_numbers<[1], [0], [0], [1], [0, 0, 1, 1], [], []>, transpose_lhs_hint = false} : vector<1024x256xbf16>, vector<256x8192xbf16>, vector<1024x8192xf32> -> vector<1024x8192xf32>
    %get3A_6 = arith.constant 0 : index
    %get3A_7 = arith.constant 0 : index
    %get3A_8 = vector.load %arg2[%get3A_6, %get3A_7] : memref<1024x1xf32, #tpu.memory_space<vmem>>, vector<1024x1xf32>
    %get3A_9 = arith.constant 0 : index
    %get3A_10 = arith.constant 0 : index
    %get3A_11 = vector.load %arg4[%get3A_9, %get3A_10] : memref<1x8192xf32, #tpu.memory_space<vmem>>, vector<1x8192xf32>
    %add3A = vector.broadcast %get3A_8 : vector<1024x1xf32> to vector<1024x8192xf32>
    %add3A_12 = vector.broadcast %get3A_11 : vector<1x8192xf32> to vector<1024x8192xf32>
    %add3A_13 = arith.addf %add3A, %add3A_12 : vector<1024x8192xf32>
    %mul3A = arith.constant 2.000000e+00 : f32
    %mul3A_14 = vector.broadcast %mul3A : f32 to vector<1024x8192xf32>
    %mul3A_15 = arith.mulf %mul3A_14, %dot_general3A_5 : vector<1024x8192xf32>
    %sub3A = arith.subf %add3A_13, %mul3A_15 : vector<1024x8192xf32>
    %slice3A = vector.extract_strided_slice %sub3A {offsets = [0, 0], sizes = [1024, 1280], strides = [1, 1]} : vector<1024x8192xf32> to vector<1024x1280xf32>
    %slice3A_16 = vector.extract_strided_slice %sub3A {offsets = [0, 1280], sizes = [1024, 128], strides = [1, 1]} : vector<1024x8192xf32> to vector<1024x128xf32>
    %iota3A = tpu.iota {dimensions = array<i32: 1>} : vector<1024x128xi32>
    %add3A_17 = arith.constant 1280 : i32
    %add3A_18 = vector.broadcast %add3A_17 : i32 to vector<1024x128xi32>
    %add3A_19 = arith.addi %iota3A, %add3A_18 : vector<1024x128xi32>
    %ge3A = arith.constant 1280 : i32
    %ge3A_20 = vector.broadcast %ge3A : i32 to vector<1024x128xi32>
    %ge3A_21 = arith.cmpi sge, %add3A_19, %ge3A_20 : vector<1024x128xi32>
    %lt3A = arith.constant 1368 : i32
    %lt3A_22 = vector.broadcast %lt3A : i32 to vector<1024x128xi32>
    %lt3A_23 = arith.cmpi slt, %add3A_19, %lt3A_22 : vector<1024x128xi32>
    %and3A = arith.andi %ge3A_21, %lt3A_23 : vector<1024x128xi1>
    %jit3A = arith.constant 0x7F800000 : f32
    %broadcast_in_dim3A = vector.broadcast %jit3A : f32 to vector<1024x128xf32>
    %select_n3A = arith.select %and3A, %slice3A_16, %broadcast_in_dim3A : vector<1024x128xi1>, vector<1024x128xf32>
    %reduce_min3A = arith.constant dense<0x7F800000> : vector<1024xf32>
    %reduce_min3A_24 = vector.multi_reduction <minimumf>, %slice3A, %reduce_min3A [1] : vector<1024x1280xf32> to vector<1024xf32>
    %reduce_min3A_25 = arith.constant dense<0x7F800000> : vector<1024xf32>
    %reduce_min3A_26 = vector.multi_reduction <minimumf>, %select_n3A, %reduce_min3A_25 [1] : vector<1024x128xf32> to vector<1024xf32>
    %min3A = arith.minimumf %reduce_min3A_24, %reduce_min3A_26 : vector<1024xf32>
    %broadcast_in_dim3A_27 = vector.shape_cast %min3A : vector<1024xf32> to vector<1024x1xf32>
    %iota3A_28 = tpu.iota {dimensions = array<i32: 1>} : vector<1024x1280xi32>
    %add3A_29 = arith.constant 0 : i32
    %add3A_30 = vector.broadcast %add3A_29 : i32 to vector<1024x1280xi32>
    %add3A_31 = arith.addi %iota3A_28, %add3A_30 : vector<1024x1280xi32>
    %eq3A = vector.broadcast %broadcast_in_dim3A_27 : vector<1024x1xf32> to vector<1024x1280xf32>
    %eq3A_32 = arith.cmpf oeq, %slice3A, %eq3A : vector<1024x1280xf32>
    %jit3A_33 = arith.constant 8192 : i32
    %broadcast_in_dim3A_34 = vector.broadcast %jit3A_33 : i32 to vector<1024x1280xi32>
    %select_n3A_35 = arith.select %eq3A_32, %add3A_31, %broadcast_in_dim3A_34 : vector<1024x1280xi1>, vector<1024x1280xi32>
    %reduce_min3A_36 = arith.constant dense<2147483647> : vector<1024xi32>
    %reduce_min3A_37 = vector.multi_reduction <minsi>, %select_n3A_35, %reduce_min3A_36 [1] : vector<1024x1280xi32> to vector<1024xi32>
    %iota3A_38 = tpu.iota {dimensions = array<i32: 1>} : vector<1024x128xi32>
    %add3A_39 = arith.constant 1280 : i32
    %add3A_40 = vector.broadcast %add3A_39 : i32 to vector<1024x128xi32>
    %add3A_41 = arith.addi %iota3A_38, %add3A_40 : vector<1024x128xi32>
    %eq3A_42 = vector.broadcast %broadcast_in_dim3A_27 : vector<1024x1xf32> to vector<1024x128xf32>
    %eq3A_43 = arith.cmpf oeq, %select_n3A, %eq3A_42 : vector<1024x128xf32>
    %jit3A_44 = arith.constant 8192 : i32
    %broadcast_in_dim3A_45 = vector.broadcast %jit3A_44 : i32 to vector<1024x128xi32>
    %select_n3A_46 = arith.select %eq3A_43, %add3A_41, %broadcast_in_dim3A_45 : vector<1024x128xi1>, vector<1024x128xi32>
    %reduce_min3A_47 = arith.constant dense<2147483647> : vector<1024xi32>
    %reduce_min3A_48 = vector.multi_reduction <minsi>, %select_n3A_46, %reduce_min3A_47 [1] : vector<1024x128xi32> to vector<1024xi32>
    %min3A_49 = arith.minsi %reduce_min3A_37, %reduce_min3A_48 : vector<1024xi32>
    %convert_element_type3A_50 = arith.truncf %min3A : vector<1024xf32> to vector<1024xbf16>
    %convert_element_type3A_51 = arith.extf %convert_element_type3A_50 : vector<1024xbf16> to vector<1024xf32>
    %slice3A_52 = vector.extract_strided_slice %sub3A {offsets = [0, 1280], sizes = [1024, 128], strides = [1, 1]} : vector<1024x8192xf32> to vector<1024x128xf32>
    %slice3A_53 = vector.extract_strided_slice %sub3A {offsets = [0, 1408], sizes = [1024, 1280], strides = [1, 1]} : vector<1024x8192xf32> to vector<1024x1280xf32>
    %slice3A_54 = vector.extract_strided_slice %sub3A {offsets = [0, 2688], sizes = [1024, 128], strides = [1, 1]} : vector<1024x8192xf32> to vector<1024x128xf32>
    %iota3A_55 = tpu.iota {dimensions = array<i32: 1>} : vector<1024x128xi32>
    %add3A_56 = arith.constant 1280 : i32
    %add3A_57 = vector.broadcast %add3A_56 : i32 to vector<1024x128xi32>
    %add3A_58 = arith.addi %iota3A_55, %add3A_57 : vector<1024x128xi32>
    %ge3A_59 = arith.constant 1368 : i32
    %ge3A_60 = vector.broadcast %ge3A_59 : i32 to vector<1024x128xi32>
    %ge3A_61 = arith.cmpi sge, %add3A_58, %ge3A_60 : vector<1024x128xi32>
    %lt3A_62 = arith.constant 1408 : i32
    %lt3A_63 = vector.broadcast %lt3A_62 : i32 to vector<1024x128xi32>
    %lt3A_64 = arith.cmpi slt, %add3A_58, %lt3A_63 : vector<1024x128xi32>
    %and3A_65 = arith.andi %ge3A_61, %lt3A_64 : vector<1024x128xi1>
    %jit3A_66 = arith.constant 0x7F800000 : f32
    %broadcast_in_dim3A_67 = vector.broadcast %jit3A_66 : f32 to vector<1024x128xf32>
    %select_n3A_68 = arith.select %and3A_65, %slice3A_52, %broadcast_in_dim3A_67 : vector<1024x128xi1>, vector<1024x128xf32>
    %iota3A_69 = tpu.iota {dimensions = array<i32: 1>} : vector<1024x128xi32>
    %add3A_70 = arith.constant 2688 : i32
    %add3A_71 = vector.broadcast %add3A_70 : i32 to vector<1024x128xi32>
    %add3A_72 = arith.addi %iota3A_69, %add3A_71 : vector<1024x128xi32>
    %ge3A_73 = arith.constant 2688 : i32
    %ge3A_74 = vector.broadcast %ge3A_73 : i32 to vector<1024x128xi32>
    %ge3A_75 = arith.cmpi sge, %add3A_72, %ge3A_74 : vector<1024x128xi32>
    %lt3A_76 = arith.constant 2736 : i32
    %lt3A_77 = vector.broadcast %lt3A_76 : i32 to vector<1024x128xi32>
    %lt3A_78 = arith.cmpi slt, %add3A_72, %lt3A_77 : vector<1024x128xi32>
    %and3A_79 = arith.andi %ge3A_75, %lt3A_78 : vector<1024x128xi1>
    %jit3A_80 = arith.constant 0x7F800000 : f32
    %broadcast_in_dim3A_81 = vector.broadcast %jit3A_80 : f32 to vector<1024x128xf32>
    %select_n3A_82 = arith.select %and3A_79, %slice3A_54, %broadcast_in_dim3A_81 : vector<1024x128xi1>, vector<1024x128xf32>
    %reduce_min3A_83 = arith.constant dense<0x7F800000> : vector<1024xf32>
    %reduce_min3A_84 = vector.multi_reduction <minimumf>, %select_n3A_68, %reduce_min3A_83 [1] : vector<1024x128xf32> to vector<1024xf32>
    %reduce_min3A_85 = arith.constant dense<0x7F800000> : vector<1024xf32>
    %reduce_min3A_86 = vector.multi_reduction <minimumf>, %slice3A_53, %reduce_min3A_85 [1] : vector<1024x1280xf32> to vector<1024xf32>
    %min3A_87 = arith.minimumf %reduce_min3A_84, %reduce_min3A_86 : vector<1024xf32>
    %reduce_min3A_88 = arith.constant dense<0x7F800000> : vector<1024xf32>
    %reduce_min3A_89 = vector.multi_reduction <minimumf>, %select_n3A_82, %reduce_min3A_88 [1] : vector<1024x128xf32> to vector<1024xf32>
    %min3A_90 = arith.minimumf %min3A_87, %reduce_min3A_89 : vector<1024xf32>
    %broadcast_in_dim3A_91 = vector.shape_cast %min3A_90 : vector<1024xf32> to vector<1024x1xf32>
    %iota3A_92 = tpu.iota {dimensions = array<i32: 1>} : vector<1024x128xi32>
    %add3A_93 = arith.constant 1280 : i32
    %add3A_94 = vector.broadcast %add3A_93 : i32 to vector<1024x128xi32>
    %add3A_95 = arith.addi %iota3A_92, %add3A_94 : vector<1024x128xi32>
    %eq3A_96 = vector.broadcast %broadcast_in_dim3A_91 : vector<1024x1xf32> to vector<1024x128xf32>
    %eq3A_97 = arith.cmpf oeq, %select_n3A_68, %eq3A_96 : vector<1024x128xf32>
    %jit3A_98 = arith.constant 8192 : i32
    %broadcast_in_dim3A_99 = vector.broadcast %jit3A_98 : i32 to vector<1024x128xi32>
    %select_n3A_100 = arith.select %eq3A_97, %add3A_95, %broadcast_in_dim3A_99 : vector<1024x128xi1>, vector<1024x128xi32>
    %reduce_min3A_101 = arith.constant dense<2147483647> : vector<1024xi32>
    %reduce_min3A_102 = vector.multi_reduction <minsi>, %select_n3A_100, %reduce_min3A_101 [1] : vector<1024x128xi32> to vector<1024xi32>
    %iota3A_103 = tpu.iota {dimensions = array<i32: 1>} : vector<1024x1280xi32>
    %add3A_104 = arith.constant 1408 : i32
    %add3A_105 = vector.broadcast %add3A_104 : i32 to vector<1024x1280xi32>
    %add3A_106 = arith.addi %iota3A_103, %add3A_105 : vector<1024x1280xi32>
    %eq3A_107 = vector.broadcast %broadcast_in_dim3A_91 : vector<1024x1xf32> to vector<1024x1280xf32>
    %eq3A_108 = arith.cmpf oeq, %slice3A_53, %eq3A_107 : vector<1024x1280xf32>
    %jit3A_109 = arith.constant 8192 : i32
    %broadcast_in_dim3A_110 = vector.broadcast %jit3A_109 : i32 to vector<1024x1280xi32>
    %select_n3A_111 = arith.select %eq3A_108, %add3A_106, %broadcast_in_dim3A_110 : vector<1024x1280xi1>, vector<1024x1280xi32>
    %reduce_min3A_112 = arith.constant dense<2147483647> : vector<1024xi32>
    %reduce_min3A_113 = vector.multi_reduction <minsi>, %select_n3A_111, %reduce_min3A_112 [1] : vector<1024x1280xi32> to vector<1024xi32>
    %min3A_114 = arith.minsi %reduce_min3A_102, %reduce_min3A_113 : vector<1024xi32>
    %iota3A_115 = tpu.iota {dimensions = array<i32: 1>} : vector<1024x128xi32>
    %add3A_116 = arith.constant 2688 : i32
    %add3A_117 = vector.broadcast %add3A_116 : i32 to vector<1024x128xi32>
    %add3A_118 = arith.addi %iota3A_115, %add3A_117 : vector<1024x128xi32>
    %eq3A_119 = vector.broadcast %broadcast_in_dim3A_91 : vector<1024x1xf32> to vector<1024x128xf32>
    %eq3A_120 = arith.cmpf oeq, %select_n3A_82, %eq3A_119 : vector<1024x128xf32>
    %jit3A_121 = arith.constant 8192 : i32
    %broadcast_in_dim3A_122 = vector.broadcast %jit3A_121 : i32 to vector<1024x128xi32>
    %select_n3A_123 = arith.select %eq3A_120, %add3A_118, %broadcast_in_dim3A_122 : vector<1024x128xi1>, vector<1024x128xi32>
    %reduce_min3A_124 = arith.constant dense<2147483647> : vector<1024xi32>
    %reduce_min3A_125 = vector.multi_reduction <minsi>, %select_n3A_123, %reduce_min3A_124 [1] : vector<1024x128xi32> to vector<1024xi32>
    %min3A_126 = arith.minsi %min3A_114, %reduce_min3A_125 : vector<1024xi32>
    %lt3A_127 = arith.cmpf olt, %min3A_90, %convert_element_type3A_51 : vector<1024xf32>
    %select_n3A_128 = arith.select %lt3A_127, %min3A_90, %convert_element_type3A_51 : vector<1024xi1>, vector<1024xf32>
    %convert_element_type3A_129 = arith.truncf %select_n3A_128 : vector<1024xf32> to vector<1024xbf16>
    %convert_element_type3A_130 = arith.extf %convert_element_type3A_129 : vector<1024xbf16> to vector<1024xf32>
    %select_n3A_131 = arith.select %lt3A_127, %min3A_126, %min3A_49 : vector<1024xi1>, vector<1024xi32>
    %slice3A_132 = vector.extract_strided_slice %sub3A {offsets = [0, 2688], sizes = [1024, 128], strides = [1, 1]} : vector<1024x8192xf32> to vector<1024x128xf32>
    %slice3A_133 = vector.extract_strided_slice %sub3A {offsets = [0, 2816], sizes = [1024, 1280], strides = [1, 1]} : vector<1024x8192xf32> to vector<1024x1280xf32>
    %slice3A_134 = vector.extract_strided_slice %sub3A {offsets = [0, 4096], sizes = [1024, 128], strides = [1, 1]} : vector<1024x8192xf32> to vector<1024x128xf32>
    %iota3A_135 = tpu.iota {dimensions = array<i32: 1>} : vector<1024x128xi32>
    %add3A_136 = arith.constant 2688 : i32
    %add3A_137 = vector.broadcast %add3A_136 : i32 to vector<1024x128xi32>
    %add3A_138 = arith.addi %iota3A_135, %add3A_137 : vector<1024x128xi32>
    %ge3A_139 = arith.constant 2736 : i32
    %ge3A_140 = vector.broadcast %ge3A_139 : i32 to vector<1024x128xi32>
    %ge3A_141 = arith.cmpi sge, %add3A_138, %ge3A_140 : vector<1024x128xi32>
    %lt3A_142 = arith.constant 2816 : i32
    %lt3A_143 = vector.broadcast %lt3A_142 : i32 to vector<1024x128xi32>
    %lt3A_144 = arith.cmpi slt, %add3A_138, %lt3A_143 : vector<1024x128xi32>
    %and3A_145 = arith.andi %ge3A_141, %lt3A_144 : vector<1024x128xi1>
    %jit3A_146 = arith.constant 0x7F800000 : f32
    %broadcast_in_dim3A_147 = vector.broadcast %jit3A_146 : f32 to vector<1024x128xf32>
    %select_n3A_148 = arith.select %and3A_145, %slice3A_132, %broadcast_in_dim3A_147 : vector<1024x128xi1>, vector<1024x128xf32>
    %iota3A_149 = tpu.iota {dimensions = array<i32: 1>} : vector<1024x128xi32>
    %add3A_150 = arith.constant 4096 : i32
    %add3A_151 = vector.broadcast %add3A_150 : i32 to vector<1024x128xi32>
    %add3A_152 = arith.addi %iota3A_149, %add3A_151 : vector<1024x128xi32>
    %ge3A_153 = arith.constant 4096 : i32
    %ge3A_154 = vector.broadcast %ge3A_153 : i32 to vector<1024x128xi32>
    %ge3A_155 = arith.cmpi sge, %add3A_152, %ge3A_154 : vector<1024x128xi32>
    %lt3A_156 = arith.constant 4104 : i32
    %lt3A_157 = vector.broadcast %lt3A_156 : i32 to vector<1024x128xi32>
    %lt3A_158 = arith.cmpi slt, %add3A_152, %lt3A_157 : vector<1024x128xi32>
    %and3A_159 = arith.andi %ge3A_155, %lt3A_158 : vector<1024x128xi1>
    %jit3A_160 = arith.constant 0x7F800000 : f32
    %broadcast_in_dim3A_161 = vector.broadcast %jit3A_160 : f32 to vector<1024x128xf32>
    %select_n3A_162 = arith.select %and3A_159, %slice3A_134, %broadcast_in_dim3A_161 : vector<1024x128xi1>, vector<1024x128xf32>
    %reduce_min3A_163 = arith.constant dense<0x7F800000> : vector<1024xf32>
    %reduce_min3A_164 = vector.multi_reduction <minimumf>, %select_n3A_148, %reduce_min3A_163 [1] : vector<1024x128xf32> to vector<1024xf32>
    %reduce_min3A_165 = arith.constant dense<0x7F800000> : vector<1024xf32>
    %reduce_min3A_166 = vector.multi_reduction <minimumf>, %slice3A_133, %reduce_min3A_165 [1] : vector<1024x1280xf32> to vector<1024xf32>
    %min3A_167 = arith.minimumf %reduce_min3A_164, %reduce_min3A_166 : vector<1024xf32>
    %reduce_min3A_168 = arith.constant dense<0x7F800000> : vector<1024xf32>
    %reduce_min3A_169 = vector.multi_reduction <minimumf>, %select_n3A_162, %reduce_min3A_168 [1] : vector<1024x128xf32> to vector<1024xf32>
    %min3A_170 = arith.minimumf %min3A_167, %reduce_min3A_169 : vector<1024xf32>
    %broadcast_in_dim3A_171 = vector.shape_cast %min3A_170 : vector<1024xf32> to vector<1024x1xf32>
    %iota3A_172 = tpu.iota {dimensions = array<i32: 1>} : vector<1024x128xi32>
    %add3A_173 = arith.constant 2688 : i32
    %add3A_174 = vector.broadcast %add3A_173 : i32 to vector<1024x128xi32>
    %add3A_175 = arith.addi %iota3A_172, %add3A_174 : vector<1024x128xi32>
    %eq3A_176 = vector.broadcast %broadcast_in_dim3A_171 : vector<1024x1xf32> to vector<1024x128xf32>
    %eq3A_177 = arith.cmpf oeq, %select_n3A_148, %eq3A_176 : vector<1024x128xf32>
    %jit3A_178 = arith.constant 8192 : i32
    %broadcast_in_dim3A_179 = vector.broadcast %jit3A_178 : i32 to vector<1024x128xi32>
    %select_n3A_180 = arith.select %eq3A_177, %add3A_175, %broadcast_in_dim3A_179 : vector<1024x128xi1>, vector<1024x128xi32>
    %reduce_min3A_181 = arith.constant dense<2147483647> : vector<1024xi32>
    %reduce_min3A_182 = vector.multi_reduction <minsi>, %select_n3A_180, %reduce_min3A_181 [1] : vector<1024x128xi32> to vector<1024xi32>
    %iota3A_183 = tpu.iota {dimensions = array<i32: 1>} : vector<1024x1280xi32>
    %add3A_184 = arith.constant 2816 : i32
    %add3A_185 = vector.broadcast %add3A_184 : i32 to vector<1024x1280xi32>
    %add3A_186 = arith.addi %iota3A_183, %add3A_185 : vector<1024x1280xi32>
    %eq3A_187 = vector.broadcast %broadcast_in_dim3A_171 : vector<1024x1xf32> to vector<1024x1280xf32>
    %eq3A_188 = arith.cmpf oeq, %slice3A_133, %eq3A_187 : vector<1024x1280xf32>
    %jit3A_189 = arith.constant 8192 : i32
    %broadcast_in_dim3A_190 = vector.broadcast %jit3A_189 : i32 to vector<1024x1280xi32>
    %select_n3A_191 = arith.select %eq3A_188, %add3A_186, %broadcast_in_dim3A_190 : vector<1024x1280xi1>, vector<1024x1280xi32>
    %reduce_min3A_192 = arith.constant dense<2147483647> : vector<1024xi32>
    %reduce_min3A_193 = vector.multi_reduction <minsi>, %select_n3A_191, %reduce_min3A_192 [1] : vector<1024x1280xi32> to vector<1024xi32>
    %min3A_194 = arith.minsi %reduce_min3A_182, %reduce_min3A_193 : vector<1024xi32>
    %iota3A_195 = tpu.iota {dimensions = array<i32: 1>} : vector<1024x128xi32>
    %add3A_196 = arith.constant 4096 : i32
    %add3A_197 = vector.broadcast %add3A_196 : i32 to vector<1024x128xi32>
    %add3A_198 = arith.addi %iota3A_195, %add3A_197 : vector<1024x128xi32>
    %eq3A_199 = vector.broadcast %broadcast_in_dim3A_171 : vector<1024x1xf32> to vector<1024x128xf32>
    %eq3A_200 = arith.cmpf oeq, %select_n3A_162, %eq3A_199 : vector<1024x128xf32>
    %jit3A_201 = arith.constant 8192 : i32
    %broadcast_in_dim3A_202 = vector.broadcast %jit3A_201 : i32 to vector<1024x128xi32>
    %select_n3A_203 = arith.select %eq3A_200, %add3A_198, %broadcast_in_dim3A_202 : vector<1024x128xi1>, vector<1024x128xi32>
    %reduce_min3A_204 = arith.constant dense<2147483647> : vector<1024xi32>
    %reduce_min3A_205 = vector.multi_reduction <minsi>, %select_n3A_203, %reduce_min3A_204 [1] : vector<1024x128xi32> to vector<1024xi32>
    %min3A_206 = arith.minsi %min3A_194, %reduce_min3A_205 : vector<1024xi32>
    %lt3A_207 = arith.cmpf olt, %min3A_170, %convert_element_type3A_130 : vector<1024xf32>
    %select_n3A_208 = arith.select %lt3A_207, %min3A_170, %convert_element_type3A_130 : vector<1024xi1>, vector<1024xf32>
    %convert_element_type3A_209 = arith.truncf %select_n3A_208 : vector<1024xf32> to vector<1024xbf16>
    %convert_element_type3A_210 = arith.extf %convert_element_type3A_209 : vector<1024xbf16> to vector<1024xf32>
    %select_n3A_211 = arith.select %lt3A_207, %min3A_206, %select_n3A_131 : vector<1024xi1>, vector<1024xi32>
    %slice3A_212 = vector.extract_strided_slice %sub3A {offsets = [0, 4096], sizes = [1024, 128], strides = [1, 1]} : vector<1024x8192xf32> to vector<1024x128xf32>
    %slice3A_213 = vector.extract_strided_slice %sub3A {offsets = [0, 4224], sizes = [1024, 1152], strides = [1, 1]} : vector<1024x8192xf32> to vector<1024x1152xf32>
    %slice3A_214 = vector.extract_strided_slice %sub3A {offsets = [0, 5376], sizes = [1024, 128], strides = [1, 1]} : vector<1024x8192xf32> to vector<1024x128xf32>
    %iota3A_215 = tpu.iota {dimensions = array<i32: 1>} : vector<1024x128xi32>
    %add3A_216 = arith.constant 4096 : i32
    %add3A_217 = vector.broadcast %add3A_216 : i32 to vector<1024x128xi32>
    %add3A_218 = arith.addi %iota3A_215, %add3A_217 : vector<1024x128xi32>
    %ge3A_219 = arith.constant 4104 : i32
    %ge3A_220 = vector.broadcast %ge3A_219 : i32 to vector<1024x128xi32>
    %ge3A_221 = arith.cmpi sge, %add3A_218, %ge3A_220 : vector<1024x128xi32>
    %lt3A_222 = arith.constant 4224 : i32
    %lt3A_223 = vector.broadcast %lt3A_222 : i32 to vector<1024x128xi32>
    %lt3A_224 = arith.cmpi slt, %add3A_218, %lt3A_223 : vector<1024x128xi32>
    %and3A_225 = arith.andi %ge3A_221, %lt3A_224 : vector<1024x128xi1>
    %jit3A_226 = arith.constant 0x7F800000 : f32
    %broadcast_in_dim3A_227 = vector.broadcast %jit3A_226 : f32 to vector<1024x128xf32>
    %select_n3A_228 = arith.select %and3A_225, %slice3A_212, %broadcast_in_dim3A_227 : vector<1024x128xi1>, vector<1024x128xf32>
    %iota3A_229 = tpu.iota {dimensions = array<i32: 1>} : vector<1024x128xi32>
    %add3A_230 = arith.constant 5376 : i32
    %add3A_231 = vector.broadcast %add3A_230 : i32 to vector<1024x128xi32>
    %add3A_232 = arith.addi %iota3A_229, %add3A_231 : vector<1024x128xi32>
    %ge3A_233 = arith.constant 5376 : i32
    %ge3A_234 = vector.broadcast %ge3A_233 : i32 to vector<1024x128xi32>
    %ge3A_235 = arith.cmpi sge, %add3A_232, %ge3A_234 : vector<1024x128xi32>
    %lt3A_236 = arith.constant 5472 : i32
    %lt3A_237 = vector.broadcast %lt3A_236 : i32 to vector<1024x128xi32>
    %lt3A_238 = arith.cmpi slt, %add3A_232, %lt3A_237 : vector<1024x128xi32>
    %and3A_239 = arith.andi %ge3A_235, %lt3A_238 : vector<1024x128xi1>
    %jit3A_240 = arith.constant 0x7F800000 : f32
    %broadcast_in_dim3A_241 = vector.broadcast %jit3A_240 : f32 to vector<1024x128xf32>
    %select_n3A_242 = arith.select %and3A_239, %slice3A_214, %broadcast_in_dim3A_241 : vector<1024x128xi1>, vector<1024x128xf32>
    %reduce_min3A_243 = arith.constant dense<0x7F800000> : vector<1024xf32>
    %reduce_min3A_244 = vector.multi_reduction <minimumf>, %select_n3A_228, %reduce_min3A_243 [1] : vector<1024x128xf32> to vector<1024xf32>
    %reduce_min3A_245 = arith.constant dense<0x7F800000> : vector<1024xf32>
    %reduce_min3A_246 = vector.multi_reduction <minimumf>, %slice3A_213, %reduce_min3A_245 [1] : vector<1024x1152xf32> to vector<1024xf32>
    %min3A_247 = arith.minimumf %reduce_min3A_244, %reduce_min3A_246 : vector<1024xf32>
    %reduce_min3A_248 = arith.constant dense<0x7F800000> : vector<1024xf32>
    %reduce_min3A_249 = vector.multi_reduction <minimumf>, %select_n3A_242, %reduce_min3A_248 [1] : vector<1024x128xf32> to vector<1024xf32>
    %min3A_250 = arith.minimumf %min3A_247, %reduce_min3A_249 : vector<1024xf32>
    %broadcast_in_dim3A_251 = vector.shape_cast %min3A_250 : vector<1024xf32> to vector<1024x1xf32>
    %iota3A_252 = tpu.iota {dimensions = array<i32: 1>} : vector<1024x128xi32>
    %add3A_253 = arith.constant 4096 : i32
    %add3A_254 = vector.broadcast %add3A_253 : i32 to vector<1024x128xi32>
    %add3A_255 = arith.addi %iota3A_252, %add3A_254 : vector<1024x128xi32>
    %eq3A_256 = vector.broadcast %broadcast_in_dim3A_251 : vector<1024x1xf32> to vector<1024x128xf32>
    %eq3A_257 = arith.cmpf oeq, %select_n3A_228, %eq3A_256 : vector<1024x128xf32>
    %jit3A_258 = arith.constant 8192 : i32
    %broadcast_in_dim3A_259 = vector.broadcast %jit3A_258 : i32 to vector<1024x128xi32>
    %select_n3A_260 = arith.select %eq3A_257, %add3A_255, %broadcast_in_dim3A_259 : vector<1024x128xi1>, vector<1024x128xi32>
    %reduce_min3A_261 = arith.constant dense<2147483647> : vector<1024xi32>
    %reduce_min3A_262 = vector.multi_reduction <minsi>, %select_n3A_260, %reduce_min3A_261 [1] : vector<1024x128xi32> to vector<1024xi32>
    %iota3A_263 = tpu.iota {dimensions = array<i32: 1>} : vector<1024x1152xi32>
    %add3A_264 = arith.constant 4224 : i32
    %add3A_265 = vector.broadcast %add3A_264 : i32 to vector<1024x1152xi32>
    %add3A_266 = arith.addi %iota3A_263, %add3A_265 : vector<1024x1152xi32>
    %eq3A_267 = vector.broadcast %broadcast_in_dim3A_251 : vector<1024x1xf32> to vector<1024x1152xf32>
    %eq3A_268 = arith.cmpf oeq, %slice3A_213, %eq3A_267 : vector<1024x1152xf32>
    %jit3A_269 = arith.constant 8192 : i32
    %broadcast_in_dim3A_270 = vector.broadcast %jit3A_269 : i32 to vector<1024x1152xi32>
    %select_n3A_271 = arith.select %eq3A_268, %add3A_266, %broadcast_in_dim3A_270 : vector<1024x1152xi1>, vector<1024x1152xi32>
    %reduce_min3A_272 = arith.constant dense<2147483647> : vector<1024xi32>
    %reduce_min3A_273 = vector.multi_reduction <minsi>, %select_n3A_271, %reduce_min3A_272 [1] : vector<1024x1152xi32> to vector<1024xi32>
    %min3A_274 = arith.minsi %reduce_min3A_262, %reduce_min3A_273 : vector<1024xi32>
    %iota3A_275 = tpu.iota {dimensions = array<i32: 1>} : vector<1024x128xi32>
    %add3A_276 = arith.constant 5376 : i32
    %add3A_277 = vector.broadcast %add3A_276 : i32 to vector<1024x128xi32>
    %add3A_278 = arith.addi %iota3A_275, %add3A_277 : vector<1024x128xi32>
    %eq3A_279 = vector.broadcast %broadcast_in_dim3A_251 : vector<1024x1xf32> to vector<1024x128xf32>
    %eq3A_280 = arith.cmpf oeq, %select_n3A_242, %eq3A_279 : vector<1024x128xf32>
    %jit3A_281 = arith.constant 8192 : i32
    %broadcast_in_dim3A_282 = vector.broadcast %jit3A_281 : i32 to vector<1024x128xi32>
    %select_n3A_283 = arith.select %eq3A_280, %add3A_278, %broadcast_in_dim3A_282 : vector<1024x128xi1>, vector<1024x128xi32>
    %reduce_min3A_284 = arith.constant dense<2147483647> : vector<1024xi32>
    %reduce_min3A_285 = vector.multi_reduction <minsi>, %select_n3A_283, %reduce_min3A_284 [1] : vector<1024x128xi32> to vector<1024xi32>
    %min3A_286 = arith.minsi %min3A_274, %reduce_min3A_285 : vector<1024xi32>
    %lt3A_287 = arith.cmpf olt, %min3A_250, %convert_element_type3A_210 : vector<1024xf32>
    %select_n3A_288 = arith.select %lt3A_287, %min3A_250, %convert_element_type3A_210 : vector<1024xi1>, vector<1024xf32>
    %convert_element_type3A_289 = arith.truncf %select_n3A_288 : vector<1024xf32> to vector<1024xbf16>
    %convert_element_type3A_290 = arith.extf %convert_element_type3A_289 : vector<1024xbf16> to vector<1024xf32>
    %select_n3A_291 = arith.select %lt3A_287, %min3A_286, %select_n3A_211 : vector<1024xi1>, vector<1024xi32>
    %slice3A_292 = vector.extract_strided_slice %sub3A {offsets = [0, 5376], sizes = [1024, 128], strides = [1, 1]} : vector<1024x8192xf32> to vector<1024x128xf32>
    %slice3A_293 = vector.extract_strided_slice %sub3A {offsets = [0, 5504], sizes = [1024, 1280], strides = [1, 1]} : vector<1024x8192xf32> to vector<1024x1280xf32>
    %slice3A_294 = vector.extract_strided_slice %sub3A {offsets = [0, 6784], sizes = [1024, 128], strides = [1, 1]} : vector<1024x8192xf32> to vector<1024x128xf32>
    %iota3A_295 = tpu.iota {dimensions = array<i32: 1>} : vector<1024x128xi32>
    %add3A_296 = arith.constant 5376 : i32
    %add3A_297 = vector.broadcast %add3A_296 : i32 to vector<1024x128xi32>
    %add3A_298 = arith.addi %iota3A_295, %add3A_297 : vector<1024x128xi32>
    %ge3A_299 = arith.constant 5472 : i32
    %ge3A_300 = vector.broadcast %ge3A_299 : i32 to vector<1024x128xi32>
    %ge3A_301 = arith.cmpi sge, %add3A_298, %ge3A_300 : vector<1024x128xi32>
    %lt3A_302 = arith.constant 5504 : i32
    %lt3A_303 = vector.broadcast %lt3A_302 : i32 to vector<1024x128xi32>
    %lt3A_304 = arith.cmpi slt, %add3A_298, %lt3A_303 : vector<1024x128xi32>
    %and3A_305 = arith.andi %ge3A_301, %lt3A_304 : vector<1024x128xi1>
    %jit3A_306 = arith.constant 0x7F800000 : f32
    %broadcast_in_dim3A_307 = vector.broadcast %jit3A_306 : f32 to vector<1024x128xf32>
    %select_n3A_308 = arith.select %and3A_305, %slice3A_292, %broadcast_in_dim3A_307 : vector<1024x128xi1>, vector<1024x128xf32>
    %iota3A_309 = tpu.iota {dimensions = array<i32: 1>} : vector<1024x128xi32>
    %add3A_310 = arith.constant 6784 : i32
    %add3A_311 = vector.broadcast %add3A_310 : i32 to vector<1024x128xi32>
    %add3A_312 = arith.addi %iota3A_309, %add3A_311 : vector<1024x128xi32>
    %ge3A_313 = arith.constant 6784 : i32
    %ge3A_314 = vector.broadcast %ge3A_313 : i32 to vector<1024x128xi32>
    %ge3A_315 = arith.cmpi sge, %add3A_312, %ge3A_314 : vector<1024x128xi32>
    %lt3A_316 = arith.constant 6840 : i32
    %lt3A_317 = vector.broadcast %lt3A_316 : i32 to vector<1024x128xi32>
    %lt3A_318 = arith.cmpi slt, %add3A_312, %lt3A_317 : vector<1024x128xi32>
    %and3A_319 = arith.andi %ge3A_315, %lt3A_318 : vector<1024x128xi1>
    %jit3A_320 = arith.constant 0x7F800000 : f32
    %broadcast_in_dim3A_321 = vector.broadcast %jit3A_320 : f32 to vector<1024x128xf32>
    %select_n3A_322 = arith.select %and3A_319, %slice3A_294, %broadcast_in_dim3A_321 : vector<1024x128xi1>, vector<1024x128xf32>
    %reduce_min3A_323 = arith.constant dense<0x7F800000> : vector<1024xf32>
    %reduce_min3A_324 = vector.multi_reduction <minimumf>, %select_n3A_308, %reduce_min3A_323 [1] : vector<1024x128xf32> to vector<1024xf32>
    %reduce_min3A_325 = arith.constant dense<0x7F800000> : vector<1024xf32>
    %reduce_min3A_326 = vector.multi_reduction <minimumf>, %slice3A_293, %reduce_min3A_325 [1] : vector<1024x1280xf32> to vector<1024xf32>
    %min3A_327 = arith.minimumf %reduce_min3A_324, %reduce_min3A_326 : vector<1024xf32>
    %reduce_min3A_328 = arith.constant dense<0x7F800000> : vector<1024xf32>
    %reduce_min3A_329 = vector.multi_reduction <minimumf>, %select_n3A_322, %reduce_min3A_328 [1] : vector<1024x128xf32> to vector<1024xf32>
    %min3A_330 = arith.minimumf %min3A_327, %reduce_min3A_329 : vector<1024xf32>
    %broadcast_in_dim3A_331 = vector.shape_cast %min3A_330 : vector<1024xf32> to vector<1024x1xf32>
    %iota3A_332 = tpu.iota {dimensions = array<i32: 1>} : vector<1024x128xi32>
    %add3A_333 = arith.constant 5376 : i32
    %add3A_334 = vector.broadcast %add3A_333 : i32 to vector<1024x128xi32>
    %add3A_335 = arith.addi %iota3A_332, %add3A_334 : vector<1024x128xi32>
    %eq3A_336 = vector.broadcast %broadcast_in_dim3A_331 : vector<1024x1xf32> to vector<1024x128xf32>
    %eq3A_337 = arith.cmpf oeq, %select_n3A_308, %eq3A_336 : vector<1024x128xf32>
    %jit3A_338 = arith.constant 8192 : i32
    %broadcast_in_dim3A_339 = vector.broadcast %jit3A_338 : i32 to vector<1024x128xi32>
    %select_n3A_340 = arith.select %eq3A_337, %add3A_335, %broadcast_in_dim3A_339 : vector<1024x128xi1>, vector<1024x128xi32>
    %reduce_min3A_341 = arith.constant dense<2147483647> : vector<1024xi32>
    %reduce_min3A_342 = vector.multi_reduction <minsi>, %select_n3A_340, %reduce_min3A_341 [1] : vector<1024x128xi32> to vector<1024xi32>
    %iota3A_343 = tpu.iota {dimensions = array<i32: 1>} : vector<1024x1280xi32>
    %add3A_344 = arith.constant 5504 : i32
    %add3A_345 = vector.broadcast %add3A_344 : i32 to vector<1024x1280xi32>
    %add3A_346 = arith.addi %iota3A_343, %add3A_345 : vector<1024x1280xi32>
    %eq3A_347 = vector.broadcast %broadcast_in_dim3A_331 : vector<1024x1xf32> to vector<1024x1280xf32>
    %eq3A_348 = arith.cmpf oeq, %slice3A_293, %eq3A_347 : vector<1024x1280xf32>
    %jit3A_349 = arith.constant 8192 : i32
    %broadcast_in_dim3A_350 = vector.broadcast %jit3A_349 : i32 to vector<1024x1280xi32>
    %select_n3A_351 = arith.select %eq3A_348, %add3A_346, %broadcast_in_dim3A_350 : vector<1024x1280xi1>, vector<1024x1280xi32>
    %reduce_min3A_352 = arith.constant dense<2147483647> : vector<1024xi32>
    %reduce_min3A_353 = vector.multi_reduction <minsi>, %select_n3A_351, %reduce_min3A_352 [1] : vector<1024x1280xi32> to vector<1024xi32>
    %min3A_354 = arith.minsi %reduce_min3A_342, %reduce_min3A_353 : vector<1024xi32>
    %iota3A_355 = tpu.iota {dimensions = array<i32: 1>} : vector<1024x128xi32>
    %add3A_356 = arith.constant 6784 : i32
    %add3A_357 = vector.broadcast %add3A_356 : i32 to vector<1024x128xi32>
    %add3A_358 = arith.addi %iota3A_355, %add3A_357 : vector<1024x128xi32>
    %eq3A_359 = vector.broadcast %broadcast_in_dim3A_331 : vector<1024x1xf32> to vector<1024x128xf32>
    %eq3A_360 = arith.cmpf oeq, %select_n3A_322, %eq3A_359 : vector<1024x128xf32>
    %jit3A_361 = arith.constant 8192 : i32
    %broadcast_in_dim3A_362 = vector.broadcast %jit3A_361 : i32 to vector<1024x128xi32>
    %select_n3A_363 = arith.select %eq3A_360, %add3A_358, %broadcast_in_dim3A_362 : vector<1024x128xi1>, vector<1024x128xi32>
    %reduce_min3A_364 = arith.constant dense<2147483647> : vector<1024xi32>
    %reduce_min3A_365 = vector.multi_reduction <minsi>, %select_n3A_363, %reduce_min3A_364 [1] : vector<1024x128xi32> to vector<1024xi32>
    %min3A_366 = arith.minsi %min3A_354, %reduce_min3A_365 : vector<1024xi32>
    %lt3A_367 = arith.cmpf olt, %min3A_330, %convert_element_type3A_290 : vector<1024xf32>
    %select_n3A_368 = arith.select %lt3A_367, %min3A_330, %convert_element_type3A_290 : vector<1024xi1>, vector<1024xf32>
    %convert_element_type3A_369 = arith.truncf %select_n3A_368 : vector<1024xf32> to vector<1024xbf16>
    %convert_element_type3A_370 = arith.extf %convert_element_type3A_369 : vector<1024xbf16> to vector<1024xf32>
    %select_n3A_371 = arith.select %lt3A_367, %min3A_366, %select_n3A_291 : vector<1024xi1>, vector<1024xi32>
    %slice3A_372 = vector.extract_strided_slice %sub3A {offsets = [0, 6784], sizes = [1024, 128], strides = [1, 1]} : vector<1024x8192xf32> to vector<1024x128xf32>
    %slice3A_373 = vector.extract_strided_slice %sub3A {offsets = [0, 6912], sizes = [1024, 1280], strides = [1, 1]} : vector<1024x8192xf32> to vector<1024x1280xf32>
    %iota3A_374 = tpu.iota {dimensions = array<i32: 1>} : vector<1024x128xi32>
    %add3A_375 = arith.constant 6784 : i32
    %add3A_376 = vector.broadcast %add3A_375 : i32 to vector<1024x128xi32>
    %add3A_377 = arith.addi %iota3A_374, %add3A_376 : vector<1024x128xi32>
    %ge3A_378 = arith.constant 6840 : i32
    %ge3A_379 = vector.broadcast %ge3A_378 : i32 to vector<1024x128xi32>
    %ge3A_380 = arith.cmpi sge, %add3A_377, %ge3A_379 : vector<1024x128xi32>
    %lt3A_381 = arith.constant 6912 : i32
    %lt3A_382 = vector.broadcast %lt3A_381 : i32 to vector<1024x128xi32>
    %lt3A_383 = arith.cmpi slt, %add3A_377, %lt3A_382 : vector<1024x128xi32>
    %and3A_384 = arith.andi %ge3A_380, %lt3A_383 : vector<1024x128xi1>
    %jit3A_385 = arith.constant 0x7F800000 : f32
    %broadcast_in_dim3A_386 = vector.broadcast %jit3A_385 : f32 to vector<1024x128xf32>
    %select_n3A_387 = arith.select %and3A_384, %slice3A_372, %broadcast_in_dim3A_386 : vector<1024x128xi1>, vector<1024x128xf32>
    %reduce_min3A_388 = arith.constant dense<0x7F800000> : vector<1024xf32>
    %reduce_min3A_389 = vector.multi_reduction <minimumf>, %select_n3A_387, %reduce_min3A_388 [1] : vector<1024x128xf32> to vector<1024xf32>
    %reduce_min3A_390 = arith.constant dense<0x7F800000> : vector<1024xf32>
    %reduce_min3A_391 = vector.multi_reduction <minimumf>, %slice3A_373, %reduce_min3A_390 [1] : vector<1024x1280xf32> to vector<1024xf32>
    %min3A_392 = arith.minimumf %reduce_min3A_389, %reduce_min3A_391 : vector<1024xf32>
    %broadcast_in_dim3A_393 = vector.shape_cast %min3A_392 : vector<1024xf32> to vector<1024x1xf32>
    %iota3A_394 = tpu.iota {dimensions = array<i32: 1>} : vector<1024x128xi32>
    %add3A_395 = arith.constant 6784 : i32
    %add3A_396 = vector.broadcast %add3A_395 : i32 to vector<1024x128xi32>
    %add3A_397 = arith.addi %iota3A_394, %add3A_396 : vector<1024x128xi32>
    %eq3A_398 = vector.broadcast %broadcast_in_dim3A_393 : vector<1024x1xf32> to vector<1024x128xf32>
    %eq3A_399 = arith.cmpf oeq, %select_n3A_387, %eq3A_398 : vector<1024x128xf32>
    %jit3A_400 = arith.constant 8192 : i32
    %broadcast_in_dim3A_401 = vector.broadcast %jit3A_400 : i32 to vector<1024x128xi32>
    %select_n3A_402 = arith.select %eq3A_399, %add3A_397, %broadcast_in_dim3A_401 : vector<1024x128xi1>, vector<1024x128xi32>
    %reduce_min3A_403 = arith.constant dense<2147483647> : vector<1024xi32>
    %reduce_min3A_404 = vector.multi_reduction <minsi>, %select_n3A_402, %reduce_min3A_403 [1] : vector<1024x128xi32> to vector<1024xi32>
    %iota3A_405 = tpu.iota {dimensions = array<i32: 1>} : vector<1024x1280xi32>
    %add3A_406 = arith.constant 6912 : i32
    %add3A_407 = vector.broadcast %add3A_406 : i32 to vector<1024x1280xi32>
    %add3A_408 = arith.addi %iota3A_405, %add3A_407 : vector<1024x1280xi32>
    %eq3A_409 = vector.broadcast %broadcast_in_dim3A_393 : vector<1024x1xf32> to vector<1024x1280xf32>
    %eq3A_410 = arith.cmpf oeq, %slice3A_373, %eq3A_409 : vector<1024x1280xf32>
    %jit3A_411 = arith.constant 8192 : i32
    %broadcast_in_dim3A_412 = vector.broadcast %jit3A_411 : i32 to vector<1024x1280xi32>
    %select_n3A_413 = arith.select %eq3A_410, %add3A_408, %broadcast_in_dim3A_412 : vector<1024x1280xi1>, vector<1024x1280xi32>
    %reduce_min3A_414 = arith.constant dense<2147483647> : vector<1024xi32>
    %reduce_min3A_415 = vector.multi_reduction <minsi>, %select_n3A_413, %reduce_min3A_414 [1] : vector<1024x1280xi32> to vector<1024xi32>
    %min3A_416 = arith.minsi %reduce_min3A_404, %reduce_min3A_415 : vector<1024xi32>
    %lt3A_417 = arith.cmpf olt, %min3A_392, %convert_element_type3A_370 : vector<1024xf32>
    %select_n3A_418 = arith.select %lt3A_417, %min3A_416, %select_n3A_371 : vector<1024xi1>, vector<1024xi32>
    %swap3A = arith.constant 0 : index
    %swap3A_419 = vector.load %arg5[%swap3A] : memref<1024xi32, #tpu.memory_space<vmem>>, vector<1024xi32>
    tpu.vector_store %arg5[%swap3A], %select_n3A_418 {strides = array<i32>} : memref<1024xi32, #tpu.memory_space<vmem>>, vector<1024xi32>,
    return
  }
  func.func @transform_0(%arg0: i32) -> (i32, i32) {
    %c0_i32 = arith.constant 0 : i32
    %c0_i32_0 = arith.constant 0 : i32
    return %arg0, %c0_i32 : i32, i32
  }
  func.func @transform_1(%arg0: i32) -> (i32, i32) {
    %c0_i32 = arith.constant 0 : i32
    %c0_i32_0 = arith.constant 0 : i32
    return %arg0, %c0_i32 : i32, i32
  }
  func.func @transform_2(%arg0: i32) -> (i32, i32) {
    %c0_i32 = arith.constant 0 : i32
    %c0_i32_0 = arith.constant 0 : i32
    %c0_i32_1 = arith.constant 0 : i32
    return %c0_i32, %c0_i32_0 : i32, i32
  }
  func.func @transform_3(%arg0: i32) -> (i32, i32) {
    %c0_i32 = arith.constant 0 : i32
    %c0_i32_0 = arith.constant 0 : i32
    %c0_i32_1 = arith.constant 0 : i32
    return %c0_i32, %c0_i32_0 : i32, i32
  }
  func.func @transform_4(%arg0: i32) -> i32 {
    %c0_i32 = arith.constant 0 : i32
    return %arg0 : i32
  }
}

module attributes {stable_mosaic.version = 14 : i64} {
  func.func @_final_body(%arg0: i32, %arg1: memref<1024x256xf32, #tpu.memory_space<vmem>>, %arg2: memref<1024x256xf32, #tpu.memory_space<vmem>>, %arg3: memref<1024x256xf32, #tpu.memory_space<vmem>>, %arg4: memref<1024x256xf32, #tpu.memory_space<vmem>>, %arg5: memref<1x1x128xf32, #tpu.memory_space<vmem>>) attributes {dimension_semantics = [#tpu.dimension_semantics<arbitrary>], iteration_bounds = array<i64: 18>, scalar_prefetch = 0 : i64, scratch_operands = 0 : i64, tpu.core_type = #tpu.core_type<tc>, window_params = [{transform_indices = @transform_0, window_bounds = array<i64: 1024, 256>}, {transform_indices = @transform_1, window_bounds = array<i64: 1024, 256>}, {transform_indices = @transform_2, window_bounds = array<i64: 1024, 256>}, {transform_indices = @transform_3, window_bounds = array<i64: 1024, 256>}, {transform_indices = @transform_4, window_bounds = array<i64: 1, 1, 128>}]} {
    %get3A = arith.constant 0 : index
    %get3A_0 = arith.constant 0 : index
    %get3A_1 = vector.load %arg2[%get3A, %get3A_0] : memref<1024x256xf32, #tpu.memory_space<vmem>>, vector<1024x256xf32>
    %get3A_2 = arith.constant 0 : index
    %get3A_3 = arith.constant 0 : index
    %get3A_4 = vector.load %arg3[%get3A_2, %get3A_3] : memref<1024x256xf32, #tpu.memory_space<vmem>>, vector<1024x256xf32>
    %sub3A = arith.subf %get3A_1, %get3A_4 : vector<1024x256xf32>
    %get3A_5 = arith.constant 0 : index
    %get3A_6 = arith.constant 0 : index
    %get3A_7 = vector.load %arg1[%get3A_5, %get3A_6] : memref<1024x256xf32, #tpu.memory_space<vmem>>, vector<1024x256xf32>
    %sub3A_8 = arith.subf %get3A_7, %sub3A : vector<1024x256xf32>
    %swap3A = arith.constant 0 : index
    %swap3A_9 = arith.constant 0 : index
    %swap3A_10 = vector.load %arg4[%swap3A, %swap3A_9] : memref<1024x256xf32, #tpu.memory_space<vmem>>, vector<1024x256xf32>
    tpu.vector_store %arg4[%swap3A, %swap3A_9], %sub3A_8 {strides = array<i32>} : memref<1024x256xf32, #tpu.memory_space<vmem>>, vector<1024x256xf32>,
    %mul3A = arith.mulf %sub3A, %sub3A : vector<1024x256xf32>
    %reduce_sum3A = vector.shape_cast %mul3A : vector<1024x256xf32> to vector<1x1024x256xf32>
    %reduce_sum3A_11 = arith.constant dense<0.000000e+00> : vector<1xf32>
    %reduce_sum3A_12 = vector.multi_reduction <add>, %reduce_sum3A, %reduce_sum3A_11 [1, 2] : vector<1x1024x256xf32> to vector<1xf32>
    %reduce_sum3A_13 = vector.shape_cast %reduce_sum3A_12 : vector<1xf32> to vector<1x1x1xf32>
    %reduce_sum3A_14 = vector.extract %reduce_sum3A_13[0, 0, 0] : f32 from vector<1x1x1xf32>
    %broadcast_in_dim3A = vector.broadcast %reduce_sum3A_14 : f32 to vector<1x1x128xf32>
    %swap3A_15 = arith.constant 0 : index
    %swap3A_16 = arith.constant 0 : index
    %swap3A_17 = arith.constant 0 : index
    %swap3A_18 = vector.load %arg5[%swap3A_15, %swap3A_16, %swap3A_17] : memref<1x1x128xf32, #tpu.memory_space<vmem>>, vector<1x1x128xf32>
    tpu.vector_store %arg5[%swap3A_15, %swap3A_16, %swap3A_17], %broadcast_in_dim3A {strides = array<i32>} : memref<1x1x128xf32, #tpu.memory_space<vmem>>, vector<1x1x128xf32>,
    return
  }
  func.func @transform_0(%arg0: i32) -> (i32, i32) {
    %c0_i32 = arith.constant 0 : i32
    %c0_i32_0 = arith.constant 0 : i32
    return %arg0, %c0_i32 : i32, i32
  }
  func.func @transform_1(%arg0: i32) -> (i32, i32) {
    %c0_i32 = arith.constant 0 : i32
    %c0_i32_0 = arith.constant 0 : i32
    return %arg0, %c0_i32 : i32, i32
  }
  func.func @transform_2(%arg0: i32) -> (i32, i32) {
    %c0_i32 = arith.constant 0 : i32
    %c0_i32_0 = arith.constant 0 : i32
    return %arg0, %c0_i32 : i32, i32
  }
  func.func @transform_3(%arg0: i32) -> (i32, i32) {
    %c0_i32 = arith.constant 0 : i32
    %c0_i32_0 = arith.constant 0 : i32
    return %arg0, %c0_i32 : i32, i32
  }
  func.func @transform_4(%arg0: i32) -> (i32, i32, i32) {
    %c0_i32 = arith.constant 0 : i32
    %c0_i32_0 = arith.constant 0 : i32
    %c0_i32_1 = arith.constant 0 : i32
    return %arg0, %c0_i32, %c0_i32_0 : i32, i32, i32
  }
}

</mosaic_0001>

<sc_bundles>
// kernel: kernel.14.cloned.1.call-start
scs
__scs_entry_jumppad:
0x0: {  	(pc) =	sbr.rel $0x88, $3  }
0x1: {  	(tag) =	ssettag $0x0;
	lr =	simm.s32 $0x1  }
0x2: {  	[smem:$0x3F9F] =	sst lr;
	_ =	strace $0xD0000000  }
0x3: {  	_ = 	snop  }
0x4: {  	_ = 	snop  }
0x5: {  	_ = 	snop  }
0x6: {  	_ = 	snop  }
0x7: {  	_ = 	snop  }
__scs_overlays_trampoline_lowered:
0x8: {  	[smem:$0x3FAE] =	sst s0  }
0x9: {  	[smem:$0x3FAF] =	sst s1  }
0xa: {  	[smem:$0x3FB0] =	sst s2  }
0xb: {  	[smem:$0x3FB1] =	sst s3  }
0xc: {  	[smem:$0x3FB2] =	sst s4  }
0xd: {  	[smem:$0x3FB3] =	sst s5  }
0xe: {  	[smem:$0x3FB4] =	sst s6  }
0xf: {  	[smem:$0x3FB5] =	sst s7  }
0x10: {  	[smem:$0x3FB6] =	sst s8  }
0x11: {  	[smem:$0x3FB7] =	sst s9;
	s0 =	simm.s32 @!p0 $0x0  }
0x12: {  	s1 =	sld [smem:$0x3F9D];
	s0 =	simm.s32 @p0 $0x1  }
0x13: {  	[smem:$0x3FB8] =	sst s0;
	s0 =	simm.s32 @!p1 $0x0  }
0x14: {  	s2 =	sld [smem:$0x3F9C];
	s0 =	simm.s32 @p1 $0x1  }
0x15: {  	[smem:$0x3FB9] =	sst s0;
	s0 =	simm.s32 @!p2 $0x0  }
0x16: {  	s3 =	sld [smem:$0x3FDB];
	s0 =	simm.s32 @p2 $0x1  }
0x17: {  	s4 =	simm.s32 $0x1BF5;
	[smem:$0x3FBB] =	sst s0  }
0x18: {  	s0 =	sld [smem:$0x3F9E];
	_ =	swait.ge [sflag:s4], $0x0  }
0x19: {  	s7 =	sld [smem:$0x3F9F]  }
0x1a: {  	s8 =	sadd.s32 $0xFFFFE003, lr  }
0x1b: {  	s9 =	sadd.s32 $0xFFFFFEF7, lr;
	s5 =	simm.s32 $0xFFFFFFFF;
	p2 =	slt.u32 s8, $0xFFFFF086  }
0x1c: {  	p1 =	slt.u32 s9, $0xF7A;
	s5 =	simm.s32 @!p2 $0x0  }
0x1d: {  	s5 =	simm.s32 @p1 $0x1;
	p0 =	seq.s32 s7, s2  }
0x1e: {  	s7 =	smul.u32 @!p0 $0xF7A, s2;
	p2 =	seq.s32 @!p0 s5, $0x0  }
0x1f: {  	s9 =	smul.u32 $0xF7A, s1;
	s8 =	simm.s32 @!p0 $0x1BF5;
	p2 =	por !p2, p0  }
0x20: {  	[sflag:s8] =	ssyncset.s32 @!p0 $0xFFFFF086;
	s6 =	sadd.s32 @!p0 s3, s7;
	s7 =	simm.s32 @!p0 $0x108  }
0x21: {  	s3 =	sadd.s32 s3, s9;
	s6 =	sadd.s32 @!p0 $0x88, s6;
	s7 =	simm.s32 @p2 $0x1082  }
0x22: {  	[simem:s7], [sflag:s8] =	dma.local @!p0 [hbm:s6], $0xF7A  }
0x23: {  	s9 =	sor.u32 $0xD0000000, s2;
	s6 =	simm.s32 $0x108;
	_ =	swait.ge @!p0 [sflag:s8], $0x0  }
0x24: {  	s3 =	sadd.s32 $0x88, s3;
	s6 =	simm.s32 @!p1 $0x1082;
	[sflag:s4] =	ssyncset.s32 $0xFFFFF086  }
0x25: {  	[simem:s6], [sflag:s4] =	dma.local [hbm:s3], $0xF7A  }
0x26: {  	[smem:$0x3F9F] =	sst s1;
	(tag) =	ssettag s2;
	_ =	strace s9  }
0x27: {  	s1 =	sld [smem:$0x3FAF]  }
0x28: {  	s2 =	sld [smem:$0x3FB0]  }
0x29: {  	s4 =	sld [smem:$0x3FB2]  }
0x2a: {  	p0 =	seq.s32 s5, $0x0;
	s5 =	sld [smem:$0x3FB3]  }
0x2b: {  	s6 =	sld [smem:$0x3FB4]  }
0x2c: {  	s7 =	sld [smem:$0x3FB5]  }
0x2d: {  	s3 =	simm.s32 $0x108;
	s8 =	sld [smem:$0x3FB6]  }
0x2e: {  	s3 =	simm.s32 @!p0 $0x1082;
	s9 =	sld [smem:$0x3FB7]  }
0x2f: {  	lr =	sadd.s32 s0, s3;
	s0 =	sld [smem:$0x3FAE]  }
0x30: {  	s3 =	sld [smem:$0x3FB1]  }
0x31: {  	[smem:$0x3FBA] =	sst s10  }
0x32: {  	s10 =	sld [smem:$0x3FB8];
	_ =	sdelay $0x3  }
0x33: {  	p0 =	seq.s32 s10, $0x1;
	s10 =	sld [smem:$0x3FBA];
	_ =	sdelay $0x3  }
0x34: {  	[smem:$0x3FBA] =	sst s10  }
0x35: {  	s10 =	sld [smem:$0x3FB9];
	_ =	sdelay $0x3  }
0x36: {  	p1 =	seq.s32 s10, $0x1;
	s10 =	sld [smem:$0x3FBA];
	_ =	sdelay $0x3  }
0x37: {  	[smem:$0x3FBA] =	sst s10  }
0x38: {  	s10 =	sld [smem:$0x3FBB]  }
0x39: {  	_ = 	snop;
	(pc) =	sbr.ind lr, $3  }
0x3a: {  	_ = 	snop  }
0x3b: {  	_ = 	snop  }
0x3c: {  	p2 =	seq.s32 s10, $0x1;
	s10 =	sld [smem:$0x3FBA]  }
0x3d: {  	_ =	shalt  }
0x3e: {  	_ =	shalt  }
0x3f: {  	_ =	shalt  }
0x40: {  	_ =	shalt  }
0x41: {  	_ =	shalt  }
0x42: {  	_ =	shalt  }
0x43: {  	_ =	shalt  }
0x44: {  	_ =	shalt  }
0x45: {  	_ =	shalt  }
0x46: {  	_ =	shalt  }
0x47: {  	_ =	shalt  }
0x48: {  	_ =	shalt  }
0x49: {  	_ =	shalt  }
0x4a: {  	_ =	shalt  }
0x4b: {  	_ =	shalt  }
0x4c: {  	_ =	shalt  }
0x4d: {  	_ =	shalt  }
0x4e: {  	_ =	shalt  }
0x4f: {  	_ =	shalt  }
0x50: {  	_ =	shalt  }
0x51: {  	_ =	shalt  }
0x52: {  	_ =	shalt  }
0x53: {  	_ =	shalt  }
0x54: {  	_ =	shalt  }
0x55: {  	_ =	shalt  }
0x56: {  	_ =	shalt  }
0x57: {  	_ =	shalt  }
0x58: {  	_ =	shalt  }
0x59: {  	_ =	shalt  }
0x5a: {  	_ =	shalt  }
0x5b: {  	_ =	shalt  }
0x5c: {  	_ =	shalt  }
0x5d: {  	_ =	shalt  }
0x5e: {  	_ =	shalt  }
0x5f: {  	_ =	shalt  }
0x60: {  	_ =	shalt  }
0x61: {  	_ =	shalt  }
0x62: {  	_ =	shalt  }
0x63: {  	_ =	shalt  }
0x64: {  	_ =	shalt  }
0x65: {  	_ =	shalt  }
0x66: {  	_ =	shalt  }
0x67: {  	_ =	shalt  }
0x68: {  	_ =	shalt  }
0x69: {  	_ =	shalt  }
0x6a: {  	_ =	shalt  }
0x6b: {  	_ =	shalt  }
0x6c: {  	_ =	shalt  }
0x6d: {  	_ =	shalt  }
0x6e: {  	_ =	shalt  }
0x6f: {  	_ =	shalt  }
0x70: {  	_ =	shalt  }
0x71: {  	_ =	shalt  }
0x72: {  	_ =	shalt  }
0x73: {  	_ =	shalt  }
0x74: {  	_ =	shalt  }
0x75: {  	_ =	shalt  }
0x76: {  	_ =	shalt  }
0x77: {  	_ =	shalt  }
0x78: {  	_ =	shalt  }
0x79: {  	_ =	shalt  }
0x7a: {  	_ =	shalt  }
0x7b: {  	_ =	shalt  }
0x7c: {  	_ =	shalt  }
0x7d: {  	_ =	shalt  }
0x7e: {  	_ =	shalt  }
0x7f: {  	_ =	shalt  }
0x80: {  	_ =	shalt  }
0x81: {  	_ =	shalt  }
0x82: {  	_ =	shalt  }
0x83: {  	_ =	shalt  }
0x84: {  	_ =	shalt  }
0x85: {  	_ =	shalt  }
0x86: {  	_ =	shalt  }
0x87: {  	_ =	shalt  }
.Lfunc_end0:
.L_simem_size_0:
called_computation_lowered:
.L_overlay_start_0:
0x88: {  	s2 =	sld [smem:$0x3FD9]  }
0x89: {  	s3 =	sld [smem:$0x3FFE];
	_ =	sdelay $0x1  }
0x8a: {  	s1 =	srdreg.scid  }
0x8b: {  	s0 =	sand.u32 $0x1, s1  }
0x8c: {  	s14 =	sshll.u32 s0, $0xA;
	s2 =	sadd.s32 s3, s2  }
0x8d: {  	s2 =	sadd.s32 s2, s14  }
0x8e: {  	[smem:$0x3FC6] =	sst s2  }
0x8f: {  	_ = 	snop  }
0x90: {  	s2 =	sld [smem:$0x3FD0];
	_ =	sdelay $0x2  }
0x91: {  	s15 =	simm.s32 $0xA;
	s4 =	simm.s32 $0x10  }
0x92: {  	[smem:s4], [sflag:s15] =	dma.local [hbm:s2], $0x1  }
0x93: {  	_ =	swait.eq [sflag:s15], $0x1  }
0x94: {  	[sflag:s15] =	ssyncset.done $0x0  }
0x95: {  	s16 =	sld [smem:$0x10];
	[sflag:s15] =	ssyncadd.s32 $0xFFFFFFFF  }
0x96: {  	s17 =	sld [smem:$0x12];
	(tm) =	ssettm $0x1  }
0x97: {  	s18 =	sld [smem:$0x3FFB];
	_ =	sdelay $0x3  }
0x98: {  	_ =	strace s18  }
0x99: {  	s4 =	sld [smem:$0x3FFC];
	_ =	sdelay $0x3  }
0x9a: {  	_ =	strace s4  }
0x9b: {  	s4 =	sld [smem:$0x3FFD];
	_ =	sdelay $0x3  }
0x9c: {  	_ =	strace s4  }
0x9d: {  	_ =	strace $0x8FFFFFFF  }
0x9e: {  	s19 =	sld [smem:$0x3FDB];
	_ =	sdelay $0x1  }
0x9f: {  	s5 =	simm.s32 $_scs_section_size  }
0xa0: {  	s6 =	simm.s32 $_size__tile_overlayer_lowered;
	s7 =	simm.s32 $_tile_overlayer_lowered  }
0xa1: {  	s22 =	simm.s32 $0x1BFF;
	s21 =	sshll.u32 s7, $0x1;
	s4 =	sadd.s32 s5, s19  }
0xa2: {  	s8 =	simm.s32 $0x0;
	s20 =	sshll.u32 s6, $0x1;
	s6 =	sadd.s32 s21, s4  }
0xa3: {  	[timem:s8], [sflag:s22] =	dma.local [hbm:s6], s20  }
0xa4: {  	_ =	swait.ge [sflag:s22], s20  }
0xa5: {  	s5 =	ssub.s32 $0x0, s20;
	[sflag:s22] =	ssyncset.done $0x0  }
0xa6: {  	[sflag:s22] =	ssyncadd.s32 s5;
	_ =	sdelay $0x1  }
0xa7: {  	s23 =	simm.s32 $0x1B8B  }
0xa8: {  	_ =	swait.ge [sflag:s23], $0x1  }
0xa9: {  	[sflag:s23] =	ssyncset.done $0x0  }
0xaa: {  	s25 =	simm.s32 $0x1B8E;
	s24 =	sld [smem:$0x3FFE];
	[sflag:s23] =	ssyncadd.s32 $0xFFFFFFFF  }
0xab: {  	s26 =	simm.s32 $execute0_lowered;
	[smem:$0x3FD2] =	sst s25  }
0xac: {  	s6 =	sshll.u32 s26, $0x1;
	_ =	strace $0x80000046;
	[dreg:$0x1] =	wrdreg $0xFFFFFFFF  }
0xad: {  	s28 =	simm.s32 $_size_execute0_lowered;
	s4 =	sadd.s32 s4, s6;
	[dreg:$0x0] =	wrdreg $0x0  }
0xae: {  	s6 =	sshll.u32 s28, $0x1;
	[dreg:$0x2] =	wrdreg s4  }
0xaf: {  	[dreg:$0x3] =	wrdreg s6  }
0xb0: {  	[dreg:$0x4] =	wrdreg $0xC0  }
0xb1: {  	_ =	task [dreg:s8], $0x5FFFF  }
0xb2: {  	[dreg:$0x1] =	wrdreg $0xFFFFFFFF  }
0xb3: {  	[dreg:$0x0] =	wrdreg $0x60  }
0xb4: {  	[dreg:$0x2] =	wrdreg s24  }
0xb5: {  	[dreg:$0x3] =	wrdreg s17  }
0xb6: {  	[dreg:$0x4] =	wrdreg s16  }
0xb7: {  	[dreg:$0x5] =	wrdreg $0x9  }
0xb8: {  	_ =	task.clear_ibuf [dreg:s8], $0x6FFFF;
	_ =	strace $0x90000046  }
0xb9: {  	s29 =	simm.s32 $0x9;
	_ =	strace $0x80000048  }
0xba: {  	_ =	swait.ge [sflag:s29], $0x1  }
0xbb: {  	[sflag:s29] =	ssyncadd.s32 $0xFFFFFFFF  }
0xbc: {  	_ =	strace $0x90000048  }
0xbd: {  	_ =	sfence  }
0xbe: {  	s30 =	sld [smem:$0x0];
	_ =	sdelay $0x2  }
0xbf: {  	s31 =	sshll.u32 s1, $0xD;
	s1 =	sshrl.u32 s1, $0x2  }
0xc0: {  	s3 =	sand.u32 $0x4000, s31;
	s1 =	sadd.s32 s1, s30  }
0xc1: {  	s0 =	sor.u32 s3, s0;
	s1 =	sshll.u32 s1, $0x11  }
0xc2: {  	s0 =	sor.u32 s1, s0  }
0xc3: {  	s0 =	sadd.s32 $0x8F2B, s0  }
0xc4: {  	[sflag:s0] =	ssyncadd.remote.s32 $0x1  }
0xc5: {  	_ =	sfence.sel $0xFFFF  }
0xc6: {  	[dreg:$0x0] =	wrdreg $0xFFFFFFFF;
	(pc) =	sbr.abs _section_cstart, $3  }
0xc7: {  	[dreg:$0x1] =	wrdreg $0xFFFFFFFF  }
0xc8: {  	_ =	task.clear_ibuf [dreg:s8], $0x2FFFF;
	_ =	strace $0x9FFFFFFF  }
0xc9: {  	(tm) =	ssettm $0x7FFFFFFF  }
tec
execute0_lowered:
.L_overlay_start_1:
0x0: {  	(tag) =	ssettag $0x1  }
0x1: {  	s3 =	rddreg [dreg:$0x0]  }
0x2: {  	s1 =	srdreg.scid;
	s4 =	rddreg [dreg:$0x1]  }
0x3: {  	s0 =	stileid.u32;
	s6 =	rddreg [dreg:$0x2]  }
0x4: {  	s9 =	simm.s32 $0x1A80;
	s10 =	simm.s32 $0x2280;
	s11 =	simm.s32 $0x2A80  }
0x5: {  	s12 =	simm.s32 $0x3280;
	s13 =	simm.s32 $0x3A80;
	s14 =	simm.s32 $0x4280  }
0x6: {  	s15 =	simm.s32 $0x4A80;
	s16 =	simm.s32 $0x5280;
	s17 =	simm.s32 $0x5A80  }
0x7: {  	s28 =	simm.s32 $0xAA80;
	s1 =	sand.u32 $0x1, s1;
	s2 =	sshll.u32 s0, $0x1  }
0x8: {  	s29 =	simm.s32 $0xB280;
	s30 =	simm.s32 $0xBA80;
	s5 =	sor.u32 s1, s2  }
0x9: {  	s31 =	simm.s32 $0x1;
	s3 =	sadd.s32 $0x2800, s3;
	s7 =	smul.u32 $0x48, s5  }
0xa: {  	s2 =	simm.s32 $0x0;
	s1 =	ssub.s32 $0x2, s1;
	s8 =	smul.u32 $0x24000, s5  }
0xb: {  	[smem:$0x7FF] =	sst s2;
	s5 =	smul.u32 $0x4800, s5;
	s24 =	sshrl.u32 s1, $0x1  }
0xc: {  	_ =	strace $0x80000047;
	s1 =	ssub.s32 s1, s24;
	s24 =	simm.s32 $0x9280  }
0xd: {  	s4 =	sadd.s32 s4, s7;
	s18 =	sshrl.u32 s8, $0x3;
	s19 =	sadd.s32 s6, s5  }
0xe: {  	s5 =	simm.s32 $0x3;
	s7 =	simm.s32 $0xA80;
	[dreg:$0x4] =	wrdreg s4  }
0xf: {  	s8 =	simm.s32 $0x1280;
	s20 =	sadd.s32 s6, s18;
	[dreg:$0x5] =	wrdreg s19  }
0x10: {  	s4 =	smax.u32 s1, $0x1;
	s6 =	simm.s32 $0x280;
	s21 =	sadd.s32 $0xC00, s20  }
0x11: {  	s18 =	simm.s32 $0x6280;
	s22 =	sadd.s32 $0x1800, s20;
	[dreg:$0x6] =	wrdreg s21  }
0x12: {  	s19 =	simm.s32 $0x6A80;
	s23 =	sadd.s32 $0x2400, s20;
	[dreg:$0x7] =	wrdreg s22  }
0x13: {  	s1 =	simm.s32 $0x2;
	s25 =	sadd.s32 $0x3000, s20;
	[dreg:$0x8] =	wrdreg s23  }
0x14: {  	v2 =	vlaneseq.u32;
	s26 =	sadd.s32 $0x3C00, s20;
	s20 =	simm.s32 $0x7280;
	[dreg:$0x9] =	wrdreg s25  }
0x15: {  	vm0 =	vmmov $0xffff;
	v1 =	vshrl.u32 v2, $0x3;
	[dreg:$0xa] =	wrdreg s26;
	s21 =	simm.s32 $0x7A80;
	s22 =	simm.s32 $0x8280  }
0x16: {  	v0 =	vand.u32 $0x7, v2;
	v2 =	vor.u32 $0x8, v2;
	v1 =	vmul.u32 $0x8, v1;
	s23 =	simm.s32 $0x8A80;
	s25 =	simm.s32 $0x9A80;
	s26 =	simm.s32 $0xA280  }
.LBB2_1:
0x17: {  	s0 =	rddreg [dreg:$0x4]  }
0x18: {  	[tilespmem:s2], [sflag:$0x3] =	stream.linear.gather [hbm4b:s0+s2], $0x240, $0x38;
	[tilespmem:$0xC280] =	vst v63  }
0x19: {  	_ =	swait.ge [sflag:s5], $0x240  }
0x1a: {  	[sflag:s5] =	ssyncset.done $0x0  }
0x1b: {  	[sflag:s5] =	ssyncadd.s32 $0xFFFFFDC0  }
0x1c: {  	v3 =	vld [tilespmem:$0x0];
	_ =	sdelay $0x4  }
0x1d: {  	v4 =	vshll.u32 v3, $0x1  }
0x1e: {  	v3 =	vand.u32 $0x7, v3;
	v4 =	vand.u32 $0xFFFFFFF0, v4  }
0x1f: {  	v3 =	vor.u32 v3, v4  }
0x20: {  	v4 =	vperm.xlane v3, v0;
	_ =	sdelay $0x1  }
0x21: {  	v3 =	vperm.xlane v3, v2;
	v4 =	vadd.s32 v1, v4;
	_ =	sdelay $0x1  }
0x22: {  	v3 =	vadd.s32 v1, v3;
	_ =	sdelay $0x2  }
0x23: {  	[tilespmem:s6], [sflag:$0x1] =	stream.indirect_vreg.gather [hbm4b:s3+s2], $0x80, v4, vm0, $0xb8;
	[tilespmem:$0xC280] =	vst v63  }
0x24: {  	_ = 	snop  }
0x25: {  	[tilespmem:s7], [sflag:$0x1] =	stream.indirect_vreg.gather [hbm4b:s3+s2], $0x80, v3, vm0, $0xb8;
	[tilespmem:$0xC280] =	vst v63  }
0x26: {  	v3 =	vld [tilespmem:$0x10];
	_ =	sdelay $0x4  }
0x27: {  	v29 =	vshll.u32 v3, $0x1  }
0x28: {  	v3 =	vand.u32 $0x7, v3;
	v4 =	vand.u32 $0xFFFFFFF0, v29  }
0x29: {  	v3 =	vor.u32 v3, v4  }
0x2a: {  	v4 =	vperm.xlane v3, v0;
	_ =	sdelay $0x1  }
0x2b: {  	v3 =	vperm.xlane v3, v2;
	v4 =	vadd.s32 v1, v4;
	_ =	sdelay $0x1  }
0x2c: {  	v3 =	vadd.s32 v1, v3;
	_ =	sdelay $0x2  }
0x2d: {  	[tilespmem:s8], [sflag:$0x1] =	stream.indirect_vreg.gather [hbm4b:s3+s2], $0x80, v4, vm0, $0xb8;
	[tilespmem:$0xC280] =	vst v63  }
0x2e: {  	_ = 	snop  }
0x2f: {  	[tilespmem:s9], [sflag:$0x1] =	stream.indirect_vreg.gather [hbm4b:s3+s2], $0x80, v3, vm0, $0xb8;
	[tilespmem:$0xC280] =	vst v63  }
0x30: {  	v3 =	vld [tilespmem:$0x20];
	_ =	sdelay $0x4  }
0x31: {  	v30 =	vshll.u32 v3, $0x1  }
0x32: {  	v3 =	vand.u32 $0x7, v3;
	v4 =	vand.u32 $0xFFFFFFF0, v30  }
0x33: {  	v3 =	vor.u32 v3, v4  }
0x34: {  	v4 =	vperm.xlane v3, v0;
	_ =	sdelay $0x1  }
0x35: {  	v3 =	vperm.xlane v3, v2;
	v4 =	vadd.s32 v1, v4;
	_ =	sdelay $0x1  }
0x36: {  	v3 =	vadd.s32 v1, v3;
	_ =	sdelay $0x2  }
0x37: {  	[tilespmem:s10], [sflag:$0x1] =	stream.indirect_vreg.gather [hbm4b:s3+s2], $0x80, v4, vm0, $0xb8;
	[tilespmem:$0xC280] =	vst v63  }
0x38: {  	_ = 	snop  }
0x39: {  	[tilespmem:s11], [sflag:$0x1] =	stream.indirect_vreg.gather [hbm4b:s3+s2], $0x80, v3, vm0, $0xb8;
	[tilespmem:$0xC280] =	vst v63  }
0x3a: {  	v3 =	vld [tilespmem:$0x30];
	_ =	sdelay $0x4  }
0x3b: {  	v31 =	vshll.u32 v3, $0x1  }
0x3c: {  	v3 =	vand.u32 $0x7, v3;
	v4 =	vand.u32 $0xFFFFFFF0, v31  }
0x3d: {  	v3 =	vor.u32 v3, v4  }
0x3e: {  	v4 =	vperm.xlane v3, v0;
	_ =	sdelay $0x1  }
0x3f: {  	v3 =	vperm.xlane v3, v2;
	v4 =	vadd.s32 v1, v4;
	_ =	sdelay $0x1  }
0x40: {  	v3 =	vadd.s32 v1, v3;
	_ =	sdelay $0x2  }
0x41: {  	[tilespmem:s12], [sflag:$0x1] =	stream.indirect_vreg.gather [hbm4b:s3+s2], $0x80, v4, vm0, $0xb8;
	[tilespmem:$0xC280] =	vst v63  }
0x42: {  	_ = 	snop  }
0x43: {  	[tilespmem:s13], [sflag:$0x1] =	stream.indirect_vreg.gather [hbm4b:s3+s2], $0x80, v3, vm0, $0xb8;
	[tilespmem:$0xC280] =	vst v63  }
0x44: {  	v3 =	vld [tilespmem:$0x40];
	_ =	sdelay $0x4  }
0x45: {  	v32 =	vshll.u32 v3, $0x1  }
0x46: {  	v3 =	vand.u32 $0x7, v3;
	v4 =	vand.u32 $0xFFFFFFF0, v32  }
0x47: {  	v3 =	vor.u32 v3, v4  }
0x48: {  	v4 =	vperm.xlane v3, v0;
	_ =	sdelay $0x1  }
0x49: {  	v3 =	vperm.xlane v3, v2;
	v4 =	vadd.s32 v1, v4;
	_ =	sdelay $0x1  }
0x4a: {  	v3 =	vadd.s32 v1, v3;
	_ =	sdelay $0x2  }
0x4b: {  	[tilespmem:s14], [sflag:$0x1] =	stream.indirect_vreg.gather [hbm4b:s3+s2], $0x80, v4, vm0, $0xb8;
	[tilespmem:$0xC280] =	vst v63  }
0x4c: {  	_ = 	snop  }
0x4d: {  	[tilespmem:s15], [sflag:$0x1] =	stream.indirect_vreg.gather [hbm4b:s3+s2], $0x80, v3, vm0, $0xb8;
	[tilespmem:$0xC280] =	vst v63  }
0x4e: {  	v3 =	vld [tilespmem:$0x50];
	_ =	sdelay $0x4  }
0x4f: {  	v33 =	vshll.u32 v3, $0x1  }
0x50: {  	v3 =	vand.u32 $0x7, v3;
	v4 =	vand.u32 $0xFFFFFFF0, v33  }
0x51: {  	v3 =	vor.u32 v3, v4  }
0x52: {  	v4 =	vperm.xlane v3, v0;
	_ =	sdelay $0x1  }
0x53: {  	v3 =	vperm.xlane v3, v2;
	v4 =	vadd.s32 v1, v4;
	_ =	sdelay $0x1  }
0x54: {  	v3 =	vadd.s32 v1, v3;
	_ =	sdelay $0x2  }
0x55: {  	[tilespmem:s16], [sflag:$0x1] =	stream.indirect_vreg.gather [hbm4b:s3+s2], $0x80, v4, vm0, $0xb8;
	[tilespmem:$0xC280] =	vst v63  }
0x56: {  	_ = 	snop  }
0x57: {  	[tilespmem:s17], [sflag:$0x1] =	stream.indirect_vreg.gather [hbm4b:s3+s2], $0x80, v3, vm0, $0xb8;
	[tilespmem:$0xC280] =	vst v63  }
0x58: {  	v3 =	vld [tilespmem:$0x60];
	_ =	sdelay $0x4  }
0x59: {  	v34 =	vshll.u32 v3, $0x1  }
0x5a: {  	v3 =	vand.u32 $0x7, v3;
	v4 =	vand.u32 $0xFFFFFFF0, v34  }
0x5b: {  	v3 =	vor.u32 v3, v4  }
0x5c: {  	v4 =	vperm.xlane v3, v0;
	_ =	sdelay $0x1  }
0x5d: {  	v3 =	vperm.xlane v3, v2;
	v4 =	vadd.s32 v1, v4;
	_ =	sdelay $0x1  }
0x5e: {  	v3 =	vadd.s32 v1, v3;
	_ =	sdelay $0x2  }
0x5f: {  	[tilespmem:s18], [sflag:$0x2] =	stream.indirect_vreg.gather [hbm4b:s3+s2], $0x80, v4, vm0, $0xb8;
	[tilespmem:$0xC280] =	vst v63  }
0x60: {  	_ = 	snop  }
0x61: {  	[tilespmem:s19], [sflag:$0x2] =	stream.indirect_vreg.gather [hbm4b:s3+s2], $0x80, v3, vm0, $0xb8;
	[tilespmem:$0xC280] =	vst v63  }
0x62: {  	v3 =	vld [tilespmem:$0x70];
	_ =	sdelay $0x4  }
0x63: {  	v35 =	vshll.u32 v3, $0x1  }
0x64: {  	v3 =	vand.u32 $0x7, v3;
	v4 =	vand.u32 $0xFFFFFFF0, v35  }
0x65: {  	v3 =	vor.u32 v3, v4  }
0x66: {  	v4 =	vperm.xlane v3, v0;
	_ =	sdelay $0x1  }
0x67: {  	v3 =	vperm.xlane v3, v2;
	v4 =	vadd.s32 v1, v4;
	_ =	sdelay $0x1  }
0x68: {  	v3 =	vadd.s32 v1, v3;
	_ =	sdelay $0x2  }
0x69: {  	[tilespmem:s20], [sflag:$0x2] =	stream.indirect_vreg.gather [hbm4b:s3+s2], $0x80, v4, vm0, $0xb8;
	[tilespmem:$0xC280] =	vst v63  }
0x6a: {  	_ = 	snop  }
0x6b: {  	[tilespmem:s21], [sflag:$0x2] =	stream.indirect_vreg.gather [hbm4b:s3+s2], $0x80, v3, vm0, $0xb8;
	[tilespmem:$0xC280] =	vst v63  }
0x6c: {  	v3 =	vld [tilespmem:$0x80];
	_ =	sdelay $0x4  }
0x6d: {  	v36 =	vshll.u32 v3, $0x1  }
0x6e: {  	v3 =	vand.u32 $0x7, v3;
	v4 =	vand.u32 $0xFFFFFFF0, v36  }
0x6f: {  	v3 =	vor.u32 v3, v4  }
0x70: {  	v4 =	vperm.xlane v3, v0;
	_ =	sdelay $0x1  }
0x71: {  	v3 =	vperm.xlane v3, v2;
	v4 =	vadd.s32 v1, v4;
	_ =	sdelay $0x1  }
0x72: {  	v3 =	vadd.s32 v1, v3;
	_ =	sdelay $0x2  }
0x73: {  	[tilespmem:s22], [sflag:$0x2] =	stream.indirect_vreg.gather [hbm4b:s3+s2], $0x80, v4, vm0, $0xb8;
	[tilespmem:$0xC280] =	vst v63  }
0x74: {  	_ = 	snop  }
0x75: {  	[tilespmem:s23], [sflag:$0x2] =	stream.indirect_vreg.gather [hbm4b:s3+s2], $0x80, v3, vm0, $0xb8;
	[tilespmem:$0xC280] =	vst v63  }
0x76: {  	v3 =	vld [tilespmem:$0x90];
	_ =	sdelay $0x4  }
0x77: {  	v37 =	vshll.u32 v3, $0x1  }
0x78: {  	v3 =	vand.u32 $0x7, v3;
	v4 =	vand.u32 $0xFFFFFFF0, v37  }
0x79: {  	v3 =	vor.u32 v3, v4  }
0x7a: {  	v4 =	vperm.xlane v3, v0;
	_ =	sdelay $0x1  }
0x7b: {  	v3 =	vperm.xlane v3, v2;
	v4 =	vadd.s32 v1, v4;
	_ =	sdelay $0x1  }
0x7c: {  	v3 =	vadd.s32 v1, v3;
	_ =	sdelay $0x2  }
0x7d: {  	[tilespmem:s24], [sflag:$0x2] =	stream.indirect_vreg.gather [hbm4b:s3+s2], $0x80, v4, vm0, $0xb8;
	[tilespmem:$0xC280] =	vst v63  }
0x7e: {  	_ = 	snop  }
0x7f: {  	[tilespmem:s25], [sflag:$0x2] =	stream.indirect_vreg.gather [hbm4b:s3+s2], $0x80, v3, vm0, $0xb8;
	[tilespmem:$0xC280] =	vst v63  }
0x80: {  	v3 =	vld [tilespmem:$0xA0];
	_ =	sdelay $0x4  }
0x81: {  	v38 =	vshll.u32 v3, $0x1  }
0x82: {  	v3 =	vand.u32 $0x7, v3;
	v4 =	vand.u32 $0xFFFFFFF0, v38  }
0x83: {  	v3 =	vor.u32 v3, v4  }
0x84: {  	v4 =	vperm.xlane v3, v0;
	_ =	sdelay $0x1  }
0x85: {  	v3 =	vperm.xlane v3, v2;
	v4 =	vadd.s32 v1, v4;
	_ =	sdelay $0x1  }
0x86: {  	v3 =	vadd.s32 v1, v3;
	_ =	sdelay $0x2  }
0x87: {  	[tilespmem:s26], [sflag:$0x2] =	stream.indirect_vreg.gather [hbm4b:s3+s2], $0x80, v4, vm0, $0xb8;
	[tilespmem:$0xC280] =	vst v63  }
0x88: {  	_ = 	snop  }
0x89: {  	[tilespmem:s28], [sflag:$0x2] =	stream.indirect_vreg.gather [hbm4b:s3+s2], $0x80, v3, vm0, $0xb8;
	[tilespmem:$0xC280] =	vst v63  }
0x8a: {  	v3 =	vld [tilespmem:$0xB0];
	_ =	sdelay $0x4  }
0x8b: {  	v39 =	vshll.u32 v3, $0x1  }
0x8c: {  	v3 =	vand.u32 $0x7, v3;
	v4 =	vand.u32 $0xFFFFFFF0, v39  }
0x8d: {  	v3 =	vor.u32 v3, v4  }
0x8e: {  	v4 =	vperm.xlane v3, v0;
	_ =	sdelay $0x1  }
0x8f: {  	v3 =	vperm.xlane v3, v2;
	v4 =	vadd.s32 v1, v4;
	_ =	sdelay $0x1  }
0x90: {  	v3 =	vadd.s32 v1, v3;
	_ =	sdelay $0x2  }
0x91: {  	[tilespmem:s29], [sflag:$0x2] =	stream.indirect_vreg.gather [hbm4b:s3+s2], $0x80, v4, vm0, $0xb8;
	[tilespmem:$0xC280] =	vst v63  }
0x92: {  	_ = 	snop  }
0x93: {  	[tilespmem:s30], [sflag:$0x2] =	stream.indirect_vreg.gather [hbm4b:s3+s2], $0x80, v3, vm0, $0xb8;
	[tilespmem:$0xC280] =	vst v63  }
0x94: {  	_ =	swait.ge [sflag:s31], $0x6000  }
0x95: {  	[sflag:s31] =	ssyncset.done $0x0  }
0x96: {  	s0 =	rddreg [dreg:$0x5];
	[sflag:s31] =	ssyncadd.s32 $0xFFFFA000  }
0x97: {  	[hbm4b:s0+s2] =	stream.linear.scatter [tilespmem:s6], [sflag:$0x3], $0x6000, $0x38;
	[tilespmem:$0xC280] =	vst v63  }
0x98: {  	_ =	swait.ge [sflag:s5], $0x6000  }
0x99: {  	[sflag:s5] =	ssyncset.done $0x0  }
0x9a: {  	[sflag:s5] =	ssyncadd.s32 $0xFFFFA000  }
0x9b: {  	v3 =	vld [tilespmem:$0xC0];
	_ =	sdelay $0x4  }
0x9c: {  	v40 =	vshll.u32 v3, $0x1  }
0x9d: {  	v3 =	vand.u32 $0x7, v3;
	v4 =	vand.u32 $0xFFFFFFF0, v40  }
0x9e: {  	v3 =	vor.u32 v3, v4  }
0x9f: {  	v4 =	vperm.xlane v3, v0;
	_ =	sdelay $0x1  }
0xa0: {  	v3 =	vperm.xlane v3, v2;
	v4 =	vadd.s32 v1, v4;
	_ =	sdelay $0x1  }
0xa1: {  	v3 =	vadd.s32 v1, v3;
	_ =	sdelay $0x2  }
0xa2: {  	[tilespmem:s6], [sflag:$0x1] =	stream.indirect_vreg.gather [hbm4b:s3+s2], $0x80, v4, vm0, $0xb8;
	[tilespmem:$0xC280] =	vst v63  }
0xa3: {  	_ = 	snop  }
0xa4: {  	[tilespmem:s7], [sflag:$0x1] =	stream.indirect_vreg.gather [hbm4b:s3+s2], $0x80, v3, vm0, $0xb8;
	[tilespmem:$0xC280] =	vst v63  }
0xa5: {  	v3 =	vld [tilespmem:$0xD0];
	_ =	sdelay $0x4  }
0xa6: {  	v41 =	vshll.u32 v3, $0x1  }
0xa7: {  	v3 =	vand.u32 $0x7, v3;
	v4 =	vand.u32 $0xFFFFFFF0, v41  }
0xa8: {  	v3 =	vor.u32 v3, v4  }
0xa9: {  	v4 =	vperm.xlane v3, v0;
	_ =	sdelay $0x1  }
0xaa: {  	v3 =	vperm.xlane v3, v2;
	v4 =	vadd.s32 v1, v4;
	_ =	sdelay $0x1  }
0xab: {  	v3 =	vadd.s32 v1, v3;
	_ =	sdelay $0x2  }
0xac: {  	[tilespmem:s8], [sflag:$0x1] =	stream.indirect_vreg.gather [hbm4b:s3+s2], $0x80, v4, vm0, $0xb8;
	[tilespmem:$0xC280] =	vst v63  }
0xad: {  	_ = 	snop  }
0xae: {  	[tilespmem:s9], [sflag:$0x1] =	stream.indirect_vreg.gather [hbm4b:s3+s2], $0x80, v3, vm0, $0xb8;
	[tilespmem:$0xC280] =	vst v63  }
0xaf: {  	v3 =	vld [tilespmem:$0xE0];
	_ =	sdelay $0x4  }
0xb0: {  	v42 =	vshll.u32 v3, $0x1  }
0xb1: {  	v3 =	vand.u32 $0x7, v3;
	v4 =	vand.u32 $0xFFFFFFF0, v42  }
0xb2: {  	v3 =	vor.u32 v3, v4  }
0xb3: {  	v4 =	vperm.xlane v3, v0;
	_ =	sdelay $0x1  }
0xb4: {  	v3 =	vperm.xlane v3, v2;
	v4 =	vadd.s32 v1, v4;
	_ =	sdelay $0x1  }
0xb5: {  	v3 =	vadd.s32 v1, v3;
	_ =	sdelay $0x2  }
0xb6: {  	[tilespmem:s10], [sflag:$0x1] =	stream.indirect_vreg.gather [hbm4b:s3+s2], $0x80, v4, vm0, $0xb8;
	[tilespmem:$0xC280] =	vst v63  }
0xb7: {  	_ = 	snop  }
0xb8: {  	[tilespmem:s11], [sflag:$0x1] =	stream.indirect_vreg.gather [hbm4b:s3+s2], $0x80, v3, vm0, $0xb8;
	[tilespmem:$0xC280] =	vst v63  }
0xb9: {  	v3 =	vld [tilespmem:$0xF0];
	_ =	sdelay $0x4  }
0xba: {  	v43 =	vshll.u32 v3, $0x1  }
0xbb: {  	v3 =	vand.u32 $0x7, v3;
	v4 =	vand.u32 $0xFFFFFFF0, v43  }
0xbc: {  	v3 =	vor.u32 v3, v4  }
0xbd: {  	v4 =	vperm.xlane v3, v0;
	_ =	sdelay $0x1  }
0xbe: {  	v3 =	vperm.xlane v3, v2;
	v4 =	vadd.s32 v1, v4;
	_ =	sdelay $0x1  }
0xbf: {  	v3 =	vadd.s32 v1, v3;
	_ =	sdelay $0x2  }
0xc0: {  	[tilespmem:s12], [sflag:$0x1] =	stream.indirect_vreg.gather [hbm4b:s3+s2], $0x80, v4, vm0, $0xb8;
	[tilespmem:$0xC280] =	vst v63  }
0xc1: {  	_ = 	snop  }
0xc2: {  	[tilespmem:s13], [sflag:$0x1] =	stream.indirect_vreg.gather [hbm4b:s3+s2], $0x80, v3, vm0, $0xb8;
	[tilespmem:$0xC280] =	vst v63  }
0xc3: {  	v3 =	vld [tilespmem:$0x100];
	_ =	sdelay $0x4  }
0xc4: {  	v44 =	vshll.u32 v3, $0x1  }
0xc5: {  	v3 =	vand.u32 $0x7, v3;
	v4 =	vand.u32 $0xFFFFFFF0, v44  }
0xc6: {  	v3 =	vor.u32 v3, v4  }
0xc7: {  	v4 =	vperm.xlane v3, v0;
	_ =	sdelay $0x1  }
0xc8: {  	v3 =	vperm.xlane v3, v2;
	v4 =	vadd.s32 v1, v4;
	_ =	sdelay $0x1  }
0xc9: {  	v3 =	vadd.s32 v1, v3;
	_ =	sdelay $0x2  }
0xca: {  	[tilespmem:s14], [sflag:$0x1] =	stream.indirect_vreg.gather [hbm4b:s3+s2], $0x80, v4, vm0, $0xb8;
	[tilespmem:$0xC280] =	vst v63  }
0xcb: {  	_ = 	snop  }
0xcc: {  	[tilespmem:s15], [sflag:$0x1] =	stream.indirect_vreg.gather [hbm4b:s3+s2], $0x80, v3, vm0, $0xb8;
	[tilespmem:$0xC280] =	vst v63  }
0xcd: {  	v3 =	vld [tilespmem:$0x110];
	_ =	sdelay $0x4  }
0xce: {  	v45 =	vshll.u32 v3, $0x1  }
0xcf: {  	v3 =	vand.u32 $0x7, v3;
	v4 =	vand.u32 $0xFFFFFFF0, v45  }
0xd0: {  	v3 =	vor.u32 v3, v4  }
0xd1: {  	v4 =	vperm.xlane v3, v0;
	_ =	sdelay $0x1  }
0xd2: {  	v3 =	vperm.xlane v3, v2;
	v4 =	vadd.s32 v1, v4;
	_ =	sdelay $0x1  }
0xd3: {  	v3 =	vadd.s32 v1, v3;
	_ =	sdelay $0x2  }
0xd4: {  	[tilespmem:s16], [sflag:$0x1] =	stream.indirect_vreg.gather [hbm4b:s3+s2], $0x80, v4, vm0, $0xb8;
	[tilespmem:$0xC280] =	vst v63  }
0xd5: {  	_ = 	snop  }
0xd6: {  	[tilespmem:s17], [sflag:$0x1] =	stream.indirect_vreg.gather [hbm4b:s3+s2], $0x80, v3, vm0, $0xb8;
	[tilespmem:$0xC280] =	vst v63  }
0xd7: {  	_ =	swait.ge [sflag:s1], $0x6000  }
0xd8: {  	[sflag:s1] =	ssyncset.done $0x0  }
0xd9: {  	s0 =	rddreg [dreg:$0x6];
	[sflag:s1] =	ssyncadd.s32 $0xFFFFA000  }
0xda: {  	[hbm4b:s0+s2] =	stream.linear.scatter [tilespmem:s18], [sflag:$0x3], $0x6000, $0x38;
	[tilespmem:$0xC280] =	vst v63  }
0xdb: {  	_ =	swait.ge [sflag:s5], $0x6000  }
0xdc: {  	[sflag:s5] =	ssyncset.done $0x0  }
0xdd: {  	[sflag:s5] =	ssyncadd.s32 $0xFFFFA000  }
0xde: {  	v3 =	vld [tilespmem:$0x120];
	_ =	sdelay $0x4  }
0xdf: {  	v46 =	vshll.u32 v3, $0x1  }
0xe0: {  	v3 =	vand.u32 $0x7, v3;
	v4 =	vand.u32 $0xFFFFFFF0, v46  }
0xe1: {  	v3 =	vor.u32 v3, v4  }
0xe2: {  	v4 =	vperm.xlane v3, v0;
	_ =	sdelay $0x1  }
0xe3: {  	v3 =	vperm.xlane v3, v2;
	v4 =	vadd.s32 v1, v4;
	_ =	sdelay $0x1  }
0xe4: {  	v3 =	vadd.s32 v1, v3;
	_ =	sdelay $0x2  }
0xe5: {  	[tilespmem:s18], [sflag:$0x2] =	stream.indirect_vreg.gather [hbm4b:s3+s2], $0x80, v4, vm0, $0xb8;
	[tilespmem:$0xC280] =	vst v63  }
0xe6: {  	_ = 	snop  }
0xe7: {  	[tilespmem:s19], [sflag:$0x2] =	stream.indirect_vreg.gather [hbm4b:s3+s2], $0x80, v3, vm0, $0xb8;
	[tilespmem:$0xC280] =	vst v63  }
0xe8: {  	v3 =	vld [tilespmem:$0x130];
	_ =	sdelay $0x4  }
0xe9: {  	v47 =	vshll.u32 v3, $0x1  }
0xea: {  	v3 =	vand.u32 $0x7, v3;
	v4 =	vand.u32 $0xFFFFFFF0, v47  }
0xeb: {  	v3 =	vor.u32 v3, v4  }
0xec: {  	v4 =	vperm.xlane v3, v0;
	_ =	sdelay $0x1  }
0xed: {  	v3 =	vperm.xlane v3, v2;
	v4 =	vadd.s32 v1, v4;
	_ =	sdelay $0x1  }
0xee: {  	v3 =	vadd.s32 v1, v3;
	_ =	sdelay $0x2  }
0xef: {  	[tilespmem:s20], [sflag:$0x2] =	stream.indirect_vreg.gather [hbm4b:s3+s2], $0x80, v4, vm0, $0xb8;
	[tilespmem:$0xC280] =	vst v63  }
0xf0: {  	_ = 	snop  }
0xf1: {  	[tilespmem:s21], [sflag:$0x2] =	stream.indirect_vreg.gather [hbm4b:s3+s2], $0x80, v3, vm0, $0xb8;
	[tilespmem:$0xC280] =	vst v63  }
0xf2: {  	v3 =	vld [tilespmem:$0x140];
	_ =	sdelay $0x4  }
0xf3: {  	v48 =	vshll.u32 v3, $0x1  }
0xf4: {  	v3 =	vand.u32 $0x7, v3;
	v4 =	vand.u32 $0xFFFFFFF0, v48  }
0xf5: {  	v3 =	vor.u32 v3, v4  }
0xf6: {  	v4 =	vperm.xlane v3, v0;
	_ =	sdelay $0x1  }
0xf7: {  	v3 =	vperm.xlane v3, v2;
	v4 =	vadd.s32 v1, v4;
	_ =	sdelay $0x1  }
0xf8: {  	v3 =	vadd.s32 v1, v3;
	_ =	sdelay $0x2  }
0xf9: {  	[tilespmem:s22], [sflag:$0x2] =	stream.indirect_vreg.gather [hbm4b:s3+s2], $0x80, v4, vm0, $0xb8;
	[tilespmem:$0xC280] =	vst v63  }
0xfa: {  	_ = 	snop  }
0xfb: {  	[tilespmem:s23], [sflag:$0x2] =	stream.indirect_vreg.gather [hbm4b:s3+s2], $0x80, v3, vm0, $0xb8;
	[tilespmem:$0xC280] =	vst v63  }
0xfc: {  	v3 =	vld [tilespmem:$0x150];
	_ =	sdelay $0x4  }
0xfd: {  	v49 =	vshll.u32 v3, $0x1  }
0xfe: {  	v3 =	vand.u32 $0x7, v3;
	v4 =	vand.u32 $0xFFFFFFF0, v49  }
0xff: {  	v3 =	vor.u32 v3, v4  }
0x100: {  	v4 =	vperm.xlane v3, v0;
	_ =	sdelay $0x1  }
0x101: {  	v3 =	vperm.xlane v3, v2;
	v4 =	vadd.s32 v1, v4;
	_ =	sdelay $0x1  }
0x102: {  	v3 =	vadd.s32 v1, v3;
	_ =	sdelay $0x2  }
0x103: {  	[tilespmem:s24], [sflag:$0x2] =	stream.indirect_vreg.gather [hbm4b:s3+s2], $0x80, v4, vm0, $0xb8;
	[tilespmem:$0xC280] =	vst v63  }
0x104: {  	_ = 	snop  }
0x105: {  	[tilespmem:s25], [sflag:$0x2] =	stream.indirect_vreg.gather [hbm4b:s3+s2], $0x80, v3, vm0, $0xb8;
	[tilespmem:$0xC280] =	vst v63  }
0x106: {  	v3 =	vld [tilespmem:$0x160];
	_ =	sdelay $0x4  }
0x107: {  	v50 =	vshll.u32 v3, $0x1  }
0x108: {  	v3 =	vand.u32 $0x7, v3;
	v4 =	vand.u32 $0xFFFFFFF0, v50  }
0x109: {  	v3 =	vor.u32 v3, v4  }
0x10a: {  	v4 =	vperm.xlane v3, v0;
	_ =	sdelay $0x1  }
0x10b: {  	v3 =	vperm.xlane v3, v2;
	v4 =	vadd.s32 v1, v4;
	_ =	sdelay $0x1  }
0x10c: {  	v3 =	vadd.s32 v1, v3;
	_ =	sdelay $0x2  }
0x10d: {  	[tilespmem:s26], [sflag:$0x2] =	stream.indirect_vreg.gather [hbm4b:s3+s2], $0x80, v4, vm0, $0xb8;
	[tilespmem:$0xC280] =	vst v63  }
0x10e: {  	_ = 	snop  }
0x10f: {  	[tilespmem:s28], [sflag:$0x2] =	stream.indirect_vreg.gather [hbm4b:s3+s2], $0x80, v3, vm0, $0xb8;
	[tilespmem:$0xC280] =	vst v63  }
0x110: {  	v3 =	vld [tilespmem:$0x170];
	_ =	sdelay $0x4  }
0x111: {  	v51 =	vshll.u32 v3, $0x1  }
0x112: {  	v3 =	vand.u32 $0x7, v3;
	v4 =	vand.u32 $0xFFFFFFF0, v51  }
0x113: {  	v3 =	vor.u32 v3, v4  }
0x114: {  	v4 =	vperm.xlane v3, v0;
	_ =	sdelay $0x1  }
0x115: {  	v3 =	vperm.xlane v3, v2;
	v4 =	vadd.s32 v1, v4;
	_ =	sdelay $0x1  }
0x116: {  	v3 =	vadd.s32 v1, v3;
	_ =	sdelay $0x2  }
0x117: {  	[tilespmem:s29], [sflag:$0x2] =	stream.indirect_vreg.gather [hbm4b:s3+s2], $0x80, v4, vm0, $0xb8;
	[tilespmem:$0xC280] =	vst v63  }
0x118: {  	_ = 	snop  }
0x119: {  	[tilespmem:s30], [sflag:$0x2] =	stream.indirect_vreg.gather [hbm4b:s3+s2], $0x80, v3, vm0, $0xb8;
	[tilespmem:$0xC280] =	vst v63  }
0x11a: {  	_ =	swait.ge [sflag:s31], $0x6000  }
0x11b: {  	[sflag:s31] =	ssyncset.done $0x0  }
0x11c: {  	s0 =	rddreg [dreg:$0x7];
	[sflag:s31] =	ssyncadd.s32 $0xFFFFA000  }
0x11d: {  	[hbm4b:s0+s2] =	stream.linear.scatter [tilespmem:s6], [sflag:$0x3], $0x6000, $0x38;
	[tilespmem:$0xC280] =	vst v63  }
0x11e: {  	_ =	swait.ge [sflag:s5], $0x6000  }
0x11f: {  	[sflag:s5] =	ssyncset.done $0x0  }
0x120: {  	[sflag:s5] =	ssyncadd.s32 $0xFFFFA000  }
0x121: {  	v3 =	vld [tilespmem:$0x180];
	_ =	sdelay $0x4  }
0x122: {  	v52 =	vshll.u32 v3, $0x1  }
0x123: {  	v3 =	vand.u32 $0x7, v3;
	v4 =	vand.u32 $0xFFFFFFF0, v52  }
0x124: {  	v3 =	vor.u32 v3, v4  }
0x125: {  	v4 =	vperm.xlane v3, v0;
	_ =	sdelay $0x1  }
0x126: {  	v3 =	vperm.xlane v3, v2;
	v4 =	vadd.s32 v1, v4;
	_ =	sdelay $0x1  }
0x127: {  	v3 =	vadd.s32 v1, v3;
	_ =	sdelay $0x2  }
0x128: {  	[tilespmem:s6], [sflag:$0x1] =	stream.indirect_vreg.gather [hbm4b:s3+s2], $0x80, v4, vm0, $0xb8;
	[tilespmem:$0xC280] =	vst v63  }
0x129: {  	_ = 	snop  }
0x12a: {  	[tilespmem:s7], [sflag:$0x1] =	stream.indirect_vreg.gather [hbm4b:s3+s2], $0x80, v3, vm0, $0xb8;
	[tilespmem:$0xC280] =	vst v63  }
0x12b: {  	v3 =	vld [tilespmem:$0x190];
	_ =	sdelay $0x4  }
0x12c: {  	v53 =	vshll.u32 v3, $0x1  }
0x12d: {  	v3 =	vand.u32 $0x7, v3;
	v4 =	vand.u32 $0xFFFFFFF0, v53  }
0x12e: {  	v3 =	vor.u32 v3, v4  }
0x12f: {  	v4 =	vperm.xlane v3, v0;
	_ =	sdelay $0x1  }
0x130: {  	v3 =	vperm.xlane v3, v2;
	v4 =	vadd.s32 v1, v4;
	_ =	sdelay $0x1  }
0x131: {  	v3 =	vadd.s32 v1, v3;
	_ =	sdelay $0x2  }
0x132: {  	[tilespmem:s8], [sflag:$0x1] =	stream.indirect_vreg.gather [hbm4b:s3+s2], $0x80, v4, vm0, $0xb8;
	[tilespmem:$0xC280] =	vst v63  }
0x133: {  	_ = 	snop  }
0x134: {  	[tilespmem:s9], [sflag:$0x1] =	stream.indirect_vreg.gather [hbm4b:s3+s2], $0x80, v3, vm0, $0xb8;
	[tilespmem:$0xC280] =	vst v63  }
0x135: {  	v3 =	vld [tilespmem:$0x1A0];
	_ =	sdelay $0x4  }
0x136: {  	v54 =	vshll.u32 v3, $0x1  }
0x137: {  	v3 =	vand.u32 $0x7, v3;
	v4 =	vand.u32 $0xFFFFFFF0, v54  }
0x138: {  	v3 =	vor.u32 v3, v4  }
0x139: {  	v4 =	vperm.xlane v3, v0;
	_ =	sdelay $0x1  }
0x13a: {  	v3 =	vperm.xlane v3, v2;
	v4 =	vadd.s32 v1, v4;
	_ =	sdelay $0x1  }
0x13b: {  	v3 =	vadd.s32 v1, v3;
	_ =	sdelay $0x2  }
0x13c: {  	[tilespmem:s10], [sflag:$0x1] =	stream.indirect_vreg.gather [hbm4b:s3+s2], $0x80, v4, vm0, $0xb8;
	[tilespmem:$0xC280] =	vst v63  }
0x13d: {  	_ = 	snop  }
0x13e: {  	[tilespmem:s11], [sflag:$0x1] =	stream.indirect_vreg.gather [hbm4b:s3+s2], $0x80, v3, vm0, $0xb8;
	[tilespmem:$0xC280] =	vst v63  }
0x13f: {  	v3 =	vld [tilespmem:$0x1B0];
	_ =	sdelay $0x4  }
0x140: {  	v55 =	vshll.u32 v3, $0x1  }
0x141: {  	v3 =	vand.u32 $0x7, v3;
	v4 =	vand.u32 $0xFFFFFFF0, v55  }
0x142: {  	v3 =	vor.u32 v3, v4  }
0x143: {  	v4 =	vperm.xlane v3, v0;
	_ =	sdelay $0x1  }
0x144: {  	v3 =	vperm.xlane v3, v2;
	v4 =	vadd.s32 v1, v4;
	_ =	sdelay $0x1  }
0x145: {  	v3 =	vadd.s32 v1, v3;
	_ =	sdelay $0x2  }
0x146: {  	[tilespmem:s12], [sflag:$0x1] =	stream.indirect_vreg.gather [hbm4b:s3+s2], $0x80, v4, vm0, $0xb8;
	[tilespmem:$0xC280] =	vst v63  }
0x147: {  	_ = 	snop  }
0x148: {  	[tilespmem:s13], [sflag:$0x1] =	stream.indirect_vreg.gather [hbm4b:s3+s2], $0x80, v3, vm0, $0xb8;
	[tilespmem:$0xC280] =	vst v63  }
0x149: {  	v3 =	vld [tilespmem:$0x1C0];
	_ =	sdelay $0x4  }
0x14a: {  	v56 =	vshll.u32 v3, $0x1  }
0x14b: {  	v3 =	vand.u32 $0x7, v3;
	v4 =	vand.u32 $0xFFFFFFF0, v56  }
0x14c: {  	v3 =	vor.u32 v3, v4  }
0x14d: {  	v4 =	vperm.xlane v3, v0;
	_ =	sdelay $0x1  }
0x14e: {  	v3 =	vperm.xlane v3, v2;
	v4 =	vadd.s32 v1, v4;
	_ =	sdelay $0x1  }
0x14f: {  	v3 =	vadd.s32 v1, v3;
	_ =	sdelay $0x2  }
0x150: {  	[tilespmem:s14], [sflag:$0x1] =	stream.indirect_vreg.gather [hbm4b:s3+s2], $0x80, v4, vm0, $0xb8;
	[tilespmem:$0xC280] =	vst v63  }
0x151: {  	_ = 	snop  }
0x152: {  	[tilespmem:s15], [sflag:$0x1] =	stream.indirect_vreg.gather [hbm4b:s3+s2], $0x80, v3, vm0, $0xb8;
	[tilespmem:$0xC280] =	vst v63  }
0x153: {  	v3 =	vld [tilespmem:$0x1D0];
	_ =	sdelay $0x4  }
0x154: {  	v57 =	vshll.u32 v3, $0x1  }
0x155: {  	v3 =	vand.u32 $0x7, v3;
	v4 =	vand.u32 $0xFFFFFFF0, v57  }
0x156: {  	v3 =	vor.u32 v3, v4  }
0x157: {  	v4 =	vperm.xlane v3, v0;
	_ =	sdelay $0x1  }
0x158: {  	v3 =	vperm.xlane v3, v2;
	v4 =	vadd.s32 v1, v4;
	_ =	sdelay $0x1  }
0x159: {  	v3 =	vadd.s32 v1, v3;
	_ =	sdelay $0x2  }
0x15a: {  	[tilespmem:s16], [sflag:$0x1] =	stream.indirect_vreg.gather [hbm4b:s3+s2], $0x80, v4, vm0, $0xb8;
	[tilespmem:$0xC280] =	vst v63  }
0x15b: {  	_ = 	snop  }
0x15c: {  	[tilespmem:s17], [sflag:$0x1] =	stream.indirect_vreg.gather [hbm4b:s3+s2], $0x80, v3, vm0, $0xb8;
	[tilespmem:$0xC280] =	vst v63  }
0x15d: {  	_ =	swait.ge [sflag:s1], $0x6000  }
0x15e: {  	[sflag:s1] =	ssyncset.done $0x0  }
0x15f: {  	s0 =	rddreg [dreg:$0x8];
	[sflag:s1] =	ssyncadd.s32 $0xFFFFA000  }
0x160: {  	[hbm4b:s0+s2] =	stream.linear.scatter [tilespmem:s18], [sflag:$0x3], $0x6000, $0x38;
	[tilespmem:$0xC280] =	vst v63  }
0x161: {  	_ =	swait.ge [sflag:s5], $0x6000  }
0x162: {  	[sflag:s5] =	ssyncset.done $0x0  }
0x163: {  	[sflag:s5] =	ssyncadd.s32 $0xFFFFA000  }
0x164: {  	v3 =	vld [tilespmem:$0x1E0];
	_ =	sdelay $0x4  }
0x165: {  	v58 =	vshll.u32 v3, $0x1  }
0x166: {  	v3 =	vand.u32 $0x7, v3;
	v4 =	vand.u32 $0xFFFFFFF0, v58  }
0x167: {  	v3 =	vor.u32 v3, v4  }
0x168: {  	v4 =	vperm.xlane v3, v0;
	_ =	sdelay $0x1  }
0x169: {  	v3 =	vperm.xlane v3, v2;
	v4 =	vadd.s32 v1, v4;
	_ =	sdelay $0x1  }
0x16a: {  	v3 =	vadd.s32 v1, v3;
	_ =	sdelay $0x2  }
0x16b: {  	[tilespmem:s18], [sflag:$0x2] =	stream.indirect_vreg.gather [hbm4b:s3+s2], $0x80, v4, vm0, $0xb8;
	[tilespmem:$0xC280] =	vst v63  }
0x16c: {  	_ = 	snop  }
0x16d: {  	[tilespmem:s19], [sflag:$0x2] =	stream.indirect_vreg.gather [hbm4b:s3+s2], $0x80, v3, vm0, $0xb8;
	[tilespmem:$0xC280] =	vst v63  }
0x16e: {  	v3 =	vld [tilespmem:$0x1F0];
	_ =	sdelay $0x4  }
0x16f: {  	v59 =	vshll.u32 v3, $0x1  }
0x170: {  	v3 =	vand.u32 $0x7, v3;
	v4 =	vand.u32 $0xFFFFFFF0, v59  }
0x171: {  	v3 =	vor.u32 v3, v4  }
0x172: {  	v4 =	vperm.xlane v3, v0;
	_ =	sdelay $0x1  }
0x173: {  	v3 =	vperm.xlane v3, v2;
	v4 =	vadd.s32 v1, v4;
	_ =	sdelay $0x1  }
0x174: {  	v3 =	vadd.s32 v1, v3;
	_ =	sdelay $0x2  }
0x175: {  	[tilespmem:s20], [sflag:$0x2] =	stream.indirect_vreg.gather [hbm4b:s3+s2], $0x80, v4, vm0, $0xb8;
	[tilespmem:$0xC280] =	vst v63  }
0x176: {  	_ = 	snop  }
0x177: {  	[tilespmem:s21], [sflag:$0x2] =	stream.indirect_vreg.gather [hbm4b:s3+s2], $0x80, v3, vm0, $0xb8;
	[tilespmem:$0xC280] =	vst v63  }
0x178: {  	v3 =	vld [tilespmem:$0x200];
	_ =	sdelay $0x4  }
0x179: {  	v60 =	vshll.u32 v3, $0x1  }
0x17a: {  	v3 =	vand.u32 $0x7, v3;
	v4 =	vand.u32 $0xFFFFFFF0, v60  }
0x17b: {  	v3 =	vor.u32 v3, v4  }
0x17c: {  	v4 =	vperm.xlane v3, v0;
	_ =	sdelay $0x1  }
0x17d: {  	v3 =	vperm.xlane v3, v2;
	v4 =	vadd.s32 v1, v4;
	_ =	sdelay $0x1  }
0x17e: {  	v3 =	vadd.s32 v1, v3;
	_ =	sdelay $0x2  }
0x17f: {  	[tilespmem:s22], [sflag:$0x2] =	stream.indirect_vreg.gather [hbm4b:s3+s2], $0x80, v4, vm0, $0xb8;
	[tilespmem:$0xC280] =	vst v63  }
0x180: {  	_ = 	snop  }
0x181: {  	[tilespmem:s23], [sflag:$0x2] =	stream.indirect_vreg.gather [hbm4b:s3+s2], $0x80, v3, vm0, $0xb8;
	[tilespmem:$0xC280] =	vst v63  }
0x182: {  	v3 =	vld [tilespmem:$0x210];
	_ =	sdelay $0x4  }
0x183: {  	v61 =	vshll.u32 v3, $0x1  }
0x184: {  	v3 =	vand.u32 $0x7, v3;
	v4 =	vand.u32 $0xFFFFFFF0, v61  }
0x185: {  	v3 =	vor.u32 v3, v4  }
0x186: {  	v4 =	vperm.xlane v3, v0;
	_ =	sdelay $0x1  }
0x187: {  	v3 =	vperm.xlane v3, v2;
	v4 =	vadd.s32 v1, v4;
	_ =	sdelay $0x1  }
0x188: {  	v3 =	vadd.s32 v1, v3;
	_ =	sdelay $0x2  }
0x189: {  	[tilespmem:s24], [sflag:$0x2] =	stream.indirect_vreg.gather [hbm4b:s3+s2], $0x80, v4, vm0, $0xb8;
	[tilespmem:$0xC280] =	vst v63  }
0x18a: {  	_ = 	snop  }
0x18b: {  	[tilespmem:s25], [sflag:$0x2] =	stream.indirect_vreg.gather [hbm4b:s3+s2], $0x80, v3, vm0, $0xb8;
	[tilespmem:$0xC280] =	vst v63  }
0x18c: {  	v3 =	vld [tilespmem:$0x220];
	_ =	sdelay $0x4  }
0x18d: {  	v62 =	vshll.u32 v3, $0x1  }
0x18e: {  	v3 =	vand.u32 $0x7, v3;
	v4 =	vand.u32 $0xFFFFFFF0, v62  }
0x18f: {  	v3 =	vor.u32 v3, v4  }
0x190: {  	v4 =	vperm.xlane v3, v0;
	_ =	sdelay $0x1  }
0x191: {  	v3 =	vperm.xlane v3, v2;
	v4 =	vadd.s32 v1, v4;
	_ =	sdelay $0x1  }
0x192: {  	v3 =	vadd.s32 v1, v3;
	_ =	sdelay $0x2  }
0x193: {  	[tilespmem:s26], [sflag:$0x2] =	stream.indirect_vreg.gather [hbm4b:s3+s2], $0x80, v4, vm0, $0xb8;
	[tilespmem:$0xC280] =	vst v63  }
0x194: {  	_ = 	snop  }
0x195: {  	[tilespmem:s28], [sflag:$0x2] =	stream.indirect_vreg.gather [hbm4b:s3+s2], $0x80, v3, vm0, $0xb8;
	[tilespmem:$0xC280] =	vst v63  }
0x196: {  	v3 =	vld [tilespmem:$0x230];
	_ =	sdelay $0x4  }
0x197: {  	v63 =	vshll.u32 v3, $0x1  }
0x198: {  	v3 =	vand.u32 $0x7, v3;
	v4 =	vand.u32 $0xFFFFFFF0, v63  }
0x199: {  	v3 =	vor.u32 v3, v4  }
0x19a: {  	v4 =	vperm.xlane v3, v0;
	_ =	sdelay $0x1  }
0x19b: {  	v3 =	vperm.xlane v3, v2;
	v4 =	vadd.s32 v1, v4;
	_ =	sdelay $0x1  }
0x19c: {  	v3 =	vadd.s32 v1, v3;
	_ =	sdelay $0x2  }
0x19d: {  	[tilespmem:s29], [sflag:$0x2] =	stream.indirect_vreg.gather [hbm4b:s3+s2], $0x80, v4, vm0, $0xb8;
	[tilespmem:$0xC280] =	vst v63  }
0x19e: {  	_ = 	snop  }
0x19f: {  	[tilespmem:s30], [sflag:$0x2] =	stream.indirect_vreg.gather [hbm4b:s3+s2], $0x80, v3, vm0, $0xb8;
	[tilespmem:$0xC280] =	vst v63  }
0x1a0: {  	_ =	swait.ge [sflag:s31], $0x6000  }
0x1a1: {  	[sflag:s31] =	ssyncset.done $0x0  }
0x1a2: {  	s0 =	rddreg [dreg:$0x9];
	[sflag:s31] =	ssyncadd.s32 $0xFFFFA000  }
0x1a3: {  	[hbm4b:s0+s2] =	stream.linear.scatter [tilespmem:s6], [sflag:$0x3], $0x6000, $0x38;
	[tilespmem:$0xC280] =	vst v63  }
0x1a4: {  	_ =	swait.ge [sflag:s5], $0x6000  }
0x1a5: {  	[sflag:s5] =	ssyncset.done $0x0  }
0x1a6: {  	[sflag:s5] =	ssyncadd.s32 $0xFFFFA000  }
0x1a7: {  	_ =	swait.ge [sflag:s1], $0x6000  }
0x1a8: {  	p0 =	sne.s32 s4, $0x1;
	[sflag:s1] =	ssyncset.done $0x0  }
.Ltmp0:
0x1a9: {  	s0 =	rddreg [dreg:$0xa];
	[sflag:s1] =	ssyncadd.s32 $0xFFFFA000;
	(pc) =	sbr.rel @p0 .LBB2_1-.Ltmp0, $4  }
0x1aa: {  	[hbm4b:s0+s2] =	stream.linear.scatter [tilespmem:s18], [sflag:$0x3], $0x6000, $0x38;
	[tilespmem:$0xC280] =	vst v63  }
0x1ab: {  	_ =	swait.ge [sflag:s5], $0x6000  }
0x1ac: {  	[sflag:s5] =	ssyncset.done $0x0  }
0x1ad: {  	s4 =	sadd.s32 $0xFFFFFFFF, s4;
	[sflag:s5] =	ssyncadd.s32 $0xFFFFA000  }
0x1ae: {  	_ =	sfence.sel $0x180000  }
0x1af: {  	[bflag:$0x0] =	sbarrier.arrive $0xFFFF  }
0x1b0: {  	_ =	strace $0x90000047  }
0x1b1: {  	s0 =	stileid.u32;
	[bflag:$0x2] =	sbarrier.arrive $0xFFFF  }
0x1b2: {  	p0 =	sne.s32 s0, $0x0;
	s0 =	rddreg [dreg:$0x3]  }
0x1b3: {  	s0 =	sadd.s32 @!p0 $0x100000, s0  }
0x1b4: {  	[sflag:s0] =	ssyncadd.tile.s32 @!p0 $0x1;
	_ =	shalt  }
.Lfunc_end2:
_tile_overlayer_lowered:
.L_overlay_start_2:
0x1b5: {  	(tag) =	ssettag $0x2  }
0x1b6: {  	s0 =	rddreg [dreg:$0x0];
	s2 =	stileid.u32  }
0x1b7: {  	s1 =	rddreg [dreg:$0x1];
	p0 =	sne.s32 s2, $0x0  }
0x1b8: {  	s3 =	rddreg [dreg:$0x2];
	[bflag:$0x3] =	sbarrier.arrive $0xFFFF;
	s2 =	simm.s32 @!p0 $0x1C03  }
0x1b9: {  	[timem:s3], [sflag:s2] =	dma.local @!p0 [hbm:s0], s1  }
0x1ba: {  	s0 =	simm.s32 @!p0 $0x3  }
0x1bb: {  	_ =	swait.ge @!p0 [sflag:s0], s1  }
0x1bc: {  	s1 =	ssub.s32 @!p0 $0x0, s1;
	[sflag:s0] =	ssyncset.done @!p0 $0x0  }
0x1bd: {  	[sflag:s0] =	ssyncadd.s32 @!p0 s1  }
0x1be: {  	[bflag:$0x3] =	sbarrier.arrive $0xFFFF  }
0x1bf: {  	_ =	shalt  }

// kernel: kernel.17.cloned.1.call-start
scs
__scs_entry_jumppad:
0x0: {  	(pc) =	sbr.rel $0x88, $3  }
0x1: {  	(tag) =	ssettag $0x0;
	lr =	simm.s32 $0x1  }
0x2: {  	[smem:$0x3F9F] =	sst lr;
	_ =	strace $0xD0000000  }
0x3: {  	_ = 	snop  }
0x4: {  	_ = 	snop  }
0x5: {  	_ = 	snop  }
0x6: {  	_ = 	snop  }
0x7: {  	_ = 	snop  }
__scs_overlays_trampoline_lowered:
0x8: {  	[smem:$0x3FAE] =	sst s0  }
0x9: {  	[smem:$0x3FAF] =	sst s1  }
0xa: {  	[smem:$0x3FB0] =	sst s2  }
0xb: {  	[smem:$0x3FB1] =	sst s3  }
0xc: {  	[smem:$0x3FB2] =	sst s4  }
0xd: {  	[smem:$0x3FB3] =	sst s5  }
0xe: {  	[smem:$0x3FB4] =	sst s6  }
0xf: {  	[smem:$0x3FB5] =	sst s7  }
0x10: {  	[smem:$0x3FB6] =	sst s8  }
0x11: {  	[smem:$0x3FB7] =	sst s9;
	s0 =	simm.s32 @!p0 $0x0  }
0x12: {  	s1 =	sld [smem:$0x3F9D];
	s0 =	simm.s32 @p0 $0x1  }
0x13: {  	[smem:$0x3FB8] =	sst s0;
	s0 =	simm.s32 @!p1 $0x0  }
0x14: {  	s2 =	sld [smem:$0x3F9C];
	s0 =	simm.s32 @p1 $0x1  }
0x15: {  	[smem:$0x3FB9] =	sst s0;
	s0 =	simm.s32 @!p2 $0x0  }
0x16: {  	s3 =	sld [smem:$0x3FDB];
	s0 =	simm.s32 @p2 $0x1  }
0x17: {  	s4 =	simm.s32 $0x1BF5;
	[smem:$0x3FBB] =	sst s0  }
0x18: {  	s0 =	sld [smem:$0x3F9E];
	_ =	swait.ge [sflag:s4], $0x0  }
0x19: {  	s7 =	sld [smem:$0x3F9F]  }
0x1a: {  	s8 =	sadd.s32 $0xFFFFE003, lr  }
0x1b: {  	s9 =	sadd.s32 $0xFFFFFEF7, lr;
	s5 =	simm.s32 $0xFFFFFFFF;
	p2 =	slt.u32 s8, $0xFFFFF086  }
0x1c: {  	p1 =	slt.u32 s9, $0xF7A;
	s5 =	simm.s32 @!p2 $0x0  }
0x1d: {  	s5 =	simm.s32 @p1 $0x1;
	p0 =	seq.s32 s7, s2  }
0x1e: {  	s7 =	smul.u32 @!p0 $0xF7A, s2;
	p2 =	seq.s32 @!p0 s5, $0x0  }
0x1f: {  	s9 =	smul.u32 $0xF7A, s1;
	s8 =	simm.s32 @!p0 $0x1BF5;
	p2 =	por !p2, p0  }
0x20: {  	[sflag:s8] =	ssyncset.s32 @!p0 $0xFFFFF086;
	s6 =	sadd.s32 @!p0 s3, s7;
	s7 =	simm.s32 @!p0 $0x108  }
0x21: {  	s3 =	sadd.s32 s3, s9;
	s6 =	sadd.s32 @!p0 $0x88, s6;
	s7 =	simm.s32 @p2 $0x1082  }
0x22: {  	[simem:s7], [sflag:s8] =	dma.local @!p0 [hbm:s6], $0xF7A  }
0x23: {  	s9 =	sor.u32 $0xD0000000, s2;
	s6 =	simm.s32 $0x108;
	_ =	swait.ge @!p0 [sflag:s8], $0x0  }
0x24: {  	s3 =	sadd.s32 $0x88, s3;
	s6 =	simm.s32 @!p1 $0x1082;
	[sflag:s4] =	ssyncset.s32 $0xFFFFF086  }
0x25: {  	[simem:s6], [sflag:s4] =	dma.local [hbm:s3], $0xF7A  }
0x26: {  	[smem:$0x3F9F] =	sst s1;
	(tag) =	ssettag s2;
	_ =	strace s9  }
0x27: {  	s1 =	sld [smem:$0x3FAF]  }
0x28: {  	s2 =	sld [smem:$0x3FB0]  }
0x29: {  	s4 =	sld [smem:$0x3FB2]  }
0x2a: {  	p0 =	seq.s32 s5, $0x0;
	s5 =	sld [smem:$0x3FB3]  }
0x2b: {  	s6 =	sld [smem:$0x3FB4]  }
0x2c: {  	s7 =	sld [smem:$0x3FB5]  }
0x2d: {  	s3 =	simm.s32 $0x108;
	s8 =	sld [smem:$0x3FB6]  }
0x2e: {  	s3 =	simm.s32 @!p0 $0x1082;
	s9 =	sld [smem:$0x3FB7]  }
0x2f: {  	lr =	sadd.s32 s0, s3;
	s0 =	sld [smem:$0x3FAE]  }
0x30: {  	s3 =	sld [smem:$0x3FB1]  }
0x31: {  	[smem:$0x3FBA] =	sst s10  }
0x32: {  	s10 =	sld [smem:$0x3FB8];
	_ =	sdelay $0x3  }
0x33: {  	p0 =	seq.s32 s10, $0x1;
	s10 =	sld [smem:$0x3FBA];
	_ =	sdelay $0x3  }
0x34: {  	[smem:$0x3FBA] =	sst s10  }
0x35: {  	s10 =	sld [smem:$0x3FB9];
	_ =	sdelay $0x3  }
0x36: {  	p1 =	seq.s32 s10, $0x1;
	s10 =	sld [smem:$0x3FBA];
	_ =	sdelay $0x3  }
0x37: {  	[smem:$0x3FBA] =	sst s10  }
0x38: {  	s10 =	sld [smem:$0x3FBB]  }
0x39: {  	_ = 	snop;
	(pc) =	sbr.ind lr, $3  }
0x3a: {  	_ = 	snop  }
0x3b: {  	_ = 	snop  }
0x3c: {  	p2 =	seq.s32 s10, $0x1;
	s10 =	sld [smem:$0x3FBA]  }
0x3d: {  	_ =	shalt  }
0x3e: {  	_ =	shalt  }
0x3f: {  	_ =	shalt  }
0x40: {  	_ =	shalt  }
0x41: {  	_ =	shalt  }
0x42: {  	_ =	shalt  }
0x43: {  	_ =	shalt  }
0x44: {  	_ =	shalt  }
0x45: {  	_ =	shalt  }
0x46: {  	_ =	shalt  }
0x47: {  	_ =	shalt  }
0x48: {  	_ =	shalt  }
0x49: {  	_ =	shalt  }
0x4a: {  	_ =	shalt  }
0x4b: {  	_ =	shalt  }
0x4c: {  	_ =	shalt  }
0x4d: {  	_ =	shalt  }
0x4e: {  	_ =	shalt  }
0x4f: {  	_ =	shalt  }
0x50: {  	_ =	shalt  }
0x51: {  	_ =	shalt  }
0x52: {  	_ =	shalt  }
0x53: {  	_ =	shalt  }
0x54: {  	_ =	shalt  }
0x55: {  	_ =	shalt  }
0x56: {  	_ =	shalt  }
0x57: {  	_ =	shalt  }
0x58: {  	_ =	shalt  }
0x59: {  	_ =	shalt  }
0x5a: {  	_ =	shalt  }
0x5b: {  	_ =	shalt  }
0x5c: {  	_ =	shalt  }
0x5d: {  	_ =	shalt  }
0x5e: {  	_ =	shalt  }
0x5f: {  	_ =	shalt  }
0x60: {  	_ =	shalt  }
0x61: {  	_ =	shalt  }
0x62: {  	_ =	shalt  }
0x63: {  	_ =	shalt  }
0x64: {  	_ =	shalt  }
0x65: {  	_ =	shalt  }
0x66: {  	_ =	shalt  }
0x67: {  	_ =	shalt  }
0x68: {  	_ =	shalt  }
0x69: {  	_ =	shalt  }
0x6a: {  	_ =	shalt  }
0x6b: {  	_ =	shalt  }
0x6c: {  	_ =	shalt  }
0x6d: {  	_ =	shalt  }
0x6e: {  	_ =	shalt  }
0x6f: {  	_ =	shalt  }
0x70: {  	_ =	shalt  }
0x71: {  	_ =	shalt  }
0x72: {  	_ =	shalt  }
0x73: {  	_ =	shalt  }
0x74: {  	_ =	shalt  }
0x75: {  	_ =	shalt  }
0x76: {  	_ =	shalt  }
0x77: {  	_ =	shalt  }
0x78: {  	_ =	shalt  }
0x79: {  	_ =	shalt  }
0x7a: {  	_ =	shalt  }
0x7b: {  	_ =	shalt  }
0x7c: {  	_ =	shalt  }
0x7d: {  	_ =	shalt  }
0x7e: {  	_ =	shalt  }
0x7f: {  	_ =	shalt  }
0x80: {  	_ =	shalt  }
0x81: {  	_ =	shalt  }
0x82: {  	_ =	shalt  }
0x83: {  	_ =	shalt  }
0x84: {  	_ =	shalt  }
0x85: {  	_ =	shalt  }
0x86: {  	_ =	shalt  }
0x87: {  	_ =	shalt  }
.Lfunc_end0:
.L_simem_size_0:
called_computation.1_lowered:
.L_overlay_start_0:
0x88: {  	s2 =	sld [smem:$0x3FD9]  }
0x89: {  	s3 =	sld [smem:$0x3FFE];
	_ =	sdelay $0x1  }
0x8a: {  	s1 =	srdreg.scid  }
0x8b: {  	s0 =	sand.u32 $0x1, s1  }
0x8c: {  	s16 =	sshll.u32 s0, $0xA;
	s2 =	sadd.s32 s3, s2  }
0x8d: {  	s2 =	sadd.s32 s2, s16  }
0x8e: {  	[smem:$0x3FC6] =	sst s2  }
0x8f: {  	_ = 	snop  }
0x90: {  	(tm) =	ssettm $0x1  }
0x91: {  	s17 =	sld [smem:$0x3FFB];
	_ =	sdelay $0x3  }
0x92: {  	_ =	strace s17  }
0x93: {  	s2 =	sld [smem:$0x3FFC];
	_ =	sdelay $0x3  }
0x94: {  	_ =	strace s2  }
0x95: {  	s2 =	sld [smem:$0x3FFD];
	_ =	sdelay $0x3  }
0x96: {  	_ =	strace s2  }
0x97: {  	_ =	strace $0x8FFFFFFF  }
0x98: {  	s18 =	sld [smem:$0x3FDB];
	_ =	sdelay $0x1  }
0x99: {  	s19 =	simm.s32 $_scs_section_size  }
0x9a: {  	s4 =	simm.s32 $_size__tile_overlayer_lowered;
	s5 =	simm.s32 $_tile_overlayer_lowered  }
0x9b: {  	s22 =	simm.s32 $0x1BFF;
	s21 =	sshll.u32 s5, $0x1;
	s2 =	sadd.s32 s19, s18  }
0x9c: {  	s6 =	simm.s32 $0x0;
	s20 =	sshll.u32 s4, $0x1;
	s4 =	sadd.s32 s21, s2  }
0x9d: {  	[timem:s6], [sflag:s22] =	dma.local [hbm:s4], s20  }
0x9e: {  	_ =	swait.ge [sflag:s22], s20  }
0x9f: {  	s3 =	ssub.s32 $0x0, s20;
	[sflag:s22] =	ssyncset.done $0x0  }
0xa0: {  	[sflag:s22] =	ssyncadd.s32 s3;
	_ =	sdelay $0x1  }
0xa1: {  	s23 =	simm.s32 $0x1B8B  }
0xa2: {  	_ =	swait.ge [sflag:s23], $0x1  }
0xa3: {  	[sflag:s23] =	ssyncset.done $0x0  }
0xa4: {  	s25 =	simm.s32 $0x1B8E;
	s24 =	sld [smem:$0x3FFE];
	[sflag:s23] =	ssyncadd.s32 $0xFFFFFFFF  }
0xa5: {  	s26 =	simm.s32 $execute0_lowered;
	[smem:$0x3FD2] =	sst s25  }
0xa6: {  	s4 =	sshll.u32 s26, $0x1;
	_ =	strace $0x80000049;
	[dreg:$0x1] =	wrdreg $0xFFFFFFFF  }
0xa7: {  	s28 =	simm.s32 $_size_execute0_lowered;
	s2 =	sadd.s32 s2, s4;
	[dreg:$0x0] =	wrdreg $0x0  }
0xa8: {  	s4 =	sshll.u32 s28, $0x1;
	[dreg:$0x2] =	wrdreg s2  }
0xa9: {  	[dreg:$0x3] =	wrdreg s4  }
0xaa: {  	[dreg:$0x4] =	wrdreg $0xC0  }
0xab: {  	_ =	task [dreg:s6], $0x5FFFF  }
0xac: {  	[dreg:$0x1] =	wrdreg $0xFFFFFFFF  }
0xad: {  	[dreg:$0x0] =	wrdreg $0x60  }
0xae: {  	[dreg:$0x2] =	wrdreg s24  }
0xaf: {  	[dreg:$0x3] =	wrdreg $0x9  }
0xb0: {  	_ =	task.clear_ibuf [dreg:s6], $0x4FFFF;
	_ =	strace $0x90000049  }
0xb1: {  	s29 =	simm.s32 $0x9;
	_ =	strace $0x8000004B  }
0xb2: {  	_ =	swait.ge [sflag:s29], $0x1  }
0xb3: {  	[sflag:s29] =	ssyncadd.s32 $0xFFFFFFFF  }
0xb4: {  	_ =	strace $0x9000004B  }
0xb5: {  	_ =	sfence  }
0xb6: {  	s30 =	sld [smem:$0x0];
	_ =	sdelay $0x2  }
0xb7: {  	s31 =	sshll.u32 s1, $0xD;
	s1 =	sshrl.u32 s1, $0x2  }
0xb8: {  	s3 =	sand.u32 $0x4000, s31;
	s1 =	sadd.s32 s1, s30  }
0xb9: {  	s0 =	sor.u32 s3, s0;
	s1 =	sshll.u32 s1, $0x11  }
0xba: {  	s0 =	sor.u32 s1, s0  }
0xbb: {  	s0 =	sadd.s32 $0x8F2B, s0  }
0xbc: {  	[sflag:s0] =	ssyncadd.remote.s32 $0x1  }
0xbd: {  	_ =	sfence.sel $0xFFFF  }
0xbe: {  	[dreg:$0x0] =	wrdreg $0xFFFFFFFF;
	(pc) =	sbr.abs _section_cstart, $3  }
0xbf: {  	[dreg:$0x1] =	wrdreg $0xFFFFFFFF  }
0xc0: {  	_ =	task.clear_ibuf [dreg:s6], $0x2FFFF;
	_ =	strace $0x9FFFFFFF  }
0xc1: {  	(tm) =	ssettm $0x7FFFFFFF  }
tec
execute0_lowered:
.L_overlay_start_1:
0x0: {  	(tag) =	ssettag $0x1  }
0x1: {  	s1 =	srdreg.scid;
	s0 =	stileid.u32  }
0x2: {  	s3 =	rddreg [dreg:$0x0];
	s8 =	simm.s32 $0x1280;
	s9 =	simm.s32 $0x1A80  }
0x3: {  	s10 =	simm.s32 $0x2280;
	s11 =	simm.s32 $0x2A80;
	s12 =	simm.s32 $0x3280  }
0x4: {  	s13 =	simm.s32 $0x3A80;
	s14 =	simm.s32 $0x4280;
	s15 =	simm.s32 $0x4A80  }
0x5: {  	s16 =	simm.s32 $0x5280;
	s17 =	simm.s32 $0x5A80;
	s18 =	simm.s32 $0x6280  }
0x6: {  	s19 =	simm.s32 $0x6A80;
	s28 =	simm.s32 $0xAA80;
	s29 =	simm.s32 $0xB280  }
0x7: {  	s30 =	simm.s32 $0xBA80;
	s1 =	sand.u32 $0x1, s1;
	s2 =	sshll.u32 s0, $0x1  }
0x8: {  	s31 =	simm.s32 $0x1;
	s7 =	sadd.s32 $0x162800, s3;
	s4 =	sor.u32 s1, s2  }
0x9: {  	s2 =	simm.s32 $0x0;
	s1 =	ssub.s32 $0x2, s1;
	s5 =	smul.u32 $0x48, s4  }
0xa: {  	[smem:$0x7FF] =	sst s2;
	s6 =	smul.u32 $0x24000, s4;
	s24 =	sshrl.u32 s1, $0x1  }
0xb: {  	s4 =	smul.u32 $0x4800, s4;
	_ =	strace $0x8000004A;
	s1 =	ssub.s32 s1, s24  }
0xc: {  	s24 =	simm.s32 $0x9280;
	s5 =	sadd.s32 s5, s3;
	s6 =	sshrl.u32 s6, $0x3  }
0xd: {  	s4 =	sadd.s32 s7, s4;
	s3 =	sadd.s32 $0x42800, s3;
	s5 =	sadd.s32 $0x102800, s5  }
0xe: {  	s20 =	sadd.s32 s7, s6;
	[dreg:$0x3] =	wrdreg s4;
	s4 =	smax.u32 s1, $0x1  }
0xf: {  	s6 =	simm.s32 $0x280;
	[dreg:$0x2] =	wrdreg s5;
	s21 =	sadd.s32 $0xC00, s20  }
0x10: {  	s7 =	simm.s32 $0xA80;
	s22 =	sadd.s32 $0x1800, s20;
	[dreg:$0x4] =	wrdreg s21  }
0x11: {  	s1 =	simm.s32 $0x2;
	s23 =	sadd.s32 $0x2400, s20;
	[dreg:$0x5] =	wrdreg s22  }
0x12: {  	s25 =	sadd.s32 $0x3000, s20;
	s26 =	sadd.s32 $0x3C00, s20;
	[dreg:$0x6] =	wrdreg s23  }
0x13: {  	v2 =	vlaneseq.u32;
	s5 =	simm.s32 $0x3;
	s20 =	simm.s32 $0x7280;
	[dreg:$0x7] =	wrdreg s25  }
0x14: {  	vm0 =	vmmov $0xffff;
	v1 =	vshrl.u32 v2, $0x3;
	[dreg:$0x8] =	wrdreg s26;
	s21 =	simm.s32 $0x7A80;
	s22 =	simm.s32 $0x8280  }
0x15: {  	v0 =	vand.u32 $0x7, v2;
	v2 =	vor.u32 $0x8, v2;
	v1 =	vmul.u32 $0x8, v1;
	s23 =	simm.s32 $0x8A80;
	s25 =	simm.s32 $0x9A80;
	s26 =	simm.s32 $0xA280  }
.LBB2_1:
0x16: {  	s0 =	rddreg [dreg:$0x2]  }
0x17: {  	[tilespmem:s2], [sflag:$0x3] =	stream.linear.gather [hbm4b:s0+s2], $0x240, $0x38;
	[tilespmem:$0xC280] =	vst v63  }
0x18: {  	_ =	swait.ge [sflag:s5], $0x240  }
0x19: {  	[sflag:s5] =	ssyncset.done $0x0  }
0x1a: {  	[sflag:s5] =	ssyncadd.s32 $0xFFFFFDC0  }
0x1b: {  	v3 =	vld [tilespmem:$0x0];
	_ =	sdelay $0x4  }
0x1c: {  	v4 =	vshll.u32 v3, $0x1  }
0x1d: {  	v3 =	vand.u32 $0x7, v3;
	v4 =	vand.u32 $0xFFFFFFF0, v4  }
0x1e: {  	v3 =	vor.u32 v3, v4  }
0x1f: {  	v4 =	vperm.xlane v3, v0;
	_ =	sdelay $0x1  }
0x20: {  	v3 =	vperm.xlane v3, v2;
	v4 =	vadd.s32 v1, v4;
	_ =	sdelay $0x1  }
0x21: {  	v3 =	vadd.s32 v1, v3;
	_ =	sdelay $0x2  }
0x22: {  	[tilespmem:s6], [sflag:$0x1] =	stream.indirect_vreg.gather [hbm4b:s3+s2], $0x80, v4, vm0, $0xb8;
	[tilespmem:$0xC280] =	vst v63  }
0x23: {  	_ = 	snop  }
0x24: {  	[tilespmem:s7], [sflag:$0x1] =	stream.indirect_vreg.gather [hbm4b:s3+s2], $0x80, v3, vm0, $0xb8;
	[tilespmem:$0xC280] =	vst v63  }
0x25: {  	v3 =	vld [tilespmem:$0x10];
	_ =	sdelay $0x4  }
0x26: {  	v29 =	vshll.u32 v3, $0x1  }
0x27: {  	v3 =	vand.u32 $0x7, v3;
	v4 =	vand.u32 $0xFFFFFFF0, v29  }
0x28: {  	v3 =	vor.u32 v3, v4  }
0x29: {  	v4 =	vperm.xlane v3, v0;
	_ =	sdelay $0x1  }
0x2a: {  	v3 =	vperm.xlane v3, v2;
	v4 =	vadd.s32 v1, v4;
	_ =	sdelay $0x1  }
0x2b: {  	v3 =	vadd.s32 v1, v3;
	_ =	sdelay $0x2  }
0x2c: {  	[tilespmem:s8], [sflag:$0x1] =	stream.indirect_vreg.gather [hbm4b:s3+s2], $0x80, v4, vm0, $0xb8;
	[tilespmem:$0xC280] =	vst v63  }
0x2d: {  	_ = 	snop  }
0x2e: {  	[tilespmem:s9], [sflag:$0x1] =	stream.indirect_vreg.gather [hbm4b:s3+s2], $0x80, v3, vm0, $0xb8;
	[tilespmem:$0xC280] =	vst v63  }
0x2f: {  	v3 =	vld [tilespmem:$0x20];
	_ =	sdelay $0x4  }
0x30: {  	v30 =	vshll.u32 v3, $0x1  }
0x31: {  	v3 =	vand.u32 $0x7, v3;
	v4 =	vand.u32 $0xFFFFFFF0, v30  }
0x32: {  	v3 =	vor.u32 v3, v4  }
0x33: {  	v4 =	vperm.xlane v3, v0;
	_ =	sdelay $0x1  }
0x34: {  	v3 =	vperm.xlane v3, v2;
	v4 =	vadd.s32 v1, v4;
	_ =	sdelay $0x1  }
0x35: {  	v3 =	vadd.s32 v1, v3;
	_ =	sdelay $0x2  }
0x36: {  	[tilespmem:s10], [sflag:$0x1] =	stream.indirect_vreg.gather [hbm4b:s3+s2], $0x80, v4, vm0, $0xb8;
	[tilespmem:$0xC280] =	vst v63  }
0x37: {  	_ = 	snop  }
0x38: {  	[tilespmem:s11], [sflag:$0x1] =	stream.indirect_vreg.gather [hbm4b:s3+s2], $0x80, v3, vm0, $0xb8;
	[tilespmem:$0xC280] =	vst v63  }
0x39: {  	v3 =	vld [tilespmem:$0x30];
	_ =	sdelay $0x4  }
0x3a: {  	v31 =	vshll.u32 v3, $0x1  }
0x3b: {  	v3 =	vand.u32 $0x7, v3;
	v4 =	vand.u32 $0xFFFFFFF0, v31  }
0x3c: {  	v3 =	vor.u32 v3, v4  }
0x3d: {  	v4 =	vperm.xlane v3, v0;
	_ =	sdelay $0x1  }
0x3e: {  	v3 =	vperm.xlane v3, v2;
	v4 =	vadd.s32 v1, v4;
	_ =	sdelay $0x1  }
0x3f: {  	v3 =	vadd.s32 v1, v3;
	_ =	sdelay $0x2  }
0x40: {  	[tilespmem:s12], [sflag:$0x1] =	stream.indirect_vreg.gather [hbm4b:s3+s2], $0x80, v4, vm0, $0xb8;
	[tilespmem:$0xC280] =	vst v63  }
0x41: {  	_ = 	snop  }
0x42: {  	[tilespmem:s13], [sflag:$0x1] =	stream.indirect_vreg.gather [hbm4b:s3+s2], $0x80, v3, vm0, $0xb8;
	[tilespmem:$0xC280] =	vst v63  }
0x43: {  	v3 =	vld [tilespmem:$0x40];
	_ =	sdelay $0x4  }
0x44: {  	v32 =	vshll.u32 v3, $0x1  }
0x45: {  	v3 =	vand.u32 $0x7, v3;
	v4 =	vand.u32 $0xFFFFFFF0, v32  }
0x46: {  	v3 =	vor.u32 v3, v4  }
0x47: {  	v4 =	vperm.xlane v3, v0;
	_ =	sdelay $0x1  }
0x48: {  	v3 =	vperm.xlane v3, v2;
	v4 =	vadd.s32 v1, v4;
	_ =	sdelay $0x1  }
0x49: {  	v3 =	vadd.s32 v1, v3;
	_ =	sdelay $0x2  }
0x4a: {  	[tilespmem:s14], [sflag:$0x1] =	stream.indirect_vreg.gather [hbm4b:s3+s2], $0x80, v4, vm0, $0xb8;
	[tilespmem:$0xC280] =	vst v63  }
0x4b: {  	_ = 	snop  }
0x4c: {  	[tilespmem:s15], [sflag:$0x1] =	stream.indirect_vreg.gather [hbm4b:s3+s2], $0x80, v3, vm0, $0xb8;
	[tilespmem:$0xC280] =	vst v63  }
0x4d: {  	v3 =	vld [tilespmem:$0x50];
	_ =	sdelay $0x4  }
0x4e: {  	v33 =	vshll.u32 v3, $0x1  }
0x4f: {  	v3 =	vand.u32 $0x7, v3;
	v4 =	vand.u32 $0xFFFFFFF0, v33  }
0x50: {  	v3 =	vor.u32 v3, v4  }
0x51: {  	v4 =	vperm.xlane v3, v0;
	_ =	sdelay $0x1  }
0x52: {  	v3 =	vperm.xlane v3, v2;
	v4 =	vadd.s32 v1, v4;
	_ =	sdelay $0x1  }
0x53: {  	v3 =	vadd.s32 v1, v3;
	_ =	sdelay $0x2  }
0x54: {  	[tilespmem:s16], [sflag:$0x1] =	stream.indirect_vreg.gather [hbm4b:s3+s2], $0x80, v4, vm0, $0xb8;
	[tilespmem:$0xC280] =	vst v63  }
0x55: {  	_ = 	snop  }
0x56: {  	[tilespmem:s17], [sflag:$0x1] =	stream.indirect_vreg.gather [hbm4b:s3+s2], $0x80, v3, vm0, $0xb8;
	[tilespmem:$0xC280] =	vst v63  }
0x57: {  	v3 =	vld [tilespmem:$0x60];
	_ =	sdelay $0x4  }
0x58: {  	v34 =	vshll.u32 v3, $0x1  }
0x59: {  	v3 =	vand.u32 $0x7, v3;
	v4 =	vand.u32 $0xFFFFFFF0, v34  }
0x5a: {  	v3 =	vor.u32 v3, v4  }
0x5b: {  	v4 =	vperm.xlane v3, v0;
	_ =	sdelay $0x1  }
0x5c: {  	v3 =	vperm.xlane v3, v2;
	v4 =	vadd.s32 v1, v4;
	_ =	sdelay $0x1  }
0x5d: {  	v3 =	vadd.s32 v1, v3;
	_ =	sdelay $0x2  }
0x5e: {  	[tilespmem:s18], [sflag:$0x2] =	stream.indirect_vreg.gather [hbm4b:s3+s2], $0x80, v4, vm0, $0xb8;
	[tilespmem:$0xC280] =	vst v63  }
0x5f: {  	_ = 	snop  }
0x60: {  	[tilespmem:s19], [sflag:$0x2] =	stream.indirect_vreg.gather [hbm4b:s3+s2], $0x80, v3, vm0, $0xb8;
	[tilespmem:$0xC280] =	vst v63  }
0x61: {  	v3 =	vld [tilespmem:$0x70];
	_ =	sdelay $0x4  }
0x62: {  	v35 =	vshll.u32 v3, $0x1  }
0x63: {  	v3 =	vand.u32 $0x7, v3;
	v4 =	vand.u32 $0xFFFFFFF0, v35  }
0x64: {  	v3 =	vor.u32 v3, v4  }
0x65: {  	v4 =	vperm.xlane v3, v0;
	_ =	sdelay $0x1  }
0x66: {  	v3 =	vperm.xlane v3, v2;
	v4 =	vadd.s32 v1, v4;
	_ =	sdelay $0x1  }
0x67: {  	v3 =	vadd.s32 v1, v3;
	_ =	sdelay $0x2  }
0x68: {  	[tilespmem:s20], [sflag:$0x2] =	stream.indirect_vreg.gather [hbm4b:s3+s2], $0x80, v4, vm0, $0xb8;
	[tilespmem:$0xC280] =	vst v63  }
0x69: {  	_ = 	snop  }
0x6a: {  	[tilespmem:s21], [sflag:$0x2] =	stream.indirect_vreg.gather [hbm4b:s3+s2], $0x80, v3, vm0, $0xb8;
	[tilespmem:$0xC280] =	vst v63  }
0x6b: {  	v3 =	vld [tilespmem:$0x80];
	_ =	sdelay $0x4  }
0x6c: {  	v36 =	vshll.u32 v3, $0x1  }
0x6d: {  	v3 =	vand.u32 $0x7, v3;
	v4 =	vand.u32 $0xFFFFFFF0, v36  }
0x6e: {  	v3 =	vor.u32 v3, v4  }
0x6f: {  	v4 =	vperm.xlane v3, v0;
	_ =	sdelay $0x1  }
0x70: {  	v3 =	vperm.xlane v3, v2;
	v4 =	vadd.s32 v1, v4;
	_ =	sdelay $0x1  }
0x71: {  	v3 =	vadd.s32 v1, v3;
	_ =	sdelay $0x2  }
0x72: {  	[tilespmem:s22], [sflag:$0x2] =	stream.indirect_vreg.gather [hbm4b:s3+s2], $0x80, v4, vm0, $0xb8;
	[tilespmem:$0xC280] =	vst v63  }
0x73: {  	_ = 	snop  }
0x74: {  	[tilespmem:s23], [sflag:$0x2] =	stream.indirect_vreg.gather [hbm4b:s3+s2], $0x80, v3, vm0, $0xb8;
	[tilespmem:$0xC280] =	vst v63  }
0x75: {  	v3 =	vld [tilespmem:$0x90];
	_ =	sdelay $0x4  }
0x76: {  	v37 =	vshll.u32 v3, $0x1  }
0x77: {  	v3 =	vand.u32 $0x7, v3;
	v4 =	vand.u32 $0xFFFFFFF0, v37  }
0x78: {  	v3 =	vor.u32 v3, v4  }
0x79: {  	v4 =	vperm.xlane v3, v0;
	_ =	sdelay $0x1  }
0x7a: {  	v3 =	vperm.xlane v3, v2;
	v4 =	vadd.s32 v1, v4;
	_ =	sdelay $0x1  }
0x7b: {  	v3 =	vadd.s32 v1, v3;
	_ =	sdelay $0x2  }
0x7c: {  	[tilespmem:s24], [sflag:$0x2] =	stream.indirect_vreg.gather [hbm4b:s3+s2], $0x80, v4, vm0, $0xb8;
	[tilespmem:$0xC280] =	vst v63  }
0x7d: {  	_ = 	snop  }
0x7e: {  	[tilespmem:s25], [sflag:$0x2] =	stream.indirect_vreg.gather [hbm4b:s3+s2], $0x80, v3, vm0, $0xb8;
	[tilespmem:$0xC280] =	vst v63  }
0x7f: {  	v3 =	vld [tilespmem:$0xA0];
	_ =	sdelay $0x4  }
0x80: {  	v38 =	vshll.u32 v3, $0x1  }
0x81: {  	v3 =	vand.u32 $0x7, v3;
	v4 =	vand.u32 $0xFFFFFFF0, v38  }
0x82: {  	v3 =	vor.u32 v3, v4  }
0x83: {  	v4 =	vperm.xlane v3, v0;
	_ =	sdelay $0x1  }
0x84: {  	v3 =	vperm.xlane v3, v2;
	v4 =	vadd.s32 v1, v4;
	_ =	sdelay $0x1  }
0x85: {  	v3 =	vadd.s32 v1, v3;
	_ =	sdelay $0x2  }
0x86: {  	[tilespmem:s26], [sflag:$0x2] =	stream.indirect_vreg.gather [hbm4b:s3+s2], $0x80, v4, vm0, $0xb8;
	[tilespmem:$0xC280] =	vst v63  }
0x87: {  	_ = 	snop  }
0x88: {  	[tilespmem:s28], [sflag:$0x2] =	stream.indirect_vreg.gather [hbm4b:s3+s2], $0x80, v3, vm0, $0xb8;
	[tilespmem:$0xC280] =	vst v63  }
0x89: {  	v3 =	vld [tilespmem:$0xB0];
	_ =	sdelay $0x4  }
0x8a: {  	v39 =	vshll.u32 v3, $0x1  }
0x8b: {  	v3 =	vand.u32 $0x7, v3;
	v4 =	vand.u32 $0xFFFFFFF0, v39  }
0x8c: {  	v3 =	vor.u32 v3, v4  }
0x8d: {  	v4 =	vperm.xlane v3, v0;
	_ =	sdelay $0x1  }
0x8e: {  	v3 =	vperm.xlane v3, v2;
	v4 =	vadd.s32 v1, v4;
	_ =	sdelay $0x1  }
0x8f: {  	v3 =	vadd.s32 v1, v3;
	_ =	sdelay $0x2  }
0x90: {  	[tilespmem:s29], [sflag:$0x2] =	stream.indirect_vreg.gather [hbm4b:s3+s2], $0x80, v4, vm0, $0xb8;
	[tilespmem:$0xC280] =	vst v63  }
0x91: {  	_ = 	snop  }
0x92: {  	[tilespmem:s30], [sflag:$0x2] =	stream.indirect_vreg.gather [hbm4b:s3+s2], $0x80, v3, vm0, $0xb8;
	[tilespmem:$0xC280] =	vst v63  }
0x93: {  	_ =	swait.ge [sflag:s31], $0x6000  }
0x94: {  	[sflag:s31] =	ssyncset.done $0x0  }
0x95: {  	s0 =	rddreg [dreg:$0x3];
	[sflag:s31] =	ssyncadd.s32 $0xFFFFA000  }
0x96: {  	[hbm4b:s0+s2] =	stream.linear.scatter [tilespmem:s6], [sflag:$0x3], $0x6000, $0x38;
	[tilespmem:$0xC280] =	vst v63  }
0x97: {  	_ =	swait.ge [sflag:s5], $0x6000  }
0x98: {  	[sflag:s5] =	ssyncset.done $0x0  }
0x99: {  	[sflag:s5] =	ssyncadd.s32 $0xFFFFA000  }
0x9a: {  	v3 =	vld [tilespmem:$0xC0];
	_ =	sdelay $0x4  }
0x9b: {  	v40 =	vshll.u32 v3, $0x1  }
0x9c: {  	v3 =	vand.u32 $0x7, v3;
	v4 =	vand.u32 $0xFFFFFFF0, v40  }
0x9d: {  	v3 =	vor.u32 v3, v4  }
0x9e: {  	v4 =	vperm.xlane v3, v0;
	_ =	sdelay $0x1  }
0x9f: {  	v3 =	vperm.xlane v3, v2;
	v4 =	vadd.s32 v1, v4;
	_ =	sdelay $0x1  }
0xa0: {  	v3 =	vadd.s32 v1, v3;
	_ =	sdelay $0x2  }
0xa1: {  	[tilespmem:s6], [sflag:$0x1] =	stream.indirect_vreg.gather [hbm4b:s3+s2], $0x80, v4, vm0, $0xb8;
	[tilespmem:$0xC280] =	vst v63  }
0xa2: {  	_ = 	snop  }
0xa3: {  	[tilespmem:s7], [sflag:$0x1] =	stream.indirect_vreg.gather [hbm4b:s3+s2], $0x80, v3, vm0, $0xb8;
	[tilespmem:$0xC280] =	vst v63  }
0xa4: {  	v3 =	vld [tilespmem:$0xD0];
	_ =	sdelay $0x4  }
0xa5: {  	v41 =	vshll.u32 v3, $0x1  }
0xa6: {  	v3 =	vand.u32 $0x7, v3;
	v4 =	vand.u32 $0xFFFFFFF0, v41  }
0xa7: {  	v3 =	vor.u32 v3, v4  }
0xa8: {  	v4 =	vperm.xlane v3, v0;
	_ =	sdelay $0x1  }
0xa9: {  	v3 =	vperm.xlane v3, v2;
	v4 =	vadd.s32 v1, v4;
	_ =	sdelay $0x1  }
0xaa: {  	v3 =	vadd.s32 v1, v3;
	_ =	sdelay $0x2  }
0xab: {  	[tilespmem:s8], [sflag:$0x1] =	stream.indirect_vreg.gather [hbm4b:s3+s2], $0x80, v4, vm0, $0xb8;
	[tilespmem:$0xC280] =	vst v63  }
0xac: {  	_ = 	snop  }
0xad: {  	[tilespmem:s9], [sflag:$0x1] =	stream.indirect_vreg.gather [hbm4b:s3+s2], $0x80, v3, vm0, $0xb8;
	[tilespmem:$0xC280] =	vst v63  }
0xae: {  	v3 =	vld [tilespmem:$0xE0];
	_ =	sdelay $0x4  }
0xaf: {  	v42 =	vshll.u32 v3, $0x1  }
0xb0: {  	v3 =	vand.u32 $0x7, v3;
	v4 =	vand.u32 $0xFFFFFFF0, v42  }
0xb1: {  	v3 =	vor.u32 v3, v4  }
0xb2: {  	v4 =	vperm.xlane v3, v0;
	_ =	sdelay $0x1  }
0xb3: {  	v3 =	vperm.xlane v3, v2;
	v4 =	vadd.s32 v1, v4;
	_ =	sdelay $0x1  }
0xb4: {  	v3 =	vadd.s32 v1, v3;
	_ =	sdelay $0x2  }
0xb5: {  	[tilespmem:s10], [sflag:$0x1] =	stream.indirect_vreg.gather [hbm4b:s3+s2], $0x80, v4, vm0, $0xb8;
	[tilespmem:$0xC280] =	vst v63  }
0xb6: {  	_ = 	snop  }
0xb7: {  	[tilespmem:s11], [sflag:$0x1] =	stream.indirect_vreg.gather [hbm4b:s3+s2], $0x80, v3, vm0, $0xb8;
	[tilespmem:$0xC280] =	vst v63  }
0xb8: {  	v3 =	vld [tilespmem:$0xF0];
	_ =	sdelay $0x4  }
0xb9: {  	v43 =	vshll.u32 v3, $0x1  }
0xba: {  	v3 =	vand.u32 $0x7, v3;
	v4 =	vand.u32 $0xFFFFFFF0, v43  }
0xbb: {  	v3 =	vor.u32 v3, v4  }
0xbc: {  	v4 =	vperm.xlane v3, v0;
	_ =	sdelay $0x1  }
0xbd: {  	v3 =	vperm.xlane v3, v2;
	v4 =	vadd.s32 v1, v4;
	_ =	sdelay $0x1  }
0xbe: {  	v3 =	vadd.s32 v1, v3;
	_ =	sdelay $0x2  }
0xbf: {  	[tilespmem:s12], [sflag:$0x1] =	stream.indirect_vreg.gather [hbm4b:s3+s2], $0x80, v4, vm0, $0xb8;
	[tilespmem:$0xC280] =	vst v63  }
0xc0: {  	_ = 	snop  }
0xc1: {  	[tilespmem:s13], [sflag:$0x1] =	stream.indirect_vreg.gather [hbm4b:s3+s2], $0x80, v3, vm0, $0xb8;
	[tilespmem:$0xC280] =	vst v63  }
0xc2: {  	v3 =	vld [tilespmem:$0x100];
	_ =	sdelay $0x4  }
0xc3: {  	v44 =	vshll.u32 v3, $0x1  }
0xc4: {  	v3 =	vand.u32 $0x7, v3;
	v4 =	vand.u32 $0xFFFFFFF0, v44  }
0xc5: {  	v3 =	vor.u32 v3, v4  }
0xc6: {  	v4 =	vperm.xlane v3, v0;
	_ =	sdelay $0x1  }
0xc7: {  	v3 =	vperm.xlane v3, v2;
	v4 =	vadd.s32 v1, v4;
	_ =	sdelay $0x1  }
0xc8: {  	v3 =	vadd.s32 v1, v3;
	_ =	sdelay $0x2  }
0xc9: {  	[tilespmem:s14], [sflag:$0x1] =	stream.indirect_vreg.gather [hbm4b:s3+s2], $0x80, v4, vm0, $0xb8;
	[tilespmem:$0xC280] =	vst v63  }
0xca: {  	_ = 	snop  }
0xcb: {  	[tilespmem:s15], [sflag:$0x1] =	stream.indirect_vreg.gather [hbm4b:s3+s2], $0x80, v3, vm0, $0xb8;
	[tilespmem:$0xC280] =	vst v63  }
0xcc: {  	v3 =	vld [tilespmem:$0x110];
	_ =	sdelay $0x4  }
0xcd: {  	v45 =	vshll.u32 v3, $0x1  }
0xce: {  	v3 =	vand.u32 $0x7, v3;
	v4 =	vand.u32 $0xFFFFFFF0, v45  }
0xcf: {  	v3 =	vor.u32 v3, v4  }
0xd0: {  	v4 =	vperm.xlane v3, v0;
	_ =	sdelay $0x1  }
0xd1: {  	v3 =	vperm.xlane v3, v2;
	v4 =	vadd.s32 v1, v4;
	_ =	sdelay $0x1  }
0xd2: {  	v3 =	vadd.s32 v1, v3;
	_ =	sdelay $0x2  }
0xd3: {  	[tilespmem:s16], [sflag:$0x1] =	stream.indirect_vreg.gather [hbm4b:s3+s2], $0x80, v4, vm0, $0xb8;
	[tilespmem:$0xC280] =	vst v63  }
0xd4: {  	_ = 	snop  }
0xd5: {  	[tilespmem:s17], [sflag:$0x1] =	stream.indirect_vreg.gather [hbm4b:s3+s2], $0x80, v3, vm0, $0xb8;
	[tilespmem:$0xC280] =	vst v63  }
0xd6: {  	_ =	swait.ge [sflag:s1], $0x6000  }
0xd7: {  	[sflag:s1] =	ssyncset.done $0x0  }
0xd8: {  	s0 =	rddreg [dreg:$0x4];
	[sflag:s1] =	ssyncadd.s32 $0xFFFFA000  }
0xd9: {  	[hbm4b:s0+s2] =	stream.linear.scatter [tilespmem:s18], [sflag:$0x3], $0x6000, $0x38;
	[tilespmem:$0xC280] =	vst v63  }
0xda: {  	_ =	swait.ge [sflag:s5], $0x6000  }
0xdb: {  	[sflag:s5] =	ssyncset.done $0x0  }
0xdc: {  	[sflag:s5] =	ssyncadd.s32 $0xFFFFA000  }
0xdd: {  	v3 =	vld [tilespmem:$0x120];
	_ =	sdelay $0x4  }
0xde: {  	v46 =	vshll.u32 v3, $0x1  }
0xdf: {  	v3 =	vand.u32 $0x7, v3;
	v4 =	vand.u32 $0xFFFFFFF0, v46  }
0xe0: {  	v3 =	vor.u32 v3, v4  }
0xe1: {  	v4 =	vperm.xlane v3, v0;
	_ =	sdelay $0x1  }
0xe2: {  	v3 =	vperm.xlane v3, v2;
	v4 =	vadd.s32 v1, v4;
	_ =	sdelay $0x1  }
0xe3: {  	v3 =	vadd.s32 v1, v3;
	_ =	sdelay $0x2  }
0xe4: {  	[tilespmem:s18], [sflag:$0x2] =	stream.indirect_vreg.gather [hbm4b:s3+s2], $0x80, v4, vm0, $0xb8;
	[tilespmem:$0xC280] =	vst v63  }
0xe5: {  	_ = 	snop  }
0xe6: {  	[tilespmem:s19], [sflag:$0x2] =	stream.indirect_vreg.gather [hbm4b:s3+s2], $0x80, v3, vm0, $0xb8;
	[tilespmem:$0xC280] =	vst v63  }
0xe7: {  	v3 =	vld [tilespmem:$0x130];
	_ =	sdelay $0x4  }
0xe8: {  	v47 =	vshll.u32 v3, $0x1  }
0xe9: {  	v3 =	vand.u32 $0x7, v3;
	v4 =	vand.u32 $0xFFFFFFF0, v47  }
0xea: {  	v3 =	vor.u32 v3, v4  }
0xeb: {  	v4 =	vperm.xlane v3, v0;
	_ =	sdelay $0x1  }
0xec: {  	v3 =	vperm.xlane v3, v2;
	v4 =	vadd.s32 v1, v4;
	_ =	sdelay $0x1  }
0xed: {  	v3 =	vadd.s32 v1, v3;
	_ =	sdelay $0x2  }
0xee: {  	[tilespmem:s20], [sflag:$0x2] =	stream.indirect_vreg.gather [hbm4b:s3+s2], $0x80, v4, vm0, $0xb8;
	[tilespmem:$0xC280] =	vst v63  }
0xef: {  	_ = 	snop  }
0xf0: {  	[tilespmem:s21], [sflag:$0x2] =	stream.indirect_vreg.gather [hbm4b:s3+s2], $0x80, v3, vm0, $0xb8;
	[tilespmem:$0xC280] =	vst v63  }
0xf1: {  	v3 =	vld [tilespmem:$0x140];
	_ =	sdelay $0x4  }
0xf2: {  	v48 =	vshll.u32 v3, $0x1  }
0xf3: {  	v3 =	vand.u32 $0x7, v3;
	v4 =	vand.u32 $0xFFFFFFF0, v48  }
0xf4: {  	v3 =	vor.u32 v3, v4  }
0xf5: {  	v4 =	vperm.xlane v3, v0;
	_ =	sdelay $0x1  }
0xf6: {  	v3 =	vperm.xlane v3, v2;
	v4 =	vadd.s32 v1, v4;
	_ =	sdelay $0x1  }
0xf7: {  	v3 =	vadd.s32 v1, v3;
	_ =	sdelay $0x2  }
0xf8: {  	[tilespmem:s22], [sflag:$0x2] =	stream.indirect_vreg.gather [hbm4b:s3+s2], $0x80, v4, vm0, $0xb8;
	[tilespmem:$0xC280] =	vst v63  }
0xf9: {  	_ = 	snop  }
0xfa: {  	[tilespmem:s23], [sflag:$0x2] =	stream.indirect_vreg.gather [hbm4b:s3+s2], $0x80, v3, vm0, $0xb8;
	[tilespmem:$0xC280] =	vst v63  }
0xfb: {  	v3 =	vld [tilespmem:$0x150];
	_ =	sdelay $0x4  }
0xfc: {  	v49 =	vshll.u32 v3, $0x1  }
0xfd: {  	v3 =	vand.u32 $0x7, v3;
	v4 =	vand.u32 $0xFFFFFFF0, v49  }
0xfe: {  	v3 =	vor.u32 v3, v4  }
0xff: {  	v4 =	vperm.xlane v3, v0;
	_ =	sdelay $0x1  }
0x100: {  	v3 =	vperm.xlane v3, v2;
	v4 =	vadd.s32 v1, v4;
	_ =	sdelay $0x1  }
0x101: {  	v3 =	vadd.s32 v1, v3;
	_ =	sdelay $0x2  }
0x102: {  	[tilespmem:s24], [sflag:$0x2] =	stream.indirect_vreg.gather [hbm4b:s3+s2], $0x80, v4, vm0, $0xb8;
	[tilespmem:$0xC280] =	vst v63  }
0x103: {  	_ = 	snop  }
0x104: {  	[tilespmem:s25], [sflag:$0x2] =	stream.indirect_vreg.gather [hbm4b:s3+s2], $0x80, v3, vm0, $0xb8;
	[tilespmem:$0xC280] =	vst v63  }
0x105: {  	v3 =	vld [tilespmem:$0x160];
	_ =	sdelay $0x4  }
0x106: {  	v50 =	vshll.u32 v3, $0x1  }
0x107: {  	v3 =	vand.u32 $0x7, v3;
	v4 =	vand.u32 $0xFFFFFFF0, v50  }
0x108: {  	v3 =	vor.u32 v3, v4  }
0x109: {  	v4 =	vperm.xlane v3, v0;
	_ =	sdelay $0x1  }
0x10a: {  	v3 =	vperm.xlane v3, v2;
	v4 =	vadd.s32 v1, v4;
	_ =	sdelay $0x1  }
0x10b: {  	v3 =	vadd.s32 v1, v3;
	_ =	sdelay $0x2  }
0x10c: {  	[tilespmem:s26], [sflag:$0x2] =	stream.indirect_vreg.gather [hbm4b:s3+s2], $0x80, v4, vm0, $0xb8;
	[tilespmem:$0xC280] =	vst v63  }
0x10d: {  	_ = 	snop  }
0x10e: {  	[tilespmem:s28], [sflag:$0x2] =	stream.indirect_vreg.gather [hbm4b:s3+s2], $0x80, v3, vm0, $0xb8;
	[tilespmem:$0xC280] =	vst v63  }
0x10f: {  	v3 =	vld [tilespmem:$0x170];
	_ =	sdelay $0x4  }
0x110: {  	v51 =	vshll.u32 v3, $0x1  }
0x111: {  	v3 =	vand.u32 $0x7, v3;
	v4 =	vand.u32 $0xFFFFFFF0, v51  }
0x112: {  	v3 =	vor.u32 v3, v4  }
0x113: {  	v4 =	vperm.xlane v3, v0;
	_ =	sdelay $0x1  }
0x114: {  	v3 =	vperm.xlane v3, v2;
	v4 =	vadd.s32 v1, v4;
	_ =	sdelay $0x1  }
0x115: {  	v3 =	vadd.s32 v1, v3;
	_ =	sdelay $0x2  }
0x116: {  	[tilespmem:s29], [sflag:$0x2] =	stream.indirect_vreg.gather [hbm4b:s3+s2], $0x80, v4, vm0, $0xb8;
	[tilespmem:$0xC280] =	vst v63  }
0x117: {  	_ = 	snop  }
0x118: {  	[tilespmem:s30], [sflag:$0x2] =	stream.indirect_vreg.gather [hbm4b:s3+s2], $0x80, v3, vm0, $0xb8;
	[tilespmem:$0xC280] =	vst v63  }
0x119: {  	_ =	swait.ge [sflag:s31], $0x6000  }
0x11a: {  	[sflag:s31] =	ssyncset.done $0x0  }
0x11b: {  	s0 =	rddreg [dreg:$0x5];
	[sflag:s31] =	ssyncadd.s32 $0xFFFFA000  }
0x11c: {  	[hbm4b:s0+s2] =	stream.linear.scatter [tilespmem:s6], [sflag:$0x3], $0x6000, $0x38;
	[tilespmem:$0xC280] =	vst v63  }
0x11d: {  	_ =	swait.ge [sflag:s5], $0x6000  }
0x11e: {  	[sflag:s5] =	ssyncset.done $0x0  }
0x11f: {  	[sflag:s5] =	ssyncadd.s32 $0xFFFFA000  }
0x120: {  	v3 =	vld [tilespmem:$0x180];
	_ =	sdelay $0x4  }
0x121: {  	v52 =	vshll.u32 v3, $0x1  }
0x122: {  	v3 =	vand.u32 $0x7, v3;
	v4 =	vand.u32 $0xFFFFFFF0, v52  }
0x123: {  	v3 =	vor.u32 v3, v4  }
0x124: {  	v4 =	vperm.xlane v3, v0;
	_ =	sdelay $0x1  }
0x125: {  	v3 =	vperm.xlane v3, v2;
	v4 =	vadd.s32 v1, v4;
	_ =	sdelay $0x1  }
0x126: {  	v3 =	vadd.s32 v1, v3;
	_ =	sdelay $0x2  }
0x127: {  	[tilespmem:s6], [sflag:$0x1] =	stream.indirect_vreg.gather [hbm4b:s3+s2], $0x80, v4, vm0, $0xb8;
	[tilespmem:$0xC280] =	vst v63  }
0x128: {  	_ = 	snop  }
0x129: {  	[tilespmem:s7], [sflag:$0x1] =	stream.indirect_vreg.gather [hbm4b:s3+s2], $0x80, v3, vm0, $0xb8;
	[tilespmem:$0xC280] =	vst v63  }
0x12a: {  	v3 =	vld [tilespmem:$0x190];
	_ =	sdelay $0x4  }
0x12b: {  	v53 =	vshll.u32 v3, $0x1  }
0x12c: {  	v3 =	vand.u32 $0x7, v3;
	v4 =	vand.u32 $0xFFFFFFF0, v53  }
0x12d: {  	v3 =	vor.u32 v3, v4  }
0x12e: {  	v4 =	vperm.xlane v3, v0;
	_ =	sdelay $0x1  }
0x12f: {  	v3 =	vperm.xlane v3, v2;
	v4 =	vadd.s32 v1, v4;
	_ =	sdelay $0x1  }
0x130: {  	v3 =	vadd.s32 v1, v3;
	_ =	sdelay $0x2  }
0x131: {  	[tilespmem:s8], [sflag:$0x1] =	stream.indirect_vreg.gather [hbm4b:s3+s2], $0x80, v4, vm0, $0xb8;
	[tilespmem:$0xC280] =	vst v63  }
0x132: {  	_ = 	snop  }
0x133: {  	[tilespmem:s9], [sflag:$0x1] =	stream.indirect_vreg.gather [hbm4b:s3+s2], $0x80, v3, vm0, $0xb8;
	[tilespmem:$0xC280] =	vst v63  }
0x134: {  	v3 =	vld [tilespmem:$0x1A0];
	_ =	sdelay $0x4  }
0x135: {  	v54 =	vshll.u32 v3, $0x1  }
0x136: {  	v3 =	vand.u32 $0x7, v3;
	v4 =	vand.u32 $0xFFFFFFF0, v54  }
0x137: {  	v3 =	vor.u32 v3, v4  }
0x138: {  	v4 =	vperm.xlane v3, v0;
	_ =	sdelay $0x1  }
0x139: {  	v3 =	vperm.xlane v3, v2;
	v4 =	vadd.s32 v1, v4;
	_ =	sdelay $0x1  }
0x13a: {  	v3 =	vadd.s32 v1, v3;
	_ =	sdelay $0x2  }
0x13b: {  	[tilespmem:s10], [sflag:$0x1] =	stream.indirect_vreg.gather [hbm4b:s3+s2], $0x80, v4, vm0, $0xb8;
	[tilespmem:$0xC280] =	vst v63  }
0x13c: {  	_ = 	snop  }
0x13d: {  	[tilespmem:s11], [sflag:$0x1] =	stream.indirect_vreg.gather [hbm4b:s3+s2], $0x80, v3, vm0, $0xb8;
	[tilespmem:$0xC280] =	vst v63  }
0x13e: {  	v3 =	vld [tilespmem:$0x1B0];
	_ =	sdelay $0x4  }
0x13f: {  	v55 =	vshll.u32 v3, $0x1  }
0x140: {  	v3 =	vand.u32 $0x7, v3;
	v4 =	vand.u32 $0xFFFFFFF0, v55  }
0x141: {  	v3 =	vor.u32 v3, v4  }
0x142: {  	v4 =	vperm.xlane v3, v0;
	_ =	sdelay $0x1  }
0x143: {  	v3 =	vperm.xlane v3, v2;
	v4 =	vadd.s32 v1, v4;
	_ =	sdelay $0x1  }
0x144: {  	v3 =	vadd.s32 v1, v3;
	_ =	sdelay $0x2  }
0x145: {  	[tilespmem:s12], [sflag:$0x1] =	stream.indirect_vreg.gather [hbm4b:s3+s2], $0x80, v4, vm0, $0xb8;
	[tilespmem:$0xC280] =	vst v63  }
0x146: {  	_ = 	snop  }
0x147: {  	[tilespmem:s13], [sflag:$0x1] =	stream.indirect_vreg.gather [hbm4b:s3+s2], $0x80, v3, vm0, $0xb8;
	[tilespmem:$0xC280] =	vst v63  }
0x148: {  	v3 =	vld [tilespmem:$0x1C0];
	_ =	sdelay $0x4  }
0x149: {  	v56 =	vshll.u32 v3, $0x1  }
0x14a: {  	v3 =	vand.u32 $0x7, v3;
	v4 =	vand.u32 $0xFFFFFFF0, v56  }
0x14b: {  	v3 =	vor.u32 v3, v4  }
0x14c: {  	v4 =	vperm.xlane v3, v0;
	_ =	sdelay $0x1  }
0x14d: {  	v3 =	vperm.xlane v3, v2;
	v4 =	vadd.s32 v1, v4;
	_ =	sdelay $0x1  }
0x14e: {  	v3 =	vadd.s32 v1, v3;
	_ =	sdelay $0x2  }
0x14f: {  	[tilespmem:s14], [sflag:$0x1] =	stream.indirect_vreg.gather [hbm4b:s3+s2], $0x80, v4, vm0, $0xb8;
	[tilespmem:$0xC280] =	vst v63  }
0x150: {  	_ = 	snop  }
0x151: {  	[tilespmem:s15], [sflag:$0x1] =	stream.indirect_vreg.gather [hbm4b:s3+s2], $0x80, v3, vm0, $0xb8;
	[tilespmem:$0xC280] =	vst v63  }
0x152: {  	v3 =	vld [tilespmem:$0x1D0];
	_ =	sdelay $0x4  }
0x153: {  	v57 =	vshll.u32 v3, $0x1  }
0x154: {  	v3 =	vand.u32 $0x7, v3;
	v4 =	vand.u32 $0xFFFFFFF0, v57  }
0x155: {  	v3 =	vor.u32 v3, v4  }
0x156: {  	v4 =	vperm.xlane v3, v0;
	_ =	sdelay $0x1  }
0x157: {  	v3 =	vperm.xlane v3, v2;
	v4 =	vadd.s32 v1, v4;
	_ =	sdelay $0x1  }
0x158: {  	v3 =	vadd.s32 v1, v3;
	_ =	sdelay $0x2  }
0x159: {  	[tilespmem:s16], [sflag:$0x1] =	stream.indirect_vreg.gather [hbm4b:s3+s2], $0x80, v4, vm0, $0xb8;
	[tilespmem:$0xC280] =	vst v63  }
0x15a: {  	_ = 	snop  }
0x15b: {  	[tilespmem:s17], [sflag:$0x1] =	stream.indirect_vreg.gather [hbm4b:s3+s2], $0x80, v3, vm0, $0xb8;
	[tilespmem:$0xC280] =	vst v63  }
0x15c: {  	_ =	swait.ge [sflag:s1], $0x6000  }
0x15d: {  	[sflag:s1] =	ssyncset.done $0x0  }
0x15e: {  	s0 =	rddreg [dreg:$0x6];
	[sflag:s1] =	ssyncadd.s32 $0xFFFFA000  }
0x15f: {  	[hbm4b:s0+s2] =	stream.linear.scatter [tilespmem:s18], [sflag:$0x3], $0x6000, $0x38;
	[tilespmem:$0xC280] =	vst v63  }
0x160: {  	_ =	swait.ge [sflag:s5], $0x6000  }
0x161: {  	[sflag:s5] =	ssyncset.done $0x0  }
0x162: {  	[sflag:s5] =	ssyncadd.s32 $0xFFFFA000  }
0x163: {  	v3 =	vld [tilespmem:$0x1E0];
	_ =	sdelay $0x4  }
0x164: {  	v58 =	vshll.u32 v3, $0x1  }
0x165: {  	v3 =	vand.u32 $0x7, v3;
	v4 =	vand.u32 $0xFFFFFFF0, v58  }
0x166: {  	v3 =	vor.u32 v3, v4  }
0x167: {  	v4 =	vperm.xlane v3, v0;
	_ =	sdelay $0x1  }
0x168: {  	v3 =	vperm.xlane v3, v2;
	v4 =	vadd.s32 v1, v4;
	_ =	sdelay $0x1  }
0x169: {  	v3 =	vadd.s32 v1, v3;
	_ =	sdelay $0x2  }
0x16a: {  	[tilespmem:s18], [sflag:$0x2] =	stream.indirect_vreg.gather [hbm4b:s3+s2], $0x80, v4, vm0, $0xb8;
	[tilespmem:$0xC280] =	vst v63  }
0x16b: {  	_ = 	snop  }
0x16c: {  	[tilespmem:s19], [sflag:$0x2] =	stream.indirect_vreg.gather [hbm4b:s3+s2], $0x80, v3, vm0, $0xb8;
	[tilespmem:$0xC280] =	vst v63  }
0x16d: {  	v3 =	vld [tilespmem:$0x1F0];
	_ =	sdelay $0x4  }
0x16e: {  	v59 =	vshll.u32 v3, $0x1  }
0x16f: {  	v3 =	vand.u32 $0x7, v3;
	v4 =	vand.u32 $0xFFFFFFF0, v59  }
0x170: {  	v3 =	vor.u32 v3, v4  }
0x171: {  	v4 =	vperm.xlane v3, v0;
	_ =	sdelay $0x1  }
0x172: {  	v3 =	vperm.xlane v3, v2;
	v4 =	vadd.s32 v1, v4;
	_ =	sdelay $0x1  }
0x173: {  	v3 =	vadd.s32 v1, v3;
	_ =	sdelay $0x2  }
0x174: {  	[tilespmem:s20], [sflag:$0x2] =	stream.indirect_vreg.gather [hbm4b:s3+s2], $0x80, v4, vm0, $0xb8;
	[tilespmem:$0xC280] =	vst v63  }
0x175: {  	_ = 	snop  }
0x176: {  	[tilespmem:s21], [sflag:$0x2] =	stream.indirect_vreg.gather [hbm4b:s3+s2], $0x80, v3, vm0, $0xb8;
	[tilespmem:$0xC280] =	vst v63  }
0x177: {  	v3 =	vld [tilespmem:$0x200];
	_ =	sdelay $0x4  }
0x178: {  	v60 =	vshll.u32 v3, $0x1  }
0x179: {  	v3 =	vand.u32 $0x7, v3;
	v4 =	vand.u32 $0xFFFFFFF0, v60  }
0x17a: {  	v3 =	vor.u32 v3, v4  }
0x17b: {  	v4 =	vperm.xlane v3, v0;
	_ =	sdelay $0x1  }
0x17c: {  	v3 =	vperm.xlane v3, v2;
	v4 =	vadd.s32 v1, v4;
	_ =	sdelay $0x1  }
0x17d: {  	v3 =	vadd.s32 v1, v3;
	_ =	sdelay $0x2  }
0x17e: {  	[tilespmem:s22], [sflag:$0x2] =	stream.indirect_vreg.gather [hbm4b:s3+s2], $0x80, v4, vm0, $0xb8;
	[tilespmem:$0xC280] =	vst v63  }
0x17f: {  	_ = 	snop  }
0x180: {  	[tilespmem:s23], [sflag:$0x2] =	stream.indirect_vreg.gather [hbm4b:s3+s2], $0x80, v3, vm0, $0xb8;
	[tilespmem:$0xC280] =	vst v63  }
0x181: {  	v3 =	vld [tilespmem:$0x210];
	_ =	sdelay $0x4  }
0x182: {  	v61 =	vshll.u32 v3, $0x1  }
0x183: {  	v3 =	vand.u32 $0x7, v3;
	v4 =	vand.u32 $0xFFFFFFF0, v61  }
0x184: {  	v3 =	vor.u32 v3, v4  }
0x185: {  	v4 =	vperm.xlane v3, v0;
	_ =	sdelay $0x1  }
0x186: {  	v3 =	vperm.xlane v3, v2;
	v4 =	vadd.s32 v1, v4;
	_ =	sdelay $0x1  }
0x187: {  	v3 =	vadd.s32 v1, v3;
	_ =	sdelay $0x2  }
0x188: {  	[tilespmem:s24], [sflag:$0x2] =	stream.indirect_vreg.gather [hbm4b:s3+s2], $0x80, v4, vm0, $0xb8;
	[tilespmem:$0xC280] =	vst v63  }
0x189: {  	_ = 	snop  }
0x18a: {  	[tilespmem:s25], [sflag:$0x2] =	stream.indirect_vreg.gather [hbm4b:s3+s2], $0x80, v3, vm0, $0xb8;
	[tilespmem:$0xC280] =	vst v63  }
0x18b: {  	v3 =	vld [tilespmem:$0x220];
	_ =	sdelay $0x4  }
0x18c: {  	v62 =	vshll.u32 v3, $0x1  }
0x18d: {  	v3 =	vand.u32 $0x7, v3;
	v4 =	vand.u32 $0xFFFFFFF0, v62  }
0x18e: {  	v3 =	vor.u32 v3, v4  }
0x18f: {  	v4 =	vperm.xlane v3, v0;
	_ =	sdelay $0x1  }
0x190: {  	v3 =	vperm.xlane v3, v2;
	v4 =	vadd.s32 v1, v4;
	_ =	sdelay $0x1  }
0x191: {  	v3 =	vadd.s32 v1, v3;
	_ =	sdelay $0x2  }
0x192: {  	[tilespmem:s26], [sflag:$0x2] =	stream.indirect_vreg.gather [hbm4b:s3+s2], $0x80, v4, vm0, $0xb8;
	[tilespmem:$0xC280] =	vst v63  }
0x193: {  	_ = 	snop  }
0x194: {  	[tilespmem:s28], [sflag:$0x2] =	stream.indirect_vreg.gather [hbm4b:s3+s2], $0x80, v3, vm0, $0xb8;
	[tilespmem:$0xC280] =	vst v63  }
0x195: {  	v3 =	vld [tilespmem:$0x230];
	_ =	sdelay $0x4  }
0x196: {  	v63 =	vshll.u32 v3, $0x1  }
0x197: {  	v3 =	vand.u32 $0x7, v3;
	v4 =	vand.u32 $0xFFFFFFF0, v63  }
0x198: {  	v3 =	vor.u32 v3, v4  }
0x199: {  	v4 =	vperm.xlane v3, v0;
	_ =	sdelay $0x1  }
0x19a: {  	v3 =	vperm.xlane v3, v2;
	v4 =	vadd.s32 v1, v4;
	_ =	sdelay $0x1  }
0x19b: {  	v3 =	vadd.s32 v1, v3;
	_ =	sdelay $0x2  }
0x19c: {  	[tilespmem:s29], [sflag:$0x2] =	stream.indirect_vreg.gather [hbm4b:s3+s2], $0x80, v4, vm0, $0xb8;
	[tilespmem:$0xC280] =	vst v63  }
0x19d: {  	_ = 	snop  }
0x19e: {  	[tilespmem:s30], [sflag:$0x2] =	stream.indirect_vreg.gather [hbm4b:s3+s2], $0x80, v3, vm0, $0xb8;
	[tilespmem:$0xC280] =	vst v63  }
0x19f: {  	_ =	swait.ge [sflag:s31], $0x6000  }
0x1a0: {  	[sflag:s31] =	ssyncset.done $0x0  }
0x1a1: {  	s0 =	rddreg [dreg:$0x7];
	[sflag:s31] =	ssyncadd.s32 $0xFFFFA000  }
0x1a2: {  	[hbm4b:s0+s2] =	stream.linear.scatter [tilespmem:s6], [sflag:$0x3], $0x6000, $0x38;
	[tilespmem:$0xC280] =	vst v63  }
0x1a3: {  	_ =	swait.ge [sflag:s5], $0x6000  }
0x1a4: {  	[sflag:s5] =	ssyncset.done $0x0  }
0x1a5: {  	[sflag:s5] =	ssyncadd.s32 $0xFFFFA000  }
0x1a6: {  	_ =	swait.ge [sflag:s1], $0x6000  }
0x1a7: {  	p0 =	sne.s32 s4, $0x1;
	[sflag:s1] =	ssyncset.done $0x0  }
.Ltmp0:
0x1a8: {  	s0 =	rddreg [dreg:$0x8];
	[sflag:s1] =	ssyncadd.s32 $0xFFFFA000;
	(pc) =	sbr.rel @p0 .LBB2_1-.Ltmp0, $4  }
0x1a9: {  	[hbm4b:s0+s2] =	stream.linear.scatter [tilespmem:s18], [sflag:$0x3], $0x6000, $0x38;
	[tilespmem:$0xC280] =	vst v63  }
0x1aa: {  	_ =	swait.ge [sflag:s5], $0x6000  }
0x1ab: {  	[sflag:s5] =	ssyncset.done $0x0  }
0x1ac: {  	s4 =	sadd.s32 $0xFFFFFFFF, s4;
	[sflag:s5] =	ssyncadd.s32 $0xFFFFA000  }
0x1ad: {  	_ =	sfence.sel $0x180000  }
0x1ae: {  	[bflag:$0x0] =	sbarrier.arrive $0xFFFF  }
0x1af: {  	_ =	strace $0x9000004A  }
0x1b0: {  	s0 =	stileid.u32;
	[bflag:$0x2] =	sbarrier.arrive $0xFFFF  }
0x1b1: {  	p0 =	sne.s32 s0, $0x0;
	s0 =	rddreg [dreg:$0x1]  }
0x1b2: {  	s0 =	sadd.s32 @!p0 $0x100000, s0  }
0x1b3: {  	[sflag:s0] =	ssyncadd.tile.s32 @!p0 $0x1;
	_ =	shalt  }
.Lfunc_end2:
_tile_overlayer_lowered:
.L_overlay_start_2:
0x1b4: {  	(tag) =	ssettag $0x2  }
0x1b5: {  	s0 =	rddreg [dreg:$0x0];
	s2 =	stileid.u32  }
0x1b6: {  	s1 =	rddreg [dreg:$0x1];
	p0 =	sne.s32 s2, $0x0  }
0x1b7: {  	s3 =	rddreg [dreg:$0x2];
	[bflag:$0x3] =	sbarrier.arrive $0xFFFF;
	s2 =	simm.s32 @!p0 $0x1C03  }
0x1b8: {  	[timem:s3], [sflag:s2] =	dma.local @!p0 [hbm:s0], s1  }
0x1b9: {  	s0 =	simm.s32 @!p0 $0x3  }
0x1ba: {  	_ =	swait.ge @!p0 [sflag:s0], s1  }
0x1bb: {  	s1 =	ssub.s32 @!p0 $0x0, s1;
	[sflag:s0] =	ssyncset.done @!p0 $0x0  }
0x1bc: {  	[sflag:s0] =	ssyncadd.s32 @!p0 s1  }
0x1bd: {  	[bflag:$0x3] =	sbarrier.arrive $0xFFFF  }
0x1be: {  	_ =	shalt  }

// kernel: kernel.20.cloned.1.call-start
scs
__scs_entry_jumppad:
0x0: {  	(pc) =	sbr.rel $0x88, $3  }
0x1: {  	(tag) =	ssettag $0x0;
	lr =	simm.s32 $0x1  }
0x2: {  	[smem:$0x3F9F] =	sst lr;
	_ =	strace $0xD0000000  }
0x3: {  	_ = 	snop  }
0x4: {  	_ = 	snop  }
0x5: {  	_ = 	snop  }
0x6: {  	_ = 	snop  }
0x7: {  	_ = 	snop  }
__scs_overlays_trampoline_lowered:
0x8: {  	[smem:$0x3FAE] =	sst s0  }
0x9: {  	[smem:$0x3FAF] =	sst s1  }
0xa: {  	[smem:$0x3FB0] =	sst s2  }
0xb: {  	[smem:$0x3FB1] =	sst s3  }
0xc: {  	[smem:$0x3FB2] =	sst s4  }
0xd: {  	[smem:$0x3FB3] =	sst s5  }
0xe: {  	[smem:$0x3FB4] =	sst s6  }
0xf: {  	[smem:$0x3FB5] =	sst s7  }
0x10: {  	[smem:$0x3FB6] =	sst s8  }
0x11: {  	[smem:$0x3FB7] =	sst s9;
	s0 =	simm.s32 @!p0 $0x0  }
0x12: {  	s1 =	sld [smem:$0x3F9D];
	s0 =	simm.s32 @p0 $0x1  }
0x13: {  	[smem:$0x3FB8] =	sst s0;
	s0 =	simm.s32 @!p1 $0x0  }
0x14: {  	s2 =	sld [smem:$0x3F9C];
	s0 =	simm.s32 @p1 $0x1  }
0x15: {  	[smem:$0x3FB9] =	sst s0;
	s0 =	simm.s32 @!p2 $0x0  }
0x16: {  	s3 =	sld [smem:$0x3FDB];
	s0 =	simm.s32 @p2 $0x1  }
0x17: {  	s4 =	simm.s32 $0x1BF5;
	[smem:$0x3FBB] =	sst s0  }
0x18: {  	s0 =	sld [smem:$0x3F9E];
	_ =	swait.ge [sflag:s4], $0x0  }
0x19: {  	s7 =	sld [smem:$0x3F9F]  }
0x1a: {  	s8 =	sadd.s32 $0xFFFFE003, lr  }
0x1b: {  	s9 =	sadd.s32 $0xFFFFFEF7, lr;
	s5 =	simm.s32 $0xFFFFFFFF;
	p2 =	slt.u32 s8, $0xFFFFF086  }
0x1c: {  	p1 =	slt.u32 s9, $0xF7A;
	s5 =	simm.s32 @!p2 $0x0  }
0x1d: {  	s5 =	simm.s32 @p1 $0x1;
	p0 =	seq.s32 s7, s2  }
0x1e: {  	s7 =	smul.u32 @!p0 $0xF7A, s2;
	p2 =	seq.s32 @!p0 s5, $0x0  }
0x1f: {  	s9 =	smul.u32 $0xF7A, s1;
	s8 =	simm.s32 @!p0 $0x1BF5;
	p2 =	por !p2, p0  }
0x20: {  	[sflag:s8] =	ssyncset.s32 @!p0 $0xFFFFF086;
	s6 =	sadd.s32 @!p0 s3, s7;
	s7 =	simm.s32 @!p0 $0x108  }
0x21: {  	s3 =	sadd.s32 s3, s9;
	s6 =	sadd.s32 @!p0 $0x88, s6;
	s7 =	simm.s32 @p2 $0x1082  }
0x22: {  	[simem:s7], [sflag:s8] =	dma.local @!p0 [hbm:s6], $0xF7A  }
0x23: {  	s9 =	sor.u32 $0xD0000000, s2;
	s6 =	simm.s32 $0x108;
	_ =	swait.ge @!p0 [sflag:s8], $0x0  }
0x24: {  	s3 =	sadd.s32 $0x88, s3;
	s6 =	simm.s32 @!p1 $0x1082;
	[sflag:s4] =	ssyncset.s32 $0xFFFFF086  }
0x25: {  	[simem:s6], [sflag:s4] =	dma.local [hbm:s3], $0xF7A  }
0x26: {  	[smem:$0x3F9F] =	sst s1;
	(tag) =	ssettag s2;
	_ =	strace s9  }
0x27: {  	s1 =	sld [smem:$0x3FAF]  }
0x28: {  	s2 =	sld [smem:$0x3FB0]  }
0x29: {  	s4 =	sld [smem:$0x3FB2]  }
0x2a: {  	p0 =	seq.s32 s5, $0x0;
	s5 =	sld [smem:$0x3FB3]  }
0x2b: {  	s6 =	sld [smem:$0x3FB4]  }
0x2c: {  	s7 =	sld [smem:$0x3FB5]  }
0x2d: {  	s3 =	simm.s32 $0x108;
	s8 =	sld [smem:$0x3FB6]  }
0x2e: {  	s3 =	simm.s32 @!p0 $0x1082;
	s9 =	sld [smem:$0x3FB7]  }
0x2f: {  	lr =	sadd.s32 s0, s3;
	s0 =	sld [smem:$0x3FAE]  }
0x30: {  	s3 =	sld [smem:$0x3FB1]  }
0x31: {  	[smem:$0x3FBA] =	sst s10  }
0x32: {  	s10 =	sld [smem:$0x3FB8];
	_ =	sdelay $0x3  }
0x33: {  	p0 =	seq.s32 s10, $0x1;
	s10 =	sld [smem:$0x3FBA];
	_ =	sdelay $0x3  }
0x34: {  	[smem:$0x3FBA] =	sst s10  }
0x35: {  	s10 =	sld [smem:$0x3FB9];
	_ =	sdelay $0x3  }
0x36: {  	p1 =	seq.s32 s10, $0x1;
	s10 =	sld [smem:$0x3FBA];
	_ =	sdelay $0x3  }
0x37: {  	[smem:$0x3FBA] =	sst s10  }
0x38: {  	s10 =	sld [smem:$0x3FBB]  }
0x39: {  	_ = 	snop;
	(pc) =	sbr.ind lr, $3  }
0x3a: {  	_ = 	snop  }
0x3b: {  	_ = 	snop  }
0x3c: {  	p2 =	seq.s32 s10, $0x1;
	s10 =	sld [smem:$0x3FBA]  }
0x3d: {  	_ =	shalt  }
0x3e: {  	_ =	shalt  }
0x3f: {  	_ =	shalt  }
0x40: {  	_ =	shalt  }
0x41: {  	_ =	shalt  }
0x42: {  	_ =	shalt  }
0x43: {  	_ =	shalt  }
0x44: {  	_ =	shalt  }
0x45: {  	_ =	shalt  }
0x46: {  	_ =	shalt  }
0x47: {  	_ =	shalt  }
0x48: {  	_ =	shalt  }
0x49: {  	_ =	shalt  }
0x4a: {  	_ =	shalt  }
0x4b: {  	_ =	shalt  }
0x4c: {  	_ =	shalt  }
0x4d: {  	_ =	shalt  }
0x4e: {  	_ =	shalt  }
0x4f: {  	_ =	shalt  }
0x50: {  	_ =	shalt  }
0x51: {  	_ =	shalt  }
0x52: {  	_ =	shalt  }
0x53: {  	_ =	shalt  }
0x54: {  	_ =	shalt  }
0x55: {  	_ =	shalt  }
0x56: {  	_ =	shalt  }
0x57: {  	_ =	shalt  }
0x58: {  	_ =	shalt  }
0x59: {  	_ =	shalt  }
0x5a: {  	_ =	shalt  }
0x5b: {  	_ =	shalt  }
0x5c: {  	_ =	shalt  }
0x5d: {  	_ =	shalt  }
0x5e: {  	_ =	shalt  }
0x5f: {  	_ =	shalt  }
0x60: {  	_ =	shalt  }
0x61: {  	_ =	shalt  }
0x62: {  	_ =	shalt  }
0x63: {  	_ =	shalt  }
0x64: {  	_ =	shalt  }
0x65: {  	_ =	shalt  }
0x66: {  	_ =	shalt  }
0x67: {  	_ =	shalt  }
0x68: {  	_ =	shalt  }
0x69: {  	_ =	shalt  }
0x6a: {  	_ =	shalt  }
0x6b: {  	_ =	shalt  }
0x6c: {  	_ =	shalt  }
0x6d: {  	_ =	shalt  }
0x6e: {  	_ =	shalt  }
0x6f: {  	_ =	shalt  }
0x70: {  	_ =	shalt  }
0x71: {  	_ =	shalt  }
0x72: {  	_ =	shalt  }
0x73: {  	_ =	shalt  }
0x74: {  	_ =	shalt  }
0x75: {  	_ =	shalt  }
0x76: {  	_ =	shalt  }
0x77: {  	_ =	shalt  }
0x78: {  	_ =	shalt  }
0x79: {  	_ =	shalt  }
0x7a: {  	_ =	shalt  }
0x7b: {  	_ =	shalt  }
0x7c: {  	_ =	shalt  }
0x7d: {  	_ =	shalt  }
0x7e: {  	_ =	shalt  }
0x7f: {  	_ =	shalt  }
0x80: {  	_ =	shalt  }
0x81: {  	_ =	shalt  }
0x82: {  	_ =	shalt  }
0x83: {  	_ =	shalt  }
0x84: {  	_ =	shalt  }
0x85: {  	_ =	shalt  }
0x86: {  	_ =	shalt  }
0x87: {  	_ =	shalt  }
.Lfunc_end0:
.L_simem_size_0:
called_computation.2_lowered:
.L_overlay_start_0:
0x88: {  	s2 =	sld [smem:$0x3FD9]  }
0x89: {  	s3 =	sld [smem:$0x3FFE];
	_ =	sdelay $0x1  }
0x8a: {  	s1 =	srdreg.scid  }
0x8b: {  	s0 =	sand.u32 $0x1, s1  }
0x8c: {  	s16 =	sshll.u32 s0, $0xA;
	s2 =	sadd.s32 s3, s2  }
0x8d: {  	s2 =	sadd.s32 s2, s16  }
0x8e: {  	[smem:$0x3FC6] =	sst s2  }
0x8f: {  	_ = 	snop  }
0x90: {  	(tm) =	ssettm $0x1  }
0x91: {  	s17 =	sld [smem:$0x3FFB];
	_ =	sdelay $0x3  }
0x92: {  	_ =	strace s17  }
0x93: {  	s2 =	sld [smem:$0x3FFC];
	_ =	sdelay $0x3  }
0x94: {  	_ =	strace s2  }
0x95: {  	s2 =	sld [smem:$0x3FFD];
	_ =	sdelay $0x3  }
0x96: {  	_ =	strace s2  }
0x97: {  	_ =	strace $0x8FFFFFFF  }
0x98: {  	s18 =	sld [smem:$0x3FDB];
	_ =	sdelay $0x1  }
0x99: {  	s19 =	simm.s32 $_scs_section_size  }
0x9a: {  	s4 =	simm.s32 $_size__tile_overlayer_lowered;
	s5 =	simm.s32 $_tile_overlayer_lowered  }
0x9b: {  	s22 =	simm.s32 $0x1BFF;
	s21 =	sshll.u32 s5, $0x1;
	s2 =	sadd.s32 s19, s18  }
0x9c: {  	s6 =	simm.s32 $0x0;
	s20 =	sshll.u32 s4, $0x1;
	s4 =	sadd.s32 s21, s2  }
0x9d: {  	[timem:s6], [sflag:s22] =	dma.local [hbm:s4], s20  }
0x9e: {  	_ =	swait.ge [sflag:s22], s20  }
0x9f: {  	s3 =	ssub.s32 $0x0, s20;
	[sflag:s22] =	ssyncset.done $0x0  }
0xa0: {  	[sflag:s22] =	ssyncadd.s32 s3;
	_ =	sdelay $0x1  }
0xa1: {  	s23 =	simm.s32 $0x1B8B  }
0xa2: {  	_ =	swait.ge [sflag:s23], $0x1  }
0xa3: {  	[sflag:s23] =	ssyncset.done $0x0  }
0xa4: {  	s25 =	simm.s32 $0x1B8E;
	s24 =	sld [smem:$0x3FFE];
	[sflag:s23] =	ssyncadd.s32 $0xFFFFFFFF  }
0xa5: {  	s26 =	simm.s32 $execute0_lowered;
	[smem:$0x3FD2] =	sst s25  }
0xa6: {  	s4 =	sshll.u32 s26, $0x1;
	_ =	strace $0x8000004C;
	[dreg:$0x1] =	wrdreg $0xFFFFFFFF  }
0xa7: {  	s28 =	simm.s32 $_size_execute0_lowered;
	s2 =	sadd.s32 s2, s4;
	[dreg:$0x0] =	wrdreg $0x0  }
0xa8: {  	s4 =	sshll.u32 s28, $0x1;
	[dreg:$0x2] =	wrdreg s2  }
0xa9: {  	[dreg:$0x3] =	wrdreg s4  }
0xaa: {  	[dreg:$0x4] =	wrdreg $0xC0  }
0xab: {  	_ =	task [dreg:s6], $0x5FFFF  }
0xac: {  	[dreg:$0x1] =	wrdreg $0xFFFFFFFF  }
0xad: {  	[dreg:$0x0] =	wrdreg $0x60  }
0xae: {  	[dreg:$0x2] =	wrdreg s24  }
0xaf: {  	[dreg:$0x3] =	wrdreg $0x9  }
0xb0: {  	_ =	task.clear_ibuf [dreg:s6], $0x4FFFF;
	_ =	strace $0x9000004C  }
0xb1: {  	s29 =	simm.s32 $0x9;
	_ =	strace $0x8000004E  }
0xb2: {  	_ =	swait.ge [sflag:s29], $0x1  }
0xb3: {  	[sflag:s29] =	ssyncadd.s32 $0xFFFFFFFF  }
0xb4: {  	_ =	strace $0x9000004E  }
0xb5: {  	_ =	sfence  }
0xb6: {  	s30 =	sld [smem:$0x0];
	_ =	sdelay $0x2  }
0xb7: {  	s31 =	sshll.u32 s1, $0xD;
	s1 =	sshrl.u32 s1, $0x2  }
0xb8: {  	s3 =	sand.u32 $0x4000, s31;
	s1 =	sadd.s32 s1, s30  }
0xb9: {  	s0 =	sor.u32 s3, s0;
	s1 =	sshll.u32 s1, $0x11  }
0xba: {  	s0 =	sor.u32 s1, s0  }
0xbb: {  	s0 =	sadd.s32 $0x8F2B, s0  }
0xbc: {  	[sflag:s0] =	ssyncadd.remote.s32 $0x1  }
0xbd: {  	_ =	sfence.sel $0xFFFF  }
0xbe: {  	[dreg:$0x0] =	wrdreg $0xFFFFFFFF;
	(pc) =	sbr.abs _section_cstart, $3  }
0xbf: {  	[dreg:$0x1] =	wrdreg $0xFFFFFFFF  }
0xc0: {  	_ =	task.clear_ibuf [dreg:s6], $0x2FFFF;
	_ =	strace $0x9FFFFFFF  }
0xc1: {  	(tm) =	ssettm $0x7FFFFFFF  }
tec
execute0_lowered:
.L_overlay_start_1:
0x0: {  	(tag) =	ssettag $0x1  }
0x1: {  	s1 =	srdreg.scid;
	s0 =	stileid.u32  }
0x2: {  	s3 =	rddreg [dreg:$0x0];
	s8 =	simm.s32 $0x1280;
	s9 =	simm.s32 $0x1A80  }
0x3: {  	s10 =	simm.s32 $0x2280;
	s11 =	simm.s32 $0x2A80;
	s12 =	simm.s32 $0x3280  }
0x4: {  	s13 =	simm.s32 $0x3A80;
	s14 =	simm.s32 $0x4280;
	s15 =	simm.s32 $0x4A80  }
0x5: {  	s16 =	simm.s32 $0x5280;
	s17 =	simm.s32 $0x5A80;
	s18 =	simm.s32 $0x6280  }
0x6: {  	s19 =	simm.s32 $0x6A80;
	s28 =	simm.s32 $0xAA80;
	s29 =	simm.s32 $0xB280  }
0x7: {  	s30 =	simm.s32 $0xBA80;
	s1 =	sand.u32 $0x1, s1;
	s2 =	sshll.u32 s0, $0x1  }
0x8: {  	s31 =	simm.s32 $0x1;
	s7 =	sadd.s32 $0x162800, s3;
	s4 =	sor.u32 s1, s2  }
0x9: {  	s2 =	simm.s32 $0x0;
	s1 =	ssub.s32 $0x2, s1;
	s5 =	smul.u32 $0x48, s4  }
0xa: {  	[smem:$0x7FF] =	sst s2;
	s6 =	smul.u32 $0x24000, s4;
	s24 =	sshrl.u32 s1, $0x1  }
0xb: {  	s4 =	smul.u32 $0x4800, s4;
	_ =	strace $0x8000004D;
	s1 =	ssub.s32 s1, s24  }
0xc: {  	s24 =	simm.s32 $0x9280;
	s5 =	sadd.s32 s5, s3;
	s6 =	sshrl.u32 s6, $0x3  }
0xd: {  	s4 =	sadd.s32 s7, s4;
	s3 =	sadd.s32 $0x82800, s3;
	s5 =	sadd.s32 $0x103200, s5  }
0xe: {  	s20 =	sadd.s32 s7, s6;
	[dreg:$0x3] =	wrdreg s4;
	s4 =	smax.u32 s1, $0x1  }
0xf: {  	s6 =	simm.s32 $0x280;
	[dreg:$0x2] =	wrdreg s5;
	s21 =	sadd.s32 $0xC00, s20  }
0x10: {  	s7 =	simm.s32 $0xA80;
	s22 =	sadd.s32 $0x1800, s20;
	[dreg:$0x4] =	wrdreg s21  }
0x11: {  	s1 =	simm.s32 $0x2;
	s23 =	sadd.s32 $0x2400, s20;
	[dreg:$0x5] =	wrdreg s22  }
0x12: {  	s25 =	sadd.s32 $0x3000, s20;
	s26 =	sadd.s32 $0x3C00, s20;
	[dreg:$0x6] =	wrdreg s23  }
0x13: {  	v2 =	vlaneseq.u32;
	s5 =	simm.s32 $0x3;
	s20 =	simm.s32 $0x7280;
	[dreg:$0x7] =	wrdreg s25  }
0x14: {  	vm0 =	vmmov $0xffff;
	v1 =	vshrl.u32 v2, $0x3;
	[dreg:$0x8] =	wrdreg s26;
	s21 =	simm.s32 $0x7A80;
	s22 =	simm.s32 $0x8280  }
0x15: {  	v0 =	vand.u32 $0x7, v2;
	v2 =	vor.u32 $0x8, v2;
	v1 =	vmul.u32 $0x8, v1;
	s23 =	simm.s32 $0x8A80;
	s25 =	simm.s32 $0x9A80;
	s26 =	simm.s32 $0xA280  }
.LBB2_1:
0x16: {  	s0 =	rddreg [dreg:$0x2]  }
0x17: {  	[tilespmem:s2], [sflag:$0x3] =	stream.linear.gather [hbm4b:s0+s2], $0x240, $0x38;
	[tilespmem:$0xC280] =	vst v63  }
0x18: {  	_ =	swait.ge [sflag:s5], $0x240  }
0x19: {  	[sflag:s5] =	ssyncset.done $0x0  }
0x1a: {  	[sflag:s5] =	ssyncadd.s32 $0xFFFFFDC0  }
0x1b: {  	v3 =	vld [tilespmem:$0x0];
	_ =	sdelay $0x4  }
0x1c: {  	v4 =	vshll.u32 v3, $0x1  }
0x1d: {  	v3 =	vand.u32 $0x7, v3;
	v4 =	vand.u32 $0xFFFFFFF0, v4  }
0x1e: {  	v3 =	vor.u32 v3, v4  }
0x1f: {  	v4 =	vperm.xlane v3, v0;
	_ =	sdelay $0x1  }
0x20: {  	v3 =	vperm.xlane v3, v2;
	v4 =	vadd.s32 v1, v4;
	_ =	sdelay $0x1  }
0x21: {  	v3 =	vadd.s32 v1, v3;
	_ =	sdelay $0x2  }
0x22: {  	[tilespmem:s6], [sflag:$0x1] =	stream.indirect_vreg.gather [hbm4b:s3+s2], $0x80, v4, vm0, $0xb8;
	[tilespmem:$0xC280] =	vst v63  }
0x23: {  	_ = 	snop  }
0x24: {  	[tilespmem:s7], [sflag:$0x1] =	stream.indirect_vreg.gather [hbm4b:s3+s2], $0x80, v3, vm0, $0xb8;
	[tilespmem:$0xC280] =	vst v63  }
0x25: {  	v3 =	vld [tilespmem:$0x10];
	_ =	sdelay $0x4  }
0x26: {  	v29 =	vshll.u32 v3, $0x1  }
0x27: {  	v3 =	vand.u32 $0x7, v3;
	v4 =	vand.u32 $0xFFFFFFF0, v29  }
0x28: {  	v3 =	vor.u32 v3, v4  }
0x29: {  	v4 =	vperm.xlane v3, v0;
	_ =	sdelay $0x1  }
0x2a: {  	v3 =	vperm.xlane v3, v2;
	v4 =	vadd.s32 v1, v4;
	_ =	sdelay $0x1  }
0x2b: {  	v3 =	vadd.s32 v1, v3;
	_ =	sdelay $0x2  }
0x2c: {  	[tilespmem:s8], [sflag:$0x1] =	stream.indirect_vreg.gather [hbm4b:s3+s2], $0x80, v4, vm0, $0xb8;
	[tilespmem:$0xC280] =	vst v63  }
0x2d: {  	_ = 	snop  }
0x2e: {  	[tilespmem:s9], [sflag:$0x1] =	stream.indirect_vreg.gather [hbm4b:s3+s2], $0x80, v3, vm0, $0xb8;
	[tilespmem:$0xC280] =	vst v63  }
0x2f: {  	v3 =	vld [tilespmem:$0x20];
	_ =	sdelay $0x4  }
0x30: {  	v30 =	vshll.u32 v3, $0x1  }
0x31: {  	v3 =	vand.u32 $0x7, v3;
	v4 =	vand.u32 $0xFFFFFFF0, v30  }
0x32: {  	v3 =	vor.u32 v3, v4  }
0x33: {  	v4 =	vperm.xlane v3, v0;
	_ =	sdelay $0x1  }
0x34: {  	v3 =	vperm.xlane v3, v2;
	v4 =	vadd.s32 v1, v4;
	_ =	sdelay $0x1  }
0x35: {  	v3 =	vadd.s32 v1, v3;
	_ =	sdelay $0x2  }
0x36: {  	[tilespmem:s10], [sflag:$0x1] =	stream.indirect_vreg.gather [hbm4b:s3+s2], $0x80, v4, vm0, $0xb8;
	[tilespmem:$0xC280] =	vst v63  }
0x37: {  	_ = 	snop  }
0x38: {  	[tilespmem:s11], [sflag:$0x1] =	stream.indirect_vreg.gather [hbm4b:s3+s2], $0x80, v3, vm0, $0xb8;
	[tilespmem:$0xC280] =	vst v63  }
0x39: {  	v3 =	vld [tilespmem:$0x30];
	_ =	sdelay $0x4  }
0x3a: {  	v31 =	vshll.u32 v3, $0x1  }
0x3b: {  	v3 =	vand.u32 $0x7, v3;
	v4 =	vand.u32 $0xFFFFFFF0, v31  }
0x3c: {  	v3 =	vor.u32 v3, v4  }
0x3d: {  	v4 =	vperm.xlane v3, v0;
	_ =	sdelay $0x1  }
0x3e: {  	v3 =	vperm.xlane v3, v2;
	v4 =	vadd.s32 v1, v4;
	_ =	sdelay $0x1  }
0x3f: {  	v3 =	vadd.s32 v1, v3;
	_ =	sdelay $0x2  }
0x40: {  	[tilespmem:s12], [sflag:$0x1] =	stream.indirect_vreg.gather [hbm4b:s3+s2], $0x80, v4, vm0, $0xb8;
	[tilespmem:$0xC280] =	vst v63  }
0x41: {  	_ = 	snop  }
0x42: {  	[tilespmem:s13], [sflag:$0x1] =	stream.indirect_vreg.gather [hbm4b:s3+s2], $0x80, v3, vm0, $0xb8;
	[tilespmem:$0xC280] =	vst v63  }
0x43: {  	v3 =	vld [tilespmem:$0x40];
	_ =	sdelay $0x4  }
0x44: {  	v32 =	vshll.u32 v3, $0x1  }
0x45: {  	v3 =	vand.u32 $0x7, v3;
	v4 =	vand.u32 $0xFFFFFFF0, v32  }
0x46: {  	v3 =	vor.u32 v3, v4  }
0x47: {  	v4 =	vperm.xlane v3, v0;
	_ =	sdelay $0x1  }
0x48: {  	v3 =	vperm.xlane v3, v2;
	v4 =	vadd.s32 v1, v4;
	_ =	sdelay $0x1  }
0x49: {  	v3 =	vadd.s32 v1, v3;
	_ =	sdelay $0x2  }
0x4a: {  	[tilespmem:s14], [sflag:$0x1] =	stream.indirect_vreg.gather [hbm4b:s3+s2], $0x80, v4, vm0, $0xb8;
	[tilespmem:$0xC280] =	vst v63  }
0x4b: {  	_ = 	snop  }
0x4c: {  	[tilespmem:s15], [sflag:$0x1] =	stream.indirect_vreg.gather [hbm4b:s3+s2], $0x80, v3, vm0, $0xb8;
	[tilespmem:$0xC280] =	vst v63  }
0x4d: {  	v3 =	vld [tilespmem:$0x50];
	_ =	sdelay $0x4  }
0x4e: {  	v33 =	vshll.u32 v3, $0x1  }
0x4f: {  	v3 =	vand.u32 $0x7, v3;
	v4 =	vand.u32 $0xFFFFFFF0, v33  }
0x50: {  	v3 =	vor.u32 v3, v4  }
0x51: {  	v4 =	vperm.xlane v3, v0;
	_ =	sdelay $0x1  }
0x52: {  	v3 =	vperm.xlane v3, v2;
	v4 =	vadd.s32 v1, v4;
	_ =	sdelay $0x1  }
0x53: {  	v3 =	vadd.s32 v1, v3;
	_ =	sdelay $0x2  }
0x54: {  	[tilespmem:s16], [sflag:$0x1] =	stream.indirect_vreg.gather [hbm4b:s3+s2], $0x80, v4, vm0, $0xb8;
	[tilespmem:$0xC280] =	vst v63  }
0x55: {  	_ = 	snop  }
0x56: {  	[tilespmem:s17], [sflag:$0x1] =	stream.indirect_vreg.gather [hbm4b:s3+s2], $0x80, v3, vm0, $0xb8;
	[tilespmem:$0xC280] =	vst v63  }
0x57: {  	v3 =	vld [tilespmem:$0x60];
	_ =	sdelay $0x4  }
0x58: {  	v34 =	vshll.u32 v3, $0x1  }
0x59: {  	v3 =	vand.u32 $0x7, v3;
	v4 =	vand.u32 $0xFFFFFFF0, v34  }
0x5a: {  	v3 =	vor.u32 v3, v4  }
0x5b: {  	v4 =	vperm.xlane v3, v0;
	_ =	sdelay $0x1  }
0x5c: {  	v3 =	vperm.xlane v3, v2;
	v4 =	vadd.s32 v1, v4;
	_ =	sdelay $0x1  }
0x5d: {  	v3 =	vadd.s32 v1, v3;
	_ =	sdelay $0x2  }
0x5e: {  	[tilespmem:s18], [sflag:$0x2] =	stream.indirect_vreg.gather [hbm4b:s3+s2], $0x80, v4, vm0, $0xb8;
	[tilespmem:$0xC280] =	vst v63  }
0x5f: {  	_ = 	snop  }
0x60: {  	[tilespmem:s19], [sflag:$0x2] =	stream.indirect_vreg.gather [hbm4b:s3+s2], $0x80, v3, vm0, $0xb8;
	[tilespmem:$0xC280] =	vst v63  }
0x61: {  	v3 =	vld [tilespmem:$0x70];
	_ =	sdelay $0x4  }
0x62: {  	v35 =	vshll.u32 v3, $0x1  }
0x63: {  	v3 =	vand.u32 $0x7, v3;
	v4 =	vand.u32 $0xFFFFFFF0, v35  }
0x64: {  	v3 =	vor.u32 v3, v4  }
0x65: {  	v4 =	vperm.xlane v3, v0;
	_ =	sdelay $0x1  }
0x66: {  	v3 =	vperm.xlane v3, v2;
	v4 =	vadd.s32 v1, v4;
	_ =	sdelay $0x1  }
0x67: {  	v3 =	vadd.s32 v1, v3;
	_ =	sdelay $0x2  }
0x68: {  	[tilespmem:s20], [sflag:$0x2] =	stream.indirect_vreg.gather [hbm4b:s3+s2], $0x80, v4, vm0, $0xb8;
	[tilespmem:$0xC280] =	vst v63  }
0x69: {  	_ = 	snop  }
0x6a: {  	[tilespmem:s21], [sflag:$0x2] =	stream.indirect_vreg.gather [hbm4b:s3+s2], $0x80, v3, vm0, $0xb8;
	[tilespmem:$0xC280] =	vst v63  }
0x6b: {  	v3 =	vld [tilespmem:$0x80];
	_ =	sdelay $0x4  }
0x6c: {  	v36 =	vshll.u32 v3, $0x1  }
0x6d: {  	v3 =	vand.u32 $0x7, v3;
	v4 =	vand.u32 $0xFFFFFFF0, v36  }
0x6e: {  	v3 =	vor.u32 v3, v4  }
0x6f: {  	v4 =	vperm.xlane v3, v0;
	_ =	sdelay $0x1  }
0x70: {  	v3 =	vperm.xlane v3, v2;
	v4 =	vadd.s32 v1, v4;
	_ =	sdelay $0x1  }
0x71: {  	v3 =	vadd.s32 v1, v3;
	_ =	sdelay $0x2  }
0x72: {  	[tilespmem:s22], [sflag:$0x2] =	stream.indirect_vreg.gather [hbm4b:s3+s2], $0x80, v4, vm0, $0xb8;
	[tilespmem:$0xC280] =	vst v63  }
0x73: {  	_ = 	snop  }
0x74: {  	[tilespmem:s23], [sflag:$0x2] =	stream.indirect_vreg.gather [hbm4b:s3+s2], $0x80, v3, vm0, $0xb8;
	[tilespmem:$0xC280] =	vst v63  }
0x75: {  	v3 =	vld [tilespmem:$0x90];
	_ =	sdelay $0x4  }
0x76: {  	v37 =	vshll.u32 v3, $0x1  }
0x77: {  	v3 =	vand.u32 $0x7, v3;
	v4 =	vand.u32 $0xFFFFFFF0, v37  }
0x78: {  	v3 =	vor.u32 v3, v4  }
0x79: {  	v4 =	vperm.xlane v3, v0;
	_ =	sdelay $0x1  }
0x7a: {  	v3 =	vperm.xlane v3, v2;
	v4 =	vadd.s32 v1, v4;
	_ =	sdelay $0x1  }
0x7b: {  	v3 =	vadd.s32 v1, v3;
	_ =	sdelay $0x2  }
0x7c: {  	[tilespmem:s24], [sflag:$0x2] =	stream.indirect_vreg.gather [hbm4b:s3+s2], $0x80, v4, vm0, $0xb8;
	[tilespmem:$0xC280] =	vst v63  }
0x7d: {  	_ = 	snop  }
0x7e: {  	[tilespmem:s25], [sflag:$0x2] =	stream.indirect_vreg.gather [hbm4b:s3+s2], $0x80, v3, vm0, $0xb8;
	[tilespmem:$0xC280] =	vst v63  }
0x7f: {  	v3 =	vld [tilespmem:$0xA0];
	_ =	sdelay $0x4  }
0x80: {  	v38 =	vshll.u32 v3, $0x1  }
0x81: {  	v3 =	vand.u32 $0x7, v3;
	v4 =	vand.u32 $0xFFFFFFF0, v38  }
0x82: {  	v3 =	vor.u32 v3, v4  }
0x83: {  	v4 =	vperm.xlane v3, v0;
	_ =	sdelay $0x1  }
0x84: {  	v3 =	vperm.xlane v3, v2;
	v4 =	vadd.s32 v1, v4;
	_ =	sdelay $0x1  }
0x85: {  	v3 =	vadd.s32 v1, v3;
	_ =	sdelay $0x2  }
0x86: {  	[tilespmem:s26], [sflag:$0x2] =	stream.indirect_vreg.gather [hbm4b:s3+s2], $0x80, v4, vm0, $0xb8;
	[tilespmem:$0xC280] =	vst v63  }
0x87: {  	_ = 	snop  }
0x88: {  	[tilespmem:s28], [sflag:$0x2] =	stream.indirect_vreg.gather [hbm4b:s3+s2], $0x80, v3, vm0, $0xb8;
	[tilespmem:$0xC280] =	vst v63  }
0x89: {  	v3 =	vld [tilespmem:$0xB0];
	_ =	sdelay $0x4  }
0x8a: {  	v39 =	vshll.u32 v3, $0x1  }
0x8b: {  	v3 =	vand.u32 $0x7, v3;
	v4 =	vand.u32 $0xFFFFFFF0, v39  }
0x8c: {  	v3 =	vor.u32 v3, v4  }
0x8d: {  	v4 =	vperm.xlane v3, v0;
	_ =	sdelay $0x1  }
0x8e: {  	v3 =	vperm.xlane v3, v2;
	v4 =	vadd.s32 v1, v4;
	_ =	sdelay $0x1  }
0x8f: {  	v3 =	vadd.s32 v1, v3;
	_ =	sdelay $0x2  }
0x90: {  	[tilespmem:s29], [sflag:$0x2] =	stream.indirect_vreg.gather [hbm4b:s3+s2], $0x80, v4, vm0, $0xb8;
	[tilespmem:$0xC280] =	vst v63  }
0x91: {  	_ = 	snop  }
0x92: {  	[tilespmem:s30], [sflag:$0x2] =	stream.indirect_vreg.gather [hbm4b:s3+s2], $0x80, v3, vm0, $0xb8;
	[tilespmem:$0xC280] =	vst v63  }
0x93: {  	_ =	swait.ge [sflag:s31], $0x6000  }
0x94: {  	[sflag:s31] =	ssyncset.done $0x0  }
0x95: {  	s0 =	rddreg [dreg:$0x3];
	[sflag:s31] =	ssyncadd.s32 $0xFFFFA000  }
0x96: {  	[hbm4b:s0+s2] =	stream.linear.scatter [tilespmem:s6], [sflag:$0x3], $0x6000, $0x38;
	[tilespmem:$0xC280] =	vst v63  }
0x97: {  	_ =	swait.ge [sflag:s5], $0x6000  }
0x98: {  	[sflag:s5] =	ssyncset.done $0x0  }
0x99: {  	[sflag:s5] =	ssyncadd.s32 $0xFFFFA000  }
0x9a: {  	v3 =	vld [tilespmem:$0xC0];
	_ =	sdelay $0x4  }
0x9b: {  	v40 =	vshll.u32 v3, $0x1  }
0x9c: {  	v3 =	vand.u32 $0x7, v3;
	v4 =	vand.u32 $0xFFFFFFF0, v40  }
0x9d: {  	v3 =	vor.u32 v3, v4  }
0x9e: {  	v4 =	vperm.xlane v3, v0;
	_ =	sdelay $0x1  }
0x9f: {  	v3 =	vperm.xlane v3, v2;
	v4 =	vadd.s32 v1, v4;
	_ =	sdelay $0x1  }
0xa0: {  	v3 =	vadd.s32 v1, v3;
	_ =	sdelay $0x2  }
0xa1: {  	[tilespmem:s6], [sflag:$0x1] =	stream.indirect_vreg.gather [hbm4b:s3+s2], $0x80, v4, vm0, $0xb8;
	[tilespmem:$0xC280] =	vst v63  }
0xa2: {  	_ = 	snop  }
0xa3: {  	[tilespmem:s7], [sflag:$0x1] =	stream.indirect_vreg.gather [hbm4b:s3+s2], $0x80, v3, vm0, $0xb8;
	[tilespmem:$0xC280] =	vst v63  }
0xa4: {  	v3 =	vld [tilespmem:$0xD0];
	_ =	sdelay $0x4  }
0xa5: {  	v41 =	vshll.u32 v3, $0x1  }
0xa6: {  	v3 =	vand.u32 $0x7, v3;
	v4 =	vand.u32 $0xFFFFFFF0, v41  }
0xa7: {  	v3 =	vor.u32 v3, v4  }
0xa8: {  	v4 =	vperm.xlane v3, v0;
	_ =	sdelay $0x1  }
0xa9: {  	v3 =	vperm.xlane v3, v2;
	v4 =	vadd.s32 v1, v4;
	_ =	sdelay $0x1  }
0xaa: {  	v3 =	vadd.s32 v1, v3;
	_ =	sdelay $0x2  }
0xab: {  	[tilespmem:s8], [sflag:$0x1] =	stream.indirect_vreg.gather [hbm4b:s3+s2], $0x80, v4, vm0, $0xb8;
	[tilespmem:$0xC280] =	vst v63  }
0xac: {  	_ = 	snop  }
0xad: {  	[tilespmem:s9], [sflag:$0x1] =	stream.indirect_vreg.gather [hbm4b:s3+s2], $0x80, v3, vm0, $0xb8;
	[tilespmem:$0xC280] =	vst v63  }
0xae: {  	v3 =	vld [tilespmem:$0xE0];
	_ =	sdelay $0x4  }
0xaf: {  	v42 =	vshll.u32 v3, $0x1  }
0xb0: {  	v3 =	vand.u32 $0x7, v3;
	v4 =	vand.u32 $0xFFFFFFF0, v42  }
0xb1: {  	v3 =	vor.u32 v3, v4  }
0xb2: {  	v4 =	vperm.xlane v3, v0;
	_ =	sdelay $0x1  }
0xb3: {  	v3 =	vperm.xlane v3, v2;
	v4 =	vadd.s32 v1, v4;
	_ =	sdelay $0x1  }
0xb4: {  	v3 =	vadd.s32 v1, v3;
	_ =	sdelay $0x2  }
0xb5: {  	[tilespmem:s10], [sflag:$0x1] =	stream.indirect_vreg.gather [hbm4b:s3+s2], $0x80, v4, vm0, $0xb8;
	[tilespmem:$0xC280] =	vst v63  }
0xb6: {  	_ = 	snop  }
0xb7: {  	[tilespmem:s11], [sflag:$0x1] =	stream.indirect_vreg.gather [hbm4b:s3+s2], $0x80, v3, vm0, $0xb8;
	[tilespmem:$0xC280] =	vst v63  }
0xb8: {  	v3 =	vld [tilespmem:$0xF0];
	_ =	sdelay $0x4  }
0xb9: {  	v43 =	vshll.u32 v3, $0x1  }
0xba: {  	v3 =	vand.u32 $0x7, v3;
	v4 =	vand.u32 $0xFFFFFFF0, v43  }
0xbb: {  	v3 =	vor.u32 v3, v4  }
0xbc: {  	v4 =	vperm.xlane v3, v0;
	_ =	sdelay $0x1  }
0xbd: {  	v3 =	vperm.xlane v3, v2;
	v4 =	vadd.s32 v1, v4;
	_ =	sdelay $0x1  }
0xbe: {  	v3 =	vadd.s32 v1, v3;
	_ =	sdelay $0x2  }
0xbf: {  	[tilespmem:s12], [sflag:$0x1] =	stream.indirect_vreg.gather [hbm4b:s3+s2], $0x80, v4, vm0, $0xb8;
	[tilespmem:$0xC280] =	vst v63  }
0xc0: {  	_ = 	snop  }
0xc1: {  	[tilespmem:s13], [sflag:$0x1] =	stream.indirect_vreg.gather [hbm4b:s3+s2], $0x80, v3, vm0, $0xb8;
	[tilespmem:$0xC280] =	vst v63  }
0xc2: {  	v3 =	vld [tilespmem:$0x100];
	_ =	sdelay $0x4  }
0xc3: {  	v44 =	vshll.u32 v3, $0x1  }
0xc4: {  	v3 =	vand.u32 $0x7, v3;
	v4 =	vand.u32 $0xFFFFFFF0, v44  }
0xc5: {  	v3 =	vor.u32 v3, v4  }
0xc6: {  	v4 =	vperm.xlane v3, v0;
	_ =	sdelay $0x1  }
0xc7: {  	v3 =	vperm.xlane v3, v2;
	v4 =	vadd.s32 v1, v4;
	_ =	sdelay $0x1  }
0xc8: {  	v3 =	vadd.s32 v1, v3;
	_ =	sdelay $0x2  }
0xc9: {  	[tilespmem:s14], [sflag:$0x1] =	stream.indirect_vreg.gather [hbm4b:s3+s2], $0x80, v4, vm0, $0xb8;
	[tilespmem:$0xC280] =	vst v63  }
0xca: {  	_ = 	snop  }
0xcb: {  	[tilespmem:s15], [sflag:$0x1] =	stream.indirect_vreg.gather [hbm4b:s3+s2], $0x80, v3, vm0, $0xb8;
	[tilespmem:$0xC280] =	vst v63  }
0xcc: {  	v3 =	vld [tilespmem:$0x110];
	_ =	sdelay $0x4  }
0xcd: {  	v45 =	vshll.u32 v3, $0x1  }
0xce: {  	v3 =	vand.u32 $0x7, v3;
	v4 =	vand.u32 $0xFFFFFFF0, v45  }
0xcf: {  	v3 =	vor.u32 v3, v4  }
0xd0: {  	v4 =	vperm.xlane v3, v0;
	_ =	sdelay $0x1  }
0xd1: {  	v3 =	vperm.xlane v3, v2;
	v4 =	vadd.s32 v1, v4;
	_ =	sdelay $0x1  }
0xd2: {  	v3 =	vadd.s32 v1, v3;
	_ =	sdelay $0x2  }
0xd3: {  	[tilespmem:s16], [sflag:$0x1] =	stream.indirect_vreg.gather [hbm4b:s3+s2], $0x80, v4, vm0, $0xb8;
	[tilespmem:$0xC280] =	vst v63  }
0xd4: {  	_ = 	snop  }
0xd5: {  	[tilespmem:s17], [sflag:$0x1] =	stream.indirect_vreg.gather [hbm4b:s3+s2], $0x80, v3, vm0, $0xb8;
	[tilespmem:$0xC280] =	vst v63  }
0xd6: {  	_ =	swait.ge [sflag:s1], $0x6000  }
0xd7: {  	[sflag:s1] =	ssyncset.done $0x0  }
0xd8: {  	s0 =	rddreg [dreg:$0x4];
	[sflag:s1] =	ssyncadd.s32 $0xFFFFA000  }
0xd9: {  	[hbm4b:s0+s2] =	stream.linear.scatter [tilespmem:s18], [sflag:$0x3], $0x6000, $0x38;
	[tilespmem:$0xC280] =	vst v63  }
0xda: {  	_ =	swait.ge [sflag:s5], $0x6000  }
0xdb: {  	[sflag:s5] =	ssyncset.done $0x0  }
0xdc: {  	[sflag:s5] =	ssyncadd.s32 $0xFFFFA000  }
0xdd: {  	v3 =	vld [tilespmem:$0x120];
	_ =	sdelay $0x4  }
0xde: {  	v46 =	vshll.u32 v3, $0x1  }
0xdf: {  	v3 =	vand.u32 $0x7, v3;
	v4 =	vand.u32 $0xFFFFFFF0, v46  }
0xe0: {  	v3 =	vor.u32 v3, v4  }
0xe1: {  	v4 =	vperm.xlane v3, v0;
	_ =	sdelay $0x1  }
0xe2: {  	v3 =	vperm.xlane v3, v2;
	v4 =	vadd.s32 v1, v4;
	_ =	sdelay $0x1  }
0xe3: {  	v3 =	vadd.s32 v1, v3;
	_ =	sdelay $0x2  }
0xe4: {  	[tilespmem:s18], [sflag:$0x2] =	stream.indirect_vreg.gather [hbm4b:s3+s2], $0x80, v4, vm0, $0xb8;
	[tilespmem:$0xC280] =	vst v63  }
0xe5: {  	_ = 	snop  }
0xe6: {  	[tilespmem:s19], [sflag:$0x2] =	stream.indirect_vreg.gather [hbm4b:s3+s2], $0x80, v3, vm0, $0xb8;
	[tilespmem:$0xC280] =	vst v63  }
0xe7: {  	v3 =	vld [tilespmem:$0x130];
	_ =	sdelay $0x4  }
0xe8: {  	v47 =	vshll.u32 v3, $0x1  }
0xe9: {  	v3 =	vand.u32 $0x7, v3;
	v4 =	vand.u32 $0xFFFFFFF0, v47  }
0xea: {  	v3 =	vor.u32 v3, v4  }
0xeb: {  	v4 =	vperm.xlane v3, v0;
	_ =	sdelay $0x1  }
0xec: {  	v3 =	vperm.xlane v3, v2;
	v4 =	vadd.s32 v1, v4;
	_ =	sdelay $0x1  }
0xed: {  	v3 =	vadd.s32 v1, v3;
	_ =	sdelay $0x2  }
0xee: {  	[tilespmem:s20], [sflag:$0x2] =	stream.indirect_vreg.gather [hbm4b:s3+s2], $0x80, v4, vm0, $0xb8;
	[tilespmem:$0xC280] =	vst v63  }
0xef: {  	_ = 	snop  }
0xf0: {  	[tilespmem:s21], [sflag:$0x2] =	stream.indirect_vreg.gather [hbm4b:s3+s2], $0x80, v3, vm0, $0xb8;
	[tilespmem:$0xC280] =	vst v63  }
0xf1: {  	v3 =	vld [tilespmem:$0x140];
	_ =	sdelay $0x4  }
0xf2: {  	v48 =	vshll.u32 v3, $0x1  }
0xf3: {  	v3 =	vand.u32 $0x7, v3;
	v4 =	vand.u32 $0xFFFFFFF0, v48  }
0xf4: {  	v3 =	vor.u32 v3, v4  }
0xf5: {  	v4 =	vperm.xlane v3, v0;
	_ =	sdelay $0x1  }
0xf6: {  	v3 =	vperm.xlane v3, v2;
	v4 =	vadd.s32 v1, v4;
	_ =	sdelay $0x1  }
0xf7: {  	v3 =	vadd.s32 v1, v3;
	_ =	sdelay $0x2  }
0xf8: {  	[tilespmem:s22], [sflag:$0x2] =	stream.indirect_vreg.gather [hbm4b:s3+s2], $0x80, v4, vm0, $0xb8;
	[tilespmem:$0xC280] =	vst v63  }
0xf9: {  	_ = 	snop  }
0xfa: {  	[tilespmem:s23], [sflag:$0x2] =	stream.indirect_vreg.gather [hbm4b:s3+s2], $0x80, v3, vm0, $0xb8;
	[tilespmem:$0xC280] =	vst v63  }
0xfb: {  	v3 =	vld [tilespmem:$0x150];
	_ =	sdelay $0x4  }
0xfc: {  	v49 =	vshll.u32 v3, $0x1  }
0xfd: {  	v3 =	vand.u32 $0x7, v3;
	v4 =	vand.u32 $0xFFFFFFF0, v49  }
0xfe: {  	v3 =	vor.u32 v3, v4  }
0xff: {  	v4 =	vperm.xlane v3, v0;
	_ =	sdelay $0x1  }
0x100: {  	v3 =	vperm.xlane v3, v2;
	v4 =	vadd.s32 v1, v4;
	_ =	sdelay $0x1  }
0x101: {  	v3 =	vadd.s32 v1, v3;
	_ =	sdelay $0x2  }
0x102: {  	[tilespmem:s24], [sflag:$0x2] =	stream.indirect_vreg.gather [hbm4b:s3+s2], $0x80, v4, vm0, $0xb8;
	[tilespmem:$0xC280] =	vst v63  }
0x103: {  	_ = 	snop  }
0x104: {  	[tilespmem:s25], [sflag:$0x2] =	stream.indirect_vreg.gather [hbm4b:s3+s2], $0x80, v3, vm0, $0xb8;
	[tilespmem:$0xC280] =	vst v63  }
0x105: {  	v3 =	vld [tilespmem:$0x160];
	_ =	sdelay $0x4  }
0x106: {  	v50 =	vshll.u32 v3, $0x1  }
0x107: {  	v3 =	vand.u32 $0x7, v3;
	v4 =	vand.u32 $0xFFFFFFF0, v50  }
0x108: {  	v3 =	vor.u32 v3, v4  }
0x109: {  	v4 =	vperm.xlane v3, v0;
	_ =	sdelay $0x1  }
0x10a: {  	v3 =	vperm.xlane v3, v2;
	v4 =	vadd.s32 v1, v4;
	_ =	sdelay $0x1  }
0x10b: {  	v3 =	vadd.s32 v1, v3;
	_ =	sdelay $0x2  }
0x10c: {  	[tilespmem:s26], [sflag:$0x2] =	stream.indirect_vreg.gather [hbm4b:s3+s2], $0x80, v4, vm0, $0xb8;
	[tilespmem:$0xC280] =	vst v63  }
0x10d: {  	_ = 	snop  }
0x10e: {  	[tilespmem:s28], [sflag:$0x2] =	stream.indirect_vreg.gather [hbm4b:s3+s2], $0x80, v3, vm0, $0xb8;
	[tilespmem:$0xC280] =	vst v63  }
0x10f: {  	v3 =	vld [tilespmem:$0x170];
	_ =	sdelay $0x4  }
0x110: {  	v51 =	vshll.u32 v3, $0x1  }
0x111: {  	v3 =	vand.u32 $0x7, v3;
	v4 =	vand.u32 $0xFFFFFFF0, v51  }
0x112: {  	v3 =	vor.u32 v3, v4  }
0x113: {  	v4 =	vperm.xlane v3, v0;
	_ =	sdelay $0x1  }
0x114: {  	v3 =	vperm.xlane v3, v2;
	v4 =	vadd.s32 v1, v4;
	_ =	sdelay $0x1  }
0x115: {  	v3 =	vadd.s32 v1, v3;
	_ =	sdelay $0x2  }
0x116: {  	[tilespmem:s29], [sflag:$0x2] =	stream.indirect_vreg.gather [hbm4b:s3+s2], $0x80, v4, vm0, $0xb8;
	[tilespmem:$0xC280] =	vst v63  }
0x117: {  	_ = 	snop  }
0x118: {  	[tilespmem:s30], [sflag:$0x2] =	stream.indirect_vreg.gather [hbm4b:s3+s2], $0x80, v3, vm0, $0xb8;
	[tilespmem:$0xC280] =	vst v63  }
0x119: {  	_ =	swait.ge [sflag:s31], $0x6000  }
0x11a: {  	[sflag:s31] =	ssyncset.done $0x0  }
0x11b: {  	s0 =	rddreg [dreg:$0x5];
	[sflag:s31] =	ssyncadd.s32 $0xFFFFA000  }
0x11c: {  	[hbm4b:s0+s2] =	stream.linear.scatter [tilespmem:s6], [sflag:$0x3], $0x6000, $0x38;
	[tilespmem:$0xC280] =	vst v63  }
0x11d: {  	_ =	swait.ge [sflag:s5], $0x6000  }
0x11e: {  	[sflag:s5] =	ssyncset.done $0x0  }
0x11f: {  	[sflag:s5] =	ssyncadd.s32 $0xFFFFA000  }
0x120: {  	v3 =	vld [tilespmem:$0x180];
	_ =	sdelay $0x4  }
0x121: {  	v52 =	vshll.u32 v3, $0x1  }
0x122: {  	v3 =	vand.u32 $0x7, v3;
	v4 =	vand.u32 $0xFFFFFFF0, v52  }
0x123: {  	v3 =	vor.u32 v3, v4  }
0x124: {  	v4 =	vperm.xlane v3, v0;
	_ =	sdelay $0x1  }
0x125: {  	v3 =	vperm.xlane v3, v2;
	v4 =	vadd.s32 v1, v4;
	_ =	sdelay $0x1  }
0x126: {  	v3 =	vadd.s32 v1, v3;
	_ =	sdelay $0x2  }
0x127: {  	[tilespmem:s6], [sflag:$0x1] =	stream.indirect_vreg.gather [hbm4b:s3+s2], $0x80, v4, vm0, $0xb8;
	[tilespmem:$0xC280] =	vst v63  }
0x128: {  	_ = 	snop  }
0x129: {  	[tilespmem:s7], [sflag:$0x1] =	stream.indirect_vreg.gather [hbm4b:s3+s2], $0x80, v3, vm0, $0xb8;
	[tilespmem:$0xC280] =	vst v63  }
0x12a: {  	v3 =	vld [tilespmem:$0x190];
	_ =	sdelay $0x4  }
0x12b: {  	v53 =	vshll.u32 v3, $0x1  }
0x12c: {  	v3 =	vand.u32 $0x7, v3;
	v4 =	vand.u32 $0xFFFFFFF0, v53  }
0x12d: {  	v3 =	vor.u32 v3, v4  }
0x12e: {  	v4 =	vperm.xlane v3, v0;
	_ =	sdelay $0x1  }
0x12f: {  	v3 =	vperm.xlane v3, v2;
	v4 =	vadd.s32 v1, v4;
	_ =	sdelay $0x1  }
0x130: {  	v3 =	vadd.s32 v1, v3;
	_ =	sdelay $0x2  }
0x131: {  	[tilespmem:s8], [sflag:$0x1] =	stream.indirect_vreg.gather [hbm4b:s3+s2], $0x80, v4, vm0, $0xb8;
	[tilespmem:$0xC280] =	vst v63  }
0x132: {  	_ = 	snop  }
0x133: {  	[tilespmem:s9], [sflag:$0x1] =	stream.indirect_vreg.gather [hbm4b:s3+s2], $0x80, v3, vm0, $0xb8;
	[tilespmem:$0xC280] =	vst v63  }
0x134: {  	v3 =	vld [tilespmem:$0x1A0];
	_ =	sdelay $0x4  }
0x135: {  	v54 =	vshll.u32 v3, $0x1  }
0x136: {  	v3 =	vand.u32 $0x7, v3;
	v4 =	vand.u32 $0xFFFFFFF0, v54  }
0x137: {  	v3 =	vor.u32 v3, v4  }
0x138: {  	v4 =	vperm.xlane v3, v0;
	_ =	sdelay $0x1  }
0x139: {  	v3 =	vperm.xlane v3, v2;
	v4 =	vadd.s32 v1, v4;
	_ =	sdelay $0x1  }
0x13a: {  	v3 =	vadd.s32 v1, v3;
	_ =	sdelay $0x2  }
0x13b: {  	[tilespmem:s10], [sflag:$0x1] =	stream.indirect_vreg.gather [hbm4b:s3+s2], $0x80, v4, vm0, $0xb8;
	[tilespmem:$0xC280] =	vst v63  }
0x13c: {  	_ = 	snop  }
0x13d: {  	[tilespmem:s11], [sflag:$0x1] =	stream.indirect_vreg.gather [hbm4b:s3+s2], $0x80, v3, vm0, $0xb8;
	[tilespmem:$0xC280] =	vst v63  }
0x13e: {  	v3 =	vld [tilespmem:$0x1B0];
	_ =	sdelay $0x4  }
0x13f: {  	v55 =	vshll.u32 v3, $0x1  }
0x140: {  	v3 =	vand.u32 $0x7, v3;
	v4 =	vand.u32 $0xFFFFFFF0, v55  }
0x141: {  	v3 =	vor.u32 v3, v4  }
0x142: {  	v4 =	vperm.xlane v3, v0;
	_ =	sdelay $0x1  }
0x143: {  	v3 =	vperm.xlane v3, v2;
	v4 =	vadd.s32 v1, v4;
	_ =	sdelay $0x1  }
0x144: {  	v3 =	vadd.s32 v1, v3;
	_ =	sdelay $0x2  }
0x145: {  	[tilespmem:s12], [sflag:$0x1] =	stream.indirect_vreg.gather [hbm4b:s3+s2], $0x80, v4, vm0, $0xb8;
	[tilespmem:$0xC280] =	vst v63  }
0x146: {  	_ = 	snop  }
0x147: {  	[tilespmem:s13], [sflag:$0x1] =	stream.indirect_vreg.gather [hbm4b:s3+s2], $0x80, v3, vm0, $0xb8;
	[tilespmem:$0xC280] =	vst v63  }
0x148: {  	v3 =	vld [tilespmem:$0x1C0];
	_ =	sdelay $0x4  }
0x149: {  	v56 =	vshll.u32 v3, $0x1  }
0x14a: {  	v3 =	vand.u32 $0x7, v3;
	v4 =	vand.u32 $0xFFFFFFF0, v56  }
0x14b: {  	v3 =	vor.u32 v3, v4  }
0x14c: {  	v4 =	vperm.xlane v3, v0;
	_ =	sdelay $0x1  }
0x14d: {  	v3 =	vperm.xlane v3, v2;
	v4 =	vadd.s32 v1, v4;
	_ =	sdelay $0x1  }
0x14e: {  	v3 =	vadd.s32 v1, v3;
	_ =	sdelay $0x2  }
0x14f: {  	[tilespmem:s14], [sflag:$0x1] =	stream.indirect_vreg.gather [hbm4b:s3+s2], $0x80, v4, vm0, $0xb8;
	[tilespmem:$0xC280] =	vst v63  }
0x150: {  	_ = 	snop  }
0x151: {  	[tilespmem:s15], [sflag:$0x1] =	stream.indirect_vreg.gather [hbm4b:s3+s2], $0x80, v3, vm0, $0xb8;
	[tilespmem:$0xC280] =	vst v63  }
0x152: {  	v3 =	vld [tilespmem:$0x1D0];
	_ =	sdelay $0x4  }
0x153: {  	v57 =	vshll.u32 v3, $0x1  }
0x154: {  	v3 =	vand.u32 $0x7, v3;
	v4 =	vand.u32 $0xFFFFFFF0, v57  }
0x155: {  	v3 =	vor.u32 v3, v4  }
0x156: {  	v4 =	vperm.xlane v3, v0;
	_ =	sdelay $0x1  }
0x157: {  	v3 =	vperm.xlane v3, v2;
	v4 =	vadd.s32 v1, v4;
	_ =	sdelay $0x1  }
0x158: {  	v3 =	vadd.s32 v1, v3;
	_ =	sdelay $0x2  }
0x159: {  	[tilespmem:s16], [sflag:$0x1] =	stream.indirect_vreg.gather [hbm4b:s3+s2], $0x80, v4, vm0, $0xb8;
	[tilespmem:$0xC280] =	vst v63  }
0x15a: {  	_ = 	snop  }
0x15b: {  	[tilespmem:s17], [sflag:$0x1] =	stream.indirect_vreg.gather [hbm4b:s3+s2], $0x80, v3, vm0, $0xb8;
	[tilespmem:$0xC280] =	vst v63  }
0x15c: {  	_ =	swait.ge [sflag:s1], $0x6000  }
0x15d: {  	[sflag:s1] =	ssyncset.done $0x0  }
0x15e: {  	s0 =	rddreg [dreg:$0x6];
	[sflag:s1] =	ssyncadd.s32 $0xFFFFA000  }
0x15f: {  	[hbm4b:s0+s2] =	stream.linear.scatter [tilespmem:s18], [sflag:$0x3], $0x6000, $0x38;
	[tilespmem:$0xC280] =	vst v63  }
0x160: {  	_ =	swait.ge [sflag:s5], $0x6000  }
0x161: {  	[sflag:s5] =	ssyncset.done $0x0  }
0x162: {  	[sflag:s5] =	ssyncadd.s32 $0xFFFFA000  }
0x163: {  	v3 =	vld [tilespmem:$0x1E0];
	_ =	sdelay $0x4  }
0x164: {  	v58 =	vshll.u32 v3, $0x1  }
0x165: {  	v3 =	vand.u32 $0x7, v3;
	v4 =	vand.u32 $0xFFFFFFF0, v58  }
0x166: {  	v3 =	vor.u32 v3, v4  }
0x167: {  	v4 =	vperm.xlane v3, v0;
	_ =	sdelay $0x1  }
0x168: {  	v3 =	vperm.xlane v3, v2;
	v4 =	vadd.s32 v1, v4;
	_ =	sdelay $0x1  }
0x169: {  	v3 =	vadd.s32 v1, v3;
	_ =	sdelay $0x2  }
0x16a: {  	[tilespmem:s18], [sflag:$0x2] =	stream.indirect_vreg.gather [hbm4b:s3+s2], $0x80, v4, vm0, $0xb8;
	[tilespmem:$0xC280] =	vst v63  }
0x16b: {  	_ = 	snop  }
0x16c: {  	[tilespmem:s19], [sflag:$0x2] =	stream.indirect_vreg.gather [hbm4b:s3+s2], $0x80, v3, vm0, $0xb8;
	[tilespmem:$0xC280] =	vst v63  }
0x16d: {  	v3 =	vld [tilespmem:$0x1F0];
	_ =	sdelay $0x4  }
0x16e: {  	v59 =	vshll.u32 v3, $0x1  }
0x16f: {  	v3 =	vand.u32 $0x7, v3;
	v4 =	vand.u32 $0xFFFFFFF0, v59  }
0x170: {  	v3 =	vor.u32 v3, v4  }
0x171: {  	v4 =	vperm.xlane v3, v0;
	_ =	sdelay $0x1  }
0x172: {  	v3 =	vperm.xlane v3, v2;
	v4 =	vadd.s32 v1, v4;
	_ =	sdelay $0x1  }
0x173: {  	v3 =	vadd.s32 v1, v3;
	_ =	sdelay $0x2  }
0x174: {  	[tilespmem:s20], [sflag:$0x2] =	stream.indirect_vreg.gather [hbm4b:s3+s2], $0x80, v4, vm0, $0xb8;
	[tilespmem:$0xC280] =	vst v63  }
0x175: {  	_ = 	snop  }
0x176: {  	[tilespmem:s21], [sflag:$0x2] =	stream.indirect_vreg.gather [hbm4b:s3+s2], $0x80, v3, vm0, $0xb8;
	[tilespmem:$0xC280] =	vst v63  }
0x177: {  	v3 =	vld [tilespmem:$0x200];
	_ =	sdelay $0x4  }
0x178: {  	v60 =	vshll.u32 v3, $0x1  }
0x179: {  	v3 =	vand.u32 $0x7, v3;
	v4 =	vand.u32 $0xFFFFFFF0, v60  }
0x17a: {  	v3 =	vor.u32 v3, v4  }
0x17b: {  	v4 =	vperm.xlane v3, v0;
	_ =	sdelay $0x1  }
0x17c: {  	v3 =	vperm.xlane v3, v2;
	v4 =	vadd.s32 v1, v4;
	_ =	sdelay $0x1  }
0x17d: {  	v3 =	vadd.s32 v1, v3;
	_ =	sdelay $0x2  }
0x17e: {  	[tilespmem:s22], [sflag:$0x2] =	stream.indirect_vreg.gather [hbm4b:s3+s2], $0x80, v4, vm0, $0xb8;
	[tilespmem:$0xC280] =	vst v63  }
0x17f: {  	_ = 	snop  }
0x180: {  	[tilespmem:s23], [sflag:$0x2] =	stream.indirect_vreg.gather [hbm4b:s3+s2], $0x80, v3, vm0, $0xb8;
	[tilespmem:$0xC280] =	vst v63  }
0x181: {  	v3 =	vld [tilespmem:$0x210];
	_ =	sdelay $0x4  }
0x182: {  	v61 =	vshll.u32 v3, $0x1  }
0x183: {  	v3 =	vand.u32 $0x7, v3;
	v4 =	vand.u32 $0xFFFFFFF0, v61  }
0x184: {  	v3 =	vor.u32 v3, v4  }
0x185: {  	v4 =	vperm.xlane v3, v0;
	_ =	sdelay $0x1  }
0x186: {  	v3 =	vperm.xlane v3, v2;
	v4 =	vadd.s32 v1, v4;
	_ =	sdelay $0x1  }
0x187: {  	v3 =	vadd.s32 v1, v3;
	_ =	sdelay $0x2  }
0x188: {  	[tilespmem:s24], [sflag:$0x2] =	stream.indirect_vreg.gather [hbm4b:s3+s2], $0x80, v4, vm0, $0xb8;
	[tilespmem:$0xC280] =	vst v63  }
0x189: {  	_ = 	snop  }
0x18a: {  	[tilespmem:s25], [sflag:$0x2] =	stream.indirect_vreg.gather [hbm4b:s3+s2], $0x80, v3, vm0, $0xb8;
	[tilespmem:$0xC280] =	vst v63  }
0x18b: {  	v3 =	vld [tilespmem:$0x220];
	_ =	sdelay $0x4  }
0x18c: {  	v62 =	vshll.u32 v3, $0x1  }
0x18d: {  	v3 =	vand.u32 $0x7, v3;
	v4 =	vand.u32 $0xFFFFFFF0, v62  }
0x18e: {  	v3 =	vor.u32 v3, v4  }
0x18f: {  	v4 =	vperm.xlane v3, v0;
	_ =	sdelay $0x1  }
0x190: {  	v3 =	vperm.xlane v3, v2;
	v4 =	vadd.s32 v1, v4;
	_ =	sdelay $0x1  }
0x191: {  	v3 =	vadd.s32 v1, v3;
	_ =	sdelay $0x2  }
0x192: {  	[tilespmem:s26], [sflag:$0x2] =	stream.indirect_vreg.gather [hbm4b:s3+s2], $0x80, v4, vm0, $0xb8;
	[tilespmem:$0xC280] =	vst v63  }
0x193: {  	_ = 	snop  }
0x194: {  	[tilespmem:s28], [sflag:$0x2] =	stream.indirect_vreg.gather [hbm4b:s3+s2], $0x80, v3, vm0, $0xb8;
	[tilespmem:$0xC280] =	vst v63  }
0x195: {  	v3 =	vld [tilespmem:$0x230];
	_ =	sdelay $0x4  }
0x196: {  	v63 =	vshll.u32 v3, $0x1  }
0x197: {  	v3 =	vand.u32 $0x7, v3;
	v4 =	vand.u32 $0xFFFFFFF0, v63  }
0x198: {  	v3 =	vor.u32 v3, v4  }
0x199: {  	v4 =	vperm.xlane v3, v0;
	_ =	sdelay $0x1  }
0x19a: {  	v3 =	vperm.xlane v3, v2;
	v4 =	vadd.s32 v1, v4;
	_ =	sdelay $0x1  }
0x19b: {  	v3 =	vadd.s32 v1, v3;
	_ =	sdelay $0x2  }
0x19c: {  	[tilespmem:s29], [sflag:$0x2] =	stream.indirect_vreg.gather [hbm4b:s3+s2], $0x80, v4, vm0, $0xb8;
	[tilespmem:$0xC280] =	vst v63  }
0x19d: {  	_ = 	snop  }
0x19e: {  	[tilespmem:s30], [sflag:$0x2] =	stream.indirect_vreg.gather [hbm4b:s3+s2], $0x80, v3, vm0, $0xb8;
	[tilespmem:$0xC280] =	vst v63  }
0x19f: {  	_ =	swait.ge [sflag:s31], $0x6000  }
0x1a0: {  	[sflag:s31] =	ssyncset.done $0x0  }
0x1a1: {  	s0 =	rddreg [dreg:$0x7];
	[sflag:s31] =	ssyncadd.s32 $0xFFFFA000  }
0x1a2: {  	[hbm4b:s0+s2] =	stream.linear.scatter [tilespmem:s6], [sflag:$0x3], $0x6000, $0x38;
	[tilespmem:$0xC280] =	vst v63  }
0x1a3: {  	_ =	swait.ge [sflag:s5], $0x6000  }
0x1a4: {  	[sflag:s5] =	ssyncset.done $0x0  }
0x1a5: {  	[sflag:s5] =	ssyncadd.s32 $0xFFFFA000  }
0x1a6: {  	_ =	swait.ge [sflag:s1], $0x6000  }
0x1a7: {  	p0 =	sne.s32 s4, $0x1;
	[sflag:s1] =	ssyncset.done $0x0  }
.Ltmp0:
0x1a8: {  	s0 =	rddreg [dreg:$0x8];
	[sflag:s1] =	ssyncadd.s32 $0xFFFFA000;
	(pc) =	sbr.rel @p0 .LBB2_1-.Ltmp0, $4  }
0x1a9: {  	[hbm4b:s0+s2] =	stream.linear.scatter [tilespmem:s18], [sflag:$0x3], $0x6000, $0x38;
	[tilespmem:$0xC280] =	vst v63  }
0x1aa: {  	_ =	swait.ge [sflag:s5], $0x6000  }
0x1ab: {  	[sflag:s5] =	ssyncset.done $0x0  }
0x1ac: {  	s4 =	sadd.s32 $0xFFFFFFFF, s4;
	[sflag:s5] =	ssyncadd.s32 $0xFFFFA000  }
0x1ad: {  	_ =	sfence.sel $0x180000  }
0x1ae: {  	[bflag:$0x0] =	sbarrier.arrive $0xFFFF  }
0x1af: {  	_ =	strace $0x9000004D  }
0x1b0: {  	s0 =	stileid.u32;
	[bflag:$0x2] =	sbarrier.arrive $0xFFFF  }
0x1b1: {  	p0 =	sne.s32 s0, $0x0;
	s0 =	rddreg [dreg:$0x1]  }
0x1b2: {  	s0 =	sadd.s32 @!p0 $0x100000, s0  }
0x1b3: {  	[sflag:s0] =	ssyncadd.tile.s32 @!p0 $0x1;
	_ =	shalt  }
.Lfunc_end2:
_tile_overlayer_lowered:
.L_overlay_start_2:
0x1b4: {  	(tag) =	ssettag $0x2  }
0x1b5: {  	s0 =	rddreg [dreg:$0x0];
	s2 =	stileid.u32  }
0x1b6: {  	s1 =	rddreg [dreg:$0x1];
	p0 =	sne.s32 s2, $0x0  }
0x1b7: {  	s3 =	rddreg [dreg:$0x2];
	[bflag:$0x3] =	sbarrier.arrive $0xFFFF;
	s2 =	simm.s32 @!p0 $0x1C03  }
0x1b8: {  	[timem:s3], [sflag:s2] =	dma.local @!p0 [hbm:s0], s1  }
0x1b9: {  	s0 =	simm.s32 @!p0 $0x3  }
0x1ba: {  	_ =	swait.ge @!p0 [sflag:s0], s1  }
0x1bb: {  	s1 =	ssub.s32 @!p0 $0x0, s1;
	[sflag:s0] =	ssyncset.done @!p0 $0x0  }
0x1bc: {  	[sflag:s0] =	ssyncadd.s32 @!p0 s1  }
0x1bd: {  	[bflag:$0x3] =	sbarrier.arrive $0xFFFF  }
0x1be: {  	_ =	shalt  }

// kernel: kernel.23.cloned.1.call-start
scs
__scs_entry_jumppad:
0x0: {  	(pc) =	sbr.rel $0x88, $3  }
0x1: {  	(tag) =	ssettag $0x0;
	lr =	simm.s32 $0x1  }
0x2: {  	[smem:$0x3F9F] =	sst lr;
	_ =	strace $0xD0000000  }
0x3: {  	_ = 	snop  }
0x4: {  	_ = 	snop  }
0x5: {  	_ = 	snop  }
0x6: {  	_ = 	snop  }
0x7: {  	_ = 	snop  }
__scs_overlays_trampoline_lowered:
0x8: {  	[smem:$0x3FAE] =	sst s0  }
0x9: {  	[smem:$0x3FAF] =	sst s1  }
0xa: {  	[smem:$0x3FB0] =	sst s2  }
0xb: {  	[smem:$0x3FB1] =	sst s3  }
0xc: {  	[smem:$0x3FB2] =	sst s4  }
0xd: {  	[smem:$0x3FB3] =	sst s5  }
0xe: {  	[smem:$0x3FB4] =	sst s6  }
0xf: {  	[smem:$0x3FB5] =	sst s7  }
0x10: {  	[smem:$0x3FB6] =	sst s8  }
0x11: {  	[smem:$0x3FB7] =	sst s9;
	s0 =	simm.s32 @!p0 $0x0  }
0x12: {  	s1 =	sld [smem:$0x3F9D];
	s0 =	simm.s32 @p0 $0x1  }
0x13: {  	[smem:$0x3FB8] =	sst s0;
	s0 =	simm.s32 @!p1 $0x0  }
0x14: {  	s2 =	sld [smem:$0x3F9C];
	s0 =	simm.s32 @p1 $0x1  }
0x15: {  	[smem:$0x3FB9] =	sst s0;
	s0 =	simm.s32 @!p2 $0x0  }
0x16: {  	s3 =	sld [smem:$0x3FDB];
	s0 =	simm.s32 @p2 $0x1  }
0x17: {  	s4 =	simm.s32 $0x1BF5;
	[smem:$0x3FBB] =	sst s0  }
0x18: {  	s0 =	sld [smem:$0x3F9E];
	_ =	swait.ge [sflag:s4], $0x0  }
0x19: {  	s7 =	sld [smem:$0x3F9F]  }
0x1a: {  	s8 =	sadd.s32 $0xFFFFE003, lr  }
0x1b: {  	s9 =	sadd.s32 $0xFFFFFEF7, lr;
	s5 =	simm.s32 $0xFFFFFFFF;
	p2 =	slt.u32 s8, $0xFFFFF086  }
0x1c: {  	p1 =	slt.u32 s9, $0xF7A;
	s5 =	simm.s32 @!p2 $0x0  }
0x1d: {  	s5 =	simm.s32 @p1 $0x1;
	p0 =	seq.s32 s7, s2  }
0x1e: {  	s7 =	smul.u32 @!p0 $0xF7A, s2;
	p2 =	seq.s32 @!p0 s5, $0x0  }
0x1f: {  	s9 =	smul.u32 $0xF7A, s1;
	s8 =	simm.s32 @!p0 $0x1BF5;
	p2 =	por !p2, p0  }
0x20: {  	[sflag:s8] =	ssyncset.s32 @!p0 $0xFFFFF086;
	s6 =	sadd.s32 @!p0 s3, s7;
	s7 =	simm.s32 @!p0 $0x108  }
0x21: {  	s3 =	sadd.s32 s3, s9;
	s6 =	sadd.s32 @!p0 $0x88, s6;
	s7 =	simm.s32 @p2 $0x1082  }
0x22: {  	[simem:s7], [sflag:s8] =	dma.local @!p0 [hbm:s6], $0xF7A  }
0x23: {  	s9 =	sor.u32 $0xD0000000, s2;
	s6 =	simm.s32 $0x108;
	_ =	swait.ge @!p0 [sflag:s8], $0x0  }
0x24: {  	s3 =	sadd.s32 $0x88, s3;
	s6 =	simm.s32 @!p1 $0x1082;
	[sflag:s4] =	ssyncset.s32 $0xFFFFF086  }
0x25: {  	[simem:s6], [sflag:s4] =	dma.local [hbm:s3], $0xF7A  }
0x26: {  	[smem:$0x3F9F] =	sst s1;
	(tag) =	ssettag s2;
	_ =	strace s9  }
0x27: {  	s1 =	sld [smem:$0x3FAF]  }
0x28: {  	s2 =	sld [smem:$0x3FB0]  }
0x29: {  	s4 =	sld [smem:$0x3FB2]  }
0x2a: {  	p0 =	seq.s32 s5, $0x0;
	s5 =	sld [smem:$0x3FB3]  }
0x2b: {  	s6 =	sld [smem:$0x3FB4]  }
0x2c: {  	s7 =	sld [smem:$0x3FB5]  }
0x2d: {  	s3 =	simm.s32 $0x108;
	s8 =	sld [smem:$0x3FB6]  }
0x2e: {  	s3 =	simm.s32 @!p0 $0x1082;
	s9 =	sld [smem:$0x3FB7]  }
0x2f: {  	lr =	sadd.s32 s0, s3;
	s0 =	sld [smem:$0x3FAE]  }
0x30: {  	s3 =	sld [smem:$0x3FB1]  }
0x31: {  	[smem:$0x3FBA] =	sst s10  }
0x32: {  	s10 =	sld [smem:$0x3FB8];
	_ =	sdelay $0x3  }
0x33: {  	p0 =	seq.s32 s10, $0x1;
	s10 =	sld [smem:$0x3FBA];
	_ =	sdelay $0x3  }
0x34: {  	[smem:$0x3FBA] =	sst s10  }
0x35: {  	s10 =	sld [smem:$0x3FB9];
	_ =	sdelay $0x3  }
0x36: {  	p1 =	seq.s32 s10, $0x1;
	s10 =	sld [smem:$0x3FBA];
	_ =	sdelay $0x3  }
0x37: {  	[smem:$0x3FBA] =	sst s10  }
0x38: {  	s10 =	sld [smem:$0x3FBB]  }
0x39: {  	_ = 	snop;
	(pc) =	sbr.ind lr, $3  }
0x3a: {  	_ = 	snop  }
0x3b: {  	_ = 	snop  }
0x3c: {  	p2 =	seq.s32 s10, $0x1;
	s10 =	sld [smem:$0x3FBA]  }
0x3d: {  	_ =	shalt  }
0x3e: {  	_ =	shalt  }
0x3f: {  	_ =	shalt  }
0x40: {  	_ =	shalt  }
0x41: {  	_ =	shalt  }
0x42: {  	_ =	shalt  }
0x43: {  	_ =	shalt  }
0x44: {  	_ =	shalt  }
0x45: {  	_ =	shalt  }
0x46: {  	_ =	shalt  }
0x47: {  	_ =	shalt  }
0x48: {  	_ =	shalt  }
0x49: {  	_ =	shalt  }
0x4a: {  	_ =	shalt  }
0x4b: {  	_ =	shalt  }
0x4c: {  	_ =	shalt  }
0x4d: {  	_ =	shalt  }
0x4e: {  	_ =	shalt  }
0x4f: {  	_ =	shalt  }
0x50: {  	_ =	shalt  }
0x51: {  	_ =	shalt  }
0x52: {  	_ =	shalt  }
0x53: {  	_ =	shalt  }
0x54: {  	_ =	shalt  }
0x55: {  	_ =	shalt  }
0x56: {  	_ =	shalt  }
0x57: {  	_ =	shalt  }
0x58: {  	_ =	shalt  }
0x59: {  	_ =	shalt  }
0x5a: {  	_ =	shalt  }
0x5b: {  	_ =	shalt  }
0x5c: {  	_ =	shalt  }
0x5d: {  	_ =	shalt  }
0x5e: {  	_ =	shalt  }
0x5f: {  	_ =	shalt  }
0x60: {  	_ =	shalt  }
0x61: {  	_ =	shalt  }
0x62: {  	_ =	shalt  }
0x63: {  	_ =	shalt  }
0x64: {  	_ =	shalt  }
0x65: {  	_ =	shalt  }
0x66: {  	_ =	shalt  }
0x67: {  	_ =	shalt  }
0x68: {  	_ =	shalt  }
0x69: {  	_ =	shalt  }
0x6a: {  	_ =	shalt  }
0x6b: {  	_ =	shalt  }
0x6c: {  	_ =	shalt  }
0x6d: {  	_ =	shalt  }
0x6e: {  	_ =	shalt  }
0x6f: {  	_ =	shalt  }
0x70: {  	_ =	shalt  }
0x71: {  	_ =	shalt  }
0x72: {  	_ =	shalt  }
0x73: {  	_ =	shalt  }
0x74: {  	_ =	shalt  }
0x75: {  	_ =	shalt  }
0x76: {  	_ =	shalt  }
0x77: {  	_ =	shalt  }
0x78: {  	_ =	shalt  }
0x79: {  	_ =	shalt  }
0x7a: {  	_ =	shalt  }
0x7b: {  	_ =	shalt  }
0x7c: {  	_ =	shalt  }
0x7d: {  	_ =	shalt  }
0x7e: {  	_ =	shalt  }
0x7f: {  	_ =	shalt  }
0x80: {  	_ =	shalt  }
0x81: {  	_ =	shalt  }
0x82: {  	_ =	shalt  }
0x83: {  	_ =	shalt  }
0x84: {  	_ =	shalt  }
0x85: {  	_ =	shalt  }
0x86: {  	_ =	shalt  }
0x87: {  	_ =	shalt  }
.Lfunc_end0:
.L_simem_size_0:
called_computation.3_lowered:
.L_overlay_start_0:
0x88: {  	s2 =	sld [smem:$0x3FD9]  }
0x89: {  	s3 =	sld [smem:$0x3FFE];
	_ =	sdelay $0x1  }
0x8a: {  	s1 =	srdreg.scid  }
0x8b: {  	s0 =	sand.u32 $0x1, s1  }
0x8c: {  	s14 =	sshll.u32 s0, $0xA;
	s2 =	sadd.s32 s3, s2  }
0x8d: {  	s2 =	sadd.s32 s2, s14  }
0x8e: {  	[smem:$0x3FC6] =	sst s2  }
0x8f: {  	_ = 	snop  }
0x90: {  	s2 =	sld [smem:$0x3FD0];
	_ =	sdelay $0x2  }
0x91: {  	s15 =	simm.s32 $0xA;
	s4 =	simm.s32 $0x10  }
0x92: {  	[smem:s4], [sflag:s15] =	dma.local [hbm:s2], $0x1  }
0x93: {  	_ =	swait.eq [sflag:s15], $0x1  }
0x94: {  	[sflag:s15] =	ssyncset.done $0x0  }
0x95: {  	[sflag:s15] =	ssyncadd.s32 $0xFFFFFFFF  }
0x96: {  	s16 =	sld [smem:$0x10];
	(tm) =	ssettm $0x1  }
0x97: {  	s17 =	sld [smem:$0x3FFB];
	_ =	sdelay $0x3  }
0x98: {  	_ =	strace s17  }
0x99: {  	s3 =	sld [smem:$0x3FFC];
	_ =	sdelay $0x3  }
0x9a: {  	_ =	strace s3  }
0x9b: {  	s3 =	sld [smem:$0x3FFD];
	_ =	sdelay $0x3  }
0x9c: {  	_ =	strace s3  }
0x9d: {  	_ =	strace $0x8FFFFFFF  }
0x9e: {  	s18 =	sld [smem:$0x3FDB];
	_ =	sdelay $0x1  }
0x9f: {  	s19 =	simm.s32 $_scs_section_size  }
0xa0: {  	s5 =	simm.s32 $_size__tile_overlayer_lowered;
	s6 =	simm.s32 $_tile_overlayer_lowered  }
0xa1: {  	s22 =	simm.s32 $0x1BFF;
	s21 =	sshll.u32 s6, $0x1;
	s3 =	sadd.s32 s19, s18  }
0xa2: {  	s7 =	simm.s32 $0x0;
	s20 =	sshll.u32 s5, $0x1;
	s5 =	sadd.s32 s21, s3  }
0xa3: {  	[timem:s7], [sflag:s22] =	dma.local [hbm:s5], s20  }
0xa4: {  	_ =	swait.ge [sflag:s22], s20  }
0xa5: {  	s4 =	ssub.s32 $0x0, s20;
	[sflag:s22] =	ssyncset.done $0x0  }
0xa6: {  	[sflag:s22] =	ssyncadd.s32 s4;
	_ =	sdelay $0x1  }
0xa7: {  	s23 =	simm.s32 $0x1B8B  }
0xa8: {  	_ =	swait.ge [sflag:s23], $0x1  }
0xa9: {  	[sflag:s23] =	ssyncset.done $0x0  }
0xaa: {  	s25 =	simm.s32 $0x1B8E;
	s24 =	sld [smem:$0x3FFE];
	[sflag:s23] =	ssyncadd.s32 $0xFFFFFFFF  }
0xab: {  	s26 =	simm.s32 $execute0_lowered;
	[smem:$0x3FD2] =	sst s25  }
0xac: {  	s5 =	sshll.u32 s26, $0x1;
	_ =	strace $0x8000004F;
	[dreg:$0x1] =	wrdreg $0xFFFFFFFF  }
0xad: {  	s28 =	simm.s32 $_size_execute0_lowered;
	s3 =	sadd.s32 s3, s5;
	[dreg:$0x0] =	wrdreg $0x0  }
0xae: {  	s5 =	sshll.u32 s28, $0x1;
	[dreg:$0x2] =	wrdreg s3  }
0xaf: {  	[dreg:$0x3] =	wrdreg s5  }
0xb0: {  	[dreg:$0x4] =	wrdreg $0xC0  }
0xb1: {  	_ =	task [dreg:s7], $0x5FFFF  }
0xb2: {  	[dreg:$0x1] =	wrdreg $0xFFFFFFFF  }
0xb3: {  	[dreg:$0x0] =	wrdreg $0x60  }
0xb4: {  	[dreg:$0x2] =	wrdreg s24  }
0xb5: {  	[dreg:$0x3] =	wrdreg s16  }
0xb6: {  	[dreg:$0x4] =	wrdreg $0x9  }
0xb7: {  	_ =	task.clear_ibuf [dreg:s7], $0x5FFFF;
	_ =	strace $0x9000004F  }
0xb8: {  	s29 =	simm.s32 $0x9;
	_ =	strace $0x80000051  }
0xb9: {  	_ =	swait.ge [sflag:s29], $0x1  }
0xba: {  	[sflag:s29] =	ssyncadd.s32 $0xFFFFFFFF  }
0xbb: {  	_ =	strace $0x90000051  }
0xbc: {  	_ =	sfence  }
0xbd: {  	s30 =	sld [smem:$0x0];
	_ =	sdelay $0x2  }
0xbe: {  	s31 =	sshll.u32 s1, $0xD;
	s1 =	sshrl.u32 s1, $0x2  }
0xbf: {  	s3 =	sand.u32 $0x4000, s31;
	s1 =	sadd.s32 s1, s30  }
0xc0: {  	s0 =	sor.u32 s3, s0;
	s1 =	sshll.u32 s1, $0x11  }
0xc1: {  	s0 =	sor.u32 s1, s0  }
0xc2: {  	s0 =	sadd.s32 $0x8F2B, s0  }
0xc3: {  	[sflag:s0] =	ssyncadd.remote.s32 $0x1  }
0xc4: {  	_ =	sfence.sel $0xFFFF  }
0xc5: {  	[dreg:$0x0] =	wrdreg $0xFFFFFFFF;
	(pc) =	sbr.abs _section_cstart, $3  }
0xc6: {  	[dreg:$0x1] =	wrdreg $0xFFFFFFFF  }
0xc7: {  	_ =	task.clear_ibuf [dreg:s7], $0x2FFFF;
	_ =	strace $0x9FFFFFFF  }
0xc8: {  	(tm) =	ssettm $0x7FFFFFFF  }
0xc9: {  	_ =	shalt  }
tec
execute0_lowered:
.L_overlay_start_1:
0x0: {  	(tag) =	ssettag $0x1  }
0x1: {  	s1 =	srdreg.scid;
	s3 =	rddreg [dreg:$0x0]  }
0x2: {  	s0 =	stileid.u32;
	s4 =	rddreg [dreg:$0x1];
	s9 =	simm.s32 $0x1A80  }
0x3: {  	s10 =	simm.s32 $0x2280;
	s11 =	simm.s32 $0x2A80;
	s12 =	simm.s32 $0x3280  }
0x4: {  	s13 =	simm.s32 $0x3A80;
	s14 =	simm.s32 $0x4280;
	s15 =	simm.s32 $0x4A80  }
0x5: {  	s16 =	simm.s32 $0x5280;
	s17 =	simm.s32 $0x5A80;
	s28 =	simm.s32 $0xAA80  }
0x6: {  	s29 =	simm.s32 $0xB280;
	s1 =	sand.u32 $0x1, s1;
	s2 =	sshll.u32 s0, $0x1  }
0x7: {  	s30 =	simm.s32 $0xBA80;
	s31 =	simm.s32 $0x1;
	s5 =	sor.u32 s1, s2  }
0x8: {  	s8 =	sadd.s32 $0x103C00, s3;
	s3 =	sadd.s32 $0xC2800, s3;
	s6 =	smul.u32 $0x48, s5  }
0x9: {  	s2 =	simm.s32 $0x0;
	s1 =	ssub.s32 $0x2, s1;
	s7 =	smul.u32 $0x24000, s5  }
0xa: {  	[smem:$0x7FF] =	sst s2;
	s5 =	smul.u32 $0x4800, s5;
	s24 =	sshrl.u32 s1, $0x1  }
0xb: {  	_ =	strace $0x80000050;
	s1 =	ssub.s32 s1, s24;
	s24 =	simm.s32 $0x9280  }
0xc: {  	s4 =	sadd.s32 s4, s6;
	s18 =	sshrl.u32 s7, $0x3;
	s19 =	sadd.s32 s8, s5  }
0xd: {  	s5 =	simm.s32 $0x3;
	s6 =	simm.s32 $0x280;
	[dreg:$0x3] =	wrdreg s4  }
0xe: {  	s7 =	simm.s32 $0xA80;
	s20 =	sadd.s32 s8, s18;
	[dreg:$0x4] =	wrdreg s19  }
0xf: {  	s4 =	smax.u32 s1, $0x1;
	s8 =	simm.s32 $0x1280;
	s21 =	sadd.s32 $0xC00, s20  }
0x10: {  	s18 =	simm.s32 $0x6280;
	s22 =	sadd.s32 $0x1800, s20;
	[dreg:$0x5] =	wrdreg s21  }
0x11: {  	s19 =	simm.s32 $0x6A80;
	s23 =	sadd.s32 $0x2400, s20;
	[dreg:$0x6] =	wrdreg s22  }
0x12: {  	s1 =	simm.s32 $0x2;
	s25 =	sadd.s32 $0x3000, s20;
	[dreg:$0x7] =	wrdreg s23  }
0x13: {  	v2 =	vlaneseq.u32;
	s26 =	sadd.s32 $0x3C00, s20;
	s20 =	simm.s32 $0x7280;
	[dreg:$0x8] =	wrdreg s25  }
0x14: {  	vm0 =	vmmov $0xffff;
	v1 =	vshrl.u32 v2, $0x3;
	[dreg:$0x9] =	wrdreg s26;
	s21 =	simm.s32 $0x7A80;
	s22 =	simm.s32 $0x8280  }
0x15: {  	v0 =	vand.u32 $0x7, v2;
	v2 =	vor.u32 $0x8, v2;
	v1 =	vmul.u32 $0x8, v1;
	s23 =	simm.s32 $0x8A80;
	s25 =	simm.s32 $0x9A80;
	s26 =	simm.s32 $0xA280  }
.LBB2_1:
0x16: {  	s0 =	rddreg [dreg:$0x3]  }
0x17: {  	[tilespmem:s2], [sflag:$0x3] =	stream.linear.gather [hbm4b:s0+s2], $0x240, $0x38;
	[tilespmem:$0xC280] =	vst v63  }
0x18: {  	_ =	swait.ge [sflag:s5], $0x240  }
0x19: {  	[sflag:s5] =	ssyncset.done $0x0  }
0x1a: {  	[sflag:s5] =	ssyncadd.s32 $0xFFFFFDC0  }
0x1b: {  	v3 =	vld [tilespmem:$0x0];
	_ =	sdelay $0x4  }
0x1c: {  	v4 =	vshll.u32 v3, $0x1  }
0x1d: {  	v3 =	vand.u32 $0x7, v3;
	v4 =	vand.u32 $0xFFFFFFF0, v4  }
0x1e: {  	v3 =	vor.u32 v3, v4  }
0x1f: {  	v4 =	vperm.xlane v3, v0;
	_ =	sdelay $0x1  }
0x20: {  	v3 =	vperm.xlane v3, v2;
	v4 =	vadd.s32 v1, v4;
	_ =	sdelay $0x1  }
0x21: {  	v3 =	vadd.s32 v1, v3;
	_ =	sdelay $0x2  }
0x22: {  	[tilespmem:s6], [sflag:$0x1] =	stream.indirect_vreg.gather [hbm4b:s3+s2], $0x80, v4, vm0, $0xb8;
	[tilespmem:$0xC280] =	vst v63  }
0x23: {  	_ = 	snop  }
0x24: {  	[tilespmem:s7], [sflag:$0x1] =	stream.indirect_vreg.gather [hbm4b:s3+s2], $0x80, v3, vm0, $0xb8;
	[tilespmem:$0xC280] =	vst v63  }
0x25: {  	v3 =	vld [tilespmem:$0x10];
	_ =	sdelay $0x4  }
0x26: {  	v29 =	vshll.u32 v3, $0x1  }
0x27: {  	v3 =	vand.u32 $0x7, v3;
	v4 =	vand.u32 $0xFFFFFFF0, v29  }
0x28: {  	v3 =	vor.u32 v3, v4  }
0x29: {  	v4 =	vperm.xlane v3, v0;
	_ =	sdelay $0x1  }
0x2a: {  	v3 =	vperm.xlane v3, v2;
	v4 =	vadd.s32 v1, v4;
	_ =	sdelay $0x1  }
0x2b: {  	v3 =	vadd.s32 v1, v3;
	_ =	sdelay $0x2  }
0x2c: {  	[tilespmem:s8], [sflag:$0x1] =	stream.indirect_vreg.gather [hbm4b:s3+s2], $0x80, v4, vm0, $0xb8;
	[tilespmem:$0xC280] =	vst v63  }
0x2d: {  	_ = 	snop  }
0x2e: {  	[tilespmem:s9], [sflag:$0x1] =	stream.indirect_vreg.gather [hbm4b:s3+s2], $0x80, v3, vm0, $0xb8;
	[tilespmem:$0xC280] =	vst v63  }
0x2f: {  	v3 =	vld [tilespmem:$0x20];
	_ =	sdelay $0x4  }
0x30: {  	v30 =	vshll.u32 v3, $0x1  }
0x31: {  	v3 =	vand.u32 $0x7, v3;
	v4 =	vand.u32 $0xFFFFFFF0, v30  }
0x32: {  	v3 =	vor.u32 v3, v4  }
0x33: {  	v4 =	vperm.xlane v3, v0;
	_ =	sdelay $0x1  }
0x34: {  	v3 =	vperm.xlane v3, v2;
	v4 =	vadd.s32 v1, v4;
	_ =	sdelay $0x1  }
0x35: {  	v3 =	vadd.s32 v1, v3;
	_ =	sdelay $0x2  }
0x36: {  	[tilespmem:s10], [sflag:$0x1] =	stream.indirect_vreg.gather [hbm4b:s3+s2], $0x80, v4, vm0, $0xb8;
	[tilespmem:$0xC280] =	vst v63  }
0x37: {  	_ = 	snop  }
0x38: {  	[tilespmem:s11], [sflag:$0x1] =	stream.indirect_vreg.gather [hbm4b:s3+s2], $0x80, v3, vm0, $0xb8;
	[tilespmem:$0xC280] =	vst v63  }
0x39: {  	v3 =	vld [tilespmem:$0x30];
	_ =	sdelay $0x4  }
0x3a: {  	v31 =	vshll.u32 v3, $0x1  }
0x3b: {  	v3 =	vand.u32 $0x7, v3;
	v4 =	vand.u32 $0xFFFFFFF0, v31  }
0x3c: {  	v3 =	vor.u32 v3, v4  }
0x3d: {  	v4 =	vperm.xlane v3, v0;
	_ =	sdelay $0x1  }
0x3e: {  	v3 =	vperm.xlane v3, v2;
	v4 =	vadd.s32 v1, v4;
	_ =	sdelay $0x1  }
0x3f: {  	v3 =	vadd.s32 v1, v3;
	_ =	sdelay $0x2  }
0x40: {  	[tilespmem:s12], [sflag:$0x1] =	stream.indirect_vreg.gather [hbm4b:s3+s2], $0x80, v4, vm0, $0xb8;
	[tilespmem:$0xC280] =	vst v63  }
0x41: {  	_ = 	snop  }
0x42: {  	[tilespmem:s13], [sflag:$0x1] =	stream.indirect_vreg.gather [hbm4b:s3+s2], $0x80, v3, vm0, $0xb8;
	[tilespmem:$0xC280] =	vst v63  }
0x43: {  	v3 =	vld [tilespmem:$0x40];
	_ =	sdelay $0x4  }
0x44: {  	v32 =	vshll.u32 v3, $0x1  }
0x45: {  	v3 =	vand.u32 $0x7, v3;
	v4 =	vand.u32 $0xFFFFFFF0, v32  }
0x46: {  	v3 =	vor.u32 v3, v4  }
0x47: {  	v4 =	vperm.xlane v3, v0;
	_ =	sdelay $0x1  }
0x48: {  	v3 =	vperm.xlane v3, v2;
	v4 =	vadd.s32 v1, v4;
	_ =	sdelay $0x1  }
0x49: {  	v3 =	vadd.s32 v1, v3;
	_ =	sdelay $0x2  }
0x4a: {  	[tilespmem:s14], [sflag:$0x1] =	stream.indirect_vreg.gather [hbm4b:s3+s2], $0x80, v4, vm0, $0xb8;
	[tilespmem:$0xC280] =	vst v63  }
0x4b: {  	_ = 	snop  }
0x4c: {  	[tilespmem:s15], [sflag:$0x1] =	stream.indirect_vreg.gather [hbm4b:s3+s2], $0x80, v3, vm0, $0xb8;
	[tilespmem:$0xC280] =	vst v63  }
0x4d: {  	v3 =	vld [tilespmem:$0x50];
	_ =	sdelay $0x4  }
0x4e: {  	v33 =	vshll.u32 v3, $0x1  }
0x4f: {  	v3 =	vand.u32 $0x7, v3;
	v4 =	vand.u32 $0xFFFFFFF0, v33  }
0x50: {  	v3 =	vor.u32 v3, v4  }
0x51: {  	v4 =	vperm.xlane v3, v0;
	_ =	sdelay $0x1  }
0x52: {  	v3 =	vperm.xlane v3, v2;
	v4 =	vadd.s32 v1, v4;
	_ =	sdelay $0x1  }
0x53: {  	v3 =	vadd.s32 v1, v3;
	_ =	sdelay $0x2  }
0x54: {  	[tilespmem:s16], [sflag:$0x1] =	stream.indirect_vreg.gather [hbm4b:s3+s2], $0x80, v4, vm0, $0xb8;
	[tilespmem:$0xC280] =	vst v63  }
0x55: {  	_ = 	snop  }
0x56: {  	[tilespmem:s17], [sflag:$0x1] =	stream.indirect_vreg.gather [hbm4b:s3+s2], $0x80, v3, vm0, $0xb8;
	[tilespmem:$0xC280] =	vst v63  }
0x57: {  	v3 =	vld [tilespmem:$0x60];
	_ =	sdelay $0x4  }
0x58: {  	v34 =	vshll.u32 v3, $0x1  }
0x59: {  	v3 =	vand.u32 $0x7, v3;
	v4 =	vand.u32 $0xFFFFFFF0, v34  }
0x5a: {  	v3 =	vor.u32 v3, v4  }
0x5b: {  	v4 =	vperm.xlane v3, v0;
	_ =	sdelay $0x1  }
0x5c: {  	v3 =	vperm.xlane v3, v2;
	v4 =	vadd.s32 v1, v4;
	_ =	sdelay $0x1  }
0x5d: {  	v3 =	vadd.s32 v1, v3;
	_ =	sdelay $0x2  }
0x5e: {  	[tilespmem:s18], [sflag:$0x2] =	stream.indirect_vreg.gather [hbm4b:s3+s2], $0x80, v4, vm0, $0xb8;
	[tilespmem:$0xC280] =	vst v63  }
0x5f: {  	_ = 	snop  }
0x60: {  	[tilespmem:s19], [sflag:$0x2] =	stream.indirect_vreg.gather [hbm4b:s3+s2], $0x80, v3, vm0, $0xb8;
	[tilespmem:$0xC280] =	vst v63  }
0x61: {  	v3 =	vld [tilespmem:$0x70];
	_ =	sdelay $0x4  }
0x62: {  	v35 =	vshll.u32 v3, $0x1  }
0x63: {  	v3 =	vand.u32 $0x7, v3;
	v4 =	vand.u32 $0xFFFFFFF0, v35  }
0x64: {  	v3 =	vor.u32 v3, v4  }
0x65: {  	v4 =	vperm.xlane v3, v0;
	_ =	sdelay $0x1  }
0x66: {  	v3 =	vperm.xlane v3, v2;
	v4 =	vadd.s32 v1, v4;
	_ =	sdelay $0x1  }
0x67: {  	v3 =	vadd.s32 v1, v3;
	_ =	sdelay $0x2  }
0x68: {  	[tilespmem:s20], [sflag:$0x2] =	stream.indirect_vreg.gather [hbm4b:s3+s2], $0x80, v4, vm0, $0xb8;
	[tilespmem:$0xC280] =	vst v63  }
0x69: {  	_ = 	snop  }
0x6a: {  	[tilespmem:s21], [sflag:$0x2] =	stream.indirect_vreg.gather [hbm4b:s3+s2], $0x80, v3, vm0, $0xb8;
	[tilespmem:$0xC280] =	vst v63  }
0x6b: {  	v3 =	vld [tilespmem:$0x80];
	_ =	sdelay $0x4  }
0x6c: {  	v36 =	vshll.u32 v3, $0x1  }
0x6d: {  	v3 =	vand.u32 $0x7, v3;
	v4 =	vand.u32 $0xFFFFFFF0, v36  }
0x6e: {  	v3 =	vor.u32 v3, v4  }
0x6f: {  	v4 =	vperm.xlane v3, v0;
	_ =	sdelay $0x1  }
0x70: {  	v3 =	vperm.xlane v3, v2;
	v4 =	vadd.s32 v1, v4;
	_ =	sdelay $0x1  }
0x71: {  	v3 =	vadd.s32 v1, v3;
	_ =	sdelay $0x2  }
0x72: {  	[tilespmem:s22], [sflag:$0x2] =	stream.indirect_vreg.gather [hbm4b:s3+s2], $0x80, v4, vm0, $0xb8;
	[tilespmem:$0xC280] =	vst v63  }
0x73: {  	_ = 	snop  }
0x74: {  	[tilespmem:s23], [sflag:$0x2] =	stream.indirect_vreg.gather [hbm4b:s3+s2], $0x80, v3, vm0, $0xb8;
	[tilespmem:$0xC280] =	vst v63  }
0x75: {  	v3 =	vld [tilespmem:$0x90];
	_ =	sdelay $0x4  }
0x76: {  	v37 =	vshll.u32 v3, $0x1  }
0x77: {  	v3 =	vand.u32 $0x7, v3;
	v4 =	vand.u32 $0xFFFFFFF0, v37  }
0x78: {  	v3 =	vor.u32 v3, v4  }
0x79: {  	v4 =	vperm.xlane v3, v0;
	_ =	sdelay $0x1  }
0x7a: {  	v3 =	vperm.xlane v3, v2;
	v4 =	vadd.s32 v1, v4;
	_ =	sdelay $0x1  }
0x7b: {  	v3 =	vadd.s32 v1, v3;
	_ =	sdelay $0x2  }
0x7c: {  	[tilespmem:s24], [sflag:$0x2] =	stream.indirect_vreg.gather [hbm4b:s3+s2], $0x80, v4, vm0, $0xb8;
	[tilespmem:$0xC280] =	vst v63  }
0x7d: {  	_ = 	snop  }
0x7e: {  	[tilespmem:s25], [sflag:$0x2] =	stream.indirect_vreg.gather [hbm4b:s3+s2], $0x80, v3, vm0, $0xb8;
	[tilespmem:$0xC280] =	vst v63  }
0x7f: {  	v3 =	vld [tilespmem:$0xA0];
	_ =	sdelay $0x4  }
0x80: {  	v38 =	vshll.u32 v3, $0x1  }
0x81: {  	v3 =	vand.u32 $0x7, v3;
	v4 =	vand.u32 $0xFFFFFFF0, v38  }
0x82: {  	v3 =	vor.u32 v3, v4  }
0x83: {  	v4 =	vperm.xlane v3, v0;
	_ =	sdelay $0x1  }
0x84: {  	v3 =	vperm.xlane v3, v2;
	v4 =	vadd.s32 v1, v4;
	_ =	sdelay $0x1  }
0x85: {  	v3 =	vadd.s32 v1, v3;
	_ =	sdelay $0x2  }
0x86: {  	[tilespmem:s26], [sflag:$0x2] =	stream.indirect_vreg.gather [hbm4b:s3+s2], $0x80, v4, vm0, $0xb8;
	[tilespmem:$0xC280] =	vst v63  }
0x87: {  	_ = 	snop  }
0x88: {  	[tilespmem:s28], [sflag:$0x2] =	stream.indirect_vreg.gather [hbm4b:s3+s2], $0x80, v3, vm0, $0xb8;
	[tilespmem:$0xC280] =	vst v63  }
0x89: {  	v3 =	vld [tilespmem:$0xB0];
	_ =	sdelay $0x4  }
0x8a: {  	v39 =	vshll.u32 v3, $0x1  }
0x8b: {  	v3 =	vand.u32 $0x7, v3;
	v4 =	vand.u32 $0xFFFFFFF0, v39  }
0x8c: {  	v3 =	vor.u32 v3, v4  }
0x8d: {  	v4 =	vperm.xlane v3, v0;
	_ =	sdelay $0x1  }
0x8e: {  	v3 =	vperm.xlane v3, v2;
	v4 =	vadd.s32 v1, v4;
	_ =	sdelay $0x1  }
0x8f: {  	v3 =	vadd.s32 v1, v3;
	_ =	sdelay $0x2  }
0x90: {  	[tilespmem:s29], [sflag:$0x2] =	stream.indirect_vreg.gather [hbm4b:s3+s2], $0x80, v4, vm0, $0xb8;
	[tilespmem:$0xC280] =	vst v63  }
0x91: {  	_ = 	snop  }
0x92: {  	[tilespmem:s30], [sflag:$0x2] =	stream.indirect_vreg.gather [hbm4b:s3+s2], $0x80, v3, vm0, $0xb8;
	[tilespmem:$0xC280] =	vst v63  }
0x93: {  	_ =	swait.ge [sflag:s31], $0x6000  }
0x94: {  	[sflag:s31] =	ssyncset.done $0x0  }
0x95: {  	s0 =	rddreg [dreg:$0x4];
	[sflag:s31] =	ssyncadd.s32 $0xFFFFA000  }
0x96: {  	[hbm4b:s0+s2] =	stream.linear.scatter [tilespmem:s6], [sflag:$0x3], $0x6000, $0x38;
	[tilespmem:$0xC280] =	vst v63  }
0x97: {  	_ =	swait.ge [sflag:s5], $0x6000  }
0x98: {  	[sflag:s5] =	ssyncset.done $0x0  }
0x99: {  	[sflag:s5] =	ssyncadd.s32 $0xFFFFA000  }
0x9a: {  	v3 =	vld [tilespmem:$0xC0];
	_ =	sdelay $0x4  }
0x9b: {  	v40 =	vshll.u32 v3, $0x1  }
0x9c: {  	v3 =	vand.u32 $0x7, v3;
	v4 =	vand.u32 $0xFFFFFFF0, v40  }
0x9d: {  	v3 =	vor.u32 v3, v4  }
0x9e: {  	v4 =	vperm.xlane v3, v0;
	_ =	sdelay $0x1  }
0x9f: {  	v3 =	vperm.xlane v3, v2;
	v4 =	vadd.s32 v1, v4;
	_ =	sdelay $0x1  }
0xa0: {  	v3 =	vadd.s32 v1, v3;
	_ =	sdelay $0x2  }
0xa1: {  	[tilespmem:s6], [sflag:$0x1] =	stream.indirect_vreg.gather [hbm4b:s3+s2], $0x80, v4, vm0, $0xb8;
	[tilespmem:$0xC280] =	vst v63  }
0xa2: {  	_ = 	snop  }
0xa3: {  	[tilespmem:s7], [sflag:$0x1] =	stream.indirect_vreg.gather [hbm4b:s3+s2], $0x80, v3, vm0, $0xb8;
	[tilespmem:$0xC280] =	vst v63  }
0xa4: {  	v3 =	vld [tilespmem:$0xD0];
	_ =	sdelay $0x4  }
0xa5: {  	v41 =	vshll.u32 v3, $0x1  }
0xa6: {  	v3 =	vand.u32 $0x7, v3;
	v4 =	vand.u32 $0xFFFFFFF0, v41  }
0xa7: {  	v3 =	vor.u32 v3, v4  }
0xa8: {  	v4 =	vperm.xlane v3, v0;
	_ =	sdelay $0x1  }
0xa9: {  	v3 =	vperm.xlane v3, v2;
	v4 =	vadd.s32 v1, v4;
	_ =	sdelay $0x1  }
0xaa: {  	v3 =	vadd.s32 v1, v3;
	_ =	sdelay $0x2  }
0xab: {  	[tilespmem:s8], [sflag:$0x1] =	stream.indirect_vreg.gather [hbm4b:s3+s2], $0x80, v4, vm0, $0xb8;
	[tilespmem:$0xC280] =	vst v63  }
0xac: {  	_ = 	snop  }
0xad: {  	[tilespmem:s9], [sflag:$0x1] =	stream.indirect_vreg.gather [hbm4b:s3+s2], $0x80, v3, vm0, $0xb8;
	[tilespmem:$0xC280] =	vst v63  }
0xae: {  	v3 =	vld [tilespmem:$0xE0];
	_ =	sdelay $0x4  }
0xaf: {  	v42 =	vshll.u32 v3, $0x1  }
0xb0: {  	v3 =	vand.u32 $0x7, v3;
	v4 =	vand.u32 $0xFFFFFFF0, v42  }
0xb1: {  	v3 =	vor.u32 v3, v4  }
0xb2: {  	v4 =	vperm.xlane v3, v0;
	_ =	sdelay $0x1  }
0xb3: {  	v3 =	vperm.xlane v3, v2;
	v4 =	vadd.s32 v1, v4;
	_ =	sdelay $0x1  }
0xb4: {  	v3 =	vadd.s32 v1, v3;
	_ =	sdelay $0x2  }
0xb5: {  	[tilespmem:s10], [sflag:$0x1] =	stream.indirect_vreg.gather [hbm4b:s3+s2], $0x80, v4, vm0, $0xb8;
	[tilespmem:$0xC280] =	vst v63  }
0xb6: {  	_ = 	snop  }
0xb7: {  	[tilespmem:s11], [sflag:$0x1] =	stream.indirect_vreg.gather [hbm4b:s3+s2], $0x80, v3, vm0, $0xb8;
	[tilespmem:$0xC280] =	vst v63  }
0xb8: {  	v3 =	vld [tilespmem:$0xF0];
	_ =	sdelay $0x4  }
0xb9: {  	v43 =	vshll.u32 v3, $0x1  }
0xba: {  	v3 =	vand.u32 $0x7, v3;
	v4 =	vand.u32 $0xFFFFFFF0, v43  }
0xbb: {  	v3 =	vor.u32 v3, v4  }
0xbc: {  	v4 =	vperm.xlane v3, v0;
	_ =	sdelay $0x1  }
0xbd: {  	v3 =	vperm.xlane v3, v2;
	v4 =	vadd.s32 v1, v4;
	_ =	sdelay $0x1  }
0xbe: {  	v3 =	vadd.s32 v1, v3;
	_ =	sdelay $0x2  }
0xbf: {  	[tilespmem:s12], [sflag:$0x1] =	stream.indirect_vreg.gather [hbm4b:s3+s2], $0x80, v4, vm0, $0xb8;
	[tilespmem:$0xC280] =	vst v63  }
0xc0: {  	_ = 	snop  }
0xc1: {  	[tilespmem:s13], [sflag:$0x1] =	stream.indirect_vreg.gather [hbm4b:s3+s2], $0x80, v3, vm0, $0xb8;
	[tilespmem:$0xC280] =	vst v63  }
0xc2: {  	v3 =	vld [tilespmem:$0x100];
	_ =	sdelay $0x4  }
0xc3: {  	v44 =	vshll.u32 v3, $0x1  }
0xc4: {  	v3 =	vand.u32 $0x7, v3;
	v4 =	vand.u32 $0xFFFFFFF0, v44  }
0xc5: {  	v3 =	vor.u32 v3, v4  }
0xc6: {  	v4 =	vperm.xlane v3, v0;
	_ =	sdelay $0x1  }
0xc7: {  	v3 =	vperm.xlane v3, v2;
	v4 =	vadd.s32 v1, v4;
	_ =	sdelay $0x1  }
0xc8: {  	v3 =	vadd.s32 v1, v3;
	_ =	sdelay $0x2  }
0xc9: {  	[tilespmem:s14], [sflag:$0x1] =	stream.indirect_vreg.gather [hbm4b:s3+s2], $0x80, v4, vm0, $0xb8;
	[tilespmem:$0xC280] =	vst v63  }
0xca: {  	_ = 	snop  }
0xcb: {  	[tilespmem:s15], [sflag:$0x1] =	stream.indirect_vreg.gather [hbm4b:s3+s2], $0x80, v3, vm0, $0xb8;
	[tilespmem:$0xC280] =	vst v63  }
0xcc: {  	v3 =	vld [tilespmem:$0x110];
	_ =	sdelay $0x4  }
0xcd: {  	v45 =	vshll.u32 v3, $0x1  }
0xce: {  	v3 =	vand.u32 $0x7, v3;
	v4 =	vand.u32 $0xFFFFFFF0, v45  }
0xcf: {  	v3 =	vor.u32 v3, v4  }
0xd0: {  	v4 =	vperm.xlane v3, v0;
	_ =	sdelay $0x1  }
0xd1: {  	v3 =	vperm.xlane v3, v2;
	v4 =	vadd.s32 v1, v4;
	_ =	sdelay $0x1  }
0xd2: {  	v3 =	vadd.s32 v1, v3;
	_ =	sdelay $0x2  }
0xd3: {  	[tilespmem:s16], [sflag:$0x1] =	stream.indirect_vreg.gather [hbm4b:s3+s2], $0x80, v4, vm0, $0xb8;
	[tilespmem:$0xC280] =	vst v63  }
0xd4: {  	_ = 	snop  }
0xd5: {  	[tilespmem:s17], [sflag:$0x1] =	stream.indirect_vreg.gather [hbm4b:s3+s2], $0x80, v3, vm0, $0xb8;
	[tilespmem:$0xC280] =	vst v63  }
0xd6: {  	_ =	swait.ge [sflag:s1], $0x6000  }
0xd7: {  	[sflag:s1] =	ssyncset.done $0x0  }
0xd8: {  	s0 =	rddreg [dreg:$0x5];
	[sflag:s1] =	ssyncadd.s32 $0xFFFFA000  }
0xd9: {  	[hbm4b:s0+s2] =	stream.linear.scatter [tilespmem:s18], [sflag:$0x3], $0x6000, $0x38;
	[tilespmem:$0xC280] =	vst v63  }
0xda: {  	_ =	swait.ge [sflag:s5], $0x6000  }
0xdb: {  	[sflag:s5] =	ssyncset.done $0x0  }
0xdc: {  	[sflag:s5] =	ssyncadd.s32 $0xFFFFA000  }
0xdd: {  	v3 =	vld [tilespmem:$0x120];
	_ =	sdelay $0x4  }
0xde: {  	v46 =	vshll.u32 v3, $0x1  }
0xdf: {  	v3 =	vand.u32 $0x7, v3;
	v4 =	vand.u32 $0xFFFFFFF0, v46  }
0xe0: {  	v3 =	vor.u32 v3, v4  }
0xe1: {  	v4 =	vperm.xlane v3, v0;
	_ =	sdelay $0x1  }
0xe2: {  	v3 =	vperm.xlane v3, v2;
	v4 =	vadd.s32 v1, v4;
	_ =	sdelay $0x1  }
0xe3: {  	v3 =	vadd.s32 v1, v3;
	_ =	sdelay $0x2  }
0xe4: {  	[tilespmem:s18], [sflag:$0x2] =	stream.indirect_vreg.gather [hbm4b:s3+s2], $0x80, v4, vm0, $0xb8;
	[tilespmem:$0xC280] =	vst v63  }
0xe5: {  	_ = 	snop  }
0xe6: {  	[tilespmem:s19], [sflag:$0x2] =	stream.indirect_vreg.gather [hbm4b:s3+s2], $0x80, v3, vm0, $0xb8;
	[tilespmem:$0xC280] =	vst v63  }
0xe7: {  	v3 =	vld [tilespmem:$0x130];
	_ =	sdelay $0x4  }
0xe8: {  	v47 =	vshll.u32 v3, $0x1  }
0xe9: {  	v3 =	vand.u32 $0x7, v3;
	v4 =	vand.u32 $0xFFFFFFF0, v47  }
0xea: {  	v3 =	vor.u32 v3, v4  }
0xeb: {  	v4 =	vperm.xlane v3, v0;
	_ =	sdelay $0x1  }
0xec: {  	v3 =	vperm.xlane v3, v2;
	v4 =	vadd.s32 v1, v4;
	_ =	sdelay $0x1  }
0xed: {  	v3 =	vadd.s32 v1, v3;
	_ =	sdelay $0x2  }
0xee: {  	[tilespmem:s20], [sflag:$0x2] =	stream.indirect_vreg.gather [hbm4b:s3+s2], $0x80, v4, vm0, $0xb8;
	[tilespmem:$0xC280] =	vst v63  }
0xef: {  	_ = 	snop  }
0xf0: {  	[tilespmem:s21], [sflag:$0x2] =	stream.indirect_vreg.gather [hbm4b:s3+s2], $0x80, v3, vm0, $0xb8;
	[tilespmem:$0xC280] =	vst v63  }
0xf1: {  	v3 =	vld [tilespmem:$0x140];
	_ =	sdelay $0x4  }
0xf2: {  	v48 =	vshll.u32 v3, $0x1  }
0xf3: {  	v3 =	vand.u32 $0x7, v3;
	v4 =	vand.u32 $0xFFFFFFF0, v48  }
0xf4: {  	v3 =	vor.u32 v3, v4  }
0xf5: {  	v4 =	vperm.xlane v3, v0;
	_ =	sdelay $0x1  }
0xf6: {  	v3 =	vperm.xlane v3, v2;
	v4 =	vadd.s32 v1, v4;
	_ =	sdelay $0x1  }
0xf7: {  	v3 =	vadd.s32 v1, v3;
	_ =	sdelay $0x2  }
0xf8: {  	[tilespmem:s22], [sflag:$0x2] =	stream.indirect_vreg.gather [hbm4b:s3+s2], $0x80, v4, vm0, $0xb8;
	[tilespmem:$0xC280] =	vst v63  }
0xf9: {  	_ = 	snop  }
0xfa: {  	[tilespmem:s23], [sflag:$0x2] =	stream.indirect_vreg.gather [hbm4b:s3+s2], $0x80, v3, vm0, $0xb8;
	[tilespmem:$0xC280] =	vst v63  }
0xfb: {  	v3 =	vld [tilespmem:$0x150];
	_ =	sdelay $0x4  }
0xfc: {  	v49 =	vshll.u32 v3, $0x1  }
0xfd: {  	v3 =	vand.u32 $0x7, v3;
	v4 =	vand.u32 $0xFFFFFFF0, v49  }
0xfe: {  	v3 =	vor.u32 v3, v4  }
0xff: {  	v4 =	vperm.xlane v3, v0;
	_ =	sdelay $0x1  }
0x100: {  	v3 =	vperm.xlane v3, v2;
	v4 =	vadd.s32 v1, v4;
	_ =	sdelay $0x1  }
0x101: {  	v3 =	vadd.s32 v1, v3;
	_ =	sdelay $0x2  }
0x102: {  	[tilespmem:s24], [sflag:$0x2] =	stream.indirect_vreg.gather [hbm4b:s3+s2], $0x80, v4, vm0, $0xb8;
	[tilespmem:$0xC280] =	vst v63  }
0x103: {  	_ = 	snop  }
0x104: {  	[tilespmem:s25], [sflag:$0x2] =	stream.indirect_vreg.gather [hbm4b:s3+s2], $0x80, v3, vm0, $0xb8;
	[tilespmem:$0xC280] =	vst v63  }
0x105: {  	v3 =	vld [tilespmem:$0x160];
	_ =	sdelay $0x4  }
0x106: {  	v50 =	vshll.u32 v3, $0x1  }
0x107: {  	v3 =	vand.u32 $0x7, v3;
	v4 =	vand.u32 $0xFFFFFFF0, v50  }
0x108: {  	v3 =	vor.u32 v3, v4  }
0x109: {  	v4 =	vperm.xlane v3, v0;
	_ =	sdelay $0x1  }
0x10a: {  	v3 =	vperm.xlane v3, v2;
	v4 =	vadd.s32 v1, v4;
	_ =	sdelay $0x1  }
0x10b: {  	v3 =	vadd.s32 v1, v3;
	_ =	sdelay $0x2  }
0x10c: {  	[tilespmem:s26], [sflag:$0x2] =	stream.indirect_vreg.gather [hbm4b:s3+s2], $0x80, v4, vm0, $0xb8;
	[tilespmem:$0xC280] =	vst v63  }
0x10d: {  	_ = 	snop  }
0x10e: {  	[tilespmem:s28], [sflag:$0x2] =	stream.indirect_vreg.gather [hbm4b:s3+s2], $0x80, v3, vm0, $0xb8;
	[tilespmem:$0xC280] =	vst v63  }
0x10f: {  	v3 =	vld [tilespmem:$0x170];
	_ =	sdelay $0x4  }
0x110: {  	v51 =	vshll.u32 v3, $0x1  }
0x111: {  	v3 =	vand.u32 $0x7, v3;
	v4 =	vand.u32 $0xFFFFFFF0, v51  }
0x112: {  	v3 =	vor.u32 v3, v4  }
0x113: {  	v4 =	vperm.xlane v3, v0;
	_ =	sdelay $0x1  }
0x114: {  	v3 =	vperm.xlane v3, v2;
	v4 =	vadd.s32 v1, v4;
	_ =	sdelay $0x1  }
0x115: {  	v3 =	vadd.s32 v1, v3;
	_ =	sdelay $0x2  }
0x116: {  	[tilespmem:s29], [sflag:$0x2] =	stream.indirect_vreg.gather [hbm4b:s3+s2], $0x80, v4, vm0, $0xb8;
	[tilespmem:$0xC280] =	vst v63  }
0x117: {  	_ = 	snop  }
0x118: {  	[tilespmem:s30], [sflag:$0x2] =	stream.indirect_vreg.gather [hbm4b:s3+s2], $0x80, v3, vm0, $0xb8;
	[tilespmem:$0xC280] =	vst v63  }
0x119: {  	_ =	swait.ge [sflag:s31], $0x6000  }
0x11a: {  	[sflag:s31] =	ssyncset.done $0x0  }
0x11b: {  	s0 =	rddreg [dreg:$0x6];
	[sflag:s31] =	ssyncadd.s32 $0xFFFFA000  }
0x11c: {  	[hbm4b:s0+s2] =	stream.linear.scatter [tilespmem:s6], [sflag:$0x3], $0x6000, $0x38;
	[tilespmem:$0xC280] =	vst v63  }
0x11d: {  	_ =	swait.ge [sflag:s5], $0x6000  }
0x11e: {  	[sflag:s5] =	ssyncset.done $0x0  }
0x11f: {  	[sflag:s5] =	ssyncadd.s32 $0xFFFFA000  }
0x120: {  	v3 =	vld [tilespmem:$0x180];
	_ =	sdelay $0x4  }
0x121: {  	v52 =	vshll.u32 v3, $0x1  }
0x122: {  	v3 =	vand.u32 $0x7, v3;
	v4 =	vand.u32 $0xFFFFFFF0, v52  }
0x123: {  	v3 =	vor.u32 v3, v4  }
0x124: {  	v4 =	vperm.xlane v3, v0;
	_ =	sdelay $0x1  }
0x125: {  	v3 =	vperm.xlane v3, v2;
	v4 =	vadd.s32 v1, v4;
	_ =	sdelay $0x1  }
0x126: {  	v3 =	vadd.s32 v1, v3;
	_ =	sdelay $0x2  }
0x127: {  	[tilespmem:s6], [sflag:$0x1] =	stream.indirect_vreg.gather [hbm4b:s3+s2], $0x80, v4, vm0, $0xb8;
	[tilespmem:$0xC280] =	vst v63  }
0x128: {  	_ = 	snop  }
0x129: {  	[tilespmem:s7], [sflag:$0x1] =	stream.indirect_vreg.gather [hbm4b:s3+s2], $0x80, v3, vm0, $0xb8;
	[tilespmem:$0xC280] =	vst v63  }
0x12a: {  	v3 =	vld [tilespmem:$0x190];
	_ =	sdelay $0x4  }
0x12b: {  	v53 =	vshll.u32 v3, $0x1  }
0x12c: {  	v3 =	vand.u32 $0x7, v3;
	v4 =	vand.u32 $0xFFFFFFF0, v53  }
0x12d: {  	v3 =	vor.u32 v3, v4  }
0x12e: {  	v4 =	vperm.xlane v3, v0;
	_ =	sdelay $0x1  }
0x12f: {  	v3 =	vperm.xlane v3, v2;
	v4 =	vadd.s32 v1, v4;
	_ =	sdelay $0x1  }
0x130: {  	v3 =	vadd.s32 v1, v3;
	_ =	sdelay $0x2  }
0x131: {  	[tilespmem:s8], [sflag:$0x1] =	stream.indirect_vreg.gather [hbm4b:s3+s2], $0x80, v4, vm0, $0xb8;
	[tilespmem:$0xC280] =	vst v63  }
0x132: {  	_ = 	snop  }
0x133: {  	[tilespmem:s9], [sflag:$0x1] =	stream.indirect_vreg.gather [hbm4b:s3+s2], $0x80, v3, vm0, $0xb8;
	[tilespmem:$0xC280] =	vst v63  }
0x134: {  	v3 =	vld [tilespmem:$0x1A0];
	_ =	sdelay $0x4  }
0x135: {  	v54 =	vshll.u32 v3, $0x1  }
0x136: {  	v3 =	vand.u32 $0x7, v3;
	v4 =	vand.u32 $0xFFFFFFF0, v54  }
0x137: {  	v3 =	vor.u32 v3, v4  }
0x138: {  	v4 =	vperm.xlane v3, v0;
	_ =	sdelay $0x1  }
0x139: {  	v3 =	vperm.xlane v3, v2;
	v4 =	vadd.s32 v1, v4;
	_ =	sdelay $0x1  }
0x13a: {  	v3 =	vadd.s32 v1, v3;
	_ =	sdelay $0x2  }
0x13b: {  	[tilespmem:s10], [sflag:$0x1] =	stream.indirect_vreg.gather [hbm4b:s3+s2], $0x80, v4, vm0, $0xb8;
	[tilespmem:$0xC280] =	vst v63  }
0x13c: {  	_ = 	snop  }
0x13d: {  	[tilespmem:s11], [sflag:$0x1] =	stream.indirect_vreg.gather [hbm4b:s3+s2], $0x80, v3, vm0, $0xb8;
	[tilespmem:$0xC280] =	vst v63  }
0x13e: {  	v3 =	vld [tilespmem:$0x1B0];
	_ =	sdelay $0x4  }
0x13f: {  	v55 =	vshll.u32 v3, $0x1  }
0x140: {  	v3 =	vand.u32 $0x7, v3;
	v4 =	vand.u32 $0xFFFFFFF0, v55  }
0x141: {  	v3 =	vor.u32 v3, v4  }
0x142: {  	v4 =	vperm.xlane v3, v0;
	_ =	sdelay $0x1  }
0x143: {  	v3 =	vperm.xlane v3, v2;
	v4 =	vadd.s32 v1, v4;
	_ =	sdelay $0x1  }
0x144: {  	v3 =	vadd.s32 v1, v3;
	_ =	sdelay $0x2  }
0x145: {  	[tilespmem:s12], [sflag:$0x1] =	stream.indirect_vreg.gather [hbm4b:s3+s2], $0x80, v4, vm0, $0xb8;
	[tilespmem:$0xC280] =	vst v63  }
0x146: {  	_ = 	snop  }
0x147: {  	[tilespmem:s13], [sflag:$0x1] =	stream.indirect_vreg.gather [hbm4b:s3+s2], $0x80, v3, vm0, $0xb8;
	[tilespmem:$0xC280] =	vst v63  }
0x148: {  	v3 =	vld [tilespmem:$0x1C0];
	_ =	sdelay $0x4  }
0x149: {  	v56 =	vshll.u32 v3, $0x1  }
0x14a: {  	v3 =	vand.u32 $0x7, v3;
	v4 =	vand.u32 $0xFFFFFFF0, v56  }
0x14b: {  	v3 =	vor.u32 v3, v4  }
0x14c: {  	v4 =	vperm.xlane v3, v0;
	_ =	sdelay $0x1  }
0x14d: {  	v3 =	vperm.xlane v3, v2;
	v4 =	vadd.s32 v1, v4;
	_ =	sdelay $0x1  }
0x14e: {  	v3 =	vadd.s32 v1, v3;
	_ =	sdelay $0x2  }
0x14f: {  	[tilespmem:s14], [sflag:$0x1] =	stream.indirect_vreg.gather [hbm4b:s3+s2], $0x80, v4, vm0, $0xb8;
	[tilespmem:$0xC280] =	vst v63  }
0x150: {  	_ = 	snop  }
0x151: {  	[tilespmem:s15], [sflag:$0x1] =	stream.indirect_vreg.gather [hbm4b:s3+s2], $0x80, v3, vm0, $0xb8;
	[tilespmem:$0xC280] =	vst v63  }
0x152: {  	v3 =	vld [tilespmem:$0x1D0];
	_ =	sdelay $0x4  }
0x153: {  	v57 =	vshll.u32 v3, $0x1  }
0x154: {  	v3 =	vand.u32 $0x7, v3;
	v4 =	vand.u32 $0xFFFFFFF0, v57  }
0x155: {  	v3 =	vor.u32 v3, v4  }
0x156: {  	v4 =	vperm.xlane v3, v0;
	_ =	sdelay $0x1  }
0x157: {  	v3 =	vperm.xlane v3, v2;
	v4 =	vadd.s32 v1, v4;
	_ =	sdelay $0x1  }
0x158: {  	v3 =	vadd.s32 v1, v3;
	_ =	sdelay $0x2  }
0x159: {  	[tilespmem:s16], [sflag:$0x1] =	stream.indirect_vreg.gather [hbm4b:s3+s2], $0x80, v4, vm0, $0xb8;
	[tilespmem:$0xC280] =	vst v63  }
0x15a: {  	_ = 	snop  }
0x15b: {  	[tilespmem:s17], [sflag:$0x1] =	stream.indirect_vreg.gather [hbm4b:s3+s2], $0x80, v3, vm0, $0xb8;
	[tilespmem:$0xC280] =	vst v63  }
0x15c: {  	_ =	swait.ge [sflag:s1], $0x6000  }
0x15d: {  	[sflag:s1] =	ssyncset.done $0x0  }
0x15e: {  	s0 =	rddreg [dreg:$0x7];
	[sflag:s1] =	ssyncadd.s32 $0xFFFFA000  }
0x15f: {  	[hbm4b:s0+s2] =	stream.linear.scatter [tilespmem:s18], [sflag:$0x3], $0x6000, $0x38;
	[tilespmem:$0xC280] =	vst v63  }
0x160: {  	_ =	swait.ge [sflag:s5], $0x6000  }
0x161: {  	[sflag:s5] =	ssyncset.done $0x0  }
0x162: {  	[sflag:s5] =	ssyncadd.s32 $0xFFFFA000  }
0x163: {  	v3 =	vld [tilespmem:$0x1E0];
	_ =	sdelay $0x4  }
0x164: {  	v58 =	vshll.u32 v3, $0x1  }
0x165: {  	v3 =	vand.u32 $0x7, v3;
	v4 =	vand.u32 $0xFFFFFFF0, v58  }
0x166: {  	v3 =	vor.u32 v3, v4  }
0x167: {  	v4 =	vperm.xlane v3, v0;
	_ =	sdelay $0x1  }
0x168: {  	v3 =	vperm.xlane v3, v2;
	v4 =	vadd.s32 v1, v4;
	_ =	sdelay $0x1  }
0x169: {  	v3 =	vadd.s32 v1, v3;
	_ =	sdelay $0x2  }
0x16a: {  	[tilespmem:s18], [sflag:$0x2] =	stream.indirect_vreg.gather [hbm4b:s3+s2], $0x80, v4, vm0, $0xb8;
	[tilespmem:$0xC280] =	vst v63  }
0x16b: {  	_ = 	snop  }
0x16c: {  	[tilespmem:s19], [sflag:$0x2] =	stream.indirect_vreg.gather [hbm4b:s3+s2], $0x80, v3, vm0, $0xb8;
	[tilespmem:$0xC280] =	vst v63  }
0x16d: {  	v3 =	vld [tilespmem:$0x1F0];
	_ =	sdelay $0x4  }
0x16e: {  	v59 =	vshll.u32 v3, $0x1  }
0x16f: {  	v3 =	vand.u32 $0x7, v3;
	v4 =	vand.u32 $0xFFFFFFF0, v59  }
0x170: {  	v3 =	vor.u32 v3, v4  }
0x171: {  	v4 =	vperm.xlane v3, v0;
	_ =	sdelay $0x1  }
0x172: {  	v3 =	vperm.xlane v3, v2;
	v4 =	vadd.s32 v1, v4;
	_ =	sdelay $0x1  }
0x173: {  	v3 =	vadd.s32 v1, v3;
	_ =	sdelay $0x2  }
0x174: {  	[tilespmem:s20], [sflag:$0x2] =	stream.indirect_vreg.gather [hbm4b:s3+s2], $0x80, v4, vm0, $0xb8;
	[tilespmem:$0xC280] =	vst v63  }
0x175: {  	_ = 	snop  }
0x176: {  	[tilespmem:s21], [sflag:$0x2] =	stream.indirect_vreg.gather [hbm4b:s3+s2], $0x80, v3, vm0, $0xb8;
	[tilespmem:$0xC280] =	vst v63  }
0x177: {  	v3 =	vld [tilespmem:$0x200];
	_ =	sdelay $0x4  }
0x178: {  	v60 =	vshll.u32 v3, $0x1  }
0x179: {  	v3 =	vand.u32 $0x7, v3;
	v4 =	vand.u32 $0xFFFFFFF0, v60  }
0x17a: {  	v3 =	vor.u32 v3, v4  }
0x17b: {  	v4 =	vperm.xlane v3, v0;
	_ =	sdelay $0x1  }
0x17c: {  	v3 =	vperm.xlane v3, v2;
	v4 =	vadd.s32 v1, v4;
	_ =	sdelay $0x1  }
0x17d: {  	v3 =	vadd.s32 v1, v3;
	_ =	sdelay $0x2  }
0x17e: {  	[tilespmem:s22], [sflag:$0x2] =	stream.indirect_vreg.gather [hbm4b:s3+s2], $0x80, v4, vm0, $0xb8;
	[tilespmem:$0xC280] =	vst v63  }
0x17f: {  	_ = 	snop  }
0x180: {  	[tilespmem:s23], [sflag:$0x2] =	stream.indirect_vreg.gather [hbm4b:s3+s2], $0x80, v3, vm0, $0xb8;
	[tilespmem:$0xC280] =	vst v63  }
0x181: {  	v3 =	vld [tilespmem:$0x210];
	_ =	sdelay $0x4  }
0x182: {  	v61 =	vshll.u32 v3, $0x1  }
0x183: {  	v3 =	vand.u32 $0x7, v3;
	v4 =	vand.u32 $0xFFFFFFF0, v61  }
0x184: {  	v3 =	vor.u32 v3, v4  }
0x185: {  	v4 =	vperm.xlane v3, v0;
	_ =	sdelay $0x1  }
0x186: {  	v3 =	vperm.xlane v3, v2;
	v4 =	vadd.s32 v1, v4;
	_ =	sdelay $0x1  }
0x187: {  	v3 =	vadd.s32 v1, v3;
	_ =	sdelay $0x2  }
0x188: {  	[tilespmem:s24], [sflag:$0x2] =	stream.indirect_vreg.gather [hbm4b:s3+s2], $0x80, v4, vm0, $0xb8;
	[tilespmem:$0xC280] =	vst v63  }
0x189: {  	_ = 	snop  }
0x18a: {  	[tilespmem:s25], [sflag:$0x2] =	stream.indirect_vreg.gather [hbm4b:s3+s2], $0x80, v3, vm0, $0xb8;
	[tilespmem:$0xC280] =	vst v63  }
0x18b: {  	v3 =	vld [tilespmem:$0x220];
	_ =	sdelay $0x4  }
0x18c: {  	v62 =	vshll.u32 v3, $0x1  }
0x18d: {  	v3 =	vand.u32 $0x7, v3;
	v4 =	vand.u32 $0xFFFFFFF0, v62  }
0x18e: {  	v3 =	vor.u32 v3, v4  }
0x18f: {  	v4 =	vperm.xlane v3, v0;
	_ =	sdelay $0x1  }
0x190: {  	v3 =	vperm.xlane v3, v2;
	v4 =	vadd.s32 v1, v4;
	_ =	sdelay $0x1  }
0x191: {  	v3 =	vadd.s32 v1, v3;
	_ =	sdelay $0x2  }
0x192: {  	[tilespmem:s26], [sflag:$0x2] =	stream.indirect_vreg.gather [hbm4b:s3+s2], $0x80, v4, vm0, $0xb8;
	[tilespmem:$0xC280] =	vst v63  }
0x193: {  	_ = 	snop  }
0x194: {  	[tilespmem:s28], [sflag:$0x2] =	stream.indirect_vreg.gather [hbm4b:s3+s2], $0x80, v3, vm0, $0xb8;
	[tilespmem:$0xC280] =	vst v63  }
0x195: {  	v3 =	vld [tilespmem:$0x230];
	_ =	sdelay $0x4  }
0x196: {  	v63 =	vshll.u32 v3, $0x1  }
0x197: {  	v3 =	vand.u32 $0x7, v3;
	v4 =	vand.u32 $0xFFFFFFF0, v63  }
0x198: {  	v3 =	vor.u32 v3, v4  }
0x199: {  	v4 =	vperm.xlane v3, v0;
	_ =	sdelay $0x1  }
0x19a: {  	v3 =	vperm.xlane v3, v2;
	v4 =	vadd.s32 v1, v4;
	_ =	sdelay $0x1  }
0x19b: {  	v3 =	vadd.s32 v1, v3;
	_ =	sdelay $0x2  }
0x19c: {  	[tilespmem:s29], [sflag:$0x2] =	stream.indirect_vreg.gather [hbm4b:s3+s2], $0x80, v4, vm0, $0xb8;
	[tilespmem:$0xC280] =	vst v63  }
0x19d: {  	_ = 	snop  }
0x19e: {  	[tilespmem:s30], [sflag:$0x2] =	stream.indirect_vreg.gather [hbm4b:s3+s2], $0x80, v3, vm0, $0xb8;
	[tilespmem:$0xC280] =	vst v63  }
0x19f: {  	_ =	swait.ge [sflag:s31], $0x6000  }
0x1a0: {  	[sflag:s31] =	ssyncset.done $0x0  }
0x1a1: {  	s0 =	rddreg [dreg:$0x8];
	[sflag:s31] =	ssyncadd.s32 $0xFFFFA000  }
0x1a2: {  	[hbm4b:s0+s2] =	stream.linear.scatter [tilespmem:s6], [sflag:$0x3], $0x6000, $0x38;
	[tilespmem:$0xC280] =	vst v63  }
0x1a3: {  	_ =	swait.ge [sflag:s5], $0x6000  }
0x1a4: {  	[sflag:s5] =	ssyncset.done $0x0  }
0x1a5: {  	[sflag:s5] =	ssyncadd.s32 $0xFFFFA000  }
0x1a6: {  	_ =	swait.ge [sflag:s1], $0x6000  }
0x1a7: {  	p0 =	sne.s32 s4, $0x1;
	[sflag:s1] =	ssyncset.done $0x0  }
.Ltmp0:
0x1a8: {  	s0 =	rddreg [dreg:$0x9];
	[sflag:s1] =	ssyncadd.s32 $0xFFFFA000;
	(pc) =	sbr.rel @p0 .LBB2_1-.Ltmp0, $4  }
0x1a9: {  	[hbm4b:s0+s2] =	stream.linear.scatter [tilespmem:s18], [sflag:$0x3], $0x6000, $0x38;
	[tilespmem:$0xC280] =	vst v63  }
0x1aa: {  	_ =	swait.ge [sflag:s5], $0x6000  }
0x1ab: {  	[sflag:s5] =	ssyncset.done $0x0  }
0x1ac: {  	s4 =	sadd.s32 $0xFFFFFFFF, s4;
	[sflag:s5] =	ssyncadd.s32 $0xFFFFA000  }
0x1ad: {  	_ =	sfence.sel $0x180000  }
0x1ae: {  	[bflag:$0x0] =	sbarrier.arrive $0xFFFF  }
0x1af: {  	_ =	strace $0x90000050  }
0x1b0: {  	s0 =	stileid.u32;
	[bflag:$0x2] =	sbarrier.arrive $0xFFFF  }
0x1b1: {  	p0 =	sne.s32 s0, $0x0;
	s0 =	rddreg [dreg:$0x2]  }
0x1b2: {  	s0 =	sadd.s32 @!p0 $0x100000, s0  }
0x1b3: {  	[sflag:s0] =	ssyncadd.tile.s32 @!p0 $0x1;
	_ =	shalt  }
.Lfunc_end2:
_tile_overlayer_lowered:
.L_overlay_start_2:
0x1b4: {  	(tag) =	ssettag $0x2  }
0x1b5: {  	s0 =	rddreg [dreg:$0x0];
	s2 =	stileid.u32  }
0x1b6: {  	s1 =	rddreg [dreg:$0x1];
	p0 =	sne.s32 s2, $0x0  }
0x1b7: {  	s3 =	rddreg [dreg:$0x2];
	[bflag:$0x3] =	sbarrier.arrive $0xFFFF;
	s2 =	simm.s32 @!p0 $0x1C03  }
0x1b8: {  	[timem:s3], [sflag:s2] =	dma.local @!p0 [hbm:s0], s1  }
0x1b9: {  	s0 =	simm.s32 @!p0 $0x3  }
0x1ba: {  	_ =	swait.ge @!p0 [sflag:s0], s1  }
0x1bb: {  	s1 =	ssub.s32 @!p0 $0x0, s1;
	[sflag:s0] =	ssyncset.done @!p0 $0x0  }
0x1bc: {  	[sflag:s0] =	ssyncadd.s32 @!p0 s1  }
0x1bd: {  	[bflag:$0x3] =	sbarrier.arrive $0xFFFF  }
0x1be: {  	_ =	shalt  }

</sc_bundles>
